<compile_context>
chip_gen: v7x
topology: tpu7x:2x2x1
jax: 0.10.2.dev20260603
libtpu: 0.0.44.dev20260713+nightly
codegen_flags: <defaults>
</compile_context>

<pallas_src>
import functools

import jax
import jax.numpy as jnp
from jax import lax
from jax.experimental import pallas as pl
from jax.experimental.pallas import tpu as pltpu
from jax.experimental.pallas import tpu_sc as plsc

B, N, D = 2, 2048, 128
K = 16
N_RBF = 20
CUTOFF = 5.0
R = 512
NW = 32
CHUNK = 128


def _silu(x):
    return x * jax.nn.sigmoid(x)


def _knn_body(pos_r_ref, pos_c_ref, idx_ref, d_ref):
    _topk_select(pos_r_ref, pos_c_ref, idx_ref, d_ref)


def _knn_proj_body(pos_r_ref, pos_c_ref, h_ref, wa_ref, wb_ref, be1_ref,
                   idx_ref, d_ref, pre_i_ref, pre_j_ref):
    h = h_ref[...]
    pre_i_ref[...] = (jnp.dot(h, wa_ref[...], preferred_element_type=jnp.float32)
                      + be1_ref[...])
    pre_j_ref[...] = jnp.dot(h, wb_ref[...], preferred_element_type=jnp.float32)
    _topk_select(pos_r_ref, pos_c_ref, idx_ref, d_ref)


def _topk_select(pos_r_ref, pos_c_ref, idx_ref, d_ref):
    b = pl.program_id(0)

    pr = pos_r_ref[...]
    pc = pos_c_ref[...]

    DEPTH = 4
    NCH = N // 128
    BIAS = jnp.int32(0x10000000)
    inf = jnp.float32(jnp.inf)
    lists = [jnp.full((R, 128), inf, jnp.float32) for _ in range(DEPTH)]
    for c in range(NCH):
        d2 = jnp.zeros((R, 128), jnp.float32)
        for a in range(3):
            diff = pr[:, a:a + 1] - pc[a:a + 1, c * 128:(c + 1) * 128]
            d2 = d2 + diff * diff
        kc = lax.bitcast_convert_type(d2, jnp.int32)
        new = lax.bitcast_convert_type(
            ((kc & jnp.int32(-16)) | jnp.int32(c)) + BIAS, jnp.float32)
        for j in range(DEPTH):
            hi = jnp.maximum(lists[j], new)
            lists[j] = jnp.minimum(lists[j], new)
            new = hi
    iota128 = lax.broadcasted_iota(jnp.int32, (R, 128), 1).astype(jnp.float32)
    keys, lanes = [], []
    for t in range(K + 1):
        ev = lists[0]
        mn = jnp.min(ev, axis=1, keepdims=True)
        lane = jnp.min(jnp.where(ev == mn, iota128, 128.0), axis=1,
                       keepdims=True)
        if t > 0:
            keys.append(mn)
            lanes.append(lane)
        shift = iota128 == lane
        for j in range(DEPTH - 1):
            lists[j] = jnp.where(shift, lists[j + 1], lists[j])
        lists[DEPTH - 1] = jnp.where(shift, inf, lists[DEPTH - 1])
    ki = lax.bitcast_convert_type(jnp.concatenate(keys, axis=1),
                                  jnp.int32) - BIAS
    d2t = lax.bitcast_convert_type(ki & jnp.int32(-16), jnp.float32)
    d_ref[...] = jnp.sqrt(d2t + 1e-8)
    idx_ref[...] = (b * N + (ki & 15) * 128
                    + jnp.concatenate(lanes, axis=1).astype(jnp.int32))


def _sc_gather(table, idx2d):
    e_total = idx2d.shape[0] * idx2d.shape[1]
    e_per_w = e_total // NW
    n_chunks = e_per_w // CHUNK
    rows_per_w = e_per_w // CHUNK

    mesh = plsc.VectorSubcoreMesh(core_axis_name="c", subcore_axis_name="s")

    @functools.partial(
        pl.kernel, mesh=mesh,
        out_type=jax.ShapeDtypeStruct((e_total, D), jnp.float32),
        scratch_types=[
            pltpu.VMEM((rows_per_w, CHUNK), jnp.int32),
            pltpu.VMEM((2, CHUNK, D), jnp.float32),
            pltpu.SemaphoreType.DMA,
            pltpu.SemaphoreType.DMA,
            pltpu.SemaphoreType.DMA,
            pltpu.SemaphoreType.DMA,
        ],
    )
    def gk(table_hbm, idx_hbm, out_hbm, idx_v, buf, g0, g1, w0, w1):
        wid = lax.axis_index("s") * 2 + lax.axis_index("c")
        pltpu.sync_copy(idx_hbm.at[pl.ds(wid * rows_per_w, rows_per_w)], idx_v)
        gsems = [g0, g1]
        wsems = [w0, w1]
        gcp = [None, None]
        wcp = [None, None]
        gcp[0] = pltpu.async_copy(table_hbm.at[idx_v.at[0]], buf.at[0], g0)
        for c in range(n_chunks):
            if c + 1 < n_chunks:
                s = (c + 1) % 2
                if wcp[s] is not None:
                    wcp[s].wait()
                    wcp[s] = None
                gcp[s] = pltpu.async_copy(table_hbm.at[idx_v.at[c + 1]],
                                          buf.at[s], gsems[s])
            s = c % 2
            gcp[s].wait()
            wcp[s] = pltpu.async_copy(
                buf.at[s], out_hbm.at[pl.ds(wid * e_per_w + c * CHUNK, CHUNK)],
                wsems[s])
        for s in range(2):
            if wcp[s] is not None:
                wcp[s].wait()

    return gk(table, idx2d)


def _edge_node_acc_body(*refs):
    _edge_node_body(*refs[:-2], refs[-1])


def _edge_node_body(g_ref, d_ref, pre_i_ref, h_ref, wc_ref, we2_ref, be2_ref,
                    wn1a_ref, wn1b_ref, bn1_ref, wn2_ref, bn2_ref,
                    lng_ref, lnb_ref, cen_ref, wid_ref, out_ref):
    pre_i = pre_i_ref[...]
    cen = cen_ref[...]
    wdt = wid_ref[...]
    wc = wc_ref[...]
    we2 = we2_ref[...]
    be2 = be2_ref[...]

    agg = jnp.zeros((R, D), jnp.float32)
    for k in range(K):
        dk = d_ref[:, k:k + 1]
        rbf = jnp.exp(-wdt * (dk - cen) ** 2)
        x = pre_i + g_ref[k] + jnp.dot(rbf, wc,
                                       preferred_element_type=jnp.float32)
        m = _silu(x)
        msg = _silu(jnp.dot(m, we2, preferred_element_type=jnp.float32) + be2)
        agg = agg + jnp.where(dk < CUTOFF, msg, 0.0)

    h = h_ref[...]
    u = _silu(jnp.dot(h, wn1a_ref[...], preferred_element_type=jnp.float32)
              + jnp.dot(agg, wn1b_ref[...], preferred_element_type=jnp.float32)
              + bn1_ref[...])
    y = h + jnp.dot(u, wn2_ref[...], preferred_element_type=jnp.float32) \
        + bn2_ref[...]
    mu = jnp.mean(y, axis=1, keepdims=True)
    var = jnp.mean((y - mu) ** 2, axis=1, keepdims=True)
    out_ref[...] = (y - mu) / jnp.sqrt(var + 1e-5) * lng_ref[...] + lnb_ref[...]


def kernel(h, positions, W_e1, b_e1, W_e2, b_e2, W_n1, b_n1, W_n2, b_n2,
           ln_g, ln_b, centers, widths):
    pos_c = jnp.swapaxes(positions, 1, 2)
    W_a = W_e1[:D]
    W_b = W_e1[D:2 * D]
    W_c = W_e1[2 * D:]
    row = lambda v: v.reshape(1, -1)

    rep = lambda shape: pl.BlockSpec(shape, lambda b, nb: (0,) * len(shape))
    nd_spec = lambda off: pl.BlockSpec((None, R, D), lambda b, nb: (b, nb + off, 0))

    H = N // 2
    HB = H // R
    PR = N // HB
    knn_out_specs = [
        pl.BlockSpec((None, R, K), lambda b, nb: (b, nb, 0)),
        pl.BlockSpec((None, R, K), lambda b, nb: (b, nb, 0)),
    ]
    knn_out_shape = [
        jax.ShapeDtypeStruct((B, H, K), jnp.int32),
        jax.ShapeDtypeStruct((B, H, K), jnp.float32),
    ]
    pos_specs = lambda off: [
        pl.BlockSpec((None, R, 3), lambda b, nb, o=off: (b, nb + o, 0)),
        pl.BlockSpec((None, 3, N), lambda b, nb: (b, 0, 0)),
    ]
    idxg0, dknn0, pre_i, pre_j = pl.pallas_call(
        _knn_proj_body,
        grid=(B, HB),
        in_specs=pos_specs(0) + [
            pl.BlockSpec((None, PR, D), lambda b, nb: (b, nb, 0)),
            rep((D, D)), rep((D, D)), rep((1, D)),
        ],
        out_specs=knn_out_specs + [
            pl.BlockSpec((None, PR, D), lambda b, nb: (b, nb, 0)),
            pl.BlockSpec((None, PR, D), lambda b, nb: (b, nb, 0)),
        ],
        out_shape=knn_out_shape + [
            jax.ShapeDtypeStruct((B, N, D), jnp.float32),
            jax.ShapeDtypeStruct((B, N, D), jnp.float32),
        ],
    )(positions, pos_c, h, W_a, W_b, row(b_e1))
    table = pre_j.reshape(B * N, D)

    out = None
    for hv in range(2):
        off = hv * HB
        if hv == 0:
            idxg, dknn = idxg0, dknn0
        else:
            idxg, dknn = pl.pallas_call(
                _knn_body,
                grid=(B, HB),
                in_specs=pos_specs(off),
                out_specs=knn_out_specs,
                out_shape=knn_out_shape,
            )(positions, pos_c)
        idx2d = jnp.swapaxes(idxg, 1, 2).reshape(-1, CHUNK)
        g4 = _sc_gather(table, idx2d).reshape(B, K, H, D)

        body = _edge_node_body if hv == 0 else _edge_node_acc_body
        in_specs = [
                pl.BlockSpec((None, K, R, D), lambda b, nb: (b, 0, nb, 0)),
                pl.BlockSpec((None, R, K), lambda b, nb: (b, nb, 0)),
                nd_spec(off), nd_spec(off),
                rep((N_RBF, D)), rep((D, D)), rep((1, D)),
                rep((D, D)), rep((D, D)), rep((1, D)),
                rep((D, D)), rep((1, D)),
                rep((1, D)), rep((1, D)), rep((1, N_RBF)), rep((1, N_RBF)),
        ]
        args = [g4, dknn, pre_i, h, W_c, W_e2, row(b_e2), W_n1[:D], W_n1[D:],
                row(b_n1), W_n2, row(b_n2), row(ln_g), row(ln_b),
                row(centers), row(widths)]
        aliases = {}
        if hv == 1:
            in_specs.append(pl.BlockSpec(memory_space=pl.ANY))
            args.append(out)
            aliases = {16: 0}
        out = pl.pallas_call(
            body,
            grid=(B, HB),
            in_specs=in_specs,
            out_specs=pl.BlockSpec((None, R, D),
                                   lambda b, nb, o=off: (b, nb + o, 0)),
            out_shape=jax.ShapeDtypeStruct((B, N, D), jnp.float32),
            input_output_aliases=aliases,
        )(*args)
    return out

# --- scband reference (transcript-rebuilt; emitter-appended) ---
"""Pipeline reference for scband-local-mpnnlayer-13950053777620 (READ-ONLY COPY).

The authoritative reference and input builder live on the scoring server;
editing this copy changes nothing except your own understanding.
"""

import jax, jax.numpy as jnp
import numpy as np

B, N, D = 2, 2048, 128
N_RBF = 20
K = 16
CUTOFF = 5.0


def setup_inputs(seed: int = 0) -> dict:
    key = jax.random.key(seed)
    ks = jax.random.split(key, 12)
    h = jax.random.normal(ks[0], (B, N, D), dtype=jnp.float32)
    positions = jax.random.normal(ks[1], (B, N, 3), dtype=jnp.float32)
    edge_in = 2 * D + N_RBF
    s1 = 1.0 / np.sqrt(edge_in)
    s2 = 1.0 / np.sqrt(D)
    s3 = 1.0 / np.sqrt(2 * D)
    W_e1 = jax.random.normal(ks[2], (edge_in, D), dtype=jnp.float32) * s1
    b_e1 = jnp.zeros((D,), dtype=jnp.float32)
    W_e2 = jax.random.normal(ks[3], (D, D), dtype=jnp.float32) * s2
    b_e2 = jnp.zeros((D,), dtype=jnp.float32)
    W_n1 = jax.random.normal(ks[4], (2 * D, D), dtype=jnp.float32) * s3
    b_n1 = jnp.zeros((D,), dtype=jnp.float32)
    W_n2 = jax.random.normal(ks[5], (D, D), dtype=jnp.float32) * s2
    b_n2 = jnp.zeros((D,), dtype=jnp.float32)
    ln_g = jnp.ones((D,), dtype=jnp.float32)
    ln_b = jnp.zeros((D,), dtype=jnp.float32)
    centers = jnp.linspace(0.0, CUTOFF, N_RBF).astype(jnp.float32)
    widths = jnp.full((N_RBF,), (CUTOFF / N_RBF) ** (-2), dtype=jnp.float32)
    return {"h": h, "positions": positions,
            "W_e1": W_e1, "b_e1": b_e1, "W_e2": W_e2, "b_e2": b_e2,
            "W_n1": W_n1, "b_n1": b_n1, "W_n2": W_n2, "b_n2": b_n2,
            "ln_g": ln_g, "ln_b": ln_b,
            "centers": centers, "widths": widths}


def _silu(x):
    return x * jax.nn.sigmoid(x)


def _layer_norm(x, g, b, eps=1e-5):
    mu = jnp.mean(x, axis=-1, keepdims=True)
    var = jnp.mean((x - mu) ** 2, axis=-1, keepdims=True)
    return (x - mu) / jnp.sqrt(var + eps) * g + b


def reference(h, positions, W_e1, b_e1, W_e2, b_e2, W_n1, b_n1, W_n2, b_n2, ln_g, ln_b, centers, widths):
    Bq, Nq, Dq = h.shape
    k = min(K, Nq - 1)
    # kNN edges from positions (explicit pairwise distances)
    diff = positions[:, :, None, :] - positions[:, None, :, :]
    dists = jnp.sqrt(jnp.sum(diff ** 2, axis=-1) + 1e-08)
    eye = jnp.eye(Nq, dtype=bool)
    dists_masked = jnp.where(eye[None, :, :], jnp.inf, dists)
    # smallest-k via top_k of negated distances (indices are detached/constant)
    _, topk_idx = jax.lax.top_k(-jax.lax.stop_gradient(dists_masked), k)
    topk_dists = jnp.take_along_axis(dists_masked, topk_idx, axis=-1)
    edge_mask = topk_dists < CUTOFF
    # RBF distance encoding
    d = topk_dists[..., None]
    rbf_features = jnp.exp(-widths * (d - centers) ** 2)
    # gather neighbor features h_j: [B, N, k, D]
    bidx = jnp.arange(Bq)[:, None, None]
    h_j = h[bidx, topk_idx]
    h_i = jnp.broadcast_to(h[:, :, None, :], (Bq, Nq, k, Dq))
    edge_features = jnp.concatenate([h_i, h_j, rbf_features], axis=-1)
    # edge MLP
    m = _silu(edge_features @ W_e1 + b_e1)
    messages = _silu(m @ W_e2 + b_e2)
    messages = messages * edge_mask[..., None].astype(jnp.float32)
    agg_msg = jnp.sum(messages, axis=2)
    # node MLP (dropout is identity in eval)
    node_input = jnp.concatenate([h, agg_msg], axis=-1)
    u = _silu(node_input @ W_n1 + b_n1)
    update = u @ W_n2 + b_n2
    return _layer_norm(h + update, ln_g, ln_b)

if __name__ == "__main__":
    import jax
    _d = setup_inputs()
    print(jax.jit(kernel)(*tuple(_d.values())))

</pallas_src>

<mosaic_0001>
#map = affine_map<(d0, d1) -> (0, 0)>
module attributes {stable_mosaic.version = 14 : i64} {
  func.func @gk(%arg0: i32, %arg1: i32, %arg2: memref<4096x128xf32, #tpu.memory_space<hbm>>, %arg3: memref<256x128xi32, #tpu.memory_space<hbm>>, %arg4: memref<32768x128xf32, #tpu.memory_space<hbm>>, %arg5: memref<8x128xi32, #tpu.memory_space<vmem>>, %arg6: memref<2x128x128xf32, #tpu.memory_space<vmem>>, %arg7: memref<!tpu.dma_semaphore, #tpu.memory_space<semaphore_mem>>, %arg8: memref<!tpu.dma_semaphore, #tpu.memory_space<semaphore_mem>>, %arg9: memref<!tpu.dma_semaphore, #tpu.memory_space<semaphore_mem>>, %arg10: memref<!tpu.dma_semaphore, #tpu.memory_space<semaphore_mem>>) attributes {dimension_semantics = [#tpu.dimension_semantics<core_parallel>, #tpu.dimension_semantics<subcore_parallel>], iteration_bounds = array<i64: 2, 16>, scalar_prefetch = 0 : i64, scratch_operands = 6 : i64, tpu.core_type = #tpu.core_type<sc_vector_subcore>, window_params = [{transform_indices = #map}, {transform_indices = #map}, {transform_indices = #map}]} {
    %mul3A = arith.constant 2 : i32
    %mul3A_0 = arith.muli %arg1, %mul3A : i32
    %add3A = arith.addi %mul3A_0, %arg0 : i32
    %mul3A_1 = arith.constant 8 : i32
    %mul3A_2 = arith.muli %add3A, %mul3A_1 : i32
    "tpu.region"() ({
      %run_scoped3A = tpu.sem_alloc : memref<!tpu.dma_semaphore, #tpu.memory_space<semaphore_mem>>
      %dma_start3A_433 = arith.constant 0 : i32
      %dma_start3A_434 = tpu.memref_slice %arg3[%mul3A_2, %dma_start3A_433] : memref<256x128xi32, #tpu.memory_space<hbm>> -> memref<8x128xi32, #tpu.memory_space<hbm>>
      %dma_start3A_435 = arith.constant 0 : i32
      %dma_start3A_436 = tpu.memref_slice %arg3[%mul3A_2, %dma_start3A_435] : memref<256x128xi32, #tpu.memory_space<hbm>> -> memref<8x128xi32, #tpu.memory_space<hbm>>
      tpu.enqueue_dma source(%dma_start3A_436 : memref<8x128xi32, #tpu.memory_space<hbm>>) target(%arg5 : memref<8x128xi32, #tpu.memory_space<vmem>>) target_semaphore(%run_scoped3A : memref<!tpu.dma_semaphore, #tpu.memory_space<semaphore_mem>>)
      %dma_wait3A_437 = arith.constant 0 : i32
      %dma_wait3A_438 = tpu.memref_slice %arg3[%mul3A_2, %dma_wait3A_437] : memref<256x128xi32, #tpu.memory_space<hbm>> -> memref<8x128xi32, #tpu.memory_space<hbm>>
      %dma_wait3A_439 = arith.constant 0 : i32
      %dma_wait3A_440 = tpu.memref_slice %arg3[%mul3A_2, %dma_wait3A_439] : memref<256x128xi32, #tpu.memory_space<hbm>> -> memref<8x128xi32, #tpu.memory_space<hbm>>
      tpu.wait_dma2 semaphore(%run_scoped3A : memref<!tpu.dma_semaphore, #tpu.memory_space<semaphore_mem>>) src(%dma_wait3A_440 : memref<8x128xi32, #tpu.memory_space<hbm>>) dst(%arg5 : memref<8x128xi32, #tpu.memory_space<vmem>>)
      tpu.yield
    }) : () -> ()
    %dma_start3A = arith.constant 0 : i32
    %dma_start3A_3 = arith.constant 0 : i32
    %dma_start3A_4 = arith.constant 0 : i32
    %dma_start3A_5 = arith.constant 0 : i32
    %dma_start3A_6 = tpu.memref_slice %arg6[%dma_start3A_3, %dma_start3A_4, %dma_start3A_5] : memref<2x128x128xf32, #tpu.memory_space<vmem>> -> memref<1x128x128xf32, #tpu.memory_space<vmem>>
    %dma_start3A_7 = tpu.memref_squeeze %dma_start3A_6 : memref<1x128x128xf32, #tpu.memory_space<vmem>> -> memref<128x128xf32, #tpu.memory_space<vmem>>
    %dma_start3A_8 = arith.constant 0 : i32
    %dma_start3A_9 = tpu.memref_slice %arg5[%dma_start3A, %dma_start3A_8] : memref<8x128xi32, #tpu.memory_space<vmem>> -> memref<1x128xi32, #tpu.memory_space<vmem>>
    %dma_start3A_10 = tpu.memref_squeeze %dma_start3A_9 : memref<1x128xi32, #tpu.memory_space<vmem>> -> memref<128xi32, #tpu.memory_space<vmem>>
    %dma_start3A_11 = arith.constant 0 : i32
    %dma_start3A_12 = arith.constant 0 : i32
    %dma_start3A_13 = tpu.memref_slice %arg2[%dma_start3A_11, %dma_start3A_12] : memref<4096x128xf32, #tpu.memory_space<hbm>> -> memref<4096x128xf32, #tpu.memory_space<hbm>>
    tpu.enqueue_indirect_dma source(%dma_start3A_13 : memref<4096x128xf32, #tpu.memory_space<hbm>>) target(%dma_start3A_7 : memref<128x128xf32, #tpu.memory_space<vmem>>) offsets(%dma_start3A_10 : memref<128xi32, #tpu.memory_space<vmem>>) semaphore(%arg7 : memref<!tpu.dma_semaphore, #tpu.memory_space<semaphore_mem>>)
    %dma_start3A_14 = arith.constant 1 : i32
    %dma_start3A_15 = arith.constant 1 : i32
    %dma_start3A_16 = arith.constant 0 : i32
    %dma_start3A_17 = arith.constant 0 : i32
    %dma_start3A_18 = tpu.memref_slice %arg6[%dma_start3A_15, %dma_start3A_16, %dma_start3A_17] : memref<2x128x128xf32, #tpu.memory_space<vmem>> -> memref<1x128x128xf32, #tpu.memory_space<vmem>>
    %dma_start3A_19 = tpu.memref_squeeze %dma_start3A_18 : memref<1x128x128xf32, #tpu.memory_space<vmem>> -> memref<128x128xf32, #tpu.memory_space<vmem>>
    %dma_start3A_20 = arith.constant 0 : i32
    %dma_start3A_21 = tpu.memref_slice %arg5[%dma_start3A_14, %dma_start3A_20] : memref<8x128xi32, #tpu.memory_space<vmem>> -> memref<1x128xi32, #tpu.memory_space<vmem>>
    %dma_start3A_22 = tpu.memref_squeeze %dma_start3A_21 : memref<1x128xi32, #tpu.memory_space<vmem>> -> memref<128xi32, #tpu.memory_space<vmem>>
    %dma_start3A_23 = arith.constant 0 : i32
    %dma_start3A_24 = arith.constant 0 : i32
    %dma_start3A_25 = tpu.memref_slice %arg2[%dma_start3A_23, %dma_start3A_24] : memref<4096x128xf32, #tpu.memory_space<hbm>> -> memref<4096x128xf32, #tpu.memory_space<hbm>>
    tpu.enqueue_indirect_dma source(%dma_start3A_25 : memref<4096x128xf32, #tpu.memory_space<hbm>>) target(%dma_start3A_19 : memref<128x128xf32, #tpu.memory_space<vmem>>) offsets(%dma_start3A_22 : memref<128xi32, #tpu.memory_space<vmem>>) semaphore(%arg8 : memref<!tpu.dma_semaphore, #tpu.memory_space<semaphore_mem>>)
    %dma_wait3A = arith.constant 0 : i32
    %dma_wait3A_26 = arith.constant 0 : i32
    %dma_wait3A_27 = arith.constant 0 : i32
    %dma_wait3A_28 = arith.constant 0 : i32
    %dma_wait3A_29 = tpu.memref_slice %arg6[%dma_wait3A_26, %dma_wait3A_27, %dma_wait3A_28] : memref<2x128x128xf32, #tpu.memory_space<vmem>> -> memref<1x128x128xf32, #tpu.memory_space<vmem>>
    %dma_wait3A_30 = tpu.memref_squeeze %dma_wait3A_29 : memref<1x128x128xf32, #tpu.memory_space<vmem>> -> memref<128x128xf32, #tpu.memory_space<vmem>>
    %dma_wait3A_31 = arith.constant 0 : i32
    %dma_wait3A_32 = tpu.memref_slice %arg5[%dma_wait3A, %dma_wait3A_31] : memref<8x128xi32, #tpu.memory_space<vmem>> -> memref<1x128xi32, #tpu.memory_space<vmem>>
    %dma_wait3A_33 = tpu.memref_squeeze %dma_wait3A_32 : memref<1x128xi32, #tpu.memory_space<vmem>> -> memref<128xi32, #tpu.memory_space<vmem>>
    %dma_wait3A_34 = arith.constant 0 : i32
    %dma_wait3A_35 = arith.constant 0 : i32
    %dma_wait3A_36 = tpu.memref_slice %arg2[%dma_wait3A_34, %dma_wait3A_35] : memref<4096x128xf32, #tpu.memory_space<hbm>> -> memref<4096x128xf32, #tpu.memory_space<hbm>>
    tpu.wait_indirect_dma semaphore(%arg7 : memref<!tpu.dma_semaphore, #tpu.memory_space<semaphore_mem>>) src(%dma_wait3A_36 : memref<4096x128xf32, #tpu.memory_space<hbm>>) dst(%dma_wait3A_30 : memref<128x128xf32, #tpu.memory_space<vmem>>)
    %mul3A_37 = arith.constant 1024 : i32
    %mul3A_38 = arith.muli %add3A, %mul3A_37 : i32
    %add3A_39 = arith.constant 0 : i32
    %add3A_40 = arith.addi %mul3A_38, %add3A_39 : i32
    %dma_start3A_41 = arith.constant 0 : i32
    %dma_start3A_42 = arith.constant 0 : i32
    %dma_start3A_43 = arith.constant 0 : i32
    %dma_start3A_44 = tpu.memref_slice %arg6[%dma_start3A_41, %dma_start3A_42, %dma_start3A_43] : memref<2x128x128xf32, #tpu.memory_space<vmem>> -> memref<1x128x128xf32, #tpu.memory_space<vmem>>
    %dma_start3A_45 = tpu.memref_squeeze %dma_start3A_44 : memref<1x128x128xf32, #tpu.memory_space<vmem>> -> memref<128x128xf32, #tpu.memory_space<vmem>>
    %dma_start3A_46 = arith.constant 0 : i32
    %dma_start3A_47 = tpu.memref_slice %arg4[%add3A_40, %dma_start3A_46] : memref<32768x128xf32, #tpu.memory_space<hbm>> -> memref<128x128xf32, #tpu.memory_space<hbm>>
    %dma_start3A_48 = arith.constant 0 : i32
    %dma_start3A_49 = tpu.memref_slice %arg4[%add3A_40, %dma_start3A_48] : memref<32768x128xf32, #tpu.memory_space<hbm>> -> memref<128x128xf32, #tpu.memory_space<hbm>>
    %dma_start3A_50 = arith.constant 0 : i32
    %dma_start3A_51 = arith.constant 0 : i32
    %dma_start3A_52 = tpu.memref_slice %arg6[%dma_start3A_41, %dma_start3A_50, %dma_start3A_51] : memref<2x128x128xf32, #tpu.memory_space<vmem>> -> memref<1x128x128xf32, #tpu.memory_space<vmem>>
    %dma_start3A_53 = tpu.memref_squeeze %dma_start3A_52 : memref<1x128x128xf32, #tpu.memory_space<vmem>> -> memref<128x128xf32, #tpu.memory_space<vmem>>
    tpu.enqueue_dma source(%dma_start3A_53 : memref<128x128xf32, #tpu.memory_space<vmem>>) target(%dma_start3A_49 : memref<128x128xf32, #tpu.memory_space<hbm>>) target_semaphore(%arg9 : memref<!tpu.dma_semaphore, #tpu.memory_space<semaphore_mem>>)
    %dma_wait3A_54 = arith.constant 0 : i32
    %dma_wait3A_55 = arith.constant 0 : i32
    %dma_wait3A_56 = arith.constant 0 : i32
    %dma_wait3A_57 = tpu.memref_slice %arg6[%dma_wait3A_54, %dma_wait3A_55, %dma_wait3A_56] : memref<2x128x128xf32, #tpu.memory_space<vmem>> -> memref<1x128x128xf32, #tpu.memory_space<vmem>>
    %dma_wait3A_58 = tpu.memref_squeeze %dma_wait3A_57 : memref<1x128x128xf32, #tpu.memory_space<vmem>> -> memref<128x128xf32, #tpu.memory_space<vmem>>
    %dma_wait3A_59 = arith.constant 0 : i32
    %dma_wait3A_60 = tpu.memref_slice %arg4[%add3A_40, %dma_wait3A_59] : memref<32768x128xf32, #tpu.memory_space<hbm>> -> memref<128x128xf32, #tpu.memory_space<hbm>>
    %dma_wait3A_61 = arith.constant 0 : i32
    %dma_wait3A_62 = tpu.memref_slice %arg4[%add3A_40, %dma_wait3A_61] : memref<32768x128xf32, #tpu.memory_space<hbm>> -> memref<128x128xf32, #tpu.memory_space<hbm>>
    %dma_wait3A_63 = arith.constant 0 : i32
    %dma_wait3A_64 = arith.constant 0 : i32
    %dma_wait3A_65 = tpu.memref_slice %arg6[%dma_wait3A_54, %dma_wait3A_63, %dma_wait3A_64] : memref<2x128x128xf32, #tpu.memory_space<vmem>> -> memref<1x128x128xf32, #tpu.memory_space<vmem>>
    %dma_wait3A_66 = tpu.memref_squeeze %dma_wait3A_65 : memref<1x128x128xf32, #tpu.memory_space<vmem>> -> memref<128x128xf32, #tpu.memory_space<vmem>>
    tpu.wait_dma2 semaphore(%arg9 : memref<!tpu.dma_semaphore, #tpu.memory_space<semaphore_mem>>) src(%dma_wait3A_66 : memref<128x128xf32, #tpu.memory_space<vmem>>) dst(%dma_wait3A_62 : memref<128x128xf32, #tpu.memory_space<hbm>>)
    %dma_start3A_67 = arith.constant 2 : i32
    %dma_start3A_68 = arith.constant 0 : i32
    %dma_start3A_69 = arith.constant 0 : i32
    %dma_start3A_70 = arith.constant 0 : i32
    %dma_start3A_71 = tpu.memref_slice %arg6[%dma_start3A_68, %dma_start3A_69, %dma_start3A_70] : memref<2x128x128xf32, #tpu.memory_space<vmem>> -> memref<1x128x128xf32, #tpu.memory_space<vmem>>
    %dma_start3A_72 = tpu.memref_squeeze %dma_start3A_71 : memref<1x128x128xf32, #tpu.memory_space<vmem>> -> memref<128x128xf32, #tpu.memory_space<vmem>>
    %dma_start3A_73 = arith.constant 0 : i32
    %dma_start3A_74 = tpu.memref_slice %arg5[%dma_start3A_67, %dma_start3A_73] : memref<8x128xi32, #tpu.memory_space<vmem>> -> memref<1x128xi32, #tpu.memory_space<vmem>>
    %dma_start3A_75 = tpu.memref_squeeze %dma_start3A_74 : memref<1x128xi32, #tpu.memory_space<vmem>> -> memref<128xi32, #tpu.memory_space<vmem>>
    %dma_start3A_76 = arith.constant 0 : i32
    %dma_start3A_77 = arith.constant 0 : i32
    %dma_start3A_78 = tpu.memref_slice %arg2[%dma_start3A_76, %dma_start3A_77] : memref<4096x128xf32, #tpu.memory_space<hbm>> -> memref<4096x128xf32, #tpu.memory_space<hbm>>
    tpu.enqueue_indirect_dma source(%dma_start3A_78 : memref<4096x128xf32, #tpu.memory_space<hbm>>) target(%dma_start3A_72 : memref<128x128xf32, #tpu.memory_space<vmem>>) offsets(%dma_start3A_75 : memref<128xi32, #tpu.memory_space<vmem>>) semaphore(%arg7 : memref<!tpu.dma_semaphore, #tpu.memory_space<semaphore_mem>>)
    %dma_wait3A_79 = arith.constant 1 : i32
    %dma_wait3A_80 = arith.constant 1 : i32
    %dma_wait3A_81 = arith.constant 0 : i32
    %dma_wait3A_82 = arith.constant 0 : i32
    %dma_wait3A_83 = tpu.memref_slice %arg6[%dma_wait3A_80, %dma_wait3A_81, %dma_wait3A_82] : memref<2x128x128xf32, #tpu.memory_space<vmem>> -> memref<1x128x128xf32, #tpu.memory_space<vmem>>
    %dma_wait3A_84 = tpu.memref_squeeze %dma_wait3A_83 : memref<1x128x128xf32, #tpu.memory_space<vmem>> -> memref<128x128xf32, #tpu.memory_space<vmem>>
    %dma_wait3A_85 = arith.constant 0 : i32
    %dma_wait3A_86 = tpu.memref_slice %arg5[%dma_wait3A_79, %dma_wait3A_85] : memref<8x128xi32, #tpu.memory_space<vmem>> -> memref<1x128xi32, #tpu.memory_space<vmem>>
    %dma_wait3A_87 = tpu.memref_squeeze %dma_wait3A_86 : memref<1x128xi32, #tpu.memory_space<vmem>> -> memref<128xi32, #tpu.memory_space<vmem>>
    %dma_wait3A_88 = arith.constant 0 : i32
    %dma_wait3A_89 = arith.constant 0 : i32
    %dma_wait3A_90 = tpu.memref_slice %arg2[%dma_wait3A_88, %dma_wait3A_89] : memref<4096x128xf32, #tpu.memory_space<hbm>> -> memref<4096x128xf32, #tpu.memory_space<hbm>>
    tpu.wait_indirect_dma semaphore(%arg8 : memref<!tpu.dma_semaphore, #tpu.memory_space<semaphore_mem>>) src(%dma_wait3A_90 : memref<4096x128xf32, #tpu.memory_space<hbm>>) dst(%dma_wait3A_84 : memref<128x128xf32, #tpu.memory_space<vmem>>)
    %mul3A_91 = arith.constant 1024 : i32
    %mul3A_92 = arith.muli %add3A, %mul3A_91 : i32
    %add3A_93 = arith.constant 128 : i32
    %add3A_94 = arith.addi %mul3A_92, %add3A_93 : i32
    %dma_start3A_95 = arith.constant 1 : i32
    %dma_start3A_96 = arith.constant 0 : i32
    %dma_start3A_97 = arith.constant 0 : i32
    %dma_start3A_98 = tpu.memref_slice %arg6[%dma_start3A_95, %dma_start3A_96, %dma_start3A_97] : memref<2x128x128xf32, #tpu.memory_space<vmem>> -> memref<1x128x128xf32, #tpu.memory_space<vmem>>
    %dma_start3A_99 = tpu.memref_squeeze %dma_start3A_98 : memref<1x128x128xf32, #tpu.memory_space<vmem>> -> memref<128x128xf32, #tpu.memory_space<vmem>>
    %dma_start3A_100 = arith.constant 0 : i32
    %dma_start3A_101 = tpu.memref_slice %arg4[%add3A_94, %dma_start3A_100] : memref<32768x128xf32, #tpu.memory_space<hbm>> -> memref<128x128xf32, #tpu.memory_space<hbm>>
    %dma_start3A_102 = arith.constant 0 : i32
    %dma_start3A_103 = tpu.memref_slice %arg4[%add3A_94, %dma_start3A_102] : memref<32768x128xf32, #tpu.memory_space<hbm>> -> memref<128x128xf32, #tpu.memory_space<hbm>>
    %dma_start3A_104 = arith.constant 0 : i32
    %dma_start3A_105 = arith.constant 0 : i32
    %dma_start3A_106 = tpu.memref_slice %arg6[%dma_start3A_95, %dma_start3A_104, %dma_start3A_105] : memref<2x128x128xf32, #tpu.memory_space<vmem>> -> memref<1x128x128xf32, #tpu.memory_space<vmem>>
    %dma_start3A_107 = tpu.memref_squeeze %dma_start3A_106 : memref<1x128x128xf32, #tpu.memory_space<vmem>> -> memref<128x128xf32, #tpu.memory_space<vmem>>
    tpu.enqueue_dma source(%dma_start3A_107 : memref<128x128xf32, #tpu.memory_space<vmem>>) target(%dma_start3A_103 : memref<128x128xf32, #tpu.memory_space<hbm>>) target_semaphore(%arg10 : memref<!tpu.dma_semaphore, #tpu.memory_space<semaphore_mem>>)
    %dma_wait3A_108 = arith.constant 1 : i32
    %dma_wait3A_109 = arith.constant 0 : i32
    %dma_wait3A_110 = arith.constant 0 : i32
    %dma_wait3A_111 = tpu.memref_slice %arg6[%dma_wait3A_108, %dma_wait3A_109, %dma_wait3A_110] : memref<2x128x128xf32, #tpu.memory_space<vmem>> -> memref<1x128x128xf32, #tpu.memory_space<vmem>>
    %dma_wait3A_112 = tpu.memref_squeeze %dma_wait3A_111 : memref<1x128x128xf32, #tpu.memory_space<vmem>> -> memref<128x128xf32, #tpu.memory_space<vmem>>
    %dma_wait3A_113 = arith.constant 0 : i32
    %dma_wait3A_114 = tpu.memref_slice %arg4[%add3A_94, %dma_wait3A_113] : memref<32768x128xf32, #tpu.memory_space<hbm>> -> memref<128x128xf32, #tpu.memory_space<hbm>>
    %dma_wait3A_115 = arith.constant 0 : i32
    %dma_wait3A_116 = tpu.memref_slice %arg4[%add3A_94, %dma_wait3A_115] : memref<32768x128xf32, #tpu.memory_space<hbm>> -> memref<128x128xf32, #tpu.memory_space<hbm>>
    %dma_wait3A_117 = arith.constant 0 : i32
    %dma_wait3A_118 = arith.constant 0 : i32
    %dma_wait3A_119 = tpu.memref_slice %arg6[%dma_wait3A_108, %dma_wait3A_117, %dma_wait3A_118] : memref<2x128x128xf32, #tpu.memory_space<vmem>> -> memref<1x128x128xf32, #tpu.memory_space<vmem>>
    %dma_wait3A_120 = tpu.memref_squeeze %dma_wait3A_119 : memref<1x128x128xf32, #tpu.memory_space<vmem>> -> memref<128x128xf32, #tpu.memory_space<vmem>>
    tpu.wait_dma2 semaphore(%arg10 : memref<!tpu.dma_semaphore, #tpu.memory_space<semaphore_mem>>) src(%dma_wait3A_120 : memref<128x128xf32, #tpu.memory_space<vmem>>) dst(%dma_wait3A_116 : memref<128x128xf32, #tpu.memory_space<hbm>>)
    %dma_start3A_121 = arith.constant 3 : i32
    %dma_start3A_122 = arith.constant 1 : i32
    %dma_start3A_123 = arith.constant 0 : i32
    %dma_start3A_124 = arith.constant 0 : i32
    %dma_start3A_125 = tpu.memref_slice %arg6[%dma_start3A_122, %dma_start3A_123, %dma_start3A_124] : memref<2x128x128xf32, #tpu.memory_space<vmem>> -> memref<1x128x128xf32, #tpu.memory_space<vmem>>
    %dma_start3A_126 = tpu.memref_squeeze %dma_start3A_125 : memref<1x128x128xf32, #tpu.memory_space<vmem>> -> memref<128x128xf32, #tpu.memory_space<vmem>>
    %dma_start3A_127 = arith.constant 0 : i32
    %dma_start3A_128 = tpu.memref_slice %arg5[%dma_start3A_121, %dma_start3A_127] : memref<8x128xi32, #tpu.memory_space<vmem>> -> memref<1x128xi32, #tpu.memory_space<vmem>>
    %dma_start3A_129 = tpu.memref_squeeze %dma_start3A_128 : memref<1x128xi32, #tpu.memory_space<vmem>> -> memref<128xi32, #tpu.memory_space<vmem>>
    %dma_start3A_130 = arith.constant 0 : i32
    %dma_start3A_131 = arith.constant 0 : i32
    %dma_start3A_132 = tpu.memref_slice %arg2[%dma_start3A_130, %dma_start3A_131] : memref<4096x128xf32, #tpu.memory_space<hbm>> -> memref<4096x128xf32, #tpu.memory_space<hbm>>
    tpu.enqueue_indirect_dma source(%dma_start3A_132 : memref<4096x128xf32, #tpu.memory_space<hbm>>) target(%dma_start3A_126 : memref<128x128xf32, #tpu.memory_space<vmem>>) offsets(%dma_start3A_129 : memref<128xi32, #tpu.memory_space<vmem>>) semaphore(%arg8 : memref<!tpu.dma_semaphore, #tpu.memory_space<semaphore_mem>>)
    %dma_wait3A_133 = arith.constant 2 : i32
    %dma_wait3A_134 = arith.constant 0 : i32
    %dma_wait3A_135 = arith.constant 0 : i32
    %dma_wait3A_136 = arith.constant 0 : i32
    %dma_wait3A_137 = tpu.memref_slice %arg6[%dma_wait3A_134, %dma_wait3A_135, %dma_wait3A_136] : memref<2x128x128xf32, #tpu.memory_space<vmem>> -> memref<1x128x128xf32, #tpu.memory_space<vmem>>
    %dma_wait3A_138 = tpu.memref_squeeze %dma_wait3A_137 : memref<1x128x128xf32, #tpu.memory_space<vmem>> -> memref<128x128xf32, #tpu.memory_space<vmem>>
    %dma_wait3A_139 = arith.constant 0 : i32
    %dma_wait3A_140 = tpu.memref_slice %arg5[%dma_wait3A_133, %dma_wait3A_139] : memref<8x128xi32, #tpu.memory_space<vmem>> -> memref<1x128xi32, #tpu.memory_space<vmem>>
    %dma_wait3A_141 = tpu.memref_squeeze %dma_wait3A_140 : memref<1x128xi32, #tpu.memory_space<vmem>> -> memref<128xi32, #tpu.memory_space<vmem>>
    %dma_wait3A_142 = arith.constant 0 : i32
    %dma_wait3A_143 = arith.constant 0 : i32
    %dma_wait3A_144 = tpu.memref_slice %arg2[%dma_wait3A_142, %dma_wait3A_143] : memref<4096x128xf32, #tpu.memory_space<hbm>> -> memref<4096x128xf32, #tpu.memory_space<hbm>>
    tpu.wait_indirect_dma semaphore(%arg7 : memref<!tpu.dma_semaphore, #tpu.memory_space<semaphore_mem>>) src(%dma_wait3A_144 : memref<4096x128xf32, #tpu.memory_space<hbm>>) dst(%dma_wait3A_138 : memref<128x128xf32, #tpu.memory_space<vmem>>)
    %mul3A_145 = arith.constant 1024 : i32
    %mul3A_146 = arith.muli %add3A, %mul3A_145 : i32
    %add3A_147 = arith.constant 256 : i32
    %add3A_148 = arith.addi %mul3A_146, %add3A_147 : i32
    %dma_start3A_149 = arith.constant 0 : i32
    %dma_start3A_150 = arith.constant 0 : i32
    %dma_start3A_151 = arith.constant 0 : i32
    %dma_start3A_152 = tpu.memref_slice %arg6[%dma_start3A_149, %dma_start3A_150, %dma_start3A_151] : memref<2x128x128xf32, #tpu.memory_space<vmem>> -> memref<1x128x128xf32, #tpu.memory_space<vmem>>
    %dma_start3A_153 = tpu.memref_squeeze %dma_start3A_152 : memref<1x128x128xf32, #tpu.memory_space<vmem>> -> memref<128x128xf32, #tpu.memory_space<vmem>>
    %dma_start3A_154 = arith.constant 0 : i32
    %dma_start3A_155 = tpu.memref_slice %arg4[%add3A_148, %dma_start3A_154] : memref<32768x128xf32, #tpu.memory_space<hbm>> -> memref<128x128xf32, #tpu.memory_space<hbm>>
    %dma_start3A_156 = arith.constant 0 : i32
    %dma_start3A_157 = tpu.memref_slice %arg4[%add3A_148, %dma_start3A_156] : memref<32768x128xf32, #tpu.memory_space<hbm>> -> memref<128x128xf32, #tpu.memory_space<hbm>>
    %dma_start3A_158 = arith.constant 0 : i32
    %dma_start3A_159 = arith.constant 0 : i32
    %dma_start3A_160 = tpu.memref_slice %arg6[%dma_start3A_149, %dma_start3A_158, %dma_start3A_159] : memref<2x128x128xf32, #tpu.memory_space<vmem>> -> memref<1x128x128xf32, #tpu.memory_space<vmem>>
    %dma_start3A_161 = tpu.memref_squeeze %dma_start3A_160 : memref<1x128x128xf32, #tpu.memory_space<vmem>> -> memref<128x128xf32, #tpu.memory_space<vmem>>
    tpu.enqueue_dma source(%dma_start3A_161 : memref<128x128xf32, #tpu.memory_space<vmem>>) target(%dma_start3A_157 : memref<128x128xf32, #tpu.memory_space<hbm>>) target_semaphore(%arg9 : memref<!tpu.dma_semaphore, #tpu.memory_space<semaphore_mem>>)
    %dma_wait3A_162 = arith.constant 0 : i32
    %dma_wait3A_163 = arith.constant 0 : i32
    %dma_wait3A_164 = arith.constant 0 : i32
    %dma_wait3A_165 = tpu.memref_slice %arg6[%dma_wait3A_162, %dma_wait3A_163, %dma_wait3A_164] : memref<2x128x128xf32, #tpu.memory_space<vmem>> -> memref<1x128x128xf32, #tpu.memory_space<vmem>>
    %dma_wait3A_166 = tpu.memref_squeeze %dma_wait3A_165 : memref<1x128x128xf32, #tpu.memory_space<vmem>> -> memref<128x128xf32, #tpu.memory_space<vmem>>
    %dma_wait3A_167 = arith.constant 0 : i32
    %dma_wait3A_168 = tpu.memref_slice %arg4[%add3A_148, %dma_wait3A_167] : memref<32768x128xf32, #tpu.memory_space<hbm>> -> memref<128x128xf32, #tpu.memory_space<hbm>>
    %dma_wait3A_169 = arith.constant 0 : i32
    %dma_wait3A_170 = tpu.memref_slice %arg4[%add3A_148, %dma_wait3A_169] : memref<32768x128xf32, #tpu.memory_space<hbm>> -> memref<128x128xf32, #tpu.memory_space<hbm>>
    %dma_wait3A_171 = arith.constant 0 : i32
    %dma_wait3A_172 = arith.constant 0 : i32
    %dma_wait3A_173 = tpu.memref_slice %arg6[%dma_wait3A_162, %dma_wait3A_171, %dma_wait3A_172] : memref<2x128x128xf32, #tpu.memory_space<vmem>> -> memref<1x128x128xf32, #tpu.memory_space<vmem>>
    %dma_wait3A_174 = tpu.memref_squeeze %dma_wait3A_173 : memref<1x128x128xf32, #tpu.memory_space<vmem>> -> memref<128x128xf32, #tpu.memory_space<vmem>>
    tpu.wait_dma2 semaphore(%arg9 : memref<!tpu.dma_semaphore, #tpu.memory_space<semaphore_mem>>) src(%dma_wait3A_174 : memref<128x128xf32, #tpu.memory_space<vmem>>) dst(%dma_wait3A_170 : memref<128x128xf32, #tpu.memory_space<hbm>>)
    %dma_start3A_175 = arith.constant 4 : i32
    %dma_start3A_176 = arith.constant 0 : i32
    %dma_start3A_177 = arith.constant 0 : i32
    %dma_start3A_178 = arith.constant 0 : i32
    %dma_start3A_179 = tpu.memref_slice %arg6[%dma_start3A_176, %dma_start3A_177, %dma_start3A_178] : memref<2x128x128xf32, #tpu.memory_space<vmem>> -> memref<1x128x128xf32, #tpu.memory_space<vmem>>
    %dma_start3A_180 = tpu.memref_squeeze %dma_start3A_179 : memref<1x128x128xf32, #tpu.memory_space<vmem>> -> memref<128x128xf32, #tpu.memory_space<vmem>>
    %dma_start3A_181 = arith.constant 0 : i32
    %dma_start3A_182 = tpu.memref_slice %arg5[%dma_start3A_175, %dma_start3A_181] : memref<8x128xi32, #tpu.memory_space<vmem>> -> memref<1x128xi32, #tpu.memory_space<vmem>>
    %dma_start3A_183 = tpu.memref_squeeze %dma_start3A_182 : memref<1x128xi32, #tpu.memory_space<vmem>> -> memref<128xi32, #tpu.memory_space<vmem>>
    %dma_start3A_184 = arith.constant 0 : i32
    %dma_start3A_185 = arith.constant 0 : i32
    %dma_start3A_186 = tpu.memref_slice %arg2[%dma_start3A_184, %dma_start3A_185] : memref<4096x128xf32, #tpu.memory_space<hbm>> -> memref<4096x128xf32, #tpu.memory_space<hbm>>
    tpu.enqueue_indirect_dma source(%dma_start3A_186 : memref<4096x128xf32, #tpu.memory_space<hbm>>) target(%dma_start3A_180 : memref<128x128xf32, #tpu.memory_space<vmem>>) offsets(%dma_start3A_183 : memref<128xi32, #tpu.memory_space<vmem>>) semaphore(%arg7 : memref<!tpu.dma_semaphore, #tpu.memory_space<semaphore_mem>>)
    %dma_wait3A_187 = arith.constant 3 : i32
    %dma_wait3A_188 = arith.constant 1 : i32
    %dma_wait3A_189 = arith.constant 0 : i32
    %dma_wait3A_190 = arith.constant 0 : i32
    %dma_wait3A_191 = tpu.memref_slice %arg6[%dma_wait3A_188, %dma_wait3A_189, %dma_wait3A_190] : memref<2x128x128xf32, #tpu.memory_space<vmem>> -> memref<1x128x128xf32, #tpu.memory_space<vmem>>
    %dma_wait3A_192 = tpu.memref_squeeze %dma_wait3A_191 : memref<1x128x128xf32, #tpu.memory_space<vmem>> -> memref<128x128xf32, #tpu.memory_space<vmem>>
    %dma_wait3A_193 = arith.constant 0 : i32
    %dma_wait3A_194 = tpu.memref_slice %arg5[%dma_wait3A_187, %dma_wait3A_193] : memref<8x128xi32, #tpu.memory_space<vmem>> -> memref<1x128xi32, #tpu.memory_space<vmem>>
    %dma_wait3A_195 = tpu.memref_squeeze %dma_wait3A_194 : memref<1x128xi32, #tpu.memory_space<vmem>> -> memref<128xi32, #tpu.memory_space<vmem>>
    %dma_wait3A_196 = arith.constant 0 : i32
    %dma_wait3A_197 = arith.constant 0 : i32
    %dma_wait3A_198 = tpu.memref_slice %arg2[%dma_wait3A_196, %dma_wait3A_197] : memref<4096x128xf32, #tpu.memory_space<hbm>> -> memref<4096x128xf32, #tpu.memory_space<hbm>>
    tpu.wait_indirect_dma semaphore(%arg8 : memref<!tpu.dma_semaphore, #tpu.memory_space<semaphore_mem>>) src(%dma_wait3A_198 : memref<4096x128xf32, #tpu.memory_space<hbm>>) dst(%dma_wait3A_192 : memref<128x128xf32, #tpu.memory_space<vmem>>)
    %mul3A_199 = arith.constant 1024 : i32
    %mul3A_200 = arith.muli %add3A, %mul3A_199 : i32
    %add3A_201 = arith.constant 384 : i32
    %add3A_202 = arith.addi %mul3A_200, %add3A_201 : i32
    %dma_start3A_203 = arith.constant 1 : i32
    %dma_start3A_204 = arith.constant 0 : i32
    %dma_start3A_205 = arith.constant 0 : i32
    %dma_start3A_206 = tpu.memref_slice %arg6[%dma_start3A_203, %dma_start3A_204, %dma_start3A_205] : memref<2x128x128xf32, #tpu.memory_space<vmem>> -> memref<1x128x128xf32, #tpu.memory_space<vmem>>
    %dma_start3A_207 = tpu.memref_squeeze %dma_start3A_206 : memref<1x128x128xf32, #tpu.memory_space<vmem>> -> memref<128x128xf32, #tpu.memory_space<vmem>>
    %dma_start3A_208 = arith.constant 0 : i32
    %dma_start3A_209 = tpu.memref_slice %arg4[%add3A_202, %dma_start3A_208] : memref<32768x128xf32, #tpu.memory_space<hbm>> -> memref<128x128xf32, #tpu.memory_space<hbm>>
    %dma_start3A_210 = arith.constant 0 : i32
    %dma_start3A_211 = tpu.memref_slice %arg4[%add3A_202, %dma_start3A_210] : memref<32768x128xf32, #tpu.memory_space<hbm>> -> memref<128x128xf32, #tpu.memory_space<hbm>>
    %dma_start3A_212 = arith.constant 0 : i32
    %dma_start3A_213 = arith.constant 0 : i32
    %dma_start3A_214 = tpu.memref_slice %arg6[%dma_start3A_203, %dma_start3A_212, %dma_start3A_213] : memref<2x128x128xf32, #tpu.memory_space<vmem>> -> memref<1x128x128xf32, #tpu.memory_space<vmem>>
    %dma_start3A_215 = tpu.memref_squeeze %dma_start3A_214 : memref<1x128x128xf32, #tpu.memory_space<vmem>> -> memref<128x128xf32, #tpu.memory_space<vmem>>
    tpu.enqueue_dma source(%dma_start3A_215 : memref<128x128xf32, #tpu.memory_space<vmem>>) target(%dma_start3A_211 : memref<128x128xf32, #tpu.memory_space<hbm>>) target_semaphore(%arg10 : memref<!tpu.dma_semaphore, #tpu.memory_space<semaphore_mem>>)
    %dma_wait3A_216 = arith.constant 1 : i32
    %dma_wait3A_217 = arith.constant 0 : i32
    %dma_wait3A_218 = arith.constant 0 : i32
    %dma_wait3A_219 = tpu.memref_slice %arg6[%dma_wait3A_216, %dma_wait3A_217, %dma_wait3A_218] : memref<2x128x128xf32, #tpu.memory_space<vmem>> -> memref<1x128x128xf32, #tpu.memory_space<vmem>>
    %dma_wait3A_220 = tpu.memref_squeeze %dma_wait3A_219 : memref<1x128x128xf32, #tpu.memory_space<vmem>> -> memref<128x128xf32, #tpu.memory_space<vmem>>
    %dma_wait3A_221 = arith.constant 0 : i32
    %dma_wait3A_222 = tpu.memref_slice %arg4[%add3A_202, %dma_wait3A_221] : memref<32768x128xf32, #tpu.memory_space<hbm>> -> memref<128x128xf32, #tpu.memory_space<hbm>>
    %dma_wait3A_223 = arith.constant 0 : i32
    %dma_wait3A_224 = tpu.memref_slice %arg4[%add3A_202, %dma_wait3A_223] : memref<32768x128xf32, #tpu.memory_space<hbm>> -> memref<128x128xf32, #tpu.memory_space<hbm>>
    %dma_wait3A_225 = arith.constant 0 : i32
    %dma_wait3A_226 = arith.constant 0 : i32
    %dma_wait3A_227 = tpu.memref_slice %arg6[%dma_wait3A_216, %dma_wait3A_225, %dma_wait3A_226] : memref<2x128x128xf32, #tpu.memory_space<vmem>> -> memref<1x128x128xf32, #tpu.memory_space<vmem>>
    %dma_wait3A_228 = tpu.memref_squeeze %dma_wait3A_227 : memref<1x128x128xf32, #tpu.memory_space<vmem>> -> memref<128x128xf32, #tpu.memory_space<vmem>>
    tpu.wait_dma2 semaphore(%arg10 : memref<!tpu.dma_semaphore, #tpu.memory_space<semaphore_mem>>) src(%dma_wait3A_228 : memref<128x128xf32, #tpu.memory_space<vmem>>) dst(%dma_wait3A_224 : memref<128x128xf32, #tpu.memory_space<hbm>>)
    %dma_start3A_229 = arith.constant 5 : i32
    %dma_start3A_230 = arith.constant 1 : i32
    %dma_start3A_231 = arith.constant 0 : i32
    %dma_start3A_232 = arith.constant 0 : i32
    %dma_start3A_233 = tpu.memref_slice %arg6[%dma_start3A_230, %dma_start3A_231, %dma_start3A_232] : memref<2x128x128xf32, #tpu.memory_space<vmem>> -> memref<1x128x128xf32, #tpu.memory_space<vmem>>
    %dma_start3A_234 = tpu.memref_squeeze %dma_start3A_233 : memref<1x128x128xf32, #tpu.memory_space<vmem>> -> memref<128x128xf32, #tpu.memory_space<vmem>>
    %dma_start3A_235 = arith.constant 0 : i32
    %dma_start3A_236 = tpu.memref_slice %arg5[%dma_start3A_229, %dma_start3A_235] : memref<8x128xi32, #tpu.memory_space<vmem>> -> memref<1x128xi32, #tpu.memory_space<vmem>>
    %dma_start3A_237 = tpu.memref_squeeze %dma_start3A_236 : memref<1x128xi32, #tpu.memory_space<vmem>> -> memref<128xi32, #tpu.memory_space<vmem>>
    %dma_start3A_238 = arith.constant 0 : i32
    %dma_start3A_239 = arith.constant 0 : i32
    %dma_start3A_240 = tpu.memref_slice %arg2[%dma_start3A_238, %dma_start3A_239] : memref<4096x128xf32, #tpu.memory_space<hbm>> -> memref<4096x128xf32, #tpu.memory_space<hbm>>
    tpu.enqueue_indirect_dma source(%dma_start3A_240 : memref<4096x128xf32, #tpu.memory_space<hbm>>) target(%dma_start3A_234 : memref<128x128xf32, #tpu.memory_space<vmem>>) offsets(%dma_start3A_237 : memref<128xi32, #tpu.memory_space<vmem>>) semaphore(%arg8 : memref<!tpu.dma_semaphore, #tpu.memory_space<semaphore_mem>>)
    %dma_wait3A_241 = arith.constant 4 : i32
    %dma_wait3A_242 = arith.constant 0 : i32
    %dma_wait3A_243 = arith.constant 0 : i32
    %dma_wait3A_244 = arith.constant 0 : i32
    %dma_wait3A_245 = tpu.memref_slice %arg6[%dma_wait3A_242, %dma_wait3A_243, %dma_wait3A_244] : memref<2x128x128xf32, #tpu.memory_space<vmem>> -> memref<1x128x128xf32, #tpu.memory_space<vmem>>
    %dma_wait3A_246 = tpu.memref_squeeze %dma_wait3A_245 : memref<1x128x128xf32, #tpu.memory_space<vmem>> -> memref<128x128xf32, #tpu.memory_space<vmem>>
    %dma_wait3A_247 = arith.constant 0 : i32
    %dma_wait3A_248 = tpu.memref_slice %arg5[%dma_wait3A_241, %dma_wait3A_247] : memref<8x128xi32, #tpu.memory_space<vmem>> -> memref<1x128xi32, #tpu.memory_space<vmem>>
    %dma_wait3A_249 = tpu.memref_squeeze %dma_wait3A_248 : memref<1x128xi32, #tpu.memory_space<vmem>> -> memref<128xi32, #tpu.memory_space<vmem>>
    %dma_wait3A_250 = arith.constant 0 : i32
    %dma_wait3A_251 = arith.constant 0 : i32
    %dma_wait3A_252 = tpu.memref_slice %arg2[%dma_wait3A_250, %dma_wait3A_251] : memref<4096x128xf32, #tpu.memory_space<hbm>> -> memref<4096x128xf32, #tpu.memory_space<hbm>>
    tpu.wait_indirect_dma semaphore(%arg7 : memref<!tpu.dma_semaphore, #tpu.memory_space<semaphore_mem>>) src(%dma_wait3A_252 : memref<4096x128xf32, #tpu.memory_space<hbm>>) dst(%dma_wait3A_246 : memref<128x128xf32, #tpu.memory_space<vmem>>)
    %mul3A_253 = arith.constant 1024 : i32
    %mul3A_254 = arith.muli %add3A, %mul3A_253 : i32
    %add3A_255 = arith.constant 512 : i32
    %add3A_256 = arith.addi %mul3A_254, %add3A_255 : i32
    %dma_start3A_257 = arith.constant 0 : i32
    %dma_start3A_258 = arith.constant 0 : i32
    %dma_start3A_259 = arith.constant 0 : i32
    %dma_start3A_260 = tpu.memref_slice %arg6[%dma_start3A_257, %dma_start3A_258, %dma_start3A_259] : memref<2x128x128xf32, #tpu.memory_space<vmem>> -> memref<1x128x128xf32, #tpu.memory_space<vmem>>
    %dma_start3A_261 = tpu.memref_squeeze %dma_start3A_260 : memref<1x128x128xf32, #tpu.memory_space<vmem>> -> memref<128x128xf32, #tpu.memory_space<vmem>>
    %dma_start3A_262 = arith.constant 0 : i32
    %dma_start3A_263 = tpu.memref_slice %arg4[%add3A_256, %dma_start3A_262] : memref<32768x128xf32, #tpu.memory_space<hbm>> -> memref<128x128xf32, #tpu.memory_space<hbm>>
    %dma_start3A_264 = arith.constant 0 : i32
    %dma_start3A_265 = tpu.memref_slice %arg4[%add3A_256, %dma_start3A_264] : memref<32768x128xf32, #tpu.memory_space<hbm>> -> memref<128x128xf32, #tpu.memory_space<hbm>>
    %dma_start3A_266 = arith.constant 0 : i32
    %dma_start3A_267 = arith.constant 0 : i32
    %dma_start3A_268 = tpu.memref_slice %arg6[%dma_start3A_257, %dma_start3A_266, %dma_start3A_267] : memref<2x128x128xf32, #tpu.memory_space<vmem>> -> memref<1x128x128xf32, #tpu.memory_space<vmem>>
    %dma_start3A_269 = tpu.memref_squeeze %dma_start3A_268 : memref<1x128x128xf32, #tpu.memory_space<vmem>> -> memref<128x128xf32, #tpu.memory_space<vmem>>
    tpu.enqueue_dma source(%dma_start3A_269 : memref<128x128xf32, #tpu.memory_space<vmem>>) target(%dma_start3A_265 : memref<128x128xf32, #tpu.memory_space<hbm>>) target_semaphore(%arg9 : memref<!tpu.dma_semaphore, #tpu.memory_space<semaphore_mem>>)
    %dma_wait3A_270 = arith.constant 0 : i32
    %dma_wait3A_271 = arith.constant 0 : i32
    %dma_wait3A_272 = arith.constant 0 : i32
    %dma_wait3A_273 = tpu.memref_slice %arg6[%dma_wait3A_270, %dma_wait3A_271, %dma_wait3A_272] : memref<2x128x128xf32, #tpu.memory_space<vmem>> -> memref<1x128x128xf32, #tpu.memory_space<vmem>>
    %dma_wait3A_274 = tpu.memref_squeeze %dma_wait3A_273 : memref<1x128x128xf32, #tpu.memory_space<vmem>> -> memref<128x128xf32, #tpu.memory_space<vmem>>
    %dma_wait3A_275 = arith.constant 0 : i32
    %dma_wait3A_276 = tpu.memref_slice %arg4[%add3A_256, %dma_wait3A_275] : memref<32768x128xf32, #tpu.memory_space<hbm>> -> memref<128x128xf32, #tpu.memory_space<hbm>>
    %dma_wait3A_277 = arith.constant 0 : i32
    %dma_wait3A_278 = tpu.memref_slice %arg4[%add3A_256, %dma_wait3A_277] : memref<32768x128xf32, #tpu.memory_space<hbm>> -> memref<128x128xf32, #tpu.memory_space<hbm>>
    %dma_wait3A_279 = arith.constant 0 : i32
    %dma_wait3A_280 = arith.constant 0 : i32
    %dma_wait3A_281 = tpu.memref_slice %arg6[%dma_wait3A_270, %dma_wait3A_279, %dma_wait3A_280] : memref<2x128x128xf32, #tpu.memory_space<vmem>> -> memref<1x128x128xf32, #tpu.memory_space<vmem>>
    %dma_wait3A_282 = tpu.memref_squeeze %dma_wait3A_281 : memref<1x128x128xf32, #tpu.memory_space<vmem>> -> memref<128x128xf32, #tpu.memory_space<vmem>>
    tpu.wait_dma2 semaphore(%arg9 : memref<!tpu.dma_semaphore, #tpu.memory_space<semaphore_mem>>) src(%dma_wait3A_282 : memref<128x128xf32, #tpu.memory_space<vmem>>) dst(%dma_wait3A_278 : memref<128x128xf32, #tpu.memory_space<hbm>>)
    %dma_start3A_283 = arith.constant 6 : i32
    %dma_start3A_284 = arith.constant 0 : i32
    %dma_start3A_285 = arith.constant 0 : i32
    %dma_start3A_286 = arith.constant 0 : i32
    %dma_start3A_287 = tpu.memref_slice %arg6[%dma_start3A_284, %dma_start3A_285, %dma_start3A_286] : memref<2x128x128xf32, #tpu.memory_space<vmem>> -> memref<1x128x128xf32, #tpu.memory_space<vmem>>
    %dma_start3A_288 = tpu.memref_squeeze %dma_start3A_287 : memref<1x128x128xf32, #tpu.memory_space<vmem>> -> memref<128x128xf32, #tpu.memory_space<vmem>>
    %dma_start3A_289 = arith.constant 0 : i32
    %dma_start3A_290 = tpu.memref_slice %arg5[%dma_start3A_283, %dma_start3A_289] : memref<8x128xi32, #tpu.memory_space<vmem>> -> memref<1x128xi32, #tpu.memory_space<vmem>>
    %dma_start3A_291 = tpu.memref_squeeze %dma_start3A_290 : memref<1x128xi32, #tpu.memory_space<vmem>> -> memref<128xi32, #tpu.memory_space<vmem>>
    %dma_start3A_292 = arith.constant 0 : i32
    %dma_start3A_293 = arith.constant 0 : i32
    %dma_start3A_294 = tpu.memref_slice %arg2[%dma_start3A_292, %dma_start3A_293] : memref<4096x128xf32, #tpu.memory_space<hbm>> -> memref<4096x128xf32, #tpu.memory_space<hbm>>
    tpu.enqueue_indirect_dma source(%dma_start3A_294 : memref<4096x128xf32, #tpu.memory_space<hbm>>) target(%dma_start3A_288 : memref<128x128xf32, #tpu.memory_space<vmem>>) offsets(%dma_start3A_291 : memref<128xi32, #tpu.memory_space<vmem>>) semaphore(%arg7 : memref<!tpu.dma_semaphore, #tpu.memory_space<semaphore_mem>>)
    %dma_wait3A_295 = arith.constant 5 : i32
    %dma_wait3A_296 = arith.constant 1 : i32
    %dma_wait3A_297 = arith.constant 0 : i32
    %dma_wait3A_298 = arith.constant 0 : i32
    %dma_wait3A_299 = tpu.memref_slice %arg6[%dma_wait3A_296, %dma_wait3A_297, %dma_wait3A_298] : memref<2x128x128xf32, #tpu.memory_space<vmem>> -> memref<1x128x128xf32, #tpu.memory_space<vmem>>
    %dma_wait3A_300 = tpu.memref_squeeze %dma_wait3A_299 : memref<1x128x128xf32, #tpu.memory_space<vmem>> -> memref<128x128xf32, #tpu.memory_space<vmem>>
    %dma_wait3A_301 = arith.constant 0 : i32
    %dma_wait3A_302 = tpu.memref_slice %arg5[%dma_wait3A_295, %dma_wait3A_301] : memref<8x128xi32, #tpu.memory_space<vmem>> -> memref<1x128xi32, #tpu.memory_space<vmem>>
    %dma_wait3A_303 = tpu.memref_squeeze %dma_wait3A_302 : memref<1x128xi32, #tpu.memory_space<vmem>> -> memref<128xi32, #tpu.memory_space<vmem>>
    %dma_wait3A_304 = arith.constant 0 : i32
    %dma_wait3A_305 = arith.constant 0 : i32
    %dma_wait3A_306 = tpu.memref_slice %arg2[%dma_wait3A_304, %dma_wait3A_305] : memref<4096x128xf32, #tpu.memory_space<hbm>> -> memref<4096x128xf32, #tpu.memory_space<hbm>>
    tpu.wait_indirect_dma semaphore(%arg8 : memref<!tpu.dma_semaphore, #tpu.memory_space<semaphore_mem>>) src(%dma_wait3A_306 : memref<4096x128xf32, #tpu.memory_space<hbm>>) dst(%dma_wait3A_300 : memref<128x128xf32, #tpu.memory_space<vmem>>)
    %mul3A_307 = arith.constant 1024 : i32
    %mul3A_308 = arith.muli %add3A, %mul3A_307 : i32
    %add3A_309 = arith.constant 640 : i32
    %add3A_310 = arith.addi %mul3A_308, %add3A_309 : i32
    %dma_start3A_311 = arith.constant 1 : i32
    %dma_start3A_312 = arith.constant 0 : i32
    %dma_start3A_313 = arith.constant 0 : i32
    %dma_start3A_314 = tpu.memref_slice %arg6[%dma_start3A_311, %dma_start3A_312, %dma_start3A_313] : memref<2x128x128xf32, #tpu.memory_space<vmem>> -> memref<1x128x128xf32, #tpu.memory_space<vmem>>
    %dma_start3A_315 = tpu.memref_squeeze %dma_start3A_314 : memref<1x128x128xf32, #tpu.memory_space<vmem>> -> memref<128x128xf32, #tpu.memory_space<vmem>>
    %dma_start3A_316 = arith.constant 0 : i32
    %dma_start3A_317 = tpu.memref_slice %arg4[%add3A_310, %dma_start3A_316] : memref<32768x128xf32, #tpu.memory_space<hbm>> -> memref<128x128xf32, #tpu.memory_space<hbm>>
    %dma_start3A_318 = arith.constant 0 : i32
    %dma_start3A_319 = tpu.memref_slice %arg4[%add3A_310, %dma_start3A_318] : memref<32768x128xf32, #tpu.memory_space<hbm>> -> memref<128x128xf32, #tpu.memory_space<hbm>>
    %dma_start3A_320 = arith.constant 0 : i32
    %dma_start3A_321 = arith.constant 0 : i32
    %dma_start3A_322 = tpu.memref_slice %arg6[%dma_start3A_311, %dma_start3A_320, %dma_start3A_321] : memref<2x128x128xf32, #tpu.memory_space<vmem>> -> memref<1x128x128xf32, #tpu.memory_space<vmem>>
    %dma_start3A_323 = tpu.memref_squeeze %dma_start3A_322 : memref<1x128x128xf32, #tpu.memory_space<vmem>> -> memref<128x128xf32, #tpu.memory_space<vmem>>
    tpu.enqueue_dma source(%dma_start3A_323 : memref<128x128xf32, #tpu.memory_space<vmem>>) target(%dma_start3A_319 : memref<128x128xf32, #tpu.memory_space<hbm>>) target_semaphore(%arg10 : memref<!tpu.dma_semaphore, #tpu.memory_space<semaphore_mem>>)
    %dma_wait3A_324 = arith.constant 1 : i32
    %dma_wait3A_325 = arith.constant 0 : i32
    %dma_wait3A_326 = arith.constant 0 : i32
    %dma_wait3A_327 = tpu.memref_slice %arg6[%dma_wait3A_324, %dma_wait3A_325, %dma_wait3A_326] : memref<2x128x128xf32, #tpu.memory_space<vmem>> -> memref<1x128x128xf32, #tpu.memory_space<vmem>>
    %dma_wait3A_328 = tpu.memref_squeeze %dma_wait3A_327 : memref<1x128x128xf32, #tpu.memory_space<vmem>> -> memref<128x128xf32, #tpu.memory_space<vmem>>
    %dma_wait3A_329 = arith.constant 0 : i32
    %dma_wait3A_330 = tpu.memref_slice %arg4[%add3A_310, %dma_wait3A_329] : memref<32768x128xf32, #tpu.memory_space<hbm>> -> memref<128x128xf32, #tpu.memory_space<hbm>>
    %dma_wait3A_331 = arith.constant 0 : i32
    %dma_wait3A_332 = tpu.memref_slice %arg4[%add3A_310, %dma_wait3A_331] : memref<32768x128xf32, #tpu.memory_space<hbm>> -> memref<128x128xf32, #tpu.memory_space<hbm>>
    %dma_wait3A_333 = arith.constant 0 : i32
    %dma_wait3A_334 = arith.constant 0 : i32
    %dma_wait3A_335 = tpu.memref_slice %arg6[%dma_wait3A_324, %dma_wait3A_333, %dma_wait3A_334] : memref<2x128x128xf32, #tpu.memory_space<vmem>> -> memref<1x128x128xf32, #tpu.memory_space<vmem>>
    %dma_wait3A_336 = tpu.memref_squeeze %dma_wait3A_335 : memref<1x128x128xf32, #tpu.memory_space<vmem>> -> memref<128x128xf32, #tpu.memory_space<vmem>>
    tpu.wait_dma2 semaphore(%arg10 : memref<!tpu.dma_semaphore, #tpu.memory_space<semaphore_mem>>) src(%dma_wait3A_336 : memref<128x128xf32, #tpu.memory_space<vmem>>) dst(%dma_wait3A_332 : memref<128x128xf32, #tpu.memory_space<hbm>>)
    %dma_start3A_337 = arith.constant 7 : i32
    %dma_start3A_338 = arith.constant 1 : i32
    %dma_start3A_339 = arith.constant 0 : i32
    %dma_start3A_340 = arith.constant 0 : i32
    %dma_start3A_341 = tpu.memref_slice %arg6[%dma_start3A_338, %dma_start3A_339, %dma_start3A_340] : memref<2x128x128xf32, #tpu.memory_space<vmem>> -> memref<1x128x128xf32, #tpu.memory_space<vmem>>
    %dma_start3A_342 = tpu.memref_squeeze %dma_start3A_341 : memref<1x128x128xf32, #tpu.memory_space<vmem>> -> memref<128x128xf32, #tpu.memory_space<vmem>>
    %dma_start3A_343 = arith.constant 0 : i32
    %dma_start3A_344 = tpu.memref_slice %arg5[%dma_start3A_337, %dma_start3A_343] : memref<8x128xi32, #tpu.memory_space<vmem>> -> memref<1x128xi32, #tpu.memory_space<vmem>>
    %dma_start3A_345 = tpu.memref_squeeze %dma_start3A_344 : memref<1x128xi32, #tpu.memory_space<vmem>> -> memref<128xi32, #tpu.memory_space<vmem>>
    %dma_start3A_346 = arith.constant 0 : i32
    %dma_start3A_347 = arith.constant 0 : i32
    %dma_start3A_348 = tpu.memref_slice %arg2[%dma_start3A_346, %dma_start3A_347] : memref<4096x128xf32, #tpu.memory_space<hbm>> -> memref<4096x128xf32, #tpu.memory_space<hbm>>
    tpu.enqueue_indirect_dma source(%dma_start3A_348 : memref<4096x128xf32, #tpu.memory_space<hbm>>) target(%dma_start3A_342 : memref<128x128xf32, #tpu.memory_space<vmem>>) offsets(%dma_start3A_345 : memref<128xi32, #tpu.memory_space<vmem>>) semaphore(%arg8 : memref<!tpu.dma_semaphore, #tpu.memory_space<semaphore_mem>>)
    %dma_wait3A_349 = arith.constant 6 : i32
    %dma_wait3A_350 = arith.constant 0 : i32
    %dma_wait3A_351 = arith.constant 0 : i32
    %dma_wait3A_352 = arith.constant 0 : i32
    %dma_wait3A_353 = tpu.memref_slice %arg6[%dma_wait3A_350, %dma_wait3A_351, %dma_wait3A_352] : memref<2x128x128xf32, #tpu.memory_space<vmem>> -> memref<1x128x128xf32, #tpu.memory_space<vmem>>
    %dma_wait3A_354 = tpu.memref_squeeze %dma_wait3A_353 : memref<1x128x128xf32, #tpu.memory_space<vmem>> -> memref<128x128xf32, #tpu.memory_space<vmem>>
    %dma_wait3A_355 = arith.constant 0 : i32
    %dma_wait3A_356 = tpu.memref_slice %arg5[%dma_wait3A_349, %dma_wait3A_355] : memref<8x128xi32, #tpu.memory_space<vmem>> -> memref<1x128xi32, #tpu.memory_space<vmem>>
    %dma_wait3A_357 = tpu.memref_squeeze %dma_wait3A_356 : memref<1x128xi32, #tpu.memory_space<vmem>> -> memref<128xi32, #tpu.memory_space<vmem>>
    %dma_wait3A_358 = arith.constant 0 : i32
    %dma_wait3A_359 = arith.constant 0 : i32
    %dma_wait3A_360 = tpu.memref_slice %arg2[%dma_wait3A_358, %dma_wait3A_359] : memref<4096x128xf32, #tpu.memory_space<hbm>> -> memref<4096x128xf32, #tpu.memory_space<hbm>>
    tpu.wait_indirect_dma semaphore(%arg7 : memref<!tpu.dma_semaphore, #tpu.memory_space<semaphore_mem>>) src(%dma_wait3A_360 : memref<4096x128xf32, #tpu.memory_space<hbm>>) dst(%dma_wait3A_354 : memref<128x128xf32, #tpu.memory_space<vmem>>)
    %mul3A_361 = arith.constant 1024 : i32
    %mul3A_362 = arith.muli %add3A, %mul3A_361 : i32
    %add3A_363 = arith.constant 768 : i32
    %add3A_364 = arith.addi %mul3A_362, %add3A_363 : i32
    %dma_start3A_365 = arith.constant 0 : i32
    %dma_start3A_366 = arith.constant 0 : i32
    %dma_start3A_367 = arith.constant 0 : i32
    %dma_start3A_368 = tpu.memref_slice %arg6[%dma_start3A_365, %dma_start3A_366, %dma_start3A_367] : memref<2x128x128xf32, #tpu.memory_space<vmem>> -> memref<1x128x128xf32, #tpu.memory_space<vmem>>
    %dma_start3A_369 = tpu.memref_squeeze %dma_start3A_368 : memref<1x128x128xf32, #tpu.memory_space<vmem>> -> memref<128x128xf32, #tpu.memory_space<vmem>>
    %dma_start3A_370 = arith.constant 0 : i32
    %dma_start3A_371 = tpu.memref_slice %arg4[%add3A_364, %dma_start3A_370] : memref<32768x128xf32, #tpu.memory_space<hbm>> -> memref<128x128xf32, #tpu.memory_space<hbm>>
    %dma_start3A_372 = arith.constant 0 : i32
    %dma_start3A_373 = tpu.memref_slice %arg4[%add3A_364, %dma_start3A_372] : memref<32768x128xf32, #tpu.memory_space<hbm>> -> memref<128x128xf32, #tpu.memory_space<hbm>>
    %dma_start3A_374 = arith.constant 0 : i32
    %dma_start3A_375 = arith.constant 0 : i32
    %dma_start3A_376 = tpu.memref_slice %arg6[%dma_start3A_365, %dma_start3A_374, %dma_start3A_375] : memref<2x128x128xf32, #tpu.memory_space<vmem>> -> memref<1x128x128xf32, #tpu.memory_space<vmem>>
    %dma_start3A_377 = tpu.memref_squeeze %dma_start3A_376 : memref<1x128x128xf32, #tpu.memory_space<vmem>> -> memref<128x128xf32, #tpu.memory_space<vmem>>
    tpu.enqueue_dma source(%dma_start3A_377 : memref<128x128xf32, #tpu.memory_space<vmem>>) target(%dma_start3A_373 : memref<128x128xf32, #tpu.memory_space<hbm>>) target_semaphore(%arg9 : memref<!tpu.dma_semaphore, #tpu.memory_space<semaphore_mem>>)
    %dma_wait3A_378 = arith.constant 7 : i32
    %dma_wait3A_379 = arith.constant 1 : i32
    %dma_wait3A_380 = arith.constant 0 : i32
    %dma_wait3A_381 = arith.constant 0 : i32
    %dma_wait3A_382 = tpu.memref_slice %arg6[%dma_wait3A_379, %dma_wait3A_380, %dma_wait3A_381] : memref<2x128x128xf32, #tpu.memory_space<vmem>> -> memref<1x128x128xf32, #tpu.memory_space<vmem>>
    %dma_wait3A_383 = tpu.memref_squeeze %dma_wait3A_382 : memref<1x128x128xf32, #tpu.memory_space<vmem>> -> memref<128x128xf32, #tpu.memory_space<vmem>>
    %dma_wait3A_384 = arith.constant 0 : i32
    %dma_wait3A_385 = tpu.memref_slice %arg5[%dma_wait3A_378, %dma_wait3A_384] : memref<8x128xi32, #tpu.memory_space<vmem>> -> memref<1x128xi32, #tpu.memory_space<vmem>>
    %dma_wait3A_386 = tpu.memref_squeeze %dma_wait3A_385 : memref<1x128xi32, #tpu.memory_space<vmem>> -> memref<128xi32, #tpu.memory_space<vmem>>
    %dma_wait3A_387 = arith.constant 0 : i32
    %dma_wait3A_388 = arith.constant 0 : i32
    %dma_wait3A_389 = tpu.memref_slice %arg2[%dma_wait3A_387, %dma_wait3A_388] : memref<4096x128xf32, #tpu.memory_space<hbm>> -> memref<4096x128xf32, #tpu.memory_space<hbm>>
    tpu.wait_indirect_dma semaphore(%arg8 : memref<!tpu.dma_semaphore, #tpu.memory_space<semaphore_mem>>) src(%dma_wait3A_389 : memref<4096x128xf32, #tpu.memory_space<hbm>>) dst(%dma_wait3A_383 : memref<128x128xf32, #tpu.memory_space<vmem>>)
    %mul3A_390 = arith.constant 1024 : i32
    %mul3A_391 = arith.muli %add3A, %mul3A_390 : i32
    %add3A_392 = arith.constant 896 : i32
    %add3A_393 = arith.addi %mul3A_391, %add3A_392 : i32
    %dma_start3A_394 = arith.constant 1 : i32
    %dma_start3A_395 = arith.constant 0 : i32
    %dma_start3A_396 = arith.constant 0 : i32
    %dma_start3A_397 = tpu.memref_slice %arg6[%dma_start3A_394, %dma_start3A_395, %dma_start3A_396] : memref<2x128x128xf32, #tpu.memory_space<vmem>> -> memref<1x128x128xf32, #tpu.memory_space<vmem>>
    %dma_start3A_398 = tpu.memref_squeeze %dma_start3A_397 : memref<1x128x128xf32, #tpu.memory_space<vmem>> -> memref<128x128xf32, #tpu.memory_space<vmem>>
    %dma_start3A_399 = arith.constant 0 : i32
    %dma_start3A_400 = tpu.memref_slice %arg4[%add3A_393, %dma_start3A_399] : memref<32768x128xf32, #tpu.memory_space<hbm>> -> memref<128x128xf32, #tpu.memory_space<hbm>>
    %dma_start3A_401 = arith.constant 0 : i32
    %dma_start3A_402 = tpu.memref_slice %arg4[%add3A_393, %dma_start3A_401] : memref<32768x128xf32, #tpu.memory_space<hbm>> -> memref<128x128xf32, #tpu.memory_space<hbm>>
    %dma_start3A_403 = arith.constant 0 : i32
    %dma_start3A_404 = arith.constant 0 : i32
    %dma_start3A_405 = tpu.memref_slice %arg6[%dma_start3A_394, %dma_start3A_403, %dma_start3A_404] : memref<2x128x128xf32, #tpu.memory_space<vmem>> -> memref<1x128x128xf32, #tpu.memory_space<vmem>>
    %dma_start3A_406 = tpu.memref_squeeze %dma_start3A_405 : memref<1x128x128xf32, #tpu.memory_space<vmem>> -> memref<128x128xf32, #tpu.memory_space<vmem>>
    tpu.enqueue_dma source(%dma_start3A_406 : memref<128x128xf32, #tpu.memory_space<vmem>>) target(%dma_start3A_402 : memref<128x128xf32, #tpu.memory_space<hbm>>) target_semaphore(%arg10 : memref<!tpu.dma_semaphore, #tpu.memory_space<semaphore_mem>>)
    %dma_wait3A_407 = arith.constant 0 : i32
    %dma_wait3A_408 = arith.constant 0 : i32
    %dma_wait3A_409 = arith.constant 0 : i32
    %dma_wait3A_410 = tpu.memref_slice %arg6[%dma_wait3A_407, %dma_wait3A_408, %dma_wait3A_409] : memref<2x128x128xf32, #tpu.memory_space<vmem>> -> memref<1x128x128xf32, #tpu.memory_space<vmem>>
    %dma_wait3A_411 = tpu.memref_squeeze %dma_wait3A_410 : memref<1x128x128xf32, #tpu.memory_space<vmem>> -> memref<128x128xf32, #tpu.memory_space<vmem>>
    %dma_wait3A_412 = arith.constant 0 : i32
    %dma_wait3A_413 = tpu.memref_slice %arg4[%add3A_364, %dma_wait3A_412] : memref<32768x128xf32, #tpu.memory_space<hbm>> -> memref<128x128xf32, #tpu.memory_space<hbm>>
    %dma_wait3A_414 = arith.constant 0 : i32
    %dma_wait3A_415 = tpu.memref_slice %arg4[%add3A_364, %dma_wait3A_414] : memref<32768x128xf32, #tpu.memory_space<hbm>> -> memref<128x128xf32, #tpu.memory_space<hbm>>
    %dma_wait3A_416 = arith.constant 0 : i32
    %dma_wait3A_417 = arith.constant 0 : i32
    %dma_wait3A_418 = tpu.memref_slice %arg6[%dma_wait3A_407, %dma_wait3A_416, %dma_wait3A_417] : memref<2x128x128xf32, #tpu.memory_space<vmem>> -> memref<1x128x128xf32, #tpu.memory_space<vmem>>
    %dma_wait3A_419 = tpu.memref_squeeze %dma_wait3A_418 : memref<1x128x128xf32, #tpu.memory_space<vmem>> -> memref<128x128xf32, #tpu.memory_space<vmem>>
    tpu.wait_dma2 semaphore(%arg9 : memref<!tpu.dma_semaphore, #tpu.memory_space<semaphore_mem>>) src(%dma_wait3A_419 : memref<128x128xf32, #tpu.memory_space<vmem>>) dst(%dma_wait3A_415 : memref<128x128xf32, #tpu.memory_space<hbm>>)
    %dma_wait3A_420 = arith.constant 1 : i32
    %dma_wait3A_421 = arith.constant 0 : i32
    %dma_wait3A_422 = arith.constant 0 : i32
    %dma_wait3A_423 = tpu.memref_slice %arg6[%dma_wait3A_420, %dma_wait3A_421, %dma_wait3A_422] : memref<2x128x128xf32, #tpu.memory_space<vmem>> -> memref<1x128x128xf32, #tpu.memory_space<vmem>>
    %dma_wait3A_424 = tpu.memref_squeeze %dma_wait3A_423 : memref<1x128x128xf32, #tpu.memory_space<vmem>> -> memref<128x128xf32, #tpu.memory_space<vmem>>
    %dma_wait3A_425 = arith.constant 0 : i32
    %dma_wait3A_426 = tpu.memref_slice %arg4[%add3A_393, %dma_wait3A_425] : memref<32768x128xf32, #tpu.memory_space<hbm>> -> memref<128x128xf32, #tpu.memory_space<hbm>>
    %dma_wait3A_427 = arith.constant 0 : i32
    %dma_wait3A_428 = tpu.memref_slice %arg4[%add3A_393, %dma_wait3A_427] : memref<32768x128xf32, #tpu.memory_space<hbm>> -> memref<128x128xf32, #tpu.memory_space<hbm>>
    %dma_wait3A_429 = arith.constant 0 : i32
    %dma_wait3A_430 = arith.constant 0 : i32
    %dma_wait3A_431 = tpu.memref_slice %arg6[%dma_wait3A_420, %dma_wait3A_429, %dma_wait3A_430] : memref<2x128x128xf32, #tpu.memory_space<vmem>> -> memref<1x128x128xf32, #tpu.memory_space<vmem>>
    %dma_wait3A_432 = tpu.memref_squeeze %dma_wait3A_431 : memref<1x128x128xf32, #tpu.memory_space<vmem>> -> memref<128x128xf32, #tpu.memory_space<vmem>>
    tpu.wait_dma2 semaphore(%arg10 : memref<!tpu.dma_semaphore, #tpu.memory_space<semaphore_mem>>) src(%dma_wait3A_432 : memref<128x128xf32, #tpu.memory_space<vmem>>) dst(%dma_wait3A_428 : memref<128x128xf32, #tpu.memory_space<hbm>>)
    return
  }
}

#map = affine_map<(d0, d1) -> (0, 0)>
module attributes {stable_mosaic.version = 14 : i64} {
  func.func @gk(%arg0: i32, %arg1: i32, %arg2: memref<4096x128xf32, #tpu.memory_space<hbm>>, %arg3: memref<256x128xi32, #tpu.memory_space<hbm>>, %arg4: memref<32768x128xf32, #tpu.memory_space<hbm>>, %arg5: memref<8x128xi32, #tpu.memory_space<vmem>>, %arg6: memref<2x128x128xf32, #tpu.memory_space<vmem>>, %arg7: memref<!tpu.dma_semaphore, #tpu.memory_space<semaphore_mem>>, %arg8: memref<!tpu.dma_semaphore, #tpu.memory_space<semaphore_mem>>, %arg9: memref<!tpu.dma_semaphore, #tpu.memory_space<semaphore_mem>>, %arg10: memref<!tpu.dma_semaphore, #tpu.memory_space<semaphore_mem>>) attributes {dimension_semantics = [#tpu.dimension_semantics<core_parallel>, #tpu.dimension_semantics<subcore_parallel>], iteration_bounds = array<i64: 2, 16>, scalar_prefetch = 0 : i64, scratch_operands = 6 : i64, tpu.core_type = #tpu.core_type<sc_vector_subcore>, window_params = [{transform_indices = #map}, {transform_indices = #map}, {transform_indices = #map}]} {
    %mul3A = arith.constant 2 : i32
    %mul3A_0 = arith.muli %arg1, %mul3A : i32
    %add3A = arith.addi %mul3A_0, %arg0 : i32
    %mul3A_1 = arith.constant 8 : i32
    %mul3A_2 = arith.muli %add3A, %mul3A_1 : i32
    "tpu.region"() ({
      %run_scoped3A = tpu.sem_alloc : memref<!tpu.dma_semaphore, #tpu.memory_space<semaphore_mem>>
      %dma_start3A_433 = arith.constant 0 : i32
      %dma_start3A_434 = tpu.memref_slice %arg3[%mul3A_2, %dma_start3A_433] : memref<256x128xi32, #tpu.memory_space<hbm>> -> memref<8x128xi32, #tpu.memory_space<hbm>>
      %dma_start3A_435 = arith.constant 0 : i32
      %dma_start3A_436 = tpu.memref_slice %arg3[%mul3A_2, %dma_start3A_435] : memref<256x128xi32, #tpu.memory_space<hbm>> -> memref<8x128xi32, #tpu.memory_space<hbm>>
      tpu.enqueue_dma source(%dma_start3A_436 : memref<8x128xi32, #tpu.memory_space<hbm>>) target(%arg5 : memref<8x128xi32, #tpu.memory_space<vmem>>) target_semaphore(%run_scoped3A : memref<!tpu.dma_semaphore, #tpu.memory_space<semaphore_mem>>)
      %dma_wait3A_437 = arith.constant 0 : i32
      %dma_wait3A_438 = tpu.memref_slice %arg3[%mul3A_2, %dma_wait3A_437] : memref<256x128xi32, #tpu.memory_space<hbm>> -> memref<8x128xi32, #tpu.memory_space<hbm>>
      %dma_wait3A_439 = arith.constant 0 : i32
      %dma_wait3A_440 = tpu.memref_slice %arg3[%mul3A_2, %dma_wait3A_439] : memref<256x128xi32, #tpu.memory_space<hbm>> -> memref<8x128xi32, #tpu.memory_space<hbm>>
      tpu.wait_dma2 semaphore(%run_scoped3A : memref<!tpu.dma_semaphore, #tpu.memory_space<semaphore_mem>>) src(%dma_wait3A_440 : memref<8x128xi32, #tpu.memory_space<hbm>>) dst(%arg5 : memref<8x128xi32, #tpu.memory_space<vmem>>)
      tpu.yield
    }) : () -> ()
    %dma_start3A = arith.constant 0 : i32
    %dma_start3A_3 = arith.constant 0 : i32
    %dma_start3A_4 = arith.constant 0 : i32
    %dma_start3A_5 = arith.constant 0 : i32
    %dma_start3A_6 = tpu.memref_slice %arg6[%dma_start3A_3, %dma_start3A_4, %dma_start3A_5] : memref<2x128x128xf32, #tpu.memory_space<vmem>> -> memref<1x128x128xf32, #tpu.memory_space<vmem>>
    %dma_start3A_7 = tpu.memref_squeeze %dma_start3A_6 : memref<1x128x128xf32, #tpu.memory_space<vmem>> -> memref<128x128xf32, #tpu.memory_space<vmem>>
    %dma_start3A_8 = arith.constant 0 : i32
    %dma_start3A_9 = tpu.memref_slice %arg5[%dma_start3A, %dma_start3A_8] : memref<8x128xi32, #tpu.memory_space<vmem>> -> memref<1x128xi32, #tpu.memory_space<vmem>>
    %dma_start3A_10 = tpu.memref_squeeze %dma_start3A_9 : memref<1x128xi32, #tpu.memory_space<vmem>> -> memref<128xi32, #tpu.memory_space<vmem>>
    %dma_start3A_11 = arith.constant 0 : i32
    %dma_start3A_12 = arith.constant 0 : i32
    %dma_start3A_13 = tpu.memref_slice %arg2[%dma_start3A_11, %dma_start3A_12] : memref<4096x128xf32, #tpu.memory_space<hbm>> -> memref<4096x128xf32, #tpu.memory_space<hbm>>
    tpu.enqueue_indirect_dma source(%dma_start3A_13 : memref<4096x128xf32, #tpu.memory_space<hbm>>) target(%dma_start3A_7 : memref<128x128xf32, #tpu.memory_space<vmem>>) offsets(%dma_start3A_10 : memref<128xi32, #tpu.memory_space<vmem>>) semaphore(%arg7 : memref<!tpu.dma_semaphore, #tpu.memory_space<semaphore_mem>>)
    %dma_start3A_14 = arith.constant 1 : i32
    %dma_start3A_15 = arith.constant 1 : i32
    %dma_start3A_16 = arith.constant 0 : i32
    %dma_start3A_17 = arith.constant 0 : i32
    %dma_start3A_18 = tpu.memref_slice %arg6[%dma_start3A_15, %dma_start3A_16, %dma_start3A_17] : memref<2x128x128xf32, #tpu.memory_space<vmem>> -> memref<1x128x128xf32, #tpu.memory_space<vmem>>
    %dma_start3A_19 = tpu.memref_squeeze %dma_start3A_18 : memref<1x128x128xf32, #tpu.memory_space<vmem>> -> memref<128x128xf32, #tpu.memory_space<vmem>>
    %dma_start3A_20 = arith.constant 0 : i32
    %dma_start3A_21 = tpu.memref_slice %arg5[%dma_start3A_14, %dma_start3A_20] : memref<8x128xi32, #tpu.memory_space<vmem>> -> memref<1x128xi32, #tpu.memory_space<vmem>>
    %dma_start3A_22 = tpu.memref_squeeze %dma_start3A_21 : memref<1x128xi32, #tpu.memory_space<vmem>> -> memref<128xi32, #tpu.memory_space<vmem>>
    %dma_start3A_23 = arith.constant 0 : i32
    %dma_start3A_24 = arith.constant 0 : i32
    %dma_start3A_25 = tpu.memref_slice %arg2[%dma_start3A_23, %dma_start3A_24] : memref<4096x128xf32, #tpu.memory_space<hbm>> -> memref<4096x128xf32, #tpu.memory_space<hbm>>
    tpu.enqueue_indirect_dma source(%dma_start3A_25 : memref<4096x128xf32, #tpu.memory_space<hbm>>) target(%dma_start3A_19 : memref<128x128xf32, #tpu.memory_space<vmem>>) offsets(%dma_start3A_22 : memref<128xi32, #tpu.memory_space<vmem>>) semaphore(%arg8 : memref<!tpu.dma_semaphore, #tpu.memory_space<semaphore_mem>>)
    %dma_wait3A = arith.constant 0 : i32
    %dma_wait3A_26 = arith.constant 0 : i32
    %dma_wait3A_27 = arith.constant 0 : i32
    %dma_wait3A_28 = arith.constant 0 : i32
    %dma_wait3A_29 = tpu.memref_slice %arg6[%dma_wait3A_26, %dma_wait3A_27, %dma_wait3A_28] : memref<2x128x128xf32, #tpu.memory_space<vmem>> -> memref<1x128x128xf32, #tpu.memory_space<vmem>>
    %dma_wait3A_30 = tpu.memref_squeeze %dma_wait3A_29 : memref<1x128x128xf32, #tpu.memory_space<vmem>> -> memref<128x128xf32, #tpu.memory_space<vmem>>
    %dma_wait3A_31 = arith.constant 0 : i32
    %dma_wait3A_32 = tpu.memref_slice %arg5[%dma_wait3A, %dma_wait3A_31] : memref<8x128xi32, #tpu.memory_space<vmem>> -> memref<1x128xi32, #tpu.memory_space<vmem>>
    %dma_wait3A_33 = tpu.memref_squeeze %dma_wait3A_32 : memref<1x128xi32, #tpu.memory_space<vmem>> -> memref<128xi32, #tpu.memory_space<vmem>>
    %dma_wait3A_34 = arith.constant 0 : i32
    %dma_wait3A_35 = arith.constant 0 : i32
    %dma_wait3A_36 = tpu.memref_slice %arg2[%dma_wait3A_34, %dma_wait3A_35] : memref<4096x128xf32, #tpu.memory_space<hbm>> -> memref<4096x128xf32, #tpu.memory_space<hbm>>
    tpu.wait_indirect_dma semaphore(%arg7 : memref<!tpu.dma_semaphore, #tpu.memory_space<semaphore_mem>>) src(%dma_wait3A_36 : memref<4096x128xf32, #tpu.memory_space<hbm>>) dst(%dma_wait3A_30 : memref<128x128xf32, #tpu.memory_space<vmem>>)
    %mul3A_37 = arith.constant 1024 : i32
    %mul3A_38 = arith.muli %add3A, %mul3A_37 : i32
    %add3A_39 = arith.constant 0 : i32
    %add3A_40 = arith.addi %mul3A_38, %add3A_39 : i32
    %dma_start3A_41 = arith.constant 0 : i32
    %dma_start3A_42 = arith.constant 0 : i32
    %dma_start3A_43 = arith.constant 0 : i32
    %dma_start3A_44 = tpu.memref_slice %arg6[%dma_start3A_41, %dma_start3A_42, %dma_start3A_43] : memref<2x128x128xf32, #tpu.memory_space<vmem>> -> memref<1x128x128xf32, #tpu.memory_space<vmem>>
    %dma_start3A_45 = tpu.memref_squeeze %dma_start3A_44 : memref<1x128x128xf32, #tpu.memory_space<vmem>> -> memref<128x128xf32, #tpu.memory_space<vmem>>
    %dma_start3A_46 = arith.constant 0 : i32
    %dma_start3A_47 = tpu.memref_slice %arg4[%add3A_40, %dma_start3A_46] : memref<32768x128xf32, #tpu.memory_space<hbm>> -> memref<128x128xf32, #tpu.memory_space<hbm>>
    %dma_start3A_48 = arith.constant 0 : i32
    %dma_start3A_49 = tpu.memref_slice %arg4[%add3A_40, %dma_start3A_48] : memref<32768x128xf32, #tpu.memory_space<hbm>> -> memref<128x128xf32, #tpu.memory_space<hbm>>
    %dma_start3A_50 = arith.constant 0 : i32
    %dma_start3A_51 = arith.constant 0 : i32
    %dma_start3A_52 = tpu.memref_slice %arg6[%dma_start3A_41, %dma_start3A_50, %dma_start3A_51] : memref<2x128x128xf32, #tpu.memory_space<vmem>> -> memref<1x128x128xf32, #tpu.memory_space<vmem>>
    %dma_start3A_53 = tpu.memref_squeeze %dma_start3A_52 : memref<1x128x128xf32, #tpu.memory_space<vmem>> -> memref<128x128xf32, #tpu.memory_space<vmem>>
    tpu.enqueue_dma source(%dma_start3A_53 : memref<128x128xf32, #tpu.memory_space<vmem>>) target(%dma_start3A_49 : memref<128x128xf32, #tpu.memory_space<hbm>>) target_semaphore(%arg9 : memref<!tpu.dma_semaphore, #tpu.memory_space<semaphore_mem>>)
    %dma_wait3A_54 = arith.constant 0 : i32
    %dma_wait3A_55 = arith.constant 0 : i32
    %dma_wait3A_56 = arith.constant 0 : i32
    %dma_wait3A_57 = tpu.memref_slice %arg6[%dma_wait3A_54, %dma_wait3A_55, %dma_wait3A_56] : memref<2x128x128xf32, #tpu.memory_space<vmem>> -> memref<1x128x128xf32, #tpu.memory_space<vmem>>
    %dma_wait3A_58 = tpu.memref_squeeze %dma_wait3A_57 : memref<1x128x128xf32, #tpu.memory_space<vmem>> -> memref<128x128xf32, #tpu.memory_space<vmem>>
    %dma_wait3A_59 = arith.constant 0 : i32
    %dma_wait3A_60 = tpu.memref_slice %arg4[%add3A_40, %dma_wait3A_59] : memref<32768x128xf32, #tpu.memory_space<hbm>> -> memref<128x128xf32, #tpu.memory_space<hbm>>
    %dma_wait3A_61 = arith.constant 0 : i32
    %dma_wait3A_62 = tpu.memref_slice %arg4[%add3A_40, %dma_wait3A_61] : memref<32768x128xf32, #tpu.memory_space<hbm>> -> memref<128x128xf32, #tpu.memory_space<hbm>>
    %dma_wait3A_63 = arith.constant 0 : i32
    %dma_wait3A_64 = arith.constant 0 : i32
    %dma_wait3A_65 = tpu.memref_slice %arg6[%dma_wait3A_54, %dma_wait3A_63, %dma_wait3A_64] : memref<2x128x128xf32, #tpu.memory_space<vmem>> -> memref<1x128x128xf32, #tpu.memory_space<vmem>>
    %dma_wait3A_66 = tpu.memref_squeeze %dma_wait3A_65 : memref<1x128x128xf32, #tpu.memory_space<vmem>> -> memref<128x128xf32, #tpu.memory_space<vmem>>
    tpu.wait_dma2 semaphore(%arg9 : memref<!tpu.dma_semaphore, #tpu.memory_space<semaphore_mem>>) src(%dma_wait3A_66 : memref<128x128xf32, #tpu.memory_space<vmem>>) dst(%dma_wait3A_62 : memref<128x128xf32, #tpu.memory_space<hbm>>)
    %dma_start3A_67 = arith.constant 2 : i32
    %dma_start3A_68 = arith.constant 0 : i32
    %dma_start3A_69 = arith.constant 0 : i32
    %dma_start3A_70 = arith.constant 0 : i32
    %dma_start3A_71 = tpu.memref_slice %arg6[%dma_start3A_68, %dma_start3A_69, %dma_start3A_70] : memref<2x128x128xf32, #tpu.memory_space<vmem>> -> memref<1x128x128xf32, #tpu.memory_space<vmem>>
    %dma_start3A_72 = tpu.memref_squeeze %dma_start3A_71 : memref<1x128x128xf32, #tpu.memory_space<vmem>> -> memref<128x128xf32, #tpu.memory_space<vmem>>
    %dma_start3A_73 = arith.constant 0 : i32
    %dma_start3A_74 = tpu.memref_slice %arg5[%dma_start3A_67, %dma_start3A_73] : memref<8x128xi32, #tpu.memory_space<vmem>> -> memref<1x128xi32, #tpu.memory_space<vmem>>
    %dma_start3A_75 = tpu.memref_squeeze %dma_start3A_74 : memref<1x128xi32, #tpu.memory_space<vmem>> -> memref<128xi32, #tpu.memory_space<vmem>>
    %dma_start3A_76 = arith.constant 0 : i32
    %dma_start3A_77 = arith.constant 0 : i32
    %dma_start3A_78 = tpu.memref_slice %arg2[%dma_start3A_76, %dma_start3A_77] : memref<4096x128xf32, #tpu.memory_space<hbm>> -> memref<4096x128xf32, #tpu.memory_space<hbm>>
    tpu.enqueue_indirect_dma source(%dma_start3A_78 : memref<4096x128xf32, #tpu.memory_space<hbm>>) target(%dma_start3A_72 : memref<128x128xf32, #tpu.memory_space<vmem>>) offsets(%dma_start3A_75 : memref<128xi32, #tpu.memory_space<vmem>>) semaphore(%arg7 : memref<!tpu.dma_semaphore, #tpu.memory_space<semaphore_mem>>)
    %dma_wait3A_79 = arith.constant 1 : i32
    %dma_wait3A_80 = arith.constant 1 : i32
    %dma_wait3A_81 = arith.constant 0 : i32
    %dma_wait3A_82 = arith.constant 0 : i32
    %dma_wait3A_83 = tpu.memref_slice %arg6[%dma_wait3A_80, %dma_wait3A_81, %dma_wait3A_82] : memref<2x128x128xf32, #tpu.memory_space<vmem>> -> memref<1x128x128xf32, #tpu.memory_space<vmem>>
    %dma_wait3A_84 = tpu.memref_squeeze %dma_wait3A_83 : memref<1x128x128xf32, #tpu.memory_space<vmem>> -> memref<128x128xf32, #tpu.memory_space<vmem>>
    %dma_wait3A_85 = arith.constant 0 : i32
    %dma_wait3A_86 = tpu.memref_slice %arg5[%dma_wait3A_79, %dma_wait3A_85] : memref<8x128xi32, #tpu.memory_space<vmem>> -> memref<1x128xi32, #tpu.memory_space<vmem>>
    %dma_wait3A_87 = tpu.memref_squeeze %dma_wait3A_86 : memref<1x128xi32, #tpu.memory_space<vmem>> -> memref<128xi32, #tpu.memory_space<vmem>>
    %dma_wait3A_88 = arith.constant 0 : i32
    %dma_wait3A_89 = arith.constant 0 : i32
    %dma_wait3A_90 = tpu.memref_slice %arg2[%dma_wait3A_88, %dma_wait3A_89] : memref<4096x128xf32, #tpu.memory_space<hbm>> -> memref<4096x128xf32, #tpu.memory_space<hbm>>
    tpu.wait_indirect_dma semaphore(%arg8 : memref<!tpu.dma_semaphore, #tpu.memory_space<semaphore_mem>>) src(%dma_wait3A_90 : memref<4096x128xf32, #tpu.memory_space<hbm>>) dst(%dma_wait3A_84 : memref<128x128xf32, #tpu.memory_space<vmem>>)
    %mul3A_91 = arith.constant 1024 : i32
    %mul3A_92 = arith.muli %add3A, %mul3A_91 : i32
    %add3A_93 = arith.constant 128 : i32
    %add3A_94 = arith.addi %mul3A_92, %add3A_93 : i32
    %dma_start3A_95 = arith.constant 1 : i32
    %dma_start3A_96 = arith.constant 0 : i32
    %dma_start3A_97 = arith.constant 0 : i32
    %dma_start3A_98 = tpu.memref_slice %arg6[%dma_start3A_95, %dma_start3A_96, %dma_start3A_97] : memref<2x128x128xf32, #tpu.memory_space<vmem>> -> memref<1x128x128xf32, #tpu.memory_space<vmem>>
    %dma_start3A_99 = tpu.memref_squeeze %dma_start3A_98 : memref<1x128x128xf32, #tpu.memory_space<vmem>> -> memref<128x128xf32, #tpu.memory_space<vmem>>
    %dma_start3A_100 = arith.constant 0 : i32
    %dma_start3A_101 = tpu.memref_slice %arg4[%add3A_94, %dma_start3A_100] : memref<32768x128xf32, #tpu.memory_space<hbm>> -> memref<128x128xf32, #tpu.memory_space<hbm>>
    %dma_start3A_102 = arith.constant 0 : i32
    %dma_start3A_103 = tpu.memref_slice %arg4[%add3A_94, %dma_start3A_102] : memref<32768x128xf32, #tpu.memory_space<hbm>> -> memref<128x128xf32, #tpu.memory_space<hbm>>
    %dma_start3A_104 = arith.constant 0 : i32
    %dma_start3A_105 = arith.constant 0 : i32
    %dma_start3A_106 = tpu.memref_slice %arg6[%dma_start3A_95, %dma_start3A_104, %dma_start3A_105] : memref<2x128x128xf32, #tpu.memory_space<vmem>> -> memref<1x128x128xf32, #tpu.memory_space<vmem>>
    %dma_start3A_107 = tpu.memref_squeeze %dma_start3A_106 : memref<1x128x128xf32, #tpu.memory_space<vmem>> -> memref<128x128xf32, #tpu.memory_space<vmem>>
    tpu.enqueue_dma source(%dma_start3A_107 : memref<128x128xf32, #tpu.memory_space<vmem>>) target(%dma_start3A_103 : memref<128x128xf32, #tpu.memory_space<hbm>>) target_semaphore(%arg10 : memref<!tpu.dma_semaphore, #tpu.memory_space<semaphore_mem>>)
    %dma_wait3A_108 = arith.constant 1 : i32
    %dma_wait3A_109 = arith.constant 0 : i32
    %dma_wait3A_110 = arith.constant 0 : i32
    %dma_wait3A_111 = tpu.memref_slice %arg6[%dma_wait3A_108, %dma_wait3A_109, %dma_wait3A_110] : memref<2x128x128xf32, #tpu.memory_space<vmem>> -> memref<1x128x128xf32, #tpu.memory_space<vmem>>
    %dma_wait3A_112 = tpu.memref_squeeze %dma_wait3A_111 : memref<1x128x128xf32, #tpu.memory_space<vmem>> -> memref<128x128xf32, #tpu.memory_space<vmem>>
    %dma_wait3A_113 = arith.constant 0 : i32
    %dma_wait3A_114 = tpu.memref_slice %arg4[%add3A_94, %dma_wait3A_113] : memref<32768x128xf32, #tpu.memory_space<hbm>> -> memref<128x128xf32, #tpu.memory_space<hbm>>
    %dma_wait3A_115 = arith.constant 0 : i32
    %dma_wait3A_116 = tpu.memref_slice %arg4[%add3A_94, %dma_wait3A_115] : memref<32768x128xf32, #tpu.memory_space<hbm>> -> memref<128x128xf32, #tpu.memory_space<hbm>>
    %dma_wait3A_117 = arith.constant 0 : i32
    %dma_wait3A_118 = arith.constant 0 : i32
    %dma_wait3A_119 = tpu.memref_slice %arg6[%dma_wait3A_108, %dma_wait3A_117, %dma_wait3A_118] : memref<2x128x128xf32, #tpu.memory_space<vmem>> -> memref<1x128x128xf32, #tpu.memory_space<vmem>>
    %dma_wait3A_120 = tpu.memref_squeeze %dma_wait3A_119 : memref<1x128x128xf32, #tpu.memory_space<vmem>> -> memref<128x128xf32, #tpu.memory_space<vmem>>
    tpu.wait_dma2 semaphore(%arg10 : memref<!tpu.dma_semaphore, #tpu.memory_space<semaphore_mem>>) src(%dma_wait3A_120 : memref<128x128xf32, #tpu.memory_space<vmem>>) dst(%dma_wait3A_116 : memref<128x128xf32, #tpu.memory_space<hbm>>)
    %dma_start3A_121 = arith.constant 3 : i32
    %dma_start3A_122 = arith.constant 1 : i32
    %dma_start3A_123 = arith.constant 0 : i32
    %dma_start3A_124 = arith.constant 0 : i32
    %dma_start3A_125 = tpu.memref_slice %arg6[%dma_start3A_122, %dma_start3A_123, %dma_start3A_124] : memref<2x128x128xf32, #tpu.memory_space<vmem>> -> memref<1x128x128xf32, #tpu.memory_space<vmem>>
    %dma_start3A_126 = tpu.memref_squeeze %dma_start3A_125 : memref<1x128x128xf32, #tpu.memory_space<vmem>> -> memref<128x128xf32, #tpu.memory_space<vmem>>
    %dma_start3A_127 = arith.constant 0 : i32
    %dma_start3A_128 = tpu.memref_slice %arg5[%dma_start3A_121, %dma_start3A_127] : memref<8x128xi32, #tpu.memory_space<vmem>> -> memref<1x128xi32, #tpu.memory_space<vmem>>
    %dma_start3A_129 = tpu.memref_squeeze %dma_start3A_128 : memref<1x128xi32, #tpu.memory_space<vmem>> -> memref<128xi32, #tpu.memory_space<vmem>>
    %dma_start3A_130 = arith.constant 0 : i32
    %dma_start3A_131 = arith.constant 0 : i32
    %dma_start3A_132 = tpu.memref_slice %arg2[%dma_start3A_130, %dma_start3A_131] : memref<4096x128xf32, #tpu.memory_space<hbm>> -> memref<4096x128xf32, #tpu.memory_space<hbm>>
    tpu.enqueue_indirect_dma source(%dma_start3A_132 : memref<4096x128xf32, #tpu.memory_space<hbm>>) target(%dma_start3A_126 : memref<128x128xf32, #tpu.memory_space<vmem>>) offsets(%dma_start3A_129 : memref<128xi32, #tpu.memory_space<vmem>>) semaphore(%arg8 : memref<!tpu.dma_semaphore, #tpu.memory_space<semaphore_mem>>)
    %dma_wait3A_133 = arith.constant 2 : i32
    %dma_wait3A_134 = arith.constant 0 : i32
    %dma_wait3A_135 = arith.constant 0 : i32
    %dma_wait3A_136 = arith.constant 0 : i32
    %dma_wait3A_137 = tpu.memref_slice %arg6[%dma_wait3A_134, %dma_wait3A_135, %dma_wait3A_136] : memref<2x128x128xf32, #tpu.memory_space<vmem>> -> memref<1x128x128xf32, #tpu.memory_space<vmem>>
    %dma_wait3A_138 = tpu.memref_squeeze %dma_wait3A_137 : memref<1x128x128xf32, #tpu.memory_space<vmem>> -> memref<128x128xf32, #tpu.memory_space<vmem>>
    %dma_wait3A_139 = arith.constant 0 : i32
    %dma_wait3A_140 = tpu.memref_slice %arg5[%dma_wait3A_133, %dma_wait3A_139] : memref<8x128xi32, #tpu.memory_space<vmem>> -> memref<1x128xi32, #tpu.memory_space<vmem>>
    %dma_wait3A_141 = tpu.memref_squeeze %dma_wait3A_140 : memref<1x128xi32, #tpu.memory_space<vmem>> -> memref<128xi32, #tpu.memory_space<vmem>>
    %dma_wait3A_142 = arith.constant 0 : i32
    %dma_wait3A_143 = arith.constant 0 : i32
    %dma_wait3A_144 = tpu.memref_slice %arg2[%dma_wait3A_142, %dma_wait3A_143] : memref<4096x128xf32, #tpu.memory_space<hbm>> -> memref<4096x128xf32, #tpu.memory_space<hbm>>
    tpu.wait_indirect_dma semaphore(%arg7 : memref<!tpu.dma_semaphore, #tpu.memory_space<semaphore_mem>>) src(%dma_wait3A_144 : memref<4096x128xf32, #tpu.memory_space<hbm>>) dst(%dma_wait3A_138 : memref<128x128xf32, #tpu.memory_space<vmem>>)
    %mul3A_145 = arith.constant 1024 : i32
    %mul3A_146 = arith.muli %add3A, %mul3A_145 : i32
    %add3A_147 = arith.constant 256 : i32
    %add3A_148 = arith.addi %mul3A_146, %add3A_147 : i32
    %dma_start3A_149 = arith.constant 0 : i32
    %dma_start3A_150 = arith.constant 0 : i32
    %dma_start3A_151 = arith.constant 0 : i32
    %dma_start3A_152 = tpu.memref_slice %arg6[%dma_start3A_149, %dma_start3A_150, %dma_start3A_151] : memref<2x128x128xf32, #tpu.memory_space<vmem>> -> memref<1x128x128xf32, #tpu.memory_space<vmem>>
    %dma_start3A_153 = tpu.memref_squeeze %dma_start3A_152 : memref<1x128x128xf32, #tpu.memory_space<vmem>> -> memref<128x128xf32, #tpu.memory_space<vmem>>
    %dma_start3A_154 = arith.constant 0 : i32
    %dma_start3A_155 = tpu.memref_slice %arg4[%add3A_148, %dma_start3A_154] : memref<32768x128xf32, #tpu.memory_space<hbm>> -> memref<128x128xf32, #tpu.memory_space<hbm>>
    %dma_start3A_156 = arith.constant 0 : i32
    %dma_start3A_157 = tpu.memref_slice %arg4[%add3A_148, %dma_start3A_156] : memref<32768x128xf32, #tpu.memory_space<hbm>> -> memref<128x128xf32, #tpu.memory_space<hbm>>
    %dma_start3A_158 = arith.constant 0 : i32
    %dma_start3A_159 = arith.constant 0 : i32
    %dma_start3A_160 = tpu.memref_slice %arg6[%dma_start3A_149, %dma_start3A_158, %dma_start3A_159] : memref<2x128x128xf32, #tpu.memory_space<vmem>> -> memref<1x128x128xf32, #tpu.memory_space<vmem>>
    %dma_start3A_161 = tpu.memref_squeeze %dma_start3A_160 : memref<1x128x128xf32, #tpu.memory_space<vmem>> -> memref<128x128xf32, #tpu.memory_space<vmem>>
    tpu.enqueue_dma source(%dma_start3A_161 : memref<128x128xf32, #tpu.memory_space<vmem>>) target(%dma_start3A_157 : memref<128x128xf32, #tpu.memory_space<hbm>>) target_semaphore(%arg9 : memref<!tpu.dma_semaphore, #tpu.memory_space<semaphore_mem>>)
    %dma_wait3A_162 = arith.constant 0 : i32
    %dma_wait3A_163 = arith.constant 0 : i32
    %dma_wait3A_164 = arith.constant 0 : i32
    %dma_wait3A_165 = tpu.memref_slice %arg6[%dma_wait3A_162, %dma_wait3A_163, %dma_wait3A_164] : memref<2x128x128xf32, #tpu.memory_space<vmem>> -> memref<1x128x128xf32, #tpu.memory_space<vmem>>
    %dma_wait3A_166 = tpu.memref_squeeze %dma_wait3A_165 : memref<1x128x128xf32, #tpu.memory_space<vmem>> -> memref<128x128xf32, #tpu.memory_space<vmem>>
    %dma_wait3A_167 = arith.constant 0 : i32
    %dma_wait3A_168 = tpu.memref_slice %arg4[%add3A_148, %dma_wait3A_167] : memref<32768x128xf32, #tpu.memory_space<hbm>> -> memref<128x128xf32, #tpu.memory_space<hbm>>
    %dma_wait3A_169 = arith.constant 0 : i32
    %dma_wait3A_170 = tpu.memref_slice %arg4[%add3A_148, %dma_wait3A_169] : memref<32768x128xf32, #tpu.memory_space<hbm>> -> memref<128x128xf32, #tpu.memory_space<hbm>>
    %dma_wait3A_171 = arith.constant 0 : i32
    %dma_wait3A_172 = arith.constant 0 : i32
    %dma_wait3A_173 = tpu.memref_slice %arg6[%dma_wait3A_162, %dma_wait3A_171, %dma_wait3A_172] : memref<2x128x128xf32, #tpu.memory_space<vmem>> -> memref<1x128x128xf32, #tpu.memory_space<vmem>>
    %dma_wait3A_174 = tpu.memref_squeeze %dma_wait3A_173 : memref<1x128x128xf32, #tpu.memory_space<vmem>> -> memref<128x128xf32, #tpu.memory_space<vmem>>
    tpu.wait_dma2 semaphore(%arg9 : memref<!tpu.dma_semaphore, #tpu.memory_space<semaphore_mem>>) src(%dma_wait3A_174 : memref<128x128xf32, #tpu.memory_space<vmem>>) dst(%dma_wait3A_170 : memref<128x128xf32, #tpu.memory_space<hbm>>)
    %dma_start3A_175 = arith.constant 4 : i32
    %dma_start3A_176 = arith.constant 0 : i32
    %dma_start3A_177 = arith.constant 0 : i32
    %dma_start3A_178 = arith.constant 0 : i32
    %dma_start3A_179 = tpu.memref_slice %arg6[%dma_start3A_176, %dma_start3A_177, %dma_start3A_178] : memref<2x128x128xf32, #tpu.memory_space<vmem>> -> memref<1x128x128xf32, #tpu.memory_space<vmem>>
    %dma_start3A_180 = tpu.memref_squeeze %dma_start3A_179 : memref<1x128x128xf32, #tpu.memory_space<vmem>> -> memref<128x128xf32, #tpu.memory_space<vmem>>
    %dma_start3A_181 = arith.constant 0 : i32
    %dma_start3A_182 = tpu.memref_slice %arg5[%dma_start3A_175, %dma_start3A_181] : memref<8x128xi32, #tpu.memory_space<vmem>> -> memref<1x128xi32, #tpu.memory_space<vmem>>
    %dma_start3A_183 = tpu.memref_squeeze %dma_start3A_182 : memref<1x128xi32, #tpu.memory_space<vmem>> -> memref<128xi32, #tpu.memory_space<vmem>>
    %dma_start3A_184 = arith.constant 0 : i32
    %dma_start3A_185 = arith.constant 0 : i32
    %dma_start3A_186 = tpu.memref_slice %arg2[%dma_start3A_184, %dma_start3A_185] : memref<4096x128xf32, #tpu.memory_space<hbm>> -> memref<4096x128xf32, #tpu.memory_space<hbm>>
    tpu.enqueue_indirect_dma source(%dma_start3A_186 : memref<4096x128xf32, #tpu.memory_space<hbm>>) target(%dma_start3A_180 : memref<128x128xf32, #tpu.memory_space<vmem>>) offsets(%dma_start3A_183 : memref<128xi32, #tpu.memory_space<vmem>>) semaphore(%arg7 : memref<!tpu.dma_semaphore, #tpu.memory_space<semaphore_mem>>)
    %dma_wait3A_187 = arith.constant 3 : i32
    %dma_wait3A_188 = arith.constant 1 : i32
    %dma_wait3A_189 = arith.constant 0 : i32
    %dma_wait3A_190 = arith.constant 0 : i32
    %dma_wait3A_191 = tpu.memref_slice %arg6[%dma_wait3A_188, %dma_wait3A_189, %dma_wait3A_190] : memref<2x128x128xf32, #tpu.memory_space<vmem>> -> memref<1x128x128xf32, #tpu.memory_space<vmem>>
    %dma_wait3A_192 = tpu.memref_squeeze %dma_wait3A_191 : memref<1x128x128xf32, #tpu.memory_space<vmem>> -> memref<128x128xf32, #tpu.memory_space<vmem>>
    %dma_wait3A_193 = arith.constant 0 : i32
    %dma_wait3A_194 = tpu.memref_slice %arg5[%dma_wait3A_187, %dma_wait3A_193] : memref<8x128xi32, #tpu.memory_space<vmem>> -> memref<1x128xi32, #tpu.memory_space<vmem>>
    %dma_wait3A_195 = tpu.memref_squeeze %dma_wait3A_194 : memref<1x128xi32, #tpu.memory_space<vmem>> -> memref<128xi32, #tpu.memory_space<vmem>>
    %dma_wait3A_196 = arith.constant 0 : i32
    %dma_wait3A_197 = arith.constant 0 : i32
    %dma_wait3A_198 = tpu.memref_slice %arg2[%dma_wait3A_196, %dma_wait3A_197] : memref<4096x128xf32, #tpu.memory_space<hbm>> -> memref<4096x128xf32, #tpu.memory_space<hbm>>
    tpu.wait_indirect_dma semaphore(%arg8 : memref<!tpu.dma_semaphore, #tpu.memory_space<semaphore_mem>>) src(%dma_wait3A_198 : memref<4096x128xf32, #tpu.memory_space<hbm>>) dst(%dma_wait3A_192 : memref<128x128xf32, #tpu.memory_space<vmem>>)
    %mul3A_199 = arith.constant 1024 : i32
    %mul3A_200 = arith.muli %add3A, %mul3A_199 : i32
    %add3A_201 = arith.constant 384 : i32
    %add3A_202 = arith.addi %mul3A_200, %add3A_201 : i32
    %dma_start3A_203 = arith.constant 1 : i32
    %dma_start3A_204 = arith.constant 0 : i32
    %dma_start3A_205 = arith.constant 0 : i32
    %dma_start3A_206 = tpu.memref_slice %arg6[%dma_start3A_203, %dma_start3A_204, %dma_start3A_205] : memref<2x128x128xf32, #tpu.memory_space<vmem>> -> memref<1x128x128xf32, #tpu.memory_space<vmem>>
    %dma_start3A_207 = tpu.memref_squeeze %dma_start3A_206 : memref<1x128x128xf32, #tpu.memory_space<vmem>> -> memref<128x128xf32, #tpu.memory_space<vmem>>
    %dma_start3A_208 = arith.constant 0 : i32
    %dma_start3A_209 = tpu.memref_slice %arg4[%add3A_202, %dma_start3A_208] : memref<32768x128xf32, #tpu.memory_space<hbm>> -> memref<128x128xf32, #tpu.memory_space<hbm>>
    %dma_start3A_210 = arith.constant 0 : i32
    %dma_start3A_211 = tpu.memref_slice %arg4[%add3A_202, %dma_start3A_210] : memref<32768x128xf32, #tpu.memory_space<hbm>> -> memref<128x128xf32, #tpu.memory_space<hbm>>
    %dma_start3A_212 = arith.constant 0 : i32
    %dma_start3A_213 = arith.constant 0 : i32
    %dma_start3A_214 = tpu.memref_slice %arg6[%dma_start3A_203, %dma_start3A_212, %dma_start3A_213] : memref<2x128x128xf32, #tpu.memory_space<vmem>> -> memref<1x128x128xf32, #tpu.memory_space<vmem>>
    %dma_start3A_215 = tpu.memref_squeeze %dma_start3A_214 : memref<1x128x128xf32, #tpu.memory_space<vmem>> -> memref<128x128xf32, #tpu.memory_space<vmem>>
    tpu.enqueue_dma source(%dma_start3A_215 : memref<128x128xf32, #tpu.memory_space<vmem>>) target(%dma_start3A_211 : memref<128x128xf32, #tpu.memory_space<hbm>>) target_semaphore(%arg10 : memref<!tpu.dma_semaphore, #tpu.memory_space<semaphore_mem>>)
    %dma_wait3A_216 = arith.constant 1 : i32
    %dma_wait3A_217 = arith.constant 0 : i32
    %dma_wait3A_218 = arith.constant 0 : i32
    %dma_wait3A_219 = tpu.memref_slice %arg6[%dma_wait3A_216, %dma_wait3A_217, %dma_wait3A_218] : memref<2x128x128xf32, #tpu.memory_space<vmem>> -> memref<1x128x128xf32, #tpu.memory_space<vmem>>
    %dma_wait3A_220 = tpu.memref_squeeze %dma_wait3A_219 : memref<1x128x128xf32, #tpu.memory_space<vmem>> -> memref<128x128xf32, #tpu.memory_space<vmem>>
    %dma_wait3A_221 = arith.constant 0 : i32
    %dma_wait3A_222 = tpu.memref_slice %arg4[%add3A_202, %dma_wait3A_221] : memref<32768x128xf32, #tpu.memory_space<hbm>> -> memref<128x128xf32, #tpu.memory_space<hbm>>
    %dma_wait3A_223 = arith.constant 0 : i32
    %dma_wait3A_224 = tpu.memref_slice %arg4[%add3A_202, %dma_wait3A_223] : memref<32768x128xf32, #tpu.memory_space<hbm>> -> memref<128x128xf32, #tpu.memory_space<hbm>>
    %dma_wait3A_225 = arith.constant 0 : i32
    %dma_wait3A_226 = arith.constant 0 : i32
    %dma_wait3A_227 = tpu.memref_slice %arg6[%dma_wait3A_216, %dma_wait3A_225, %dma_wait3A_226] : memref<2x128x128xf32, #tpu.memory_space<vmem>> -> memref<1x128x128xf32, #tpu.memory_space<vmem>>
    %dma_wait3A_228 = tpu.memref_squeeze %dma_wait3A_227 : memref<1x128x128xf32, #tpu.memory_space<vmem>> -> memref<128x128xf32, #tpu.memory_space<vmem>>
    tpu.wait_dma2 semaphore(%arg10 : memref<!tpu.dma_semaphore, #tpu.memory_space<semaphore_mem>>) src(%dma_wait3A_228 : memref<128x128xf32, #tpu.memory_space<vmem>>) dst(%dma_wait3A_224 : memref<128x128xf32, #tpu.memory_space<hbm>>)
    %dma_start3A_229 = arith.constant 5 : i32
    %dma_start3A_230 = arith.constant 1 : i32
    %dma_start3A_231 = arith.constant 0 : i32
    %dma_start3A_232 = arith.constant 0 : i32
    %dma_start3A_233 = tpu.memref_slice %arg6[%dma_start3A_230, %dma_start3A_231, %dma_start3A_232] : memref<2x128x128xf32, #tpu.memory_space<vmem>> -> memref<1x128x128xf32, #tpu.memory_space<vmem>>
    %dma_start3A_234 = tpu.memref_squeeze %dma_start3A_233 : memref<1x128x128xf32, #tpu.memory_space<vmem>> -> memref<128x128xf32, #tpu.memory_space<vmem>>
    %dma_start3A_235 = arith.constant 0 : i32
    %dma_start3A_236 = tpu.memref_slice %arg5[%dma_start3A_229, %dma_start3A_235] : memref<8x128xi32, #tpu.memory_space<vmem>> -> memref<1x128xi32, #tpu.memory_space<vmem>>
    %dma_start3A_237 = tpu.memref_squeeze %dma_start3A_236 : memref<1x128xi32, #tpu.memory_space<vmem>> -> memref<128xi32, #tpu.memory_space<vmem>>
    %dma_start3A_238 = arith.constant 0 : i32
    %dma_start3A_239 = arith.constant 0 : i32
    %dma_start3A_240 = tpu.memref_slice %arg2[%dma_start3A_238, %dma_start3A_239] : memref<4096x128xf32, #tpu.memory_space<hbm>> -> memref<4096x128xf32, #tpu.memory_space<hbm>>
    tpu.enqueue_indirect_dma source(%dma_start3A_240 : memref<4096x128xf32, #tpu.memory_space<hbm>>) target(%dma_start3A_234 : memref<128x128xf32, #tpu.memory_space<vmem>>) offsets(%dma_start3A_237 : memref<128xi32, #tpu.memory_space<vmem>>) semaphore(%arg8 : memref<!tpu.dma_semaphore, #tpu.memory_space<semaphore_mem>>)
    %dma_wait3A_241 = arith.constant 4 : i32
    %dma_wait3A_242 = arith.constant 0 : i32
    %dma_wait3A_243 = arith.constant 0 : i32
    %dma_wait3A_244 = arith.constant 0 : i32
    %dma_wait3A_245 = tpu.memref_slice %arg6[%dma_wait3A_242, %dma_wait3A_243, %dma_wait3A_244] : memref<2x128x128xf32, #tpu.memory_space<vmem>> -> memref<1x128x128xf32, #tpu.memory_space<vmem>>
    %dma_wait3A_246 = tpu.memref_squeeze %dma_wait3A_245 : memref<1x128x128xf32, #tpu.memory_space<vmem>> -> memref<128x128xf32, #tpu.memory_space<vmem>>
    %dma_wait3A_247 = arith.constant 0 : i32
    %dma_wait3A_248 = tpu.memref_slice %arg5[%dma_wait3A_241, %dma_wait3A_247] : memref<8x128xi32, #tpu.memory_space<vmem>> -> memref<1x128xi32, #tpu.memory_space<vmem>>
    %dma_wait3A_249 = tpu.memref_squeeze %dma_wait3A_248 : memref<1x128xi32, #tpu.memory_space<vmem>> -> memref<128xi32, #tpu.memory_space<vmem>>
    %dma_wait3A_250 = arith.constant 0 : i32
    %dma_wait3A_251 = arith.constant 0 : i32
    %dma_wait3A_252 = tpu.memref_slice %arg2[%dma_wait3A_250, %dma_wait3A_251] : memref<4096x128xf32, #tpu.memory_space<hbm>> -> memref<4096x128xf32, #tpu.memory_space<hbm>>
    tpu.wait_indirect_dma semaphore(%arg7 : memref<!tpu.dma_semaphore, #tpu.memory_space<semaphore_mem>>) src(%dma_wait3A_252 : memref<4096x128xf32, #tpu.memory_space<hbm>>) dst(%dma_wait3A_246 : memref<128x128xf32, #tpu.memory_space<vmem>>)
    %mul3A_253 = arith.constant 1024 : i32
    %mul3A_254 = arith.muli %add3A, %mul3A_253 : i32
    %add3A_255 = arith.constant 512 : i32
    %add3A_256 = arith.addi %mul3A_254, %add3A_255 : i32
    %dma_start3A_257 = arith.constant 0 : i32
    %dma_start3A_258 = arith.constant 0 : i32
    %dma_start3A_259 = arith.constant 0 : i32
    %dma_start3A_260 = tpu.memref_slice %arg6[%dma_start3A_257, %dma_start3A_258, %dma_start3A_259] : memref<2x128x128xf32, #tpu.memory_space<vmem>> -> memref<1x128x128xf32, #tpu.memory_space<vmem>>
    %dma_start3A_261 = tpu.memref_squeeze %dma_start3A_260 : memref<1x128x128xf32, #tpu.memory_space<vmem>> -> memref<128x128xf32, #tpu.memory_space<vmem>>
    %dma_start3A_262 = arith.constant 0 : i32
    %dma_start3A_263 = tpu.memref_slice %arg4[%add3A_256, %dma_start3A_262] : memref<32768x128xf32, #tpu.memory_space<hbm>> -> memref<128x128xf32, #tpu.memory_space<hbm>>
    %dma_start3A_264 = arith.constant 0 : i32
    %dma_start3A_265 = tpu.memref_slice %arg4[%add3A_256, %dma_start3A_264] : memref<32768x128xf32, #tpu.memory_space<hbm>> -> memref<128x128xf32, #tpu.memory_space<hbm>>
    %dma_start3A_266 = arith.constant 0 : i32
    %dma_start3A_267 = arith.constant 0 : i32
    %dma_start3A_268 = tpu.memref_slice %arg6[%dma_start3A_257, %dma_start3A_266, %dma_start3A_267] : memref<2x128x128xf32, #tpu.memory_space<vmem>> -> memref<1x128x128xf32, #tpu.memory_space<vmem>>
    %dma_start3A_269 = tpu.memref_squeeze %dma_start3A_268 : memref<1x128x128xf32, #tpu.memory_space<vmem>> -> memref<128x128xf32, #tpu.memory_space<vmem>>
    tpu.enqueue_dma source(%dma_start3A_269 : memref<128x128xf32, #tpu.memory_space<vmem>>) target(%dma_start3A_265 : memref<128x128xf32, #tpu.memory_space<hbm>>) target_semaphore(%arg9 : memref<!tpu.dma_semaphore, #tpu.memory_space<semaphore_mem>>)
    %dma_wait3A_270 = arith.constant 0 : i32
    %dma_wait3A_271 = arith.constant 0 : i32
    %dma_wait3A_272 = arith.constant 0 : i32
    %dma_wait3A_273 = tpu.memref_slice %arg6[%dma_wait3A_270, %dma_wait3A_271, %dma_wait3A_272] : memref<2x128x128xf32, #tpu.memory_space<vmem>> -> memref<1x128x128xf32, #tpu.memory_space<vmem>>
    %dma_wait3A_274 = tpu.memref_squeeze %dma_wait3A_273 : memref<1x128x128xf32, #tpu.memory_space<vmem>> -> memref<128x128xf32, #tpu.memory_space<vmem>>
    %dma_wait3A_275 = arith.constant 0 : i32
    %dma_wait3A_276 = tpu.memref_slice %arg4[%add3A_256, %dma_wait3A_275] : memref<32768x128xf32, #tpu.memory_space<hbm>> -> memref<128x128xf32, #tpu.memory_space<hbm>>
    %dma_wait3A_277 = arith.constant 0 : i32
    %dma_wait3A_278 = tpu.memref_slice %arg4[%add3A_256, %dma_wait3A_277] : memref<32768x128xf32, #tpu.memory_space<hbm>> -> memref<128x128xf32, #tpu.memory_space<hbm>>
    %dma_wait3A_279 = arith.constant 0 : i32
    %dma_wait3A_280 = arith.constant 0 : i32
    %dma_wait3A_281 = tpu.memref_slice %arg6[%dma_wait3A_270, %dma_wait3A_279, %dma_wait3A_280] : memref<2x128x128xf32, #tpu.memory_space<vmem>> -> memref<1x128x128xf32, #tpu.memory_space<vmem>>
    %dma_wait3A_282 = tpu.memref_squeeze %dma_wait3A_281 : memref<1x128x128xf32, #tpu.memory_space<vmem>> -> memref<128x128xf32, #tpu.memory_space<vmem>>
    tpu.wait_dma2 semaphore(%arg9 : memref<!tpu.dma_semaphore, #tpu.memory_space<semaphore_mem>>) src(%dma_wait3A_282 : memref<128x128xf32, #tpu.memory_space<vmem>>) dst(%dma_wait3A_278 : memref<128x128xf32, #tpu.memory_space<hbm>>)
    %dma_start3A_283 = arith.constant 6 : i32
    %dma_start3A_284 = arith.constant 0 : i32
    %dma_start3A_285 = arith.constant 0 : i32
    %dma_start3A_286 = arith.constant 0 : i32
    %dma_start3A_287 = tpu.memref_slice %arg6[%dma_start3A_284, %dma_start3A_285, %dma_start3A_286] : memref<2x128x128xf32, #tpu.memory_space<vmem>> -> memref<1x128x128xf32, #tpu.memory_space<vmem>>
    %dma_start3A_288 = tpu.memref_squeeze %dma_start3A_287 : memref<1x128x128xf32, #tpu.memory_space<vmem>> -> memref<128x128xf32, #tpu.memory_space<vmem>>
    %dma_start3A_289 = arith.constant 0 : i32
    %dma_start3A_290 = tpu.memref_slice %arg5[%dma_start3A_283, %dma_start3A_289] : memref<8x128xi32, #tpu.memory_space<vmem>> -> memref<1x128xi32, #tpu.memory_space<vmem>>
    %dma_start3A_291 = tpu.memref_squeeze %dma_start3A_290 : memref<1x128xi32, #tpu.memory_space<vmem>> -> memref<128xi32, #tpu.memory_space<vmem>>
    %dma_start3A_292 = arith.constant 0 : i32
    %dma_start3A_293 = arith.constant 0 : i32
    %dma_start3A_294 = tpu.memref_slice %arg2[%dma_start3A_292, %dma_start3A_293] : memref<4096x128xf32, #tpu.memory_space<hbm>> -> memref<4096x128xf32, #tpu.memory_space<hbm>>
    tpu.enqueue_indirect_dma source(%dma_start3A_294 : memref<4096x128xf32, #tpu.memory_space<hbm>>) target(%dma_start3A_288 : memref<128x128xf32, #tpu.memory_space<vmem>>) offsets(%dma_start3A_291 : memref<128xi32, #tpu.memory_space<vmem>>) semaphore(%arg7 : memref<!tpu.dma_semaphore, #tpu.memory_space<semaphore_mem>>)
    %dma_wait3A_295 = arith.constant 5 : i32
    %dma_wait3A_296 = arith.constant 1 : i32
    %dma_wait3A_297 = arith.constant 0 : i32
    %dma_wait3A_298 = arith.constant 0 : i32
    %dma_wait3A_299 = tpu.memref_slice %arg6[%dma_wait3A_296, %dma_wait3A_297, %dma_wait3A_298] : memref<2x128x128xf32, #tpu.memory_space<vmem>> -> memref<1x128x128xf32, #tpu.memory_space<vmem>>
    %dma_wait3A_300 = tpu.memref_squeeze %dma_wait3A_299 : memref<1x128x128xf32, #tpu.memory_space<vmem>> -> memref<128x128xf32, #tpu.memory_space<vmem>>
    %dma_wait3A_301 = arith.constant 0 : i32
    %dma_wait3A_302 = tpu.memref_slice %arg5[%dma_wait3A_295, %dma_wait3A_301] : memref<8x128xi32, #tpu.memory_space<vmem>> -> memref<1x128xi32, #tpu.memory_space<vmem>>
    %dma_wait3A_303 = tpu.memref_squeeze %dma_wait3A_302 : memref<1x128xi32, #tpu.memory_space<vmem>> -> memref<128xi32, #tpu.memory_space<vmem>>
    %dma_wait3A_304 = arith.constant 0 : i32
    %dma_wait3A_305 = arith.constant 0 : i32
    %dma_wait3A_306 = tpu.memref_slice %arg2[%dma_wait3A_304, %dma_wait3A_305] : memref<4096x128xf32, #tpu.memory_space<hbm>> -> memref<4096x128xf32, #tpu.memory_space<hbm>>
    tpu.wait_indirect_dma semaphore(%arg8 : memref<!tpu.dma_semaphore, #tpu.memory_space<semaphore_mem>>) src(%dma_wait3A_306 : memref<4096x128xf32, #tpu.memory_space<hbm>>) dst(%dma_wait3A_300 : memref<128x128xf32, #tpu.memory_space<vmem>>)
    %mul3A_307 = arith.constant 1024 : i32
    %mul3A_308 = arith.muli %add3A, %mul3A_307 : i32
    %add3A_309 = arith.constant 640 : i32
    %add3A_310 = arith.addi %mul3A_308, %add3A_309 : i32
    %dma_start3A_311 = arith.constant 1 : i32
    %dma_start3A_312 = arith.constant 0 : i32
    %dma_start3A_313 = arith.constant 0 : i32
    %dma_start3A_314 = tpu.memref_slice %arg6[%dma_start3A_311, %dma_start3A_312, %dma_start3A_313] : memref<2x128x128xf32, #tpu.memory_space<vmem>> -> memref<1x128x128xf32, #tpu.memory_space<vmem>>
    %dma_start3A_315 = tpu.memref_squeeze %dma_start3A_314 : memref<1x128x128xf32, #tpu.memory_space<vmem>> -> memref<128x128xf32, #tpu.memory_space<vmem>>
    %dma_start3A_316 = arith.constant 0 : i32
    %dma_start3A_317 = tpu.memref_slice %arg4[%add3A_310, %dma_start3A_316] : memref<32768x128xf32, #tpu.memory_space<hbm>> -> memref<128x128xf32, #tpu.memory_space<hbm>>
    %dma_start3A_318 = arith.constant 0 : i32
    %dma_start3A_319 = tpu.memref_slice %arg4[%add3A_310, %dma_start3A_318] : memref<32768x128xf32, #tpu.memory_space<hbm>> -> memref<128x128xf32, #tpu.memory_space<hbm>>
    %dma_start3A_320 = arith.constant 0 : i32
    %dma_start3A_321 = arith.constant 0 : i32
    %dma_start3A_322 = tpu.memref_slice %arg6[%dma_start3A_311, %dma_start3A_320, %dma_start3A_321] : memref<2x128x128xf32, #tpu.memory_space<vmem>> -> memref<1x128x128xf32, #tpu.memory_space<vmem>>
    %dma_start3A_323 = tpu.memref_squeeze %dma_start3A_322 : memref<1x128x128xf32, #tpu.memory_space<vmem>> -> memref<128x128xf32, #tpu.memory_space<vmem>>
    tpu.enqueue_dma source(%dma_start3A_323 : memref<128x128xf32, #tpu.memory_space<vmem>>) target(%dma_start3A_319 : memref<128x128xf32, #tpu.memory_space<hbm>>) target_semaphore(%arg10 : memref<!tpu.dma_semaphore, #tpu.memory_space<semaphore_mem>>)
    %dma_wait3A_324 = arith.constant 1 : i32
    %dma_wait3A_325 = arith.constant 0 : i32
    %dma_wait3A_326 = arith.constant 0 : i32
    %dma_wait3A_327 = tpu.memref_slice %arg6[%dma_wait3A_324, %dma_wait3A_325, %dma_wait3A_326] : memref<2x128x128xf32, #tpu.memory_space<vmem>> -> memref<1x128x128xf32, #tpu.memory_space<vmem>>
    %dma_wait3A_328 = tpu.memref_squeeze %dma_wait3A_327 : memref<1x128x128xf32, #tpu.memory_space<vmem>> -> memref<128x128xf32, #tpu.memory_space<vmem>>
    %dma_wait3A_329 = arith.constant 0 : i32
    %dma_wait3A_330 = tpu.memref_slice %arg4[%add3A_310, %dma_wait3A_329] : memref<32768x128xf32, #tpu.memory_space<hbm>> -> memref<128x128xf32, #tpu.memory_space<hbm>>
    %dma_wait3A_331 = arith.constant 0 : i32
    %dma_wait3A_332 = tpu.memref_slice %arg4[%add3A_310, %dma_wait3A_331] : memref<32768x128xf32, #tpu.memory_space<hbm>> -> memref<128x128xf32, #tpu.memory_space<hbm>>
    %dma_wait3A_333 = arith.constant 0 : i32
    %dma_wait3A_334 = arith.constant 0 : i32
    %dma_wait3A_335 = tpu.memref_slice %arg6[%dma_wait3A_324, %dma_wait3A_333, %dma_wait3A_334] : memref<2x128x128xf32, #tpu.memory_space<vmem>> -> memref<1x128x128xf32, #tpu.memory_space<vmem>>
    %dma_wait3A_336 = tpu.memref_squeeze %dma_wait3A_335 : memref<1x128x128xf32, #tpu.memory_space<vmem>> -> memref<128x128xf32, #tpu.memory_space<vmem>>
    tpu.wait_dma2 semaphore(%arg10 : memref<!tpu.dma_semaphore, #tpu.memory_space<semaphore_mem>>) src(%dma_wait3A_336 : memref<128x128xf32, #tpu.memory_space<vmem>>) dst(%dma_wait3A_332 : memref<128x128xf32, #tpu.memory_space<hbm>>)
    %dma_start3A_337 = arith.constant 7 : i32
    %dma_start3A_338 = arith.constant 1 : i32
    %dma_start3A_339 = arith.constant 0 : i32
    %dma_start3A_340 = arith.constant 0 : i32
    %dma_start3A_341 = tpu.memref_slice %arg6[%dma_start3A_338, %dma_start3A_339, %dma_start3A_340] : memref<2x128x128xf32, #tpu.memory_space<vmem>> -> memref<1x128x128xf32, #tpu.memory_space<vmem>>
    %dma_start3A_342 = tpu.memref_squeeze %dma_start3A_341 : memref<1x128x128xf32, #tpu.memory_space<vmem>> -> memref<128x128xf32, #tpu.memory_space<vmem>>
    %dma_start3A_343 = arith.constant 0 : i32
    %dma_start3A_344 = tpu.memref_slice %arg5[%dma_start3A_337, %dma_start3A_343] : memref<8x128xi32, #tpu.memory_space<vmem>> -> memref<1x128xi32, #tpu.memory_space<vmem>>
    %dma_start3A_345 = tpu.memref_squeeze %dma_start3A_344 : memref<1x128xi32, #tpu.memory_space<vmem>> -> memref<128xi32, #tpu.memory_space<vmem>>
    %dma_start3A_346 = arith.constant 0 : i32
    %dma_start3A_347 = arith.constant 0 : i32
    %dma_start3A_348 = tpu.memref_slice %arg2[%dma_start3A_346, %dma_start3A_347] : memref<4096x128xf32, #tpu.memory_space<hbm>> -> memref<4096x128xf32, #tpu.memory_space<hbm>>
    tpu.enqueue_indirect_dma source(%dma_start3A_348 : memref<4096x128xf32, #tpu.memory_space<hbm>>) target(%dma_start3A_342 : memref<128x128xf32, #tpu.memory_space<vmem>>) offsets(%dma_start3A_345 : memref<128xi32, #tpu.memory_space<vmem>>) semaphore(%arg8 : memref<!tpu.dma_semaphore, #tpu.memory_space<semaphore_mem>>)
    %dma_wait3A_349 = arith.constant 6 : i32
    %dma_wait3A_350 = arith.constant 0 : i32
    %dma_wait3A_351 = arith.constant 0 : i32
    %dma_wait3A_352 = arith.constant 0 : i32
    %dma_wait3A_353 = tpu.memref_slice %arg6[%dma_wait3A_350, %dma_wait3A_351, %dma_wait3A_352] : memref<2x128x128xf32, #tpu.memory_space<vmem>> -> memref<1x128x128xf32, #tpu.memory_space<vmem>>
    %dma_wait3A_354 = tpu.memref_squeeze %dma_wait3A_353 : memref<1x128x128xf32, #tpu.memory_space<vmem>> -> memref<128x128xf32, #tpu.memory_space<vmem>>
    %dma_wait3A_355 = arith.constant 0 : i32
    %dma_wait3A_356 = tpu.memref_slice %arg5[%dma_wait3A_349, %dma_wait3A_355] : memref<8x128xi32, #tpu.memory_space<vmem>> -> memref<1x128xi32, #tpu.memory_space<vmem>>
    %dma_wait3A_357 = tpu.memref_squeeze %dma_wait3A_356 : memref<1x128xi32, #tpu.memory_space<vmem>> -> memref<128xi32, #tpu.memory_space<vmem>>
    %dma_wait3A_358 = arith.constant 0 : i32
    %dma_wait3A_359 = arith.constant 0 : i32
    %dma_wait3A_360 = tpu.memref_slice %arg2[%dma_wait3A_358, %dma_wait3A_359] : memref<4096x128xf32, #tpu.memory_space<hbm>> -> memref<4096x128xf32, #tpu.memory_space<hbm>>
    tpu.wait_indirect_dma semaphore(%arg7 : memref<!tpu.dma_semaphore, #tpu.memory_space<semaphore_mem>>) src(%dma_wait3A_360 : memref<4096x128xf32, #tpu.memory_space<hbm>>) dst(%dma_wait3A_354 : memref<128x128xf32, #tpu.memory_space<vmem>>)
    %mul3A_361 = arith.constant 1024 : i32
    %mul3A_362 = arith.muli %add3A, %mul3A_361 : i32
    %add3A_363 = arith.constant 768 : i32
    %add3A_364 = arith.addi %mul3A_362, %add3A_363 : i32
    %dma_start3A_365 = arith.constant 0 : i32
    %dma_start3A_366 = arith.constant 0 : i32
    %dma_start3A_367 = arith.constant 0 : i32
    %dma_start3A_368 = tpu.memref_slice %arg6[%dma_start3A_365, %dma_start3A_366, %dma_start3A_367] : memref<2x128x128xf32, #tpu.memory_space<vmem>> -> memref<1x128x128xf32, #tpu.memory_space<vmem>>
    %dma_start3A_369 = tpu.memref_squeeze %dma_start3A_368 : memref<1x128x128xf32, #tpu.memory_space<vmem>> -> memref<128x128xf32, #tpu.memory_space<vmem>>
    %dma_start3A_370 = arith.constant 0 : i32
    %dma_start3A_371 = tpu.memref_slice %arg4[%add3A_364, %dma_start3A_370] : memref<32768x128xf32, #tpu.memory_space<hbm>> -> memref<128x128xf32, #tpu.memory_space<hbm>>
    %dma_start3A_372 = arith.constant 0 : i32
    %dma_start3A_373 = tpu.memref_slice %arg4[%add3A_364, %dma_start3A_372] : memref<32768x128xf32, #tpu.memory_space<hbm>> -> memref<128x128xf32, #tpu.memory_space<hbm>>
    %dma_start3A_374 = arith.constant 0 : i32
    %dma_start3A_375 = arith.constant 0 : i32
    %dma_start3A_376 = tpu.memref_slice %arg6[%dma_start3A_365, %dma_start3A_374, %dma_start3A_375] : memref<2x128x128xf32, #tpu.memory_space<vmem>> -> memref<1x128x128xf32, #tpu.memory_space<vmem>>
    %dma_start3A_377 = tpu.memref_squeeze %dma_start3A_376 : memref<1x128x128xf32, #tpu.memory_space<vmem>> -> memref<128x128xf32, #tpu.memory_space<vmem>>
    tpu.enqueue_dma source(%dma_start3A_377 : memref<128x128xf32, #tpu.memory_space<vmem>>) target(%dma_start3A_373 : memref<128x128xf32, #tpu.memory_space<hbm>>) target_semaphore(%arg9 : memref<!tpu.dma_semaphore, #tpu.memory_space<semaphore_mem>>)
    %dma_wait3A_378 = arith.constant 7 : i32
    %dma_wait3A_379 = arith.constant 1 : i32
    %dma_wait3A_380 = arith.constant 0 : i32
    %dma_wait3A_381 = arith.constant 0 : i32
    %dma_wait3A_382 = tpu.memref_slice %arg6[%dma_wait3A_379, %dma_wait3A_380, %dma_wait3A_381] : memref<2x128x128xf32, #tpu.memory_space<vmem>> -> memref<1x128x128xf32, #tpu.memory_space<vmem>>
    %dma_wait3A_383 = tpu.memref_squeeze %dma_wait3A_382 : memref<1x128x128xf32, #tpu.memory_space<vmem>> -> memref<128x128xf32, #tpu.memory_space<vmem>>
    %dma_wait3A_384 = arith.constant 0 : i32
    %dma_wait3A_385 = tpu.memref_slice %arg5[%dma_wait3A_378, %dma_wait3A_384] : memref<8x128xi32, #tpu.memory_space<vmem>> -> memref<1x128xi32, #tpu.memory_space<vmem>>
    %dma_wait3A_386 = tpu.memref_squeeze %dma_wait3A_385 : memref<1x128xi32, #tpu.memory_space<vmem>> -> memref<128xi32, #tpu.memory_space<vmem>>
    %dma_wait3A_387 = arith.constant 0 : i32
    %dma_wait3A_388 = arith.constant 0 : i32
    %dma_wait3A_389 = tpu.memref_slice %arg2[%dma_wait3A_387, %dma_wait3A_388] : memref<4096x128xf32, #tpu.memory_space<hbm>> -> memref<4096x128xf32, #tpu.memory_space<hbm>>
    tpu.wait_indirect_dma semaphore(%arg8 : memref<!tpu.dma_semaphore, #tpu.memory_space<semaphore_mem>>) src(%dma_wait3A_389 : memref<4096x128xf32, #tpu.memory_space<hbm>>) dst(%dma_wait3A_383 : memref<128x128xf32, #tpu.memory_space<vmem>>)
    %mul3A_390 = arith.constant 1024 : i32
    %mul3A_391 = arith.muli %add3A, %mul3A_390 : i32
    %add3A_392 = arith.constant 896 : i32
    %add3A_393 = arith.addi %mul3A_391, %add3A_392 : i32
    %dma_start3A_394 = arith.constant 1 : i32
    %dma_start3A_395 = arith.constant 0 : i32
    %dma_start3A_396 = arith.constant 0 : i32
    %dma_start3A_397 = tpu.memref_slice %arg6[%dma_start3A_394, %dma_start3A_395, %dma_start3A_396] : memref<2x128x128xf32, #tpu.memory_space<vmem>> -> memref<1x128x128xf32, #tpu.memory_space<vmem>>
    %dma_start3A_398 = tpu.memref_squeeze %dma_start3A_397 : memref<1x128x128xf32, #tpu.memory_space<vmem>> -> memref<128x128xf32, #tpu.memory_space<vmem>>
    %dma_start3A_399 = arith.constant 0 : i32
    %dma_start3A_400 = tpu.memref_slice %arg4[%add3A_393, %dma_start3A_399] : memref<32768x128xf32, #tpu.memory_space<hbm>> -> memref<128x128xf32, #tpu.memory_space<hbm>>
    %dma_start3A_401 = arith.constant 0 : i32
    %dma_start3A_402 = tpu.memref_slice %arg4[%add3A_393, %dma_start3A_401] : memref<32768x128xf32, #tpu.memory_space<hbm>> -> memref<128x128xf32, #tpu.memory_space<hbm>>
    %dma_start3A_403 = arith.constant 0 : i32
    %dma_start3A_404 = arith.constant 0 : i32
    %dma_start3A_405 = tpu.memref_slice %arg6[%dma_start3A_394, %dma_start3A_403, %dma_start3A_404] : memref<2x128x128xf32, #tpu.memory_space<vmem>> -> memref<1x128x128xf32, #tpu.memory_space<vmem>>
    %dma_start3A_406 = tpu.memref_squeeze %dma_start3A_405 : memref<1x128x128xf32, #tpu.memory_space<vmem>> -> memref<128x128xf32, #tpu.memory_space<vmem>>
    tpu.enqueue_dma source(%dma_start3A_406 : memref<128x128xf32, #tpu.memory_space<vmem>>) target(%dma_start3A_402 : memref<128x128xf32, #tpu.memory_space<hbm>>) target_semaphore(%arg10 : memref<!tpu.dma_semaphore, #tpu.memory_space<semaphore_mem>>)
    %dma_wait3A_407 = arith.constant 0 : i32
    %dma_wait3A_408 = arith.constant 0 : i32
    %dma_wait3A_409 = arith.constant 0 : i32
    %dma_wait3A_410 = tpu.memref_slice %arg6[%dma_wait3A_407, %dma_wait3A_408, %dma_wait3A_409] : memref<2x128x128xf32, #tpu.memory_space<vmem>> -> memref<1x128x128xf32, #tpu.memory_space<vmem>>
    %dma_wait3A_411 = tpu.memref_squeeze %dma_wait3A_410 : memref<1x128x128xf32, #tpu.memory_space<vmem>> -> memref<128x128xf32, #tpu.memory_space<vmem>>
    %dma_wait3A_412 = arith.constant 0 : i32
    %dma_wait3A_413 = tpu.memref_slice %arg4[%add3A_364, %dma_wait3A_412] : memref<32768x128xf32, #tpu.memory_space<hbm>> -> memref<128x128xf32, #tpu.memory_space<hbm>>
    %dma_wait3A_414 = arith.constant 0 : i32
    %dma_wait3A_415 = tpu.memref_slice %arg4[%add3A_364, %dma_wait3A_414] : memref<32768x128xf32, #tpu.memory_space<hbm>> -> memref<128x128xf32, #tpu.memory_space<hbm>>
    %dma_wait3A_416 = arith.constant 0 : i32
    %dma_wait3A_417 = arith.constant 0 : i32
    %dma_wait3A_418 = tpu.memref_slice %arg6[%dma_wait3A_407, %dma_wait3A_416, %dma_wait3A_417] : memref<2x128x128xf32, #tpu.memory_space<vmem>> -> memref<1x128x128xf32, #tpu.memory_space<vmem>>
    %dma_wait3A_419 = tpu.memref_squeeze %dma_wait3A_418 : memref<1x128x128xf32, #tpu.memory_space<vmem>> -> memref<128x128xf32, #tpu.memory_space<vmem>>
    tpu.wait_dma2 semaphore(%arg9 : memref<!tpu.dma_semaphore, #tpu.memory_space<semaphore_mem>>) src(%dma_wait3A_419 : memref<128x128xf32, #tpu.memory_space<vmem>>) dst(%dma_wait3A_415 : memref<128x128xf32, #tpu.memory_space<hbm>>)
    %dma_wait3A_420 = arith.constant 1 : i32
    %dma_wait3A_421 = arith.constant 0 : i32
    %dma_wait3A_422 = arith.constant 0 : i32
    %dma_wait3A_423 = tpu.memref_slice %arg6[%dma_wait3A_420, %dma_wait3A_421, %dma_wait3A_422] : memref<2x128x128xf32, #tpu.memory_space<vmem>> -> memref<1x128x128xf32, #tpu.memory_space<vmem>>
    %dma_wait3A_424 = tpu.memref_squeeze %dma_wait3A_423 : memref<1x128x128xf32, #tpu.memory_space<vmem>> -> memref<128x128xf32, #tpu.memory_space<vmem>>
    %dma_wait3A_425 = arith.constant 0 : i32
    %dma_wait3A_426 = tpu.memref_slice %arg4[%add3A_393, %dma_wait3A_425] : memref<32768x128xf32, #tpu.memory_space<hbm>> -> memref<128x128xf32, #tpu.memory_space<hbm>>
    %dma_wait3A_427 = arith.constant 0 : i32
    %dma_wait3A_428 = tpu.memref_slice %arg4[%add3A_393, %dma_wait3A_427] : memref<32768x128xf32, #tpu.memory_space<hbm>> -> memref<128x128xf32, #tpu.memory_space<hbm>>
    %dma_wait3A_429 = arith.constant 0 : i32
    %dma_wait3A_430 = arith.constant 0 : i32
    %dma_wait3A_431 = tpu.memref_slice %arg6[%dma_wait3A_420, %dma_wait3A_429, %dma_wait3A_430] : memref<2x128x128xf32, #tpu.memory_space<vmem>> -> memref<1x128x128xf32, #tpu.memory_space<vmem>>
    %dma_wait3A_432 = tpu.memref_squeeze %dma_wait3A_431 : memref<1x128x128xf32, #tpu.memory_space<vmem>> -> memref<128x128xf32, #tpu.memory_space<vmem>>
    tpu.wait_dma2 semaphore(%arg10 : memref<!tpu.dma_semaphore, #tpu.memory_space<semaphore_mem>>) src(%dma_wait3A_432 : memref<128x128xf32, #tpu.memory_space<vmem>>) dst(%dma_wait3A_428 : memref<128x128xf32, #tpu.memory_space<hbm>>)
    return
  }
}

module attributes {stable_mosaic.version = 14 : i64} {
  func.func @_knn_proj_body(%arg0: i32, %arg1: i32, %arg2: memref<1x512x3xf32, #tpu.memory_space<vmem>>, %arg3: memref<1x3x2048xf32, #tpu.memory_space<vmem>>, %arg4: memref<1x1024x128xf32, #tpu.memory_space<vmem>>, %arg5: memref<128x128xf32, #tpu.memory_space<vmem>>, %arg6: memref<128x128xf32, #tpu.memory_space<vmem>>, %arg7: memref<1x128xf32, #tpu.memory_space<vmem>>, %arg8: memref<1x512x16xi32, #tpu.memory_space<vmem>>, %arg9: memref<1x512x16xf32, #tpu.memory_space<vmem>>, %arg10: memref<1x1024x128xf32, #tpu.memory_space<vmem>>, %arg11: memref<1x1024x128xf32, #tpu.memory_space<vmem>>) attributes {dimension_semantics = [#tpu.dimension_semantics<arbitrary>, #tpu.dimension_semantics<arbitrary>], iteration_bounds = array<i64: 2, 2>, scalar_prefetch = 0 : i64, scratch_operands = 0 : i64, tpu.core_type = #tpu.core_type<tc>, window_params = [{transform_indices = @transform_0, window_bounds = array<i64: 1, 512, 3>}, {transform_indices = @transform_1, window_bounds = array<i64: 1, 3, 2048>}, {transform_indices = @transform_2, window_bounds = array<i64: 1, 1024, 128>}, {pipeline_mode = #tpu.pipeline_mode<synchronous>, transform_indices = @transform_3, window_bounds = array<i64: 128, 128>}, {pipeline_mode = #tpu.pipeline_mode<synchronous>, transform_indices = @transform_4, window_bounds = array<i64: 128, 128>}, {pipeline_mode = #tpu.pipeline_mode<synchronous>, transform_indices = @transform_5, window_bounds = array<i64: 1, 128>}, {transform_indices = @transform_6, window_bounds = array<i64: 1, 512, 16>}, {transform_indices = @transform_7, window_bounds = array<i64: 1, 512, 16>}, {transform_indices = @transform_8, window_bounds = array<i64: 1, 1024, 128>}, {transform_indices = @transform_9, window_bounds = array<i64: 1, 1024, 128>}]} {
    %get3A = arith.constant 0 : index
    %get3A_0 = arith.constant 0 : index
    %get3A_1 = arith.constant 0 : index
    %get3A_2 = vector.load %arg4[%get3A, %get3A_0, %get3A_1] : memref<1x1024x128xf32, #tpu.memory_space<vmem>>, vector<1x1024x128xf32>
    %get3A_3 = vector.shape_cast %get3A_2 : vector<1x1024x128xf32> to vector<1024x128xf32>
    %get3A_4 = arith.constant 0 : index
    %get3A_5 = arith.constant 0 : index
    %get3A_6 = vector.load %arg5[%get3A_4, %get3A_5] : memref<128x128xf32, #tpu.memory_space<vmem>>, vector<128x128xf32>
    %dot_general3A = arith.constant dense<0.000000e+00> : vector<1024x128xf32>
    %dot_general3A_7 = tpu.matmul %get3A_3, %get3A_6, %dot_general3A {dimension_numbers = #tpu.dot_dimension_numbers<[1], [0], [0], [1], [0, 0, 1, 1], [], []>, transpose_lhs_hint = false} : vector<1024x128xf32>, vector<128x128xf32>, vector<1024x128xf32> -> vector<1024x128xf32>
    %get3A_8 = arith.constant 0 : index
    %get3A_9 = arith.constant 0 : index
    %get3A_10 = vector.load %arg7[%get3A_8, %get3A_9] : memref<1x128xf32, #tpu.memory_space<vmem>>, vector<1x128xf32>
    %add3A = vector.broadcast %get3A_10 : vector<1x128xf32> to vector<1024x128xf32>
    %add3A_11 = arith.addf %dot_general3A_7, %add3A : vector<1024x128xf32>
    %swap3A = arith.constant 0 : index
    %swap3A_12 = arith.constant 0 : index
    %swap3A_13 = arith.constant 0 : index
    %swap3A_14 = vector.load %arg10[%swap3A, %swap3A_12, %swap3A_13] : memref<1x1024x128xf32, #tpu.memory_space<vmem>>, vector<1x1024x128xf32>
    %swap3A_15 = vector.shape_cast %swap3A_14 : vector<1x1024x128xf32> to vector<1024x128xf32>
    %swap3A_16 = vector.shape_cast %add3A_11 : vector<1024x128xf32> to vector<1x1024x128xf32>
    tpu.vector_store %arg10[%swap3A, %swap3A_12, %swap3A_13], %swap3A_16 {strides = array<i32>} : memref<1x1024x128xf32, #tpu.memory_space<vmem>>, vector<1x1024x128xf32>,
    %get3A_17 = arith.constant 0 : index
    %get3A_18 = arith.constant 0 : index
    %get3A_19 = vector.load %arg6[%get3A_17, %get3A_18] : memref<128x128xf32, #tpu.memory_space<vmem>>, vector<128x128xf32>
    %dot_general3A_20 = arith.constant dense<0.000000e+00> : vector<1024x128xf32>
    %dot_general3A_21 = tpu.matmul %get3A_3, %get3A_19, %dot_general3A_20 {dimension_numbers = #tpu.dot_dimension_numbers<[1], [0], [0], [1], [0, 0, 1, 1], [], []>, transpose_lhs_hint = false} : vector<1024x128xf32>, vector<128x128xf32>, vector<1024x128xf32> -> vector<1024x128xf32>
    %swap3A_22 = arith.constant 0 : index
    %swap3A_23 = arith.constant 0 : index
    %swap3A_24 = arith.constant 0 : index
    %swap3A_25 = vector.load %arg11[%swap3A_22, %swap3A_23, %swap3A_24] : memref<1x1024x128xf32, #tpu.memory_space<vmem>>, vector<1x1024x128xf32>
    %swap3A_26 = vector.shape_cast %swap3A_25 : vector<1x1024x128xf32> to vector<1024x128xf32>
    %swap3A_27 = vector.shape_cast %dot_general3A_21 : vector<1024x128xf32> to vector<1x1024x128xf32>
    tpu.vector_store %arg11[%swap3A_22, %swap3A_23, %swap3A_24], %swap3A_27 {strides = array<i32>} : memref<1x1024x128xf32, #tpu.memory_space<vmem>>, vector<1x1024x128xf32>,
    %get3A_28 = arith.constant 0 : index
    %get3A_29 = arith.constant 0 : index
    %get3A_30 = arith.constant 0 : index
    %get3A_31 = vector.load %arg2[%get3A_28, %get3A_29, %get3A_30] : memref<1x512x3xf32, #tpu.memory_space<vmem>>, vector<1x512x3xf32>
    %get3A_32 = vector.shape_cast %get3A_31 : vector<1x512x3xf32> to vector<512x3xf32>
    %get3A_33 = arith.constant 0 : index
    %get3A_34 = arith.constant 0 : index
    %get3A_35 = arith.constant 0 : index
    %get3A_36 = vector.load %arg3[%get3A_33, %get3A_34, %get3A_35] : memref<1x3x2048xf32, #tpu.memory_space<vmem>>, vector<1x3x2048xf32>
    %get3A_37 = vector.shape_cast %get3A_36 : vector<1x3x2048xf32> to vector<3x2048xf32>
    %broadcast_in_dim3A = arith.constant 0x7F800000 : f32
    %broadcast_in_dim3A_38 = vector.broadcast %broadcast_in_dim3A : f32 to vector<512x128xf32>
    %broadcast_in_dim3A_39 = arith.constant 0x7F800000 : f32
    %broadcast_in_dim3A_40 = vector.broadcast %broadcast_in_dim3A_39 : f32 to vector<512x128xf32>
    %broadcast_in_dim3A_41 = arith.constant 0x7F800000 : f32
    %broadcast_in_dim3A_42 = vector.broadcast %broadcast_in_dim3A_41 : f32 to vector<512x128xf32>
    %broadcast_in_dim3A_43 = arith.constant 0x7F800000 : f32
    %broadcast_in_dim3A_44 = vector.broadcast %broadcast_in_dim3A_43 : f32 to vector<512x128xf32>
    %broadcast_in_dim3A_45 = arith.constant 0.000000e+00 : f32
    %broadcast_in_dim3A_46 = vector.broadcast %broadcast_in_dim3A_45 : f32 to vector<512x128xf32>
    %slice3A = vector.extract_strided_slice %get3A_32 {offsets = [0, 0], sizes = [512, 1], strides = [1, 1]} : vector<512x3xf32> to vector<512x1xf32>
    %slice3A_47 = vector.extract_strided_slice %get3A_37 {offsets = [0, 0], sizes = [1, 128], strides = [1, 1]} : vector<3x2048xf32> to vector<1x128xf32>
    %sub3A = vector.broadcast %slice3A : vector<512x1xf32> to vector<512x128xf32>
    %sub3A_48 = vector.broadcast %slice3A_47 : vector<1x128xf32> to vector<512x128xf32>
    %sub3A_49 = arith.subf %sub3A, %sub3A_48 : vector<512x128xf32>
    %mul3A = arith.mulf %sub3A_49, %sub3A_49 : vector<512x128xf32>
    %add3A_50 = arith.addf %broadcast_in_dim3A_46, %mul3A : vector<512x128xf32>
    %slice3A_51 = vector.extract_strided_slice %get3A_32 {offsets = [0, 1], sizes = [512, 1], strides = [1, 1]} : vector<512x3xf32> to vector<512x1xf32>
    %slice3A_52 = vector.extract_strided_slice %get3A_37 {offsets = [1, 0], sizes = [1, 128], strides = [1, 1]} : vector<3x2048xf32> to vector<1x128xf32>
    %sub3A_53 = vector.broadcast %slice3A_51 : vector<512x1xf32> to vector<512x128xf32>
    %sub3A_54 = vector.broadcast %slice3A_52 : vector<1x128xf32> to vector<512x128xf32>
    %sub3A_55 = arith.subf %sub3A_53, %sub3A_54 : vector<512x128xf32>
    %mul3A_56 = arith.mulf %sub3A_55, %sub3A_55 : vector<512x128xf32>
    %add3A_57 = arith.addf %add3A_50, %mul3A_56 : vector<512x128xf32>
    %slice3A_58 = vector.extract_strided_slice %get3A_32 {offsets = [0, 2], sizes = [512, 1], strides = [1, 1]} : vector<512x3xf32> to vector<512x1xf32>
    %slice3A_59 = vector.extract_strided_slice %get3A_37 {offsets = [2, 0], sizes = [1, 128], strides = [1, 1]} : vector<3x2048xf32> to vector<1x128xf32>
    %sub3A_60 = vector.broadcast %slice3A_58 : vector<512x1xf32> to vector<512x128xf32>
    %sub3A_61 = vector.broadcast %slice3A_59 : vector<1x128xf32> to vector<512x128xf32>
    %sub3A_62 = arith.subf %sub3A_60, %sub3A_61 : vector<512x128xf32>
    %mul3A_63 = arith.mulf %sub3A_62, %sub3A_62 : vector<512x128xf32>
    %add3A_64 = arith.addf %add3A_57, %mul3A_63 : vector<512x128xf32>
    %bitcast_convert_type3A = tpu.bitcast %add3A_64 : vector<512x128xf32> -> vector<512x128xi32>
    %and3A = arith.constant -16 : i32
    %and3A_65 = vector.broadcast %and3A : i32 to vector<512x128xi32>
    %and3A_66 = arith.andi %bitcast_convert_type3A, %and3A_65 : vector<512x128xi32>
    %or3A = arith.constant 0 : i32
    %or3A_67 = vector.broadcast %or3A : i32 to vector<512x128xi32>
    %or3A_68 = arith.ori %and3A_66, %or3A_67 : vector<512x128xi32>
    %add3A_69 = arith.constant 268435456 : i32
    %add3A_70 = vector.broadcast %add3A_69 : i32 to vector<512x128xi32>
    %add3A_71 = arith.addi %or3A_68, %add3A_70 : vector<512x128xi32>
    %bitcast_convert_type3A_72 = tpu.bitcast %add3A_71 : vector<512x128xi32> -> vector<512x128xf32>
    %max3A = arith.maximumf %broadcast_in_dim3A_38, %bitcast_convert_type3A_72 : vector<512x128xf32>
    %min3A = arith.minimumf %broadcast_in_dim3A_38, %bitcast_convert_type3A_72 : vector<512x128xf32>
    %max3A_73 = arith.maximumf %broadcast_in_dim3A_40, %max3A : vector<512x128xf32>
    %min3A_74 = arith.minimumf %broadcast_in_dim3A_40, %max3A : vector<512x128xf32>
    %max3A_75 = arith.maximumf %broadcast_in_dim3A_42, %max3A_73 : vector<512x128xf32>
    %min3A_76 = arith.minimumf %broadcast_in_dim3A_42, %max3A_73 : vector<512x128xf32>
    %min3A_77 = arith.minimumf %broadcast_in_dim3A_44, %max3A_75 : vector<512x128xf32>
    %broadcast_in_dim3A_78 = arith.constant 0.000000e+00 : f32
    %broadcast_in_dim3A_79 = vector.broadcast %broadcast_in_dim3A_78 : f32 to vector<512x128xf32>
    %slice3A_80 = vector.extract_strided_slice %get3A_32 {offsets = [0, 0], sizes = [512, 1], strides = [1, 1]} : vector<512x3xf32> to vector<512x1xf32>
    %slice3A_81 = vector.extract_strided_slice %get3A_37 {offsets = [0, 128], sizes = [1, 128], strides = [1, 1]} : vector<3x2048xf32> to vector<1x128xf32>
    %sub3A_82 = vector.broadcast %slice3A_80 : vector<512x1xf32> to vector<512x128xf32>
    %sub3A_83 = vector.broadcast %slice3A_81 : vector<1x128xf32> to vector<512x128xf32>
    %sub3A_84 = arith.subf %sub3A_82, %sub3A_83 : vector<512x128xf32>
    %mul3A_85 = arith.mulf %sub3A_84, %sub3A_84 : vector<512x128xf32>
    %add3A_86 = arith.addf %broadcast_in_dim3A_79, %mul3A_85 : vector<512x128xf32>
    %slice3A_87 = vector.extract_strided_slice %get3A_32 {offsets = [0, 1], sizes = [512, 1], strides = [1, 1]} : vector<512x3xf32> to vector<512x1xf32>
    %slice3A_88 = vector.extract_strided_slice %get3A_37 {offsets = [1, 128], sizes = [1, 128], strides = [1, 1]} : vector<3x2048xf32> to vector<1x128xf32>
    %sub3A_89 = vector.broadcast %slice3A_87 : vector<512x1xf32> to vector<512x128xf32>
    %sub3A_90 = vector.broadcast %slice3A_88 : vector<1x128xf32> to vector<512x128xf32>
    %sub3A_91 = arith.subf %sub3A_89, %sub3A_90 : vector<512x128xf32>
    %mul3A_92 = arith.mulf %sub3A_91, %sub3A_91 : vector<512x128xf32>
    %add3A_93 = arith.addf %add3A_86, %mul3A_92 : vector<512x128xf32>
    %slice3A_94 = vector.extract_strided_slice %get3A_32 {offsets = [0, 2], sizes = [512, 1], strides = [1, 1]} : vector<512x3xf32> to vector<512x1xf32>
    %slice3A_95 = vector.extract_strided_slice %get3A_37 {offsets = [2, 128], sizes = [1, 128], strides = [1, 1]} : vector<3x2048xf32> to vector<1x128xf32>
    %sub3A_96 = vector.broadcast %slice3A_94 : vector<512x1xf32> to vector<512x128xf32>
    %sub3A_97 = vector.broadcast %slice3A_95 : vector<1x128xf32> to vector<512x128xf32>
    %sub3A_98 = arith.subf %sub3A_96, %sub3A_97 : vector<512x128xf32>
    %mul3A_99 = arith.mulf %sub3A_98, %sub3A_98 : vector<512x128xf32>
    %add3A_100 = arith.addf %add3A_93, %mul3A_99 : vector<512x128xf32>
    %bitcast_convert_type3A_101 = tpu.bitcast %add3A_100 : vector<512x128xf32> -> vector<512x128xi32>
    %and3A_102 = arith.constant -16 : i32
    %and3A_103 = vector.broadcast %and3A_102 : i32 to vector<512x128xi32>
    %and3A_104 = arith.andi %bitcast_convert_type3A_101, %and3A_103 : vector<512x128xi32>
    %or3A_105 = arith.constant 1 : i32
    %or3A_106 = vector.broadcast %or3A_105 : i32 to vector<512x128xi32>
    %or3A_107 = arith.ori %and3A_104, %or3A_106 : vector<512x128xi32>
    %add3A_108 = arith.constant 268435456 : i32
    %add3A_109 = vector.broadcast %add3A_108 : i32 to vector<512x128xi32>
    %add3A_110 = arith.addi %or3A_107, %add3A_109 : vector<512x128xi32>
    %bitcast_convert_type3A_111 = tpu.bitcast %add3A_110 : vector<512x128xi32> -> vector<512x128xf32>
    %max3A_112 = arith.maximumf %min3A, %bitcast_convert_type3A_111 : vector<512x128xf32>
    %min3A_113 = arith.minimumf %min3A, %bitcast_convert_type3A_111 : vector<512x128xf32>
    %max3A_114 = arith.maximumf %min3A_74, %max3A_112 : vector<512x128xf32>
    %min3A_115 = arith.minimumf %min3A_74, %max3A_112 : vector<512x128xf32>
    %max3A_116 = arith.maximumf %min3A_76, %max3A_114 : vector<512x128xf32>
    %min3A_117 = arith.minimumf %min3A_76, %max3A_114 : vector<512x128xf32>
    %min3A_118 = arith.minimumf %min3A_77, %max3A_116 : vector<512x128xf32>
    %broadcast_in_dim3A_119 = arith.constant 0.000000e+00 : f32
    %broadcast_in_dim3A_120 = vector.broadcast %broadcast_in_dim3A_119 : f32 to vector<512x128xf32>
    %slice3A_121 = vector.extract_strided_slice %get3A_32 {offsets = [0, 0], sizes = [512, 1], strides = [1, 1]} : vector<512x3xf32> to vector<512x1xf32>
    %slice3A_122 = vector.extract_strided_slice %get3A_37 {offsets = [0, 256], sizes = [1, 128], strides = [1, 1]} : vector<3x2048xf32> to vector<1x128xf32>
    %sub3A_123 = vector.broadcast %slice3A_121 : vector<512x1xf32> to vector<512x128xf32>
    %sub3A_124 = vector.broadcast %slice3A_122 : vector<1x128xf32> to vector<512x128xf32>
    %sub3A_125 = arith.subf %sub3A_123, %sub3A_124 : vector<512x128xf32>
    %mul3A_126 = arith.mulf %sub3A_125, %sub3A_125 : vector<512x128xf32>
    %add3A_127 = arith.addf %broadcast_in_dim3A_120, %mul3A_126 : vector<512x128xf32>
    %slice3A_128 = vector.extract_strided_slice %get3A_32 {offsets = [0, 1], sizes = [512, 1], strides = [1, 1]} : vector<512x3xf32> to vector<512x1xf32>
    %slice3A_129 = vector.extract_strided_slice %get3A_37 {offsets = [1, 256], sizes = [1, 128], strides = [1, 1]} : vector<3x2048xf32> to vector<1x128xf32>
    %sub3A_130 = vector.broadcast %slice3A_128 : vector<512x1xf32> to vector<512x128xf32>
    %sub3A_131 = vector.broadcast %slice3A_129 : vector<1x128xf32> to vector<512x128xf32>
    %sub3A_132 = arith.subf %sub3A_130, %sub3A_131 : vector<512x128xf32>
    %mul3A_133 = arith.mulf %sub3A_132, %sub3A_132 : vector<512x128xf32>
    %add3A_134 = arith.addf %add3A_127, %mul3A_133 : vector<512x128xf32>
    %slice3A_135 = vector.extract_strided_slice %get3A_32 {offsets = [0, 2], sizes = [512, 1], strides = [1, 1]} : vector<512x3xf32> to vector<512x1xf32>
    %slice3A_136 = vector.extract_strided_slice %get3A_37 {offsets = [2, 256], sizes = [1, 128], strides = [1, 1]} : vector<3x2048xf32> to vector<1x128xf32>
    %sub3A_137 = vector.broadcast %slice3A_135 : vector<512x1xf32> to vector<512x128xf32>
    %sub3A_138 = vector.broadcast %slice3A_136 : vector<1x128xf32> to vector<512x128xf32>
    %sub3A_139 = arith.subf %sub3A_137, %sub3A_138 : vector<512x128xf32>
    %mul3A_140 = arith.mulf %sub3A_139, %sub3A_139 : vector<512x128xf32>
    %add3A_141 = arith.addf %add3A_134, %mul3A_140 : vector<512x128xf32>
    %bitcast_convert_type3A_142 = tpu.bitcast %add3A_141 : vector<512x128xf32> -> vector<512x128xi32>
    %and3A_143 = arith.constant -16 : i32
    %and3A_144 = vector.broadcast %and3A_143 : i32 to vector<512x128xi32>
    %and3A_145 = arith.andi %bitcast_convert_type3A_142, %and3A_144 : vector<512x128xi32>
    %or3A_146 = arith.constant 2 : i32
    %or3A_147 = vector.broadcast %or3A_146 : i32 to vector<512x128xi32>
    %or3A_148 = arith.ori %and3A_145, %or3A_147 : vector<512x128xi32>
    %add3A_149 = arith.constant 268435456 : i32
    %add3A_150 = vector.broadcast %add3A_149 : i32 to vector<512x128xi32>
    %add3A_151 = arith.addi %or3A_148, %add3A_150 : vector<512x128xi32>
    %bitcast_convert_type3A_152 = tpu.bitcast %add3A_151 : vector<512x128xi32> -> vector<512x128xf32>
    %max3A_153 = arith.maximumf %min3A_113, %bitcast_convert_type3A_152 : vector<512x128xf32>
    %min3A_154 = arith.minimumf %min3A_113, %bitcast_convert_type3A_152 : vector<512x128xf32>
    %max3A_155 = arith.maximumf %min3A_115, %max3A_153 : vector<512x128xf32>
    %min3A_156 = arith.minimumf %min3A_115, %max3A_153 : vector<512x128xf32>
    %max3A_157 = arith.maximumf %min3A_117, %max3A_155 : vector<512x128xf32>
    %min3A_158 = arith.minimumf %min3A_117, %max3A_155 : vector<512x128xf32>
    %min3A_159 = arith.minimumf %min3A_118, %max3A_157 : vector<512x128xf32>
    %broadcast_in_dim3A_160 = arith.constant 0.000000e+00 : f32
    %broadcast_in_dim3A_161 = vector.broadcast %broadcast_in_dim3A_160 : f32 to vector<512x128xf32>
    %slice3A_162 = vector.extract_strided_slice %get3A_32 {offsets = [0, 0], sizes = [512, 1], strides = [1, 1]} : vector<512x3xf32> to vector<512x1xf32>
    %slice3A_163 = vector.extract_strided_slice %get3A_37 {offsets = [0, 384], sizes = [1, 128], strides = [1, 1]} : vector<3x2048xf32> to vector<1x128xf32>
    %sub3A_164 = vector.broadcast %slice3A_162 : vector<512x1xf32> to vector<512x128xf32>
    %sub3A_165 = vector.broadcast %slice3A_163 : vector<1x128xf32> to vector<512x128xf32>
    %sub3A_166 = arith.subf %sub3A_164, %sub3A_165 : vector<512x128xf32>
    %mul3A_167 = arith.mulf %sub3A_166, %sub3A_166 : vector<512x128xf32>
    %add3A_168 = arith.addf %broadcast_in_dim3A_161, %mul3A_167 : vector<512x128xf32>
    %slice3A_169 = vector.extract_strided_slice %get3A_32 {offsets = [0, 1], sizes = [512, 1], strides = [1, 1]} : vector<512x3xf32> to vector<512x1xf32>
    %slice3A_170 = vector.extract_strided_slice %get3A_37 {offsets = [1, 384], sizes = [1, 128], strides = [1, 1]} : vector<3x2048xf32> to vector<1x128xf32>
    %sub3A_171 = vector.broadcast %slice3A_169 : vector<512x1xf32> to vector<512x128xf32>
    %sub3A_172 = vector.broadcast %slice3A_170 : vector<1x128xf32> to vector<512x128xf32>
    %sub3A_173 = arith.subf %sub3A_171, %sub3A_172 : vector<512x128xf32>
    %mul3A_174 = arith.mulf %sub3A_173, %sub3A_173 : vector<512x128xf32>
    %add3A_175 = arith.addf %add3A_168, %mul3A_174 : vector<512x128xf32>
    %slice3A_176 = vector.extract_strided_slice %get3A_32 {offsets = [0, 2], sizes = [512, 1], strides = [1, 1]} : vector<512x3xf32> to vector<512x1xf32>
    %slice3A_177 = vector.extract_strided_slice %get3A_37 {offsets = [2, 384], sizes = [1, 128], strides = [1, 1]} : vector<3x2048xf32> to vector<1x128xf32>
    %sub3A_178 = vector.broadcast %slice3A_176 : vector<512x1xf32> to vector<512x128xf32>
    %sub3A_179 = vector.broadcast %slice3A_177 : vector<1x128xf32> to vector<512x128xf32>
    %sub3A_180 = arith.subf %sub3A_178, %sub3A_179 : vector<512x128xf32>
    %mul3A_181 = arith.mulf %sub3A_180, %sub3A_180 : vector<512x128xf32>
    %add3A_182 = arith.addf %add3A_175, %mul3A_181 : vector<512x128xf32>
    %bitcast_convert_type3A_183 = tpu.bitcast %add3A_182 : vector<512x128xf32> -> vector<512x128xi32>
    %and3A_184 = arith.constant -16 : i32
    %and3A_185 = vector.broadcast %and3A_184 : i32 to vector<512x128xi32>
    %and3A_186 = arith.andi %bitcast_convert_type3A_183, %and3A_185 : vector<512x128xi32>
    %or3A_187 = arith.constant 3 : i32
    %or3A_188 = vector.broadcast %or3A_187 : i32 to vector<512x128xi32>
    %or3A_189 = arith.ori %and3A_186, %or3A_188 : vector<512x128xi32>
    %add3A_190 = arith.constant 268435456 : i32
    %add3A_191 = vector.broadcast %add3A_190 : i32 to vector<512x128xi32>
    %add3A_192 = arith.addi %or3A_189, %add3A_191 : vector<512x128xi32>
    %bitcast_convert_type3A_193 = tpu.bitcast %add3A_192 : vector<512x128xi32> -> vector<512x128xf32>
    %max3A_194 = arith.maximumf %min3A_154, %bitcast_convert_type3A_193 : vector<512x128xf32>
    %min3A_195 = arith.minimumf %min3A_154, %bitcast_convert_type3A_193 : vector<512x128xf32>
    %max3A_196 = arith.maximumf %min3A_156, %max3A_194 : vector<512x128xf32>
    %min3A_197 = arith.minimumf %min3A_156, %max3A_194 : vector<512x128xf32>
    %max3A_198 = arith.maximumf %min3A_158, %max3A_196 : vector<512x128xf32>
    %min3A_199 = arith.minimumf %min3A_158, %max3A_196 : vector<512x128xf32>
    %min3A_200 = arith.minimumf %min3A_159, %max3A_198 : vector<512x128xf32>
    %broadcast_in_dim3A_201 = arith.constant 0.000000e+00 : f32
    %broadcast_in_dim3A_202 = vector.broadcast %broadcast_in_dim3A_201 : f32 to vector<512x128xf32>
    %slice3A_203 = vector.extract_strided_slice %get3A_32 {offsets = [0, 0], sizes = [512, 1], strides = [1, 1]} : vector<512x3xf32> to vector<512x1xf32>
    %slice3A_204 = vector.extract_strided_slice %get3A_37 {offsets = [0, 512], sizes = [1, 128], strides = [1, 1]} : vector<3x2048xf32> to vector<1x128xf32>
    %sub3A_205 = vector.broadcast %slice3A_203 : vector<512x1xf32> to vector<512x128xf32>
    %sub3A_206 = vector.broadcast %slice3A_204 : vector<1x128xf32> to vector<512x128xf32>
    %sub3A_207 = arith.subf %sub3A_205, %sub3A_206 : vector<512x128xf32>
    %mul3A_208 = arith.mulf %sub3A_207, %sub3A_207 : vector<512x128xf32>
    %add3A_209 = arith.addf %broadcast_in_dim3A_202, %mul3A_208 : vector<512x128xf32>
    %slice3A_210 = vector.extract_strided_slice %get3A_32 {offsets = [0, 1], sizes = [512, 1], strides = [1, 1]} : vector<512x3xf32> to vector<512x1xf32>
    %slice3A_211 = vector.extract_strided_slice %get3A_37 {offsets = [1, 512], sizes = [1, 128], strides = [1, 1]} : vector<3x2048xf32> to vector<1x128xf32>
    %sub3A_212 = vector.broadcast %slice3A_210 : vector<512x1xf32> to vector<512x128xf32>
    %sub3A_213 = vector.broadcast %slice3A_211 : vector<1x128xf32> to vector<512x128xf32>
    %sub3A_214 = arith.subf %sub3A_212, %sub3A_213 : vector<512x128xf32>
    %mul3A_215 = arith.mulf %sub3A_214, %sub3A_214 : vector<512x128xf32>
    %add3A_216 = arith.addf %add3A_209, %mul3A_215 : vector<512x128xf32>
    %slice3A_217 = vector.extract_strided_slice %get3A_32 {offsets = [0, 2], sizes = [512, 1], strides = [1, 1]} : vector<512x3xf32> to vector<512x1xf32>
    %slice3A_218 = vector.extract_strided_slice %get3A_37 {offsets = [2, 512], sizes = [1, 128], strides = [1, 1]} : vector<3x2048xf32> to vector<1x128xf32>
    %sub3A_219 = vector.broadcast %slice3A_217 : vector<512x1xf32> to vector<512x128xf32>
    %sub3A_220 = vector.broadcast %slice3A_218 : vector<1x128xf32> to vector<512x128xf32>
    %sub3A_221 = arith.subf %sub3A_219, %sub3A_220 : vector<512x128xf32>
    %mul3A_222 = arith.mulf %sub3A_221, %sub3A_221 : vector<512x128xf32>
    %add3A_223 = arith.addf %add3A_216, %mul3A_222 : vector<512x128xf32>
    %bitcast_convert_type3A_224 = tpu.bitcast %add3A_223 : vector<512x128xf32> -> vector<512x128xi32>
    %and3A_225 = arith.constant -16 : i32
    %and3A_226 = vector.broadcast %and3A_225 : i32 to vector<512x128xi32>
    %and3A_227 = arith.andi %bitcast_convert_type3A_224, %and3A_226 : vector<512x128xi32>
    %or3A_228 = arith.constant 4 : i32
    %or3A_229 = vector.broadcast %or3A_228 : i32 to vector<512x128xi32>
    %or3A_230 = arith.ori %and3A_227, %or3A_229 : vector<512x128xi32>
    %add3A_231 = arith.constant 268435456 : i32
    %add3A_232 = vector.broadcast %add3A_231 : i32 to vector<512x128xi32>
    %add3A_233 = arith.addi %or3A_230, %add3A_232 : vector<512x128xi32>
    %bitcast_convert_type3A_234 = tpu.bitcast %add3A_233 : vector<512x128xi32> -> vector<512x128xf32>
    %max3A_235 = arith.maximumf %min3A_195, %bitcast_convert_type3A_234 : vector<512x128xf32>
    %min3A_236 = arith.minimumf %min3A_195, %bitcast_convert_type3A_234 : vector<512x128xf32>
    %max3A_237 = arith.maximumf %min3A_197, %max3A_235 : vector<512x128xf32>
    %min3A_238 = arith.minimumf %min3A_197, %max3A_235 : vector<512x128xf32>
    %max3A_239 = arith.maximumf %min3A_199, %max3A_237 : vector<512x128xf32>
    %min3A_240 = arith.minimumf %min3A_199, %max3A_237 : vector<512x128xf32>
    %min3A_241 = arith.minimumf %min3A_200, %max3A_239 : vector<512x128xf32>
    %broadcast_in_dim3A_242 = arith.constant 0.000000e+00 : f32
    %broadcast_in_dim3A_243 = vector.broadcast %broadcast_in_dim3A_242 : f32 to vector<512x128xf32>
    %slice3A_244 = vector.extract_strided_slice %get3A_32 {offsets = [0, 0], sizes = [512, 1], strides = [1, 1]} : vector<512x3xf32> to vector<512x1xf32>
    %slice3A_245 = vector.extract_strided_slice %get3A_37 {offsets = [0, 640], sizes = [1, 128], strides = [1, 1]} : vector<3x2048xf32> to vector<1x128xf32>
    %sub3A_246 = vector.broadcast %slice3A_244 : vector<512x1xf32> to vector<512x128xf32>
    %sub3A_247 = vector.broadcast %slice3A_245 : vector<1x128xf32> to vector<512x128xf32>
    %sub3A_248 = arith.subf %sub3A_246, %sub3A_247 : vector<512x128xf32>
    %mul3A_249 = arith.mulf %sub3A_248, %sub3A_248 : vector<512x128xf32>
    %add3A_250 = arith.addf %broadcast_in_dim3A_243, %mul3A_249 : vector<512x128xf32>
    %slice3A_251 = vector.extract_strided_slice %get3A_32 {offsets = [0, 1], sizes = [512, 1], strides = [1, 1]} : vector<512x3xf32> to vector<512x1xf32>
    %slice3A_252 = vector.extract_strided_slice %get3A_37 {offsets = [1, 640], sizes = [1, 128], strides = [1, 1]} : vector<3x2048xf32> to vector<1x128xf32>
    %sub3A_253 = vector.broadcast %slice3A_251 : vector<512x1xf32> to vector<512x128xf32>
    %sub3A_254 = vector.broadcast %slice3A_252 : vector<1x128xf32> to vector<512x128xf32>
    %sub3A_255 = arith.subf %sub3A_253, %sub3A_254 : vector<512x128xf32>
    %mul3A_256 = arith.mulf %sub3A_255, %sub3A_255 : vector<512x128xf32>
    %add3A_257 = arith.addf %add3A_250, %mul3A_256 : vector<512x128xf32>
    %slice3A_258 = vector.extract_strided_slice %get3A_32 {offsets = [0, 2], sizes = [512, 1], strides = [1, 1]} : vector<512x3xf32> to vector<512x1xf32>
    %slice3A_259 = vector.extract_strided_slice %get3A_37 {offsets = [2, 640], sizes = [1, 128], strides = [1, 1]} : vector<3x2048xf32> to vector<1x128xf32>
    %sub3A_260 = vector.broadcast %slice3A_258 : vector<512x1xf32> to vector<512x128xf32>
    %sub3A_261 = vector.broadcast %slice3A_259 : vector<1x128xf32> to vector<512x128xf32>
    %sub3A_262 = arith.subf %sub3A_260, %sub3A_261 : vector<512x128xf32>
    %mul3A_263 = arith.mulf %sub3A_262, %sub3A_262 : vector<512x128xf32>
    %add3A_264 = arith.addf %add3A_257, %mul3A_263 : vector<512x128xf32>
    %bitcast_convert_type3A_265 = tpu.bitcast %add3A_264 : vector<512x128xf32> -> vector<512x128xi32>
    %and3A_266 = arith.constant -16 : i32
    %and3A_267 = vector.broadcast %and3A_266 : i32 to vector<512x128xi32>
    %and3A_268 = arith.andi %bitcast_convert_type3A_265, %and3A_267 : vector<512x128xi32>
    %or3A_269 = arith.constant 5 : i32
    %or3A_270 = vector.broadcast %or3A_269 : i32 to vector<512x128xi32>
    %or3A_271 = arith.ori %and3A_268, %or3A_270 : vector<512x128xi32>
    %add3A_272 = arith.constant 268435456 : i32
    %add3A_273 = vector.broadcast %add3A_272 : i32 to vector<512x128xi32>
    %add3A_274 = arith.addi %or3A_271, %add3A_273 : vector<512x128xi32>
    %bitcast_convert_type3A_275 = tpu.bitcast %add3A_274 : vector<512x128xi32> -> vector<512x128xf32>
    %max3A_276 = arith.maximumf %min3A_236, %bitcast_convert_type3A_275 : vector<512x128xf32>
    %min3A_277 = arith.minimumf %min3A_236, %bitcast_convert_type3A_275 : vector<512x128xf32>
    %max3A_278 = arith.maximumf %min3A_238, %max3A_276 : vector<512x128xf32>
    %min3A_279 = arith.minimumf %min3A_238, %max3A_276 : vector<512x128xf32>
    %max3A_280 = arith.maximumf %min3A_240, %max3A_278 : vector<512x128xf32>
    %min3A_281 = arith.minimumf %min3A_240, %max3A_278 : vector<512x128xf32>
    %min3A_282 = arith.minimumf %min3A_241, %max3A_280 : vector<512x128xf32>
    %broadcast_in_dim3A_283 = arith.constant 0.000000e+00 : f32
    %broadcast_in_dim3A_284 = vector.broadcast %broadcast_in_dim3A_283 : f32 to vector<512x128xf32>
    %slice3A_285 = vector.extract_strided_slice %get3A_32 {offsets = [0, 0], sizes = [512, 1], strides = [1, 1]} : vector<512x3xf32> to vector<512x1xf32>
    %slice3A_286 = vector.extract_strided_slice %get3A_37 {offsets = [0, 768], sizes = [1, 128], strides = [1, 1]} : vector<3x2048xf32> to vector<1x128xf32>
    %sub3A_287 = vector.broadcast %slice3A_285 : vector<512x1xf32> to vector<512x128xf32>
    %sub3A_288 = vector.broadcast %slice3A_286 : vector<1x128xf32> to vector<512x128xf32>
    %sub3A_289 = arith.subf %sub3A_287, %sub3A_288 : vector<512x128xf32>
    %mul3A_290 = arith.mulf %sub3A_289, %sub3A_289 : vector<512x128xf32>
    %add3A_291 = arith.addf %broadcast_in_dim3A_284, %mul3A_290 : vector<512x128xf32>
    %slice3A_292 = vector.extract_strided_slice %get3A_32 {offsets = [0, 1], sizes = [512, 1], strides = [1, 1]} : vector<512x3xf32> to vector<512x1xf32>
    %slice3A_293 = vector.extract_strided_slice %get3A_37 {offsets = [1, 768], sizes = [1, 128], strides = [1, 1]} : vector<3x2048xf32> to vector<1x128xf32>
    %sub3A_294 = vector.broadcast %slice3A_292 : vector<512x1xf32> to vector<512x128xf32>
    %sub3A_295 = vector.broadcast %slice3A_293 : vector<1x128xf32> to vector<512x128xf32>
    %sub3A_296 = arith.subf %sub3A_294, %sub3A_295 : vector<512x128xf32>
    %mul3A_297 = arith.mulf %sub3A_296, %sub3A_296 : vector<512x128xf32>
    %add3A_298 = arith.addf %add3A_291, %mul3A_297 : vector<512x128xf32>
    %slice3A_299 = vector.extract_strided_slice %get3A_32 {offsets = [0, 2], sizes = [512, 1], strides = [1, 1]} : vector<512x3xf32> to vector<512x1xf32>
    %slice3A_300 = vector.extract_strided_slice %get3A_37 {offsets = [2, 768], sizes = [1, 128], strides = [1, 1]} : vector<3x2048xf32> to vector<1x128xf32>
    %sub3A_301 = vector.broadcast %slice3A_299 : vector<512x1xf32> to vector<512x128xf32>
    %sub3A_302 = vector.broadcast %slice3A_300 : vector<1x128xf32> to vector<512x128xf32>
    %sub3A_303 = arith.subf %sub3A_301, %sub3A_302 : vector<512x128xf32>
    %mul3A_304 = arith.mulf %sub3A_303, %sub3A_303 : vector<512x128xf32>
    %add3A_305 = arith.addf %add3A_298, %mul3A_304 : vector<512x128xf32>
    %bitcast_convert_type3A_306 = tpu.bitcast %add3A_305 : vector<512x128xf32> -> vector<512x128xi32>
    %and3A_307 = arith.constant -16 : i32
    %and3A_308 = vector.broadcast %and3A_307 : i32 to vector<512x128xi32>
    %and3A_309 = arith.andi %bitcast_convert_type3A_306, %and3A_308 : vector<512x128xi32>
    %or3A_310 = arith.constant 6 : i32
    %or3A_311 = vector.broadcast %or3A_310 : i32 to vector<512x128xi32>
    %or3A_312 = arith.ori %and3A_309, %or3A_311 : vector<512x128xi32>
    %add3A_313 = arith.constant 268435456 : i32
    %add3A_314 = vector.broadcast %add3A_313 : i32 to vector<512x128xi32>
    %add3A_315 = arith.addi %or3A_312, %add3A_314 : vector<512x128xi32>
    %bitcast_convert_type3A_316 = tpu.bitcast %add3A_315 : vector<512x128xi32> -> vector<512x128xf32>
    %max3A_317 = arith.maximumf %min3A_277, %bitcast_convert_type3A_316 : vector<512x128xf32>
    %min3A_318 = arith.minimumf %min3A_277, %bitcast_convert_type3A_316 : vector<512x128xf32>
    %max3A_319 = arith.maximumf %min3A_279, %max3A_317 : vector<512x128xf32>
    %min3A_320 = arith.minimumf %min3A_279, %max3A_317 : vector<512x128xf32>
    %max3A_321 = arith.maximumf %min3A_281, %max3A_319 : vector<512x128xf32>
    %min3A_322 = arith.minimumf %min3A_281, %max3A_319 : vector<512x128xf32>
    %min3A_323 = arith.minimumf %min3A_282, %max3A_321 : vector<512x128xf32>
    %broadcast_in_dim3A_324 = arith.constant 0.000000e+00 : f32
    %broadcast_in_dim3A_325 = vector.broadcast %broadcast_in_dim3A_324 : f32 to vector<512x128xf32>
    %slice3A_326 = vector.extract_strided_slice %get3A_32 {offsets = [0, 0], sizes = [512, 1], strides = [1, 1]} : vector<512x3xf32> to vector<512x1xf32>
    %slice3A_327 = vector.extract_strided_slice %get3A_37 {offsets = [0, 896], sizes = [1, 128], strides = [1, 1]} : vector<3x2048xf32> to vector<1x128xf32>
    %sub3A_328 = vector.broadcast %slice3A_326 : vector<512x1xf32> to vector<512x128xf32>
    %sub3A_329 = vector.broadcast %slice3A_327 : vector<1x128xf32> to vector<512x128xf32>
    %sub3A_330 = arith.subf %sub3A_328, %sub3A_329 : vector<512x128xf32>
    %mul3A_331 = arith.mulf %sub3A_330, %sub3A_330 : vector<512x128xf32>
    %add3A_332 = arith.addf %broadcast_in_dim3A_325, %mul3A_331 : vector<512x128xf32>
    %slice3A_333 = vector.extract_strided_slice %get3A_32 {offsets = [0, 1], sizes = [512, 1], strides = [1, 1]} : vector<512x3xf32> to vector<512x1xf32>
    %slice3A_334 = vector.extract_strided_slice %get3A_37 {offsets = [1, 896], sizes = [1, 128], strides = [1, 1]} : vector<3x2048xf32> to vector<1x128xf32>
    %sub3A_335 = vector.broadcast %slice3A_333 : vector<512x1xf32> to vector<512x128xf32>
    %sub3A_336 = vector.broadcast %slice3A_334 : vector<1x128xf32> to vector<512x128xf32>
    %sub3A_337 = arith.subf %sub3A_335, %sub3A_336 : vector<512x128xf32>
    %mul3A_338 = arith.mulf %sub3A_337, %sub3A_337 : vector<512x128xf32>
    %add3A_339 = arith.addf %add3A_332, %mul3A_338 : vector<512x128xf32>
    %slice3A_340 = vector.extract_strided_slice %get3A_32 {offsets = [0, 2], sizes = [512, 1], strides = [1, 1]} : vector<512x3xf32> to vector<512x1xf32>
    %slice3A_341 = vector.extract_strided_slice %get3A_37 {offsets = [2, 896], sizes = [1, 128], strides = [1, 1]} : vector<3x2048xf32> to vector<1x128xf32>
    %sub3A_342 = vector.broadcast %slice3A_340 : vector<512x1xf32> to vector<512x128xf32>
    %sub3A_343 = vector.broadcast %slice3A_341 : vector<1x128xf32> to vector<512x128xf32>
    %sub3A_344 = arith.subf %sub3A_342, %sub3A_343 : vector<512x128xf32>
    %mul3A_345 = arith.mulf %sub3A_344, %sub3A_344 : vector<512x128xf32>
    %add3A_346 = arith.addf %add3A_339, %mul3A_345 : vector<512x128xf32>
    %bitcast_convert_type3A_347 = tpu.bitcast %add3A_346 : vector<512x128xf32> -> vector<512x128xi32>
    %and3A_348 = arith.constant -16 : i32
    %and3A_349 = vector.broadcast %and3A_348 : i32 to vector<512x128xi32>
    %and3A_350 = arith.andi %bitcast_convert_type3A_347, %and3A_349 : vector<512x128xi32>
    %or3A_351 = arith.constant 7 : i32
    %or3A_352 = vector.broadcast %or3A_351 : i32 to vector<512x128xi32>
    %or3A_353 = arith.ori %and3A_350, %or3A_352 : vector<512x128xi32>
    %add3A_354 = arith.constant 268435456 : i32
    %add3A_355 = vector.broadcast %add3A_354 : i32 to vector<512x128xi32>
    %add3A_356 = arith.addi %or3A_353, %add3A_355 : vector<512x128xi32>
    %bitcast_convert_type3A_357 = tpu.bitcast %add3A_356 : vector<512x128xi32> -> vector<512x128xf32>
    %max3A_358 = arith.maximumf %min3A_318, %bitcast_convert_type3A_357 : vector<512x128xf32>
    %min3A_359 = arith.minimumf %min3A_318, %bitcast_convert_type3A_357 : vector<512x128xf32>
    %max3A_360 = arith.maximumf %min3A_320, %max3A_358 : vector<512x128xf32>
    %min3A_361 = arith.minimumf %min3A_320, %max3A_358 : vector<512x128xf32>
    %max3A_362 = arith.maximumf %min3A_322, %max3A_360 : vector<512x128xf32>
    %min3A_363 = arith.minimumf %min3A_322, %max3A_360 : vector<512x128xf32>
    %min3A_364 = arith.minimumf %min3A_323, %max3A_362 : vector<512x128xf32>
    %broadcast_in_dim3A_365 = arith.constant 0.000000e+00 : f32
    %broadcast_in_dim3A_366 = vector.broadcast %broadcast_in_dim3A_365 : f32 to vector<512x128xf32>
    %slice3A_367 = vector.extract_strided_slice %get3A_32 {offsets = [0, 0], sizes = [512, 1], strides = [1, 1]} : vector<512x3xf32> to vector<512x1xf32>
    %slice3A_368 = vector.extract_strided_slice %get3A_37 {offsets = [0, 1024], sizes = [1, 128], strides = [1, 1]} : vector<3x2048xf32> to vector<1x128xf32>
    %sub3A_369 = vector.broadcast %slice3A_367 : vector<512x1xf32> to vector<512x128xf32>
    %sub3A_370 = vector.broadcast %slice3A_368 : vector<1x128xf32> to vector<512x128xf32>
    %sub3A_371 = arith.subf %sub3A_369, %sub3A_370 : vector<512x128xf32>
    %mul3A_372 = arith.mulf %sub3A_371, %sub3A_371 : vector<512x128xf32>
    %add3A_373 = arith.addf %broadcast_in_dim3A_366, %mul3A_372 : vector<512x128xf32>
    %slice3A_374 = vector.extract_strided_slice %get3A_32 {offsets = [0, 1], sizes = [512, 1], strides = [1, 1]} : vector<512x3xf32> to vector<512x1xf32>
    %slice3A_375 = vector.extract_strided_slice %get3A_37 {offsets = [1, 1024], sizes = [1, 128], strides = [1, 1]} : vector<3x2048xf32> to vector<1x128xf32>
    %sub3A_376 = vector.broadcast %slice3A_374 : vector<512x1xf32> to vector<512x128xf32>
    %sub3A_377 = vector.broadcast %slice3A_375 : vector<1x128xf32> to vector<512x128xf32>
    %sub3A_378 = arith.subf %sub3A_376, %sub3A_377 : vector<512x128xf32>
    %mul3A_379 = arith.mulf %sub3A_378, %sub3A_378 : vector<512x128xf32>
    %add3A_380 = arith.addf %add3A_373, %mul3A_379 : vector<512x128xf32>
    %slice3A_381 = vector.extract_strided_slice %get3A_32 {offsets = [0, 2], sizes = [512, 1], strides = [1, 1]} : vector<512x3xf32> to vector<512x1xf32>
    %slice3A_382 = vector.extract_strided_slice %get3A_37 {offsets = [2, 1024], sizes = [1, 128], strides = [1, 1]} : vector<3x2048xf32> to vector<1x128xf32>
    %sub3A_383 = vector.broadcast %slice3A_381 : vector<512x1xf32> to vector<512x128xf32>
    %sub3A_384 = vector.broadcast %slice3A_382 : vector<1x128xf32> to vector<512x128xf32>
    %sub3A_385 = arith.subf %sub3A_383, %sub3A_384 : vector<512x128xf32>
    %mul3A_386 = arith.mulf %sub3A_385, %sub3A_385 : vector<512x128xf32>
    %add3A_387 = arith.addf %add3A_380, %mul3A_386 : vector<512x128xf32>
    %bitcast_convert_type3A_388 = tpu.bitcast %add3A_387 : vector<512x128xf32> -> vector<512x128xi32>
    %and3A_389 = arith.constant -16 : i32
    %and3A_390 = vector.broadcast %and3A_389 : i32 to vector<512x128xi32>
    %and3A_391 = arith.andi %bitcast_convert_type3A_388, %and3A_390 : vector<512x128xi32>
    %or3A_392 = arith.constant 8 : i32
    %or3A_393 = vector.broadcast %or3A_392 : i32 to vector<512x128xi32>
    %or3A_394 = arith.ori %and3A_391, %or3A_393 : vector<512x128xi32>
    %add3A_395 = arith.constant 268435456 : i32
    %add3A_396 = vector.broadcast %add3A_395 : i32 to vector<512x128xi32>
    %add3A_397 = arith.addi %or3A_394, %add3A_396 : vector<512x128xi32>
    %bitcast_convert_type3A_398 = tpu.bitcast %add3A_397 : vector<512x128xi32> -> vector<512x128xf32>
    %max3A_399 = arith.maximumf %min3A_359, %bitcast_convert_type3A_398 : vector<512x128xf32>
    %min3A_400 = arith.minimumf %min3A_359, %bitcast_convert_type3A_398 : vector<512x128xf32>
    %max3A_401 = arith.maximumf %min3A_361, %max3A_399 : vector<512x128xf32>
    %min3A_402 = arith.minimumf %min3A_361, %max3A_399 : vector<512x128xf32>
    %max3A_403 = arith.maximumf %min3A_363, %max3A_401 : vector<512x128xf32>
    %min3A_404 = arith.minimumf %min3A_363, %max3A_401 : vector<512x128xf32>
    %min3A_405 = arith.minimumf %min3A_364, %max3A_403 : vector<512x128xf32>
    %broadcast_in_dim3A_406 = arith.constant 0.000000e+00 : f32
    %broadcast_in_dim3A_407 = vector.broadcast %broadcast_in_dim3A_406 : f32 to vector<512x128xf32>
    %slice3A_408 = vector.extract_strided_slice %get3A_32 {offsets = [0, 0], sizes = [512, 1], strides = [1, 1]} : vector<512x3xf32> to vector<512x1xf32>
    %slice3A_409 = vector.extract_strided_slice %get3A_37 {offsets = [0, 1152], sizes = [1, 128], strides = [1, 1]} : vector<3x2048xf32> to vector<1x128xf32>
    %sub3A_410 = vector.broadcast %slice3A_408 : vector<512x1xf32> to vector<512x128xf32>
    %sub3A_411 = vector.broadcast %slice3A_409 : vector<1x128xf32> to vector<512x128xf32>
    %sub3A_412 = arith.subf %sub3A_410, %sub3A_411 : vector<512x128xf32>
    %mul3A_413 = arith.mulf %sub3A_412, %sub3A_412 : vector<512x128xf32>
    %add3A_414 = arith.addf %broadcast_in_dim3A_407, %mul3A_413 : vector<512x128xf32>
    %slice3A_415 = vector.extract_strided_slice %get3A_32 {offsets = [0, 1], sizes = [512, 1], strides = [1, 1]} : vector<512x3xf32> to vector<512x1xf32>
    %slice3A_416 = vector.extract_strided_slice %get3A_37 {offsets = [1, 1152], sizes = [1, 128], strides = [1, 1]} : vector<3x2048xf32> to vector<1x128xf32>
    %sub3A_417 = vector.broadcast %slice3A_415 : vector<512x1xf32> to vector<512x128xf32>
    %sub3A_418 = vector.broadcast %slice3A_416 : vector<1x128xf32> to vector<512x128xf32>
    %sub3A_419 = arith.subf %sub3A_417, %sub3A_418 : vector<512x128xf32>
    %mul3A_420 = arith.mulf %sub3A_419, %sub3A_419 : vector<512x128xf32>
    %add3A_421 = arith.addf %add3A_414, %mul3A_420 : vector<512x128xf32>
    %slice3A_422 = vector.extract_strided_slice %get3A_32 {offsets = [0, 2], sizes = [512, 1], strides = [1, 1]} : vector<512x3xf32> to vector<512x1xf32>
    %slice3A_423 = vector.extract_strided_slice %get3A_37 {offsets = [2, 1152], sizes = [1, 128], strides = [1, 1]} : vector<3x2048xf32> to vector<1x128xf32>
    %sub3A_424 = vector.broadcast %slice3A_422 : vector<512x1xf32> to vector<512x128xf32>
    %sub3A_425 = vector.broadcast %slice3A_423 : vector<1x128xf32> to vector<512x128xf32>
    %sub3A_426 = arith.subf %sub3A_424, %sub3A_425 : vector<512x128xf32>
    %mul3A_427 = arith.mulf %sub3A_426, %sub3A_426 : vector<512x128xf32>
    %add3A_428 = arith.addf %add3A_421, %mul3A_427 : vector<512x128xf32>
    %bitcast_convert_type3A_429 = tpu.bitcast %add3A_428 : vector<512x128xf32> -> vector<512x128xi32>
    %and3A_430 = arith.constant -16 : i32
    %and3A_431 = vector.broadcast %and3A_430 : i32 to vector<512x128xi32>
    %and3A_432 = arith.andi %bitcast_convert_type3A_429, %and3A_431 : vector<512x128xi32>
    %or3A_433 = arith.constant 9 : i32
    %or3A_434 = vector.broadcast %or3A_433 : i32 to vector<512x128xi32>
    %or3A_435 = arith.ori %and3A_432, %or3A_434 : vector<512x128xi32>
    %add3A_436 = arith.constant 268435456 : i32
    %add3A_437 = vector.broadcast %add3A_436 : i32 to vector<512x128xi32>
    %add3A_438 = arith.addi %or3A_435, %add3A_437 : vector<512x128xi32>
    %bitcast_convert_type3A_439 = tpu.bitcast %add3A_438 : vector<512x128xi32> -> vector<512x128xf32>
    %max3A_440 = arith.maximumf %min3A_400, %bitcast_convert_type3A_439 : vector<512x128xf32>
    %min3A_441 = arith.minimumf %min3A_400, %bitcast_convert_type3A_439 : vector<512x128xf32>
    %max3A_442 = arith.maximumf %min3A_402, %max3A_440 : vector<512x128xf32>
    %min3A_443 = arith.minimumf %min3A_402, %max3A_440 : vector<512x128xf32>
    %max3A_444 = arith.maximumf %min3A_404, %max3A_442 : vector<512x128xf32>
    %min3A_445 = arith.minimumf %min3A_404, %max3A_442 : vector<512x128xf32>
    %min3A_446 = arith.minimumf %min3A_405, %max3A_444 : vector<512x128xf32>
    %broadcast_in_dim3A_447 = arith.constant 0.000000e+00 : f32
    %broadcast_in_dim3A_448 = vector.broadcast %broadcast_in_dim3A_447 : f32 to vector<512x128xf32>
    %slice3A_449 = vector.extract_strided_slice %get3A_32 {offsets = [0, 0], sizes = [512, 1], strides = [1, 1]} : vector<512x3xf32> to vector<512x1xf32>
    %slice3A_450 = vector.extract_strided_slice %get3A_37 {offsets = [0, 1280], sizes = [1, 128], strides = [1, 1]} : vector<3x2048xf32> to vector<1x128xf32>
    %sub3A_451 = vector.broadcast %slice3A_449 : vector<512x1xf32> to vector<512x128xf32>
    %sub3A_452 = vector.broadcast %slice3A_450 : vector<1x128xf32> to vector<512x128xf32>
    %sub3A_453 = arith.subf %sub3A_451, %sub3A_452 : vector<512x128xf32>
    %mul3A_454 = arith.mulf %sub3A_453, %sub3A_453 : vector<512x128xf32>
    %add3A_455 = arith.addf %broadcast_in_dim3A_448, %mul3A_454 : vector<512x128xf32>
    %slice3A_456 = vector.extract_strided_slice %get3A_32 {offsets = [0, 1], sizes = [512, 1], strides = [1, 1]} : vector<512x3xf32> to vector<512x1xf32>
    %slice3A_457 = vector.extract_strided_slice %get3A_37 {offsets = [1, 1280], sizes = [1, 128], strides = [1, 1]} : vector<3x2048xf32> to vector<1x128xf32>
    %sub3A_458 = vector.broadcast %slice3A_456 : vector<512x1xf32> to vector<512x128xf32>
    %sub3A_459 = vector.broadcast %slice3A_457 : vector<1x128xf32> to vector<512x128xf32>
    %sub3A_460 = arith.subf %sub3A_458, %sub3A_459 : vector<512x128xf32>
    %mul3A_461 = arith.mulf %sub3A_460, %sub3A_460 : vector<512x128xf32>
    %add3A_462 = arith.addf %add3A_455, %mul3A_461 : vector<512x128xf32>
    %slice3A_463 = vector.extract_strided_slice %get3A_32 {offsets = [0, 2], sizes = [512, 1], strides = [1, 1]} : vector<512x3xf32> to vector<512x1xf32>
    %slice3A_464 = vector.extract_strided_slice %get3A_37 {offsets = [2, 1280], sizes = [1, 128], strides = [1, 1]} : vector<3x2048xf32> to vector<1x128xf32>
    %sub3A_465 = vector.broadcast %slice3A_463 : vector<512x1xf32> to vector<512x128xf32>
    %sub3A_466 = vector.broadcast %slice3A_464 : vector<1x128xf32> to vector<512x128xf32>
    %sub3A_467 = arith.subf %sub3A_465, %sub3A_466 : vector<512x128xf32>
    %mul3A_468 = arith.mulf %sub3A_467, %sub3A_467 : vector<512x128xf32>
    %add3A_469 = arith.addf %add3A_462, %mul3A_468 : vector<512x128xf32>
    %bitcast_convert_type3A_470 = tpu.bitcast %add3A_469 : vector<512x128xf32> -> vector<512x128xi32>
    %and3A_471 = arith.constant -16 : i32
    %and3A_472 = vector.broadcast %and3A_471 : i32 to vector<512x128xi32>
    %and3A_473 = arith.andi %bitcast_convert_type3A_470, %and3A_472 : vector<512x128xi32>
    %or3A_474 = arith.constant 10 : i32
    %or3A_475 = vector.broadcast %or3A_474 : i32 to vector<512x128xi32>
    %or3A_476 = arith.ori %and3A_473, %or3A_475 : vector<512x128xi32>
    %add3A_477 = arith.constant 268435456 : i32
    %add3A_478 = vector.broadcast %add3A_477 : i32 to vector<512x128xi32>
    %add3A_479 = arith.addi %or3A_476, %add3A_478 : vector<512x128xi32>
    %bitcast_convert_type3A_480 = tpu.bitcast %add3A_479 : vector<512x128xi32> -> vector<512x128xf32>
    %max3A_481 = arith.maximumf %min3A_441, %bitcast_convert_type3A_480 : vector<512x128xf32>
    %min3A_482 = arith.minimumf %min3A_441, %bitcast_convert_type3A_480 : vector<512x128xf32>
    %max3A_483 = arith.maximumf %min3A_443, %max3A_481 : vector<512x128xf32>
    %min3A_484 = arith.minimumf %min3A_443, %max3A_481 : vector<512x128xf32>
    %max3A_485 = arith.maximumf %min3A_445, %max3A_483 : vector<512x128xf32>
    %min3A_486 = arith.minimumf %min3A_445, %max3A_483 : vector<512x128xf32>
    %min3A_487 = arith.minimumf %min3A_446, %max3A_485 : vector<512x128xf32>
    %broadcast_in_dim3A_488 = arith.constant 0.000000e+00 : f32
    %broadcast_in_dim3A_489 = vector.broadcast %broadcast_in_dim3A_488 : f32 to vector<512x128xf32>
    %slice3A_490 = vector.extract_strided_slice %get3A_32 {offsets = [0, 0], sizes = [512, 1], strides = [1, 1]} : vector<512x3xf32> to vector<512x1xf32>
    %slice3A_491 = vector.extract_strided_slice %get3A_37 {offsets = [0, 1408], sizes = [1, 128], strides = [1, 1]} : vector<3x2048xf32> to vector<1x128xf32>
    %sub3A_492 = vector.broadcast %slice3A_490 : vector<512x1xf32> to vector<512x128xf32>
    %sub3A_493 = vector.broadcast %slice3A_491 : vector<1x128xf32> to vector<512x128xf32>
    %sub3A_494 = arith.subf %sub3A_492, %sub3A_493 : vector<512x128xf32>
    %mul3A_495 = arith.mulf %sub3A_494, %sub3A_494 : vector<512x128xf32>
    %add3A_496 = arith.addf %broadcast_in_dim3A_489, %mul3A_495 : vector<512x128xf32>
    %slice3A_497 = vector.extract_strided_slice %get3A_32 {offsets = [0, 1], sizes = [512, 1], strides = [1, 1]} : vector<512x3xf32> to vector<512x1xf32>
    %slice3A_498 = vector.extract_strided_slice %get3A_37 {offsets = [1, 1408], sizes = [1, 128], strides = [1, 1]} : vector<3x2048xf32> to vector<1x128xf32>
    %sub3A_499 = vector.broadcast %slice3A_497 : vector<512x1xf32> to vector<512x128xf32>
    %sub3A_500 = vector.broadcast %slice3A_498 : vector<1x128xf32> to vector<512x128xf32>
    %sub3A_501 = arith.subf %sub3A_499, %sub3A_500 : vector<512x128xf32>
    %mul3A_502 = arith.mulf %sub3A_501, %sub3A_501 : vector<512x128xf32>
    %add3A_503 = arith.addf %add3A_496, %mul3A_502 : vector<512x128xf32>
    %slice3A_504 = vector.extract_strided_slice %get3A_32 {offsets = [0, 2], sizes = [512, 1], strides = [1, 1]} : vector<512x3xf32> to vector<512x1xf32>
    %slice3A_505 = vector.extract_strided_slice %get3A_37 {offsets = [2, 1408], sizes = [1, 128], strides = [1, 1]} : vector<3x2048xf32> to vector<1x128xf32>
    %sub3A_506 = vector.broadcast %slice3A_504 : vector<512x1xf32> to vector<512x128xf32>
    %sub3A_507 = vector.broadcast %slice3A_505 : vector<1x128xf32> to vector<512x128xf32>
    %sub3A_508 = arith.subf %sub3A_506, %sub3A_507 : vector<512x128xf32>
    %mul3A_509 = arith.mulf %sub3A_508, %sub3A_508 : vector<512x128xf32>
    %add3A_510 = arith.addf %add3A_503, %mul3A_509 : vector<512x128xf32>
    %bitcast_convert_type3A_511 = tpu.bitcast %add3A_510 : vector<512x128xf32> -> vector<512x128xi32>
    %and3A_512 = arith.constant -16 : i32
    %and3A_513 = vector.broadcast %and3A_512 : i32 to vector<512x128xi32>
    %and3A_514 = arith.andi %bitcast_convert_type3A_511, %and3A_513 : vector<512x128xi32>
    %or3A_515 = arith.constant 11 : i32
    %or3A_516 = vector.broadcast %or3A_515 : i32 to vector<512x128xi32>
    %or3A_517 = arith.ori %and3A_514, %or3A_516 : vector<512x128xi32>
    %add3A_518 = arith.constant 268435456 : i32
    %add3A_519 = vector.broadcast %add3A_518 : i32 to vector<512x128xi32>
    %add3A_520 = arith.addi %or3A_517, %add3A_519 : vector<512x128xi32>
    %bitcast_convert_type3A_521 = tpu.bitcast %add3A_520 : vector<512x128xi32> -> vector<512x128xf32>
    %max3A_522 = arith.maximumf %min3A_482, %bitcast_convert_type3A_521 : vector<512x128xf32>
    %min3A_523 = arith.minimumf %min3A_482, %bitcast_convert_type3A_521 : vector<512x128xf32>
    %max3A_524 = arith.maximumf %min3A_484, %max3A_522 : vector<512x128xf32>
    %min3A_525 = arith.minimumf %min3A_484, %max3A_522 : vector<512x128xf32>
    %max3A_526 = arith.maximumf %min3A_486, %max3A_524 : vector<512x128xf32>
    %min3A_527 = arith.minimumf %min3A_486, %max3A_524 : vector<512x128xf32>
    %min3A_528 = arith.minimumf %min3A_487, %max3A_526 : vector<512x128xf32>
    %broadcast_in_dim3A_529 = arith.constant 0.000000e+00 : f32
    %broadcast_in_dim3A_530 = vector.broadcast %broadcast_in_dim3A_529 : f32 to vector<512x128xf32>
    %slice3A_531 = vector.extract_strided_slice %get3A_32 {offsets = [0, 0], sizes = [512, 1], strides = [1, 1]} : vector<512x3xf32> to vector<512x1xf32>
    %slice3A_532 = vector.extract_strided_slice %get3A_37 {offsets = [0, 1536], sizes = [1, 128], strides = [1, 1]} : vector<3x2048xf32> to vector<1x128xf32>
    %sub3A_533 = vector.broadcast %slice3A_531 : vector<512x1xf32> to vector<512x128xf32>
    %sub3A_534 = vector.broadcast %slice3A_532 : vector<1x128xf32> to vector<512x128xf32>
    %sub3A_535 = arith.subf %sub3A_533, %sub3A_534 : vector<512x128xf32>
    %mul3A_536 = arith.mulf %sub3A_535, %sub3A_535 : vector<512x128xf32>
    %add3A_537 = arith.addf %broadcast_in_dim3A_530, %mul3A_536 : vector<512x128xf32>
    %slice3A_538 = vector.extract_strided_slice %get3A_32 {offsets = [0, 1], sizes = [512, 1], strides = [1, 1]} : vector<512x3xf32> to vector<512x1xf32>
    %slice3A_539 = vector.extract_strided_slice %get3A_37 {offsets = [1, 1536], sizes = [1, 128], strides = [1, 1]} : vector<3x2048xf32> to vector<1x128xf32>
    %sub3A_540 = vector.broadcast %slice3A_538 : vector<512x1xf32> to vector<512x128xf32>
    %sub3A_541 = vector.broadcast %slice3A_539 : vector<1x128xf32> to vector<512x128xf32>
    %sub3A_542 = arith.subf %sub3A_540, %sub3A_541 : vector<512x128xf32>
    %mul3A_543 = arith.mulf %sub3A_542, %sub3A_542 : vector<512x128xf32>
    %add3A_544 = arith.addf %add3A_537, %mul3A_543 : vector<512x128xf32>
    %slice3A_545 = vector.extract_strided_slice %get3A_32 {offsets = [0, 2], sizes = [512, 1], strides = [1, 1]} : vector<512x3xf32> to vector<512x1xf32>
    %slice3A_546 = vector.extract_strided_slice %get3A_37 {offsets = [2, 1536], sizes = [1, 128], strides = [1, 1]} : vector<3x2048xf32> to vector<1x128xf32>
    %sub3A_547 = vector.broadcast %slice3A_545 : vector<512x1xf32> to vector<512x128xf32>
    %sub3A_548 = vector.broadcast %slice3A_546 : vector<1x128xf32> to vector<512x128xf32>
    %sub3A_549 = arith.subf %sub3A_547, %sub3A_548 : vector<512x128xf32>
    %mul3A_550 = arith.mulf %sub3A_549, %sub3A_549 : vector<512x128xf32>
    %add3A_551 = arith.addf %add3A_544, %mul3A_550 : vector<512x128xf32>
    %bitcast_convert_type3A_552 = tpu.bitcast %add3A_551 : vector<512x128xf32> -> vector<512x128xi32>
    %and3A_553 = arith.constant -16 : i32
    %and3A_554 = vector.broadcast %and3A_553 : i32 to vector<512x128xi32>
    %and3A_555 = arith.andi %bitcast_convert_type3A_552, %and3A_554 : vector<512x128xi32>
    %or3A_556 = arith.constant 12 : i32
    %or3A_557 = vector.broadcast %or3A_556 : i32 to vector<512x128xi32>
    %or3A_558 = arith.ori %and3A_555, %or3A_557 : vector<512x128xi32>
    %add3A_559 = arith.constant 268435456 : i32
    %add3A_560 = vector.broadcast %add3A_559 : i32 to vector<512x128xi32>
    %add3A_561 = arith.addi %or3A_558, %add3A_560 : vector<512x128xi32>
    %bitcast_convert_type3A_562 = tpu.bitcast %add3A_561 : vector<512x128xi32> -> vector<512x128xf32>
    %max3A_563 = arith.maximumf %min3A_523, %bitcast_convert_type3A_562 : vector<512x128xf32>
    %min3A_564 = arith.minimumf %min3A_523, %bitcast_convert_type3A_562 : vector<512x128xf32>
    %max3A_565 = arith.maximumf %min3A_525, %max3A_563 : vector<512x128xf32>
    %min3A_566 = arith.minimumf %min3A_525, %max3A_563 : vector<512x128xf32>
    %max3A_567 = arith.maximumf %min3A_527, %max3A_565 : vector<512x128xf32>
    %min3A_568 = arith.minimumf %min3A_527, %max3A_565 : vector<512x128xf32>
    %min3A_569 = arith.minimumf %min3A_528, %max3A_567 : vector<512x128xf32>
    %broadcast_in_dim3A_570 = arith.constant 0.000000e+00 : f32
    %broadcast_in_dim3A_571 = vector.broadcast %broadcast_in_dim3A_570 : f32 to vector<512x128xf32>
    %slice3A_572 = vector.extract_strided_slice %get3A_32 {offsets = [0, 0], sizes = [512, 1], strides = [1, 1]} : vector<512x3xf32> to vector<512x1xf32>
    %slice3A_573 = vector.extract_strided_slice %get3A_37 {offsets = [0, 1664], sizes = [1, 128], strides = [1, 1]} : vector<3x2048xf32> to vector<1x128xf32>
    %sub3A_574 = vector.broadcast %slice3A_572 : vector<512x1xf32> to vector<512x128xf32>
    %sub3A_575 = vector.broadcast %slice3A_573 : vector<1x128xf32> to vector<512x128xf32>
    %sub3A_576 = arith.subf %sub3A_574, %sub3A_575 : vector<512x128xf32>
    %mul3A_577 = arith.mulf %sub3A_576, %sub3A_576 : vector<512x128xf32>
    %add3A_578 = arith.addf %broadcast_in_dim3A_571, %mul3A_577 : vector<512x128xf32>
    %slice3A_579 = vector.extract_strided_slice %get3A_32 {offsets = [0, 1], sizes = [512, 1], strides = [1, 1]} : vector<512x3xf32> to vector<512x1xf32>
    %slice3A_580 = vector.extract_strided_slice %get3A_37 {offsets = [1, 1664], sizes = [1, 128], strides = [1, 1]} : vector<3x2048xf32> to vector<1x128xf32>
    %sub3A_581 = vector.broadcast %slice3A_579 : vector<512x1xf32> to vector<512x128xf32>
    %sub3A_582 = vector.broadcast %slice3A_580 : vector<1x128xf32> to vector<512x128xf32>
    %sub3A_583 = arith.subf %sub3A_581, %sub3A_582 : vector<512x128xf32>
    %mul3A_584 = arith.mulf %sub3A_583, %sub3A_583 : vector<512x128xf32>
    %add3A_585 = arith.addf %add3A_578, %mul3A_584 : vector<512x128xf32>
    %slice3A_586 = vector.extract_strided_slice %get3A_32 {offsets = [0, 2], sizes = [512, 1], strides = [1, 1]} : vector<512x3xf32> to vector<512x1xf32>
    %slice3A_587 = vector.extract_strided_slice %get3A_37 {offsets = [2, 1664], sizes = [1, 128], strides = [1, 1]} : vector<3x2048xf32> to vector<1x128xf32>
    %sub3A_588 = vector.broadcast %slice3A_586 : vector<512x1xf32> to vector<512x128xf32>
    %sub3A_589 = vector.broadcast %slice3A_587 : vector<1x128xf32> to vector<512x128xf32>
    %sub3A_590 = arith.subf %sub3A_588, %sub3A_589 : vector<512x128xf32>
    %mul3A_591 = arith.mulf %sub3A_590, %sub3A_590 : vector<512x128xf32>
    %add3A_592 = arith.addf %add3A_585, %mul3A_591 : vector<512x128xf32>
    %bitcast_convert_type3A_593 = tpu.bitcast %add3A_592 : vector<512x128xf32> -> vector<512x128xi32>
    %and3A_594 = arith.constant -16 : i32
    %and3A_595 = vector.broadcast %and3A_594 : i32 to vector<512x128xi32>
    %and3A_596 = arith.andi %bitcast_convert_type3A_593, %and3A_595 : vector<512x128xi32>
    %or3A_597 = arith.constant 13 : i32
    %or3A_598 = vector.broadcast %or3A_597 : i32 to vector<512x128xi32>
    %or3A_599 = arith.ori %and3A_596, %or3A_598 : vector<512x128xi32>
    %add3A_600 = arith.constant 268435456 : i32
    %add3A_601 = vector.broadcast %add3A_600 : i32 to vector<512x128xi32>
    %add3A_602 = arith.addi %or3A_599, %add3A_601 : vector<512x128xi32>
    %bitcast_convert_type3A_603 = tpu.bitcast %add3A_602 : vector<512x128xi32> -> vector<512x128xf32>
    %max3A_604 = arith.maximumf %min3A_564, %bitcast_convert_type3A_603 : vector<512x128xf32>
    %min3A_605 = arith.minimumf %min3A_564, %bitcast_convert_type3A_603 : vector<512x128xf32>
    %max3A_606 = arith.maximumf %min3A_566, %max3A_604 : vector<512x128xf32>
    %min3A_607 = arith.minimumf %min3A_566, %max3A_604 : vector<512x128xf32>
    %max3A_608 = arith.maximumf %min3A_568, %max3A_606 : vector<512x128xf32>
    %min3A_609 = arith.minimumf %min3A_568, %max3A_606 : vector<512x128xf32>
    %min3A_610 = arith.minimumf %min3A_569, %max3A_608 : vector<512x128xf32>
    %broadcast_in_dim3A_611 = arith.constant 0.000000e+00 : f32
    %broadcast_in_dim3A_612 = vector.broadcast %broadcast_in_dim3A_611 : f32 to vector<512x128xf32>
    %slice3A_613 = vector.extract_strided_slice %get3A_32 {offsets = [0, 0], sizes = [512, 1], strides = [1, 1]} : vector<512x3xf32> to vector<512x1xf32>
    %slice3A_614 = vector.extract_strided_slice %get3A_37 {offsets = [0, 1792], sizes = [1, 128], strides = [1, 1]} : vector<3x2048xf32> to vector<1x128xf32>
    %sub3A_615 = vector.broadcast %slice3A_613 : vector<512x1xf32> to vector<512x128xf32>
    %sub3A_616 = vector.broadcast %slice3A_614 : vector<1x128xf32> to vector<512x128xf32>
    %sub3A_617 = arith.subf %sub3A_615, %sub3A_616 : vector<512x128xf32>
    %mul3A_618 = arith.mulf %sub3A_617, %sub3A_617 : vector<512x128xf32>
    %add3A_619 = arith.addf %broadcast_in_dim3A_612, %mul3A_618 : vector<512x128xf32>
    %slice3A_620 = vector.extract_strided_slice %get3A_32 {offsets = [0, 1], sizes = [512, 1], strides = [1, 1]} : vector<512x3xf32> to vector<512x1xf32>
    %slice3A_621 = vector.extract_strided_slice %get3A_37 {offsets = [1, 1792], sizes = [1, 128], strides = [1, 1]} : vector<3x2048xf32> to vector<1x128xf32>
    %sub3A_622 = vector.broadcast %slice3A_620 : vector<512x1xf32> to vector<512x128xf32>
    %sub3A_623 = vector.broadcast %slice3A_621 : vector<1x128xf32> to vector<512x128xf32>
    %sub3A_624 = arith.subf %sub3A_622, %sub3A_623 : vector<512x128xf32>
    %mul3A_625 = arith.mulf %sub3A_624, %sub3A_624 : vector<512x128xf32>
    %add3A_626 = arith.addf %add3A_619, %mul3A_625 : vector<512x128xf32>
    %slice3A_627 = vector.extract_strided_slice %get3A_32 {offsets = [0, 2], sizes = [512, 1], strides = [1, 1]} : vector<512x3xf32> to vector<512x1xf32>
    %slice3A_628 = vector.extract_strided_slice %get3A_37 {offsets = [2, 1792], sizes = [1, 128], strides = [1, 1]} : vector<3x2048xf32> to vector<1x128xf32>
    %sub3A_629 = vector.broadcast %slice3A_627 : vector<512x1xf32> to vector<512x128xf32>
    %sub3A_630 = vector.broadcast %slice3A_628 : vector<1x128xf32> to vector<512x128xf32>
    %sub3A_631 = arith.subf %sub3A_629, %sub3A_630 : vector<512x128xf32>
    %mul3A_632 = arith.mulf %sub3A_631, %sub3A_631 : vector<512x128xf32>
    %add3A_633 = arith.addf %add3A_626, %mul3A_632 : vector<512x128xf32>
    %bitcast_convert_type3A_634 = tpu.bitcast %add3A_633 : vector<512x128xf32> -> vector<512x128xi32>
    %and3A_635 = arith.constant -16 : i32
    %and3A_636 = vector.broadcast %and3A_635 : i32 to vector<512x128xi32>
    %and3A_637 = arith.andi %bitcast_convert_type3A_634, %and3A_636 : vector<512x128xi32>
    %or3A_638 = arith.constant 14 : i32
    %or3A_639 = vector.broadcast %or3A_638 : i32 to vector<512x128xi32>
    %or3A_640 = arith.ori %and3A_637, %or3A_639 : vector<512x128xi32>
    %add3A_641 = arith.constant 268435456 : i32
    %add3A_642 = vector.broadcast %add3A_641 : i32 to vector<512x128xi32>
    %add3A_643 = arith.addi %or3A_640, %add3A_642 : vector<512x128xi32>
    %bitcast_convert_type3A_644 = tpu.bitcast %add3A_643 : vector<512x128xi32> -> vector<512x128xf32>
    %max3A_645 = arith.maximumf %min3A_605, %bitcast_convert_type3A_644 : vector<512x128xf32>
    %min3A_646 = arith.minimumf %min3A_605, %bitcast_convert_type3A_644 : vector<512x128xf32>
    %max3A_647 = arith.maximumf %min3A_607, %max3A_645 : vector<512x128xf32>
    %min3A_648 = arith.minimumf %min3A_607, %max3A_645 : vector<512x128xf32>
    %max3A_649 = arith.maximumf %min3A_609, %max3A_647 : vector<512x128xf32>
    %min3A_650 = arith.minimumf %min3A_609, %max3A_647 : vector<512x128xf32>
    %min3A_651 = arith.minimumf %min3A_610, %max3A_649 : vector<512x128xf32>
    %broadcast_in_dim3A_652 = arith.constant 0.000000e+00 : f32
    %broadcast_in_dim3A_653 = vector.broadcast %broadcast_in_dim3A_652 : f32 to vector<512x128xf32>
    %slice3A_654 = vector.extract_strided_slice %get3A_32 {offsets = [0, 0], sizes = [512, 1], strides = [1, 1]} : vector<512x3xf32> to vector<512x1xf32>
    %slice3A_655 = vector.extract_strided_slice %get3A_37 {offsets = [0, 1920], sizes = [1, 128], strides = [1, 1]} : vector<3x2048xf32> to vector<1x128xf32>
    %sub3A_656 = vector.broadcast %slice3A_654 : vector<512x1xf32> to vector<512x128xf32>
    %sub3A_657 = vector.broadcast %slice3A_655 : vector<1x128xf32> to vector<512x128xf32>
    %sub3A_658 = arith.subf %sub3A_656, %sub3A_657 : vector<512x128xf32>
    %mul3A_659 = arith.mulf %sub3A_658, %sub3A_658 : vector<512x128xf32>
    %add3A_660 = arith.addf %broadcast_in_dim3A_653, %mul3A_659 : vector<512x128xf32>
    %slice3A_661 = vector.extract_strided_slice %get3A_32 {offsets = [0, 1], sizes = [512, 1], strides = [1, 1]} : vector<512x3xf32> to vector<512x1xf32>
    %slice3A_662 = vector.extract_strided_slice %get3A_37 {offsets = [1, 1920], sizes = [1, 128], strides = [1, 1]} : vector<3x2048xf32> to vector<1x128xf32>
    %sub3A_663 = vector.broadcast %slice3A_661 : vector<512x1xf32> to vector<512x128xf32>
    %sub3A_664 = vector.broadcast %slice3A_662 : vector<1x128xf32> to vector<512x128xf32>
    %sub3A_665 = arith.subf %sub3A_663, %sub3A_664 : vector<512x128xf32>
    %mul3A_666 = arith.mulf %sub3A_665, %sub3A_665 : vector<512x128xf32>
    %add3A_667 = arith.addf %add3A_660, %mul3A_666 : vector<512x128xf32>
    %slice3A_668 = vector.extract_strided_slice %get3A_32 {offsets = [0, 2], sizes = [512, 1], strides = [1, 1]} : vector<512x3xf32> to vector<512x1xf32>
    %slice3A_669 = vector.extract_strided_slice %get3A_37 {offsets = [2, 1920], sizes = [1, 128], strides = [1, 1]} : vector<3x2048xf32> to vector<1x128xf32>
    %sub3A_670 = vector.broadcast %slice3A_668 : vector<512x1xf32> to vector<512x128xf32>
    %sub3A_671 = vector.broadcast %slice3A_669 : vector<1x128xf32> to vector<512x128xf32>
    %sub3A_672 = arith.subf %sub3A_670, %sub3A_671 : vector<512x128xf32>
    %mul3A_673 = arith.mulf %sub3A_672, %sub3A_672 : vector<512x128xf32>
    %add3A_674 = arith.addf %add3A_667, %mul3A_673 : vector<512x128xf32>
    %bitcast_convert_type3A_675 = tpu.bitcast %add3A_674 : vector<512x128xf32> -> vector<512x128xi32>
    %and3A_676 = arith.constant -16 : i32
    %and3A_677 = vector.broadcast %and3A_676 : i32 to vector<512x128xi32>
    %and3A_678 = arith.andi %bitcast_convert_type3A_675, %and3A_677 : vector<512x128xi32>
    %or3A_679 = arith.constant 15 : i32
    %or3A_680 = vector.broadcast %or3A_679 : i32 to vector<512x128xi32>
    %or3A_681 = arith.ori %and3A_678, %or3A_680 : vector<512x128xi32>
    %add3A_682 = arith.constant 268435456 : i32
    %add3A_683 = vector.broadcast %add3A_682 : i32 to vector<512x128xi32>
    %add3A_684 = arith.addi %or3A_681, %add3A_683 : vector<512x128xi32>
    %bitcast_convert_type3A_685 = tpu.bitcast %add3A_684 : vector<512x128xi32> -> vector<512x128xf32>
    %max3A_686 = arith.maximumf %min3A_646, %bitcast_convert_type3A_685 : vector<512x128xf32>
    %min3A_687 = arith.minimumf %min3A_646, %bitcast_convert_type3A_685 : vector<512x128xf32>
    %max3A_688 = arith.maximumf %min3A_648, %max3A_686 : vector<512x128xf32>
    %min3A_689 = arith.minimumf %min3A_648, %max3A_686 : vector<512x128xf32>
    %max3A_690 = arith.maximumf %min3A_650, %max3A_688 : vector<512x128xf32>
    %min3A_691 = arith.minimumf %min3A_650, %max3A_688 : vector<512x128xf32>
    %min3A_692 = arith.minimumf %min3A_651, %max3A_690 : vector<512x128xf32>
    %iota3A = tpu.iota {dimensions = array<i32: 1>} : vector<512x128xi32>
    %convert_element_type3A = arith.sitofp %iota3A : vector<512x128xi32> to vector<512x128xf32>
    %reduce_min3A = arith.constant dense<0x7F800000> : vector<512xf32>
    %reduce_min3A_693 = vector.multi_reduction <minimumf>, %min3A_687, %reduce_min3A [1] : vector<512x128xf32> to vector<512xf32>
    %broadcast_in_dim3A_694 = vector.shape_cast %reduce_min3A_693 : vector<512xf32> to vector<512x1xf32>
    %eq3A = vector.broadcast %broadcast_in_dim3A_694 : vector<512x1xf32> to vector<512x128xf32>
    %eq3A_695 = arith.cmpf oeq, %min3A_687, %eq3A : vector<512x128xf32>
    %jit3A = arith.constant 1.280000e+02 : f32
    %broadcast_in_dim3A_696 = vector.broadcast %jit3A : f32 to vector<512x128xf32>
    %select_n3A = arith.select %eq3A_695, %convert_element_type3A, %broadcast_in_dim3A_696 : vector<512x128xi1>, vector<512x128xf32>
    %reduce_min3A_697 = arith.constant dense<0x7F800000> : vector<512xf32>
    %reduce_min3A_698 = vector.multi_reduction <minimumf>, %select_n3A, %reduce_min3A_697 [1] : vector<512x128xf32> to vector<512xf32>
    %broadcast_in_dim3A_699 = vector.shape_cast %reduce_min3A_698 : vector<512xf32> to vector<512x1xf32>
    %eq3A_700 = vector.broadcast %broadcast_in_dim3A_699 : vector<512x1xf32> to vector<512x128xf32>
    %eq3A_701 = arith.cmpf oeq, %convert_element_type3A, %eq3A_700 : vector<512x128xf32>
    %select_n3A_702 = arith.select %eq3A_701, %min3A_689, %min3A_687 : vector<512x128xi1>, vector<512x128xf32>
    %select_n3A_703 = arith.select %eq3A_701, %min3A_691, %min3A_689 : vector<512x128xi1>, vector<512x128xf32>
    %select_n3A_704 = arith.select %eq3A_701, %min3A_692, %min3A_691 : vector<512x128xi1>, vector<512x128xf32>
    %jit3A_705 = arith.constant 0x7F800000 : f32
    %broadcast_in_dim3A_706 = vector.broadcast %jit3A_705 : f32 to vector<512x128xf32>
    %select_n3A_707 = arith.select %eq3A_701, %broadcast_in_dim3A_706, %min3A_692 : vector<512x128xi1>, vector<512x128xf32>
    %reduce_min3A_708 = arith.constant dense<0x7F800000> : vector<512xf32>
    %reduce_min3A_709 = vector.multi_reduction <minimumf>, %select_n3A_702, %reduce_min3A_708 [1] : vector<512x128xf32> to vector<512xf32>
    %broadcast_in_dim3A_710 = vector.shape_cast %reduce_min3A_709 : vector<512xf32> to vector<512x1xf32>
    %eq3A_711 = vector.broadcast %broadcast_in_dim3A_710 : vector<512x1xf32> to vector<512x128xf32>
    %eq3A_712 = arith.cmpf oeq, %select_n3A_702, %eq3A_711 : vector<512x128xf32>
    %jit3A_713 = arith.constant 1.280000e+02 : f32
    %broadcast_in_dim3A_714 = vector.broadcast %jit3A_713 : f32 to vector<512x128xf32>
    %select_n3A_715 = arith.select %eq3A_712, %convert_element_type3A, %broadcast_in_dim3A_714 : vector<512x128xi1>, vector<512x128xf32>
    %reduce_min3A_716 = arith.constant dense<0x7F800000> : vector<512xf32>
    %reduce_min3A_717 = vector.multi_reduction <minimumf>, %select_n3A_715, %reduce_min3A_716 [1] : vector<512x128xf32> to vector<512xf32>
    %broadcast_in_dim3A_718 = vector.shape_cast %reduce_min3A_717 : vector<512xf32> to vector<512x1xf32>
    %eq3A_719 = vector.broadcast %broadcast_in_dim3A_718 : vector<512x1xf32> to vector<512x128xf32>
    %eq3A_720 = arith.cmpf oeq, %convert_element_type3A, %eq3A_719 : vector<512x128xf32>
    %select_n3A_721 = arith.select %eq3A_720, %select_n3A_703, %select_n3A_702 : vector<512x128xi1>, vector<512x128xf32>
    %select_n3A_722 = arith.select %eq3A_720, %select_n3A_704, %select_n3A_703 : vector<512x128xi1>, vector<512x128xf32>
    %select_n3A_723 = arith.select %eq3A_720, %select_n3A_707, %select_n3A_704 : vector<512x128xi1>, vector<512x128xf32>
    %jit3A_724 = arith.constant 0x7F800000 : f32
    %broadcast_in_dim3A_725 = vector.broadcast %jit3A_724 : f32 to vector<512x128xf32>
    %select_n3A_726 = arith.select %eq3A_720, %broadcast_in_dim3A_725, %select_n3A_707 : vector<512x128xi1>, vector<512x128xf32>
    %reduce_min3A_727 = arith.constant dense<0x7F800000> : vector<512xf32>
    %reduce_min3A_728 = vector.multi_reduction <minimumf>, %select_n3A_721, %reduce_min3A_727 [1] : vector<512x128xf32> to vector<512xf32>
    %broadcast_in_dim3A_729 = vector.shape_cast %reduce_min3A_728 : vector<512xf32> to vector<512x1xf32>
    %eq3A_730 = vector.broadcast %broadcast_in_dim3A_729 : vector<512x1xf32> to vector<512x128xf32>
    %eq3A_731 = arith.cmpf oeq, %select_n3A_721, %eq3A_730 : vector<512x128xf32>
    %jit3A_732 = arith.constant 1.280000e+02 : f32
    %broadcast_in_dim3A_733 = vector.broadcast %jit3A_732 : f32 to vector<512x128xf32>
    %select_n3A_734 = arith.select %eq3A_731, %convert_element_type3A, %broadcast_in_dim3A_733 : vector<512x128xi1>, vector<512x128xf32>
    %reduce_min3A_735 = arith.constant dense<0x7F800000> : vector<512xf32>
    %reduce_min3A_736 = vector.multi_reduction <minimumf>, %select_n3A_734, %reduce_min3A_735 [1] : vector<512x128xf32> to vector<512xf32>
    %broadcast_in_dim3A_737 = vector.shape_cast %reduce_min3A_736 : vector<512xf32> to vector<512x1xf32>
    %eq3A_738 = vector.broadcast %broadcast_in_dim3A_737 : vector<512x1xf32> to vector<512x128xf32>
    %eq3A_739 = arith.cmpf oeq, %convert_element_type3A, %eq3A_738 : vector<512x128xf32>
    %select_n3A_740 = arith.select %eq3A_739, %select_n3A_722, %select_n3A_721 : vector<512x128xi1>, vector<512x128xf32>
    %select_n3A_741 = arith.select %eq3A_739, %select_n3A_723, %select_n3A_722 : vector<512x128xi1>, vector<512x128xf32>
    %select_n3A_742 = arith.select %eq3A_739, %select_n3A_726, %select_n3A_723 : vector<512x128xi1>, vector<512x128xf32>
    %jit3A_743 = arith.constant 0x7F800000 : f32
    %broadcast_in_dim3A_744 = vector.broadcast %jit3A_743 : f32 to vector<512x128xf32>
    %select_n3A_745 = arith.select %eq3A_739, %broadcast_in_dim3A_744, %select_n3A_726 : vector<512x128xi1>, vector<512x128xf32>
    %reduce_min3A_746 = arith.constant dense<0x7F800000> : vector<512xf32>
    %reduce_min3A_747 = vector.multi_reduction <minimumf>, %select_n3A_740, %reduce_min3A_746 [1] : vector<512x128xf32> to vector<512xf32>
    %broadcast_in_dim3A_748 = vector.shape_cast %reduce_min3A_747 : vector<512xf32> to vector<512x1xf32>
    %eq3A_749 = vector.broadcast %broadcast_in_dim3A_748 : vector<512x1xf32> to vector<512x128xf32>
    %eq3A_750 = arith.cmpf oeq, %select_n3A_740, %eq3A_749 : vector<512x128xf32>
    %jit3A_751 = arith.constant 1.280000e+02 : f32
    %broadcast_in_dim3A_752 = vector.broadcast %jit3A_751 : f32 to vector<512x128xf32>
    %select_n3A_753 = arith.select %eq3A_750, %convert_element_type3A, %broadcast_in_dim3A_752 : vector<512x128xi1>, vector<512x128xf32>
    %reduce_min3A_754 = arith.constant dense<0x7F800000> : vector<512xf32>
    %reduce_min3A_755 = vector.multi_reduction <minimumf>, %select_n3A_753, %reduce_min3A_754 [1] : vector<512x128xf32> to vector<512xf32>
    %broadcast_in_dim3A_756 = vector.shape_cast %reduce_min3A_755 : vector<512xf32> to vector<512x1xf32>
    %eq3A_757 = vector.broadcast %broadcast_in_dim3A_756 : vector<512x1xf32> to vector<512x128xf32>
    %eq3A_758 = arith.cmpf oeq, %convert_element_type3A, %eq3A_757 : vector<512x128xf32>
    %select_n3A_759 = arith.select %eq3A_758, %select_n3A_741, %select_n3A_740 : vector<512x128xi1>, vector<512x128xf32>
    %select_n3A_760 = arith.select %eq3A_758, %select_n3A_742, %select_n3A_741 : vector<512x128xi1>, vector<512x128xf32>
    %select_n3A_761 = arith.select %eq3A_758, %select_n3A_745, %select_n3A_742 : vector<512x128xi1>, vector<512x128xf32>
    %jit3A_762 = arith.constant 0x7F800000 : f32
    %broadcast_in_dim3A_763 = vector.broadcast %jit3A_762 : f32 to vector<512x128xf32>
    %select_n3A_764 = arith.select %eq3A_758, %broadcast_in_dim3A_763, %select_n3A_745 : vector<512x128xi1>, vector<512x128xf32>
    %reduce_min3A_765 = arith.constant dense<0x7F800000> : vector<512xf32>
    %reduce_min3A_766 = vector.multi_reduction <minimumf>, %select_n3A_759, %reduce_min3A_765 [1] : vector<512x128xf32> to vector<512xf32>
    %broadcast_in_dim3A_767 = vector.shape_cast %reduce_min3A_766 : vector<512xf32> to vector<512x1xf32>
    %eq3A_768 = vector.broadcast %broadcast_in_dim3A_767 : vector<512x1xf32> to vector<512x128xf32>
    %eq3A_769 = arith.cmpf oeq, %select_n3A_759, %eq3A_768 : vector<512x128xf32>
    %jit3A_770 = arith.constant 1.280000e+02 : f32
    %broadcast_in_dim3A_771 = vector.broadcast %jit3A_770 : f32 to vector<512x128xf32>
    %select_n3A_772 = arith.select %eq3A_769, %convert_element_type3A, %broadcast_in_dim3A_771 : vector<512x128xi1>, vector<512x128xf32>
    %reduce_min3A_773 = arith.constant dense<0x7F800000> : vector<512xf32>
    %reduce_min3A_774 = vector.multi_reduction <minimumf>, %select_n3A_772, %reduce_min3A_773 [1] : vector<512x128xf32> to vector<512xf32>
    %broadcast_in_dim3A_775 = vector.shape_cast %reduce_min3A_774 : vector<512xf32> to vector<512x1xf32>
    %eq3A_776 = vector.broadcast %broadcast_in_dim3A_775 : vector<512x1xf32> to vector<512x128xf32>
    %eq3A_777 = arith.cmpf oeq, %convert_element_type3A, %eq3A_776 : vector<512x128xf32>
    %select_n3A_778 = arith.select %eq3A_777, %select_n3A_760, %select_n3A_759 : vector<512x128xi1>, vector<512x128xf32>
    %select_n3A_779 = arith.select %eq3A_777, %select_n3A_761, %select_n3A_760 : vector<512x128xi1>, vector<512x128xf32>
    %select_n3A_780 = arith.select %eq3A_777, %select_n3A_764, %select_n3A_761 : vector<512x128xi1>, vector<512x128xf32>
    %jit3A_781 = arith.constant 0x7F800000 : f32
    %broadcast_in_dim3A_782 = vector.broadcast %jit3A_781 : f32 to vector<512x128xf32>
    %select_n3A_783 = arith.select %eq3A_777, %broadcast_in_dim3A_782, %select_n3A_764 : vector<512x128xi1>, vector<512x128xf32>
    %reduce_min3A_784 = arith.constant dense<0x7F800000> : vector<512xf32>
    %reduce_min3A_785 = vector.multi_reduction <minimumf>, %select_n3A_778, %reduce_min3A_784 [1] : vector<512x128xf32> to vector<512xf32>
    %broadcast_in_dim3A_786 = vector.shape_cast %reduce_min3A_785 : vector<512xf32> to vector<512x1xf32>
    %eq3A_787 = vector.broadcast %broadcast_in_dim3A_786 : vector<512x1xf32> to vector<512x128xf32>
    %eq3A_788 = arith.cmpf oeq, %select_n3A_778, %eq3A_787 : vector<512x128xf32>
    %jit3A_789 = arith.constant 1.280000e+02 : f32
    %broadcast_in_dim3A_790 = vector.broadcast %jit3A_789 : f32 to vector<512x128xf32>
    %select_n3A_791 = arith.select %eq3A_788, %convert_element_type3A, %broadcast_in_dim3A_790 : vector<512x128xi1>, vector<512x128xf32>
    %reduce_min3A_792 = arith.constant dense<0x7F800000> : vector<512xf32>
    %reduce_min3A_793 = vector.multi_reduction <minimumf>, %select_n3A_791, %reduce_min3A_792 [1] : vector<512x128xf32> to vector<512xf32>
    %broadcast_in_dim3A_794 = vector.shape_cast %reduce_min3A_793 : vector<512xf32> to vector<512x1xf32>
    %eq3A_795 = vector.broadcast %broadcast_in_dim3A_794 : vector<512x1xf32> to vector<512x128xf32>
    %eq3A_796 = arith.cmpf oeq, %convert_element_type3A, %eq3A_795 : vector<512x128xf32>
    %select_n3A_797 = arith.select %eq3A_796, %select_n3A_779, %select_n3A_778 : vector<512x128xi1>, vector<512x128xf32>
    %select_n3A_798 = arith.select %eq3A_796, %select_n3A_780, %select_n3A_779 : vector<512x128xi1>, vector<512x128xf32>
    %select_n3A_799 = arith.select %eq3A_796, %select_n3A_783, %select_n3A_780 : vector<512x128xi1>, vector<512x128xf32>
    %jit3A_800 = arith.constant 0x7F800000 : f32
    %broadcast_in_dim3A_801 = vector.broadcast %jit3A_800 : f32 to vector<512x128xf32>
    %select_n3A_802 = arith.select %eq3A_796, %broadcast_in_dim3A_801, %select_n3A_783 : vector<512x128xi1>, vector<512x128xf32>
    %reduce_min3A_803 = arith.constant dense<0x7F800000> : vector<512xf32>
    %reduce_min3A_804 = vector.multi_reduction <minimumf>, %select_n3A_797, %reduce_min3A_803 [1] : vector<512x128xf32> to vector<512xf32>
    %broadcast_in_dim3A_805 = vector.shape_cast %reduce_min3A_804 : vector<512xf32> to vector<512x1xf32>
    %eq3A_806 = vector.broadcast %broadcast_in_dim3A_805 : vector<512x1xf32> to vector<512x128xf32>
    %eq3A_807 = arith.cmpf oeq, %select_n3A_797, %eq3A_806 : vector<512x128xf32>
    %jit3A_808 = arith.constant 1.280000e+02 : f32
    %broadcast_in_dim3A_809 = vector.broadcast %jit3A_808 : f32 to vector<512x128xf32>
    %select_n3A_810 = arith.select %eq3A_807, %convert_element_type3A, %broadcast_in_dim3A_809 : vector<512x128xi1>, vector<512x128xf32>
    %reduce_min3A_811 = arith.constant dense<0x7F800000> : vector<512xf32>
    %reduce_min3A_812 = vector.multi_reduction <minimumf>, %select_n3A_810, %reduce_min3A_811 [1] : vector<512x128xf32> to vector<512xf32>
    %broadcast_in_dim3A_813 = vector.shape_cast %reduce_min3A_812 : vector<512xf32> to vector<512x1xf32>
    %eq3A_814 = vector.broadcast %broadcast_in_dim3A_813 : vector<512x1xf32> to vector<512x128xf32>
    %eq3A_815 = arith.cmpf oeq, %convert_element_type3A, %eq3A_814 : vector<512x128xf32>
    %select_n3A_816 = arith.select %eq3A_815, %select_n3A_798, %select_n3A_797 : vector<512x128xi1>, vector<512x128xf32>
    %select_n3A_817 = arith.select %eq3A_815, %select_n3A_799, %select_n3A_798 : vector<512x128xi1>, vector<512x128xf32>
    %select_n3A_818 = arith.select %eq3A_815, %select_n3A_802, %select_n3A_799 : vector<512x128xi1>, vector<512x128xf32>
    %jit3A_819 = arith.constant 0x7F800000 : f32
    %broadcast_in_dim3A_820 = vector.broadcast %jit3A_819 : f32 to vector<512x128xf32>
    %select_n3A_821 = arith.select %eq3A_815, %broadcast_in_dim3A_820, %select_n3A_802 : vector<512x128xi1>, vector<512x128xf32>
    %reduce_min3A_822 = arith.constant dense<0x7F800000> : vector<512xf32>
    %reduce_min3A_823 = vector.multi_reduction <minimumf>, %select_n3A_816, %reduce_min3A_822 [1] : vector<512x128xf32> to vector<512xf32>
    %broadcast_in_dim3A_824 = vector.shape_cast %reduce_min3A_823 : vector<512xf32> to vector<512x1xf32>
    %eq3A_825 = vector.broadcast %broadcast_in_dim3A_824 : vector<512x1xf32> to vector<512x128xf32>
    %eq3A_826 = arith.cmpf oeq, %select_n3A_816, %eq3A_825 : vector<512x128xf32>
    %jit3A_827 = arith.constant 1.280000e+02 : f32
    %broadcast_in_dim3A_828 = vector.broadcast %jit3A_827 : f32 to vector<512x128xf32>
    %select_n3A_829 = arith.select %eq3A_826, %convert_element_type3A, %broadcast_in_dim3A_828 : vector<512x128xi1>, vector<512x128xf32>
    %reduce_min3A_830 = arith.constant dense<0x7F800000> : vector<512xf32>
    %reduce_min3A_831 = vector.multi_reduction <minimumf>, %select_n3A_829, %reduce_min3A_830 [1] : vector<512x128xf32> to vector<512xf32>
    %broadcast_in_dim3A_832 = vector.shape_cast %reduce_min3A_831 : vector<512xf32> to vector<512x1xf32>
    %eq3A_833 = vector.broadcast %broadcast_in_dim3A_832 : vector<512x1xf32> to vector<512x128xf32>
    %eq3A_834 = arith.cmpf oeq, %convert_element_type3A, %eq3A_833 : vector<512x128xf32>
    %select_n3A_835 = arith.select %eq3A_834, %select_n3A_817, %select_n3A_816 : vector<512x128xi1>, vector<512x128xf32>
    %select_n3A_836 = arith.select %eq3A_834, %select_n3A_818, %select_n3A_817 : vector<512x128xi1>, vector<512x128xf32>
    %select_n3A_837 = arith.select %eq3A_834, %select_n3A_821, %select_n3A_818 : vector<512x128xi1>, vector<512x128xf32>
    %jit3A_838 = arith.constant 0x7F800000 : f32
    %broadcast_in_dim3A_839 = vector.broadcast %jit3A_838 : f32 to vector<512x128xf32>
    %select_n3A_840 = arith.select %eq3A_834, %broadcast_in_dim3A_839, %select_n3A_821 : vector<512x128xi1>, vector<512x128xf32>
    %reduce_min3A_841 = arith.constant dense<0x7F800000> : vector<512xf32>
    %reduce_min3A_842 = vector.multi_reduction <minimumf>, %select_n3A_835, %reduce_min3A_841 [1] : vector<512x128xf32> to vector<512xf32>
    %broadcast_in_dim3A_843 = vector.shape_cast %reduce_min3A_842 : vector<512xf32> to vector<512x1xf32>
    %eq3A_844 = vector.broadcast %broadcast_in_dim3A_843 : vector<512x1xf32> to vector<512x128xf32>
    %eq3A_845 = arith.cmpf oeq, %select_n3A_835, %eq3A_844 : vector<512x128xf32>
    %jit3A_846 = arith.constant 1.280000e+02 : f32
    %broadcast_in_dim3A_847 = vector.broadcast %jit3A_846 : f32 to vector<512x128xf32>
    %select_n3A_848 = arith.select %eq3A_845, %convert_element_type3A, %broadcast_in_dim3A_847 : vector<512x128xi1>, vector<512x128xf32>
    %reduce_min3A_849 = arith.constant dense<0x7F800000> : vector<512xf32>
    %reduce_min3A_850 = vector.multi_reduction <minimumf>, %select_n3A_848, %reduce_min3A_849 [1] : vector<512x128xf32> to vector<512xf32>
    %broadcast_in_dim3A_851 = vector.shape_cast %reduce_min3A_850 : vector<512xf32> to vector<512x1xf32>
    %eq3A_852 = vector.broadcast %broadcast_in_dim3A_851 : vector<512x1xf32> to vector<512x128xf32>
    %eq3A_853 = arith.cmpf oeq, %convert_element_type3A, %eq3A_852 : vector<512x128xf32>
    %select_n3A_854 = arith.select %eq3A_853, %select_n3A_836, %select_n3A_835 : vector<512x128xi1>, vector<512x128xf32>
    %select_n3A_855 = arith.select %eq3A_853, %select_n3A_837, %select_n3A_836 : vector<512x128xi1>, vector<512x128xf32>
    %select_n3A_856 = arith.select %eq3A_853, %select_n3A_840, %select_n3A_837 : vector<512x128xi1>, vector<512x128xf32>
    %jit3A_857 = arith.constant 0x7F800000 : f32
    %broadcast_in_dim3A_858 = vector.broadcast %jit3A_857 : f32 to vector<512x128xf32>
    %select_n3A_859 = arith.select %eq3A_853, %broadcast_in_dim3A_858, %select_n3A_840 : vector<512x128xi1>, vector<512x128xf32>
    %reduce_min3A_860 = arith.constant dense<0x7F800000> : vector<512xf32>
    %reduce_min3A_861 = vector.multi_reduction <minimumf>, %select_n3A_854, %reduce_min3A_860 [1] : vector<512x128xf32> to vector<512xf32>
    %broadcast_in_dim3A_862 = vector.shape_cast %reduce_min3A_861 : vector<512xf32> to vector<512x1xf32>
    %eq3A_863 = vector.broadcast %broadcast_in_dim3A_862 : vector<512x1xf32> to vector<512x128xf32>
    %eq3A_864 = arith.cmpf oeq, %select_n3A_854, %eq3A_863 : vector<512x128xf32>
    %jit3A_865 = arith.constant 1.280000e+02 : f32
    %broadcast_in_dim3A_866 = vector.broadcast %jit3A_865 : f32 to vector<512x128xf32>
    %select_n3A_867 = arith.select %eq3A_864, %convert_element_type3A, %broadcast_in_dim3A_866 : vector<512x128xi1>, vector<512x128xf32>
    %reduce_min3A_868 = arith.constant dense<0x7F800000> : vector<512xf32>
    %reduce_min3A_869 = vector.multi_reduction <minimumf>, %select_n3A_867, %reduce_min3A_868 [1] : vector<512x128xf32> to vector<512xf32>
    %broadcast_in_dim3A_870 = vector.shape_cast %reduce_min3A_869 : vector<512xf32> to vector<512x1xf32>
    %eq3A_871 = vector.broadcast %broadcast_in_dim3A_870 : vector<512x1xf32> to vector<512x128xf32>
    %eq3A_872 = arith.cmpf oeq, %convert_element_type3A, %eq3A_871 : vector<512x128xf32>
    %select_n3A_873 = arith.select %eq3A_872, %select_n3A_855, %select_n3A_854 : vector<512x128xi1>, vector<512x128xf32>
    %select_n3A_874 = arith.select %eq3A_872, %select_n3A_856, %select_n3A_855 : vector<512x128xi1>, vector<512x128xf32>
    %select_n3A_875 = arith.select %eq3A_872, %select_n3A_859, %select_n3A_856 : vector<512x128xi1>, vector<512x128xf32>
    %jit3A_876 = arith.constant 0x7F800000 : f32
    %broadcast_in_dim3A_877 = vector.broadcast %jit3A_876 : f32 to vector<512x128xf32>
    %select_n3A_878 = arith.select %eq3A_872, %broadcast_in_dim3A_877, %select_n3A_859 : vector<512x128xi1>, vector<512x128xf32>
    %reduce_min3A_879 = arith.constant dense<0x7F800000> : vector<512xf32>
    %reduce_min3A_880 = vector.multi_reduction <minimumf>, %select_n3A_873, %reduce_min3A_879 [1] : vector<512x128xf32> to vector<512xf32>
    %broadcast_in_dim3A_881 = vector.shape_cast %reduce_min3A_880 : vector<512xf32> to vector<512x1xf32>
    %eq3A_882 = vector.broadcast %broadcast_in_dim3A_881 : vector<512x1xf32> to vector<512x128xf32>
    %eq3A_883 = arith.cmpf oeq, %select_n3A_873, %eq3A_882 : vector<512x128xf32>
    %jit3A_884 = arith.constant 1.280000e+02 : f32
    %broadcast_in_dim3A_885 = vector.broadcast %jit3A_884 : f32 to vector<512x128xf32>
    %select_n3A_886 = arith.select %eq3A_883, %convert_element_type3A, %broadcast_in_dim3A_885 : vector<512x128xi1>, vector<512x128xf32>
    %reduce_min3A_887 = arith.constant dense<0x7F800000> : vector<512xf32>
    %reduce_min3A_888 = vector.multi_reduction <minimumf>, %select_n3A_886, %reduce_min3A_887 [1] : vector<512x128xf32> to vector<512xf32>
    %broadcast_in_dim3A_889 = vector.shape_cast %reduce_min3A_888 : vector<512xf32> to vector<512x1xf32>
    %eq3A_890 = vector.broadcast %broadcast_in_dim3A_889 : vector<512x1xf32> to vector<512x128xf32>
    %eq3A_891 = arith.cmpf oeq, %convert_element_type3A, %eq3A_890 : vector<512x128xf32>
    %select_n3A_892 = arith.select %eq3A_891, %select_n3A_874, %select_n3A_873 : vector<512x128xi1>, vector<512x128xf32>
    %select_n3A_893 = arith.select %eq3A_891, %select_n3A_875, %select_n3A_874 : vector<512x128xi1>, vector<512x128xf32>
    %select_n3A_894 = arith.select %eq3A_891, %select_n3A_878, %select_n3A_875 : vector<512x128xi1>, vector<512x128xf32>
    %jit3A_895 = arith.constant 0x7F800000 : f32
    %broadcast_in_dim3A_896 = vector.broadcast %jit3A_895 : f32 to vector<512x128xf32>
    %select_n3A_897 = arith.select %eq3A_891, %broadcast_in_dim3A_896, %select_n3A_878 : vector<512x128xi1>, vector<512x128xf32>
    %reduce_min3A_898 = arith.constant dense<0x7F800000> : vector<512xf32>
    %reduce_min3A_899 = vector.multi_reduction <minimumf>, %select_n3A_892, %reduce_min3A_898 [1] : vector<512x128xf32> to vector<512xf32>
    %broadcast_in_dim3A_900 = vector.shape_cast %reduce_min3A_899 : vector<512xf32> to vector<512x1xf32>
    %eq3A_901 = vector.broadcast %broadcast_in_dim3A_900 : vector<512x1xf32> to vector<512x128xf32>
    %eq3A_902 = arith.cmpf oeq, %select_n3A_892, %eq3A_901 : vector<512x128xf32>
    %jit3A_903 = arith.constant 1.280000e+02 : f32
    %broadcast_in_dim3A_904 = vector.broadcast %jit3A_903 : f32 to vector<512x128xf32>
    %select_n3A_905 = arith.select %eq3A_902, %convert_element_type3A, %broadcast_in_dim3A_904 : vector<512x128xi1>, vector<512x128xf32>
    %reduce_min3A_906 = arith.constant dense<0x7F800000> : vector<512xf32>
    %reduce_min3A_907 = vector.multi_reduction <minimumf>, %select_n3A_905, %reduce_min3A_906 [1] : vector<512x128xf32> to vector<512xf32>
    %broadcast_in_dim3A_908 = vector.shape_cast %reduce_min3A_907 : vector<512xf32> to vector<512x1xf32>
    %eq3A_909 = vector.broadcast %broadcast_in_dim3A_908 : vector<512x1xf32> to vector<512x128xf32>
    %eq3A_910 = arith.cmpf oeq, %convert_element_type3A, %eq3A_909 : vector<512x128xf32>
    %select_n3A_911 = arith.select %eq3A_910, %select_n3A_893, %select_n3A_892 : vector<512x128xi1>, vector<512x128xf32>
    %select_n3A_912 = arith.select %eq3A_910, %select_n3A_894, %select_n3A_893 : vector<512x128xi1>, vector<512x128xf32>
    %select_n3A_913 = arith.select %eq3A_910, %select_n3A_897, %select_n3A_894 : vector<512x128xi1>, vector<512x128xf32>
    %jit3A_914 = arith.constant 0x7F800000 : f32
    %broadcast_in_dim3A_915 = vector.broadcast %jit3A_914 : f32 to vector<512x128xf32>
    %select_n3A_916 = arith.select %eq3A_910, %broadcast_in_dim3A_915, %select_n3A_897 : vector<512x128xi1>, vector<512x128xf32>
    %reduce_min3A_917 = arith.constant dense<0x7F800000> : vector<512xf32>
    %reduce_min3A_918 = vector.multi_reduction <minimumf>, %select_n3A_911, %reduce_min3A_917 [1] : vector<512x128xf32> to vector<512xf32>
    %broadcast_in_dim3A_919 = vector.shape_cast %reduce_min3A_918 : vector<512xf32> to vector<512x1xf32>
    %eq3A_920 = vector.broadcast %broadcast_in_dim3A_919 : vector<512x1xf32> to vector<512x128xf32>
    %eq3A_921 = arith.cmpf oeq, %select_n3A_911, %eq3A_920 : vector<512x128xf32>
    %jit3A_922 = arith.constant 1.280000e+02 : f32
    %broadcast_in_dim3A_923 = vector.broadcast %jit3A_922 : f32 to vector<512x128xf32>
    %select_n3A_924 = arith.select %eq3A_921, %convert_element_type3A, %broadcast_in_dim3A_923 : vector<512x128xi1>, vector<512x128xf32>
    %reduce_min3A_925 = arith.constant dense<0x7F800000> : vector<512xf32>
    %reduce_min3A_926 = vector.multi_reduction <minimumf>, %select_n3A_924, %reduce_min3A_925 [1] : vector<512x128xf32> to vector<512xf32>
    %broadcast_in_dim3A_927 = vector.shape_cast %reduce_min3A_926 : vector<512xf32> to vector<512x1xf32>
    %eq3A_928 = vector.broadcast %broadcast_in_dim3A_927 : vector<512x1xf32> to vector<512x128xf32>
    %eq3A_929 = arith.cmpf oeq, %convert_element_type3A, %eq3A_928 : vector<512x128xf32>
    %select_n3A_930 = arith.select %eq3A_929, %select_n3A_912, %select_n3A_911 : vector<512x128xi1>, vector<512x128xf32>
    %select_n3A_931 = arith.select %eq3A_929, %select_n3A_913, %select_n3A_912 : vector<512x128xi1>, vector<512x128xf32>
    %select_n3A_932 = arith.select %eq3A_929, %select_n3A_916, %select_n3A_913 : vector<512x128xi1>, vector<512x128xf32>
    %jit3A_933 = arith.constant 0x7F800000 : f32
    %broadcast_in_dim3A_934 = vector.broadcast %jit3A_933 : f32 to vector<512x128xf32>
    %select_n3A_935 = arith.select %eq3A_929, %broadcast_in_dim3A_934, %select_n3A_916 : vector<512x128xi1>, vector<512x128xf32>
    %reduce_min3A_936 = arith.constant dense<0x7F800000> : vector<512xf32>
    %reduce_min3A_937 = vector.multi_reduction <minimumf>, %select_n3A_930, %reduce_min3A_936 [1] : vector<512x128xf32> to vector<512xf32>
    %broadcast_in_dim3A_938 = vector.shape_cast %reduce_min3A_937 : vector<512xf32> to vector<512x1xf32>
    %eq3A_939 = vector.broadcast %broadcast_in_dim3A_938 : vector<512x1xf32> to vector<512x128xf32>
    %eq3A_940 = arith.cmpf oeq, %select_n3A_930, %eq3A_939 : vector<512x128xf32>
    %jit3A_941 = arith.constant 1.280000e+02 : f32
    %broadcast_in_dim3A_942 = vector.broadcast %jit3A_941 : f32 to vector<512x128xf32>
    %select_n3A_943 = arith.select %eq3A_940, %convert_element_type3A, %broadcast_in_dim3A_942 : vector<512x128xi1>, vector<512x128xf32>
    %reduce_min3A_944 = arith.constant dense<0x7F800000> : vector<512xf32>
    %reduce_min3A_945 = vector.multi_reduction <minimumf>, %select_n3A_943, %reduce_min3A_944 [1] : vector<512x128xf32> to vector<512xf32>
    %broadcast_in_dim3A_946 = vector.shape_cast %reduce_min3A_945 : vector<512xf32> to vector<512x1xf32>
    %eq3A_947 = vector.broadcast %broadcast_in_dim3A_946 : vector<512x1xf32> to vector<512x128xf32>
    %eq3A_948 = arith.cmpf oeq, %convert_element_type3A, %eq3A_947 : vector<512x128xf32>
    %select_n3A_949 = arith.select %eq3A_948, %select_n3A_931, %select_n3A_930 : vector<512x128xi1>, vector<512x128xf32>
    %select_n3A_950 = arith.select %eq3A_948, %select_n3A_932, %select_n3A_931 : vector<512x128xi1>, vector<512x128xf32>
    %select_n3A_951 = arith.select %eq3A_948, %select_n3A_935, %select_n3A_932 : vector<512x128xi1>, vector<512x128xf32>
    %reduce_min3A_952 = arith.constant dense<0x7F800000> : vector<512xf32>
    %reduce_min3A_953 = vector.multi_reduction <minimumf>, %select_n3A_949, %reduce_min3A_952 [1] : vector<512x128xf32> to vector<512xf32>
    %broadcast_in_dim3A_954 = vector.shape_cast %reduce_min3A_953 : vector<512xf32> to vector<512x1xf32>
    %eq3A_955 = vector.broadcast %broadcast_in_dim3A_954 : vector<512x1xf32> to vector<512x128xf32>
    %eq3A_956 = arith.cmpf oeq, %select_n3A_949, %eq3A_955 : vector<512x128xf32>
    %jit3A_957 = arith.constant 1.280000e+02 : f32
    %broadcast_in_dim3A_958 = vector.broadcast %jit3A_957 : f32 to vector<512x128xf32>
    %select_n3A_959 = arith.select %eq3A_956, %convert_element_type3A, %broadcast_in_dim3A_958 : vector<512x128xi1>, vector<512x128xf32>
    %reduce_min3A_960 = arith.constant dense<0x7F800000> : vector<512xf32>
    %reduce_min3A_961 = vector.multi_reduction <minimumf>, %select_n3A_959, %reduce_min3A_960 [1] : vector<512x128xf32> to vector<512xf32>
    %broadcast_in_dim3A_962 = vector.shape_cast %reduce_min3A_961 : vector<512xf32> to vector<512x1xf32>
    %eq3A_963 = vector.broadcast %broadcast_in_dim3A_962 : vector<512x1xf32> to vector<512x128xf32>
    %eq3A_964 = arith.cmpf oeq, %convert_element_type3A, %eq3A_963 : vector<512x128xf32>
    %select_n3A_965 = arith.select %eq3A_964, %select_n3A_950, %select_n3A_949 : vector<512x128xi1>, vector<512x128xf32>
    %select_n3A_966 = arith.select %eq3A_964, %select_n3A_951, %select_n3A_950 : vector<512x128xi1>, vector<512x128xf32>
    %reduce_min3A_967 = arith.constant dense<0x7F800000> : vector<512xf32>
    %reduce_min3A_968 = vector.multi_reduction <minimumf>, %select_n3A_965, %reduce_min3A_967 [1] : vector<512x128xf32> to vector<512xf32>
    %broadcast_in_dim3A_969 = vector.shape_cast %reduce_min3A_968 : vector<512xf32> to vector<512x1xf32>
    %eq3A_970 = vector.broadcast %broadcast_in_dim3A_969 : vector<512x1xf32> to vector<512x128xf32>
    %eq3A_971 = arith.cmpf oeq, %select_n3A_965, %eq3A_970 : vector<512x128xf32>
    %jit3A_972 = arith.constant 1.280000e+02 : f32
    %broadcast_in_dim3A_973 = vector.broadcast %jit3A_972 : f32 to vector<512x128xf32>
    %select_n3A_974 = arith.select %eq3A_971, %convert_element_type3A, %broadcast_in_dim3A_973 : vector<512x128xi1>, vector<512x128xf32>
    %reduce_min3A_975 = arith.constant dense<0x7F800000> : vector<512xf32>
    %reduce_min3A_976 = vector.multi_reduction <minimumf>, %select_n3A_974, %reduce_min3A_975 [1] : vector<512x128xf32> to vector<512xf32>
    %broadcast_in_dim3A_977 = vector.shape_cast %reduce_min3A_976 : vector<512xf32> to vector<512x1xf32>
    %eq3A_978 = vector.broadcast %broadcast_in_dim3A_977 : vector<512x1xf32> to vector<512x128xf32>
    %eq3A_979 = arith.cmpf oeq, %convert_element_type3A, %eq3A_978 : vector<512x128xf32>
    %select_n3A_980 = arith.select %eq3A_979, %select_n3A_966, %select_n3A_965 : vector<512x128xi1>, vector<512x128xf32>
    %reduce_min3A_981 = arith.constant dense<0x7F800000> : vector<512xf32>
    %reduce_min3A_982 = vector.multi_reduction <minimumf>, %select_n3A_980, %reduce_min3A_981 [1] : vector<512x128xf32> to vector<512xf32>
    %broadcast_in_dim3A_983 = vector.shape_cast %reduce_min3A_982 : vector<512xf32> to vector<512x1xf32>
    %eq3A_984 = vector.broadcast %broadcast_in_dim3A_983 : vector<512x1xf32> to vector<512x128xf32>
    %eq3A_985 = arith.cmpf oeq, %select_n3A_980, %eq3A_984 : vector<512x128xf32>
    %jit3A_986 = arith.constant 1.280000e+02 : f32
    %broadcast_in_dim3A_987 = vector.broadcast %jit3A_986 : f32 to vector<512x128xf32>
    %select_n3A_988 = arith.select %eq3A_985, %convert_element_type3A, %broadcast_in_dim3A_987 : vector<512x128xi1>, vector<512x128xf32>
    %reduce_min3A_989 = arith.constant dense<0x7F800000> : vector<512xf32>
    %reduce_min3A_990 = vector.multi_reduction <minimumf>, %select_n3A_988, %reduce_min3A_989 [1] : vector<512x128xf32> to vector<512xf32>
    %broadcast_in_dim3A_991 = vector.shape_cast %reduce_min3A_990 : vector<512xf32> to vector<512x1xf32>
    %concatenate3A = tpu.concatenate %broadcast_in_dim3A_710, %broadcast_in_dim3A_729, %broadcast_in_dim3A_748, %broadcast_in_dim3A_767, %broadcast_in_dim3A_786, %broadcast_in_dim3A_805, %broadcast_in_dim3A_824, %broadcast_in_dim3A_843, %broadcast_in_dim3A_862, %broadcast_in_dim3A_881, %broadcast_in_dim3A_900, %broadcast_in_dim3A_919, %broadcast_in_dim3A_938, %broadcast_in_dim3A_954, %broadcast_in_dim3A_969, %broadcast_in_dim3A_983 in 1 : vector<512x1xf32>, vector<512x1xf32>, vector<512x1xf32>, vector<512x1xf32>, vector<512x1xf32>, vector<512x1xf32>, vector<512x1xf32>, vector<512x1xf32>, vector<512x1xf32>, vector<512x1xf32>, vector<512x1xf32>, vector<512x1xf32>, vector<512x1xf32>, vector<512x1xf32>, vector<512x1xf32>, vector<512x1xf32> -> vector<512x16xf32>
    %bitcast_convert_type3A_992 = tpu.bitcast %concatenate3A : vector<512x16xf32> -> vector<512x16xi32>
    %sub3A_993 = arith.constant 268435456 : i32
    %sub3A_994 = vector.broadcast %sub3A_993 : i32 to vector<512x16xi32>
    %sub3A_995 = arith.subi %bitcast_convert_type3A_992, %sub3A_994 : vector<512x16xi32>
    %and3A_996 = arith.constant -16 : i32
    %and3A_997 = vector.broadcast %and3A_996 : i32 to vector<512x16xi32>
    %and3A_998 = arith.andi %sub3A_995, %and3A_997 : vector<512x16xi32>
    %bitcast_convert_type3A_999 = tpu.bitcast %and3A_998 : vector<512x16xi32> -> vector<512x16xf32>
    %add3A_1000 = arith.constant 9.99999993E-9 : f32
    %add3A_1001 = vector.broadcast %add3A_1000 : f32 to vector<512x16xf32>
    %add3A_1002 = arith.addf %bitcast_convert_type3A_999, %add3A_1001 : vector<512x16xf32>
    %sqrt3A = math.sqrt %add3A_1002 : vector<512x16xf32>
    %swap3A_1003 = arith.constant 0 : index
    %swap3A_1004 = arith.constant 0 : index
    %swap3A_1005 = arith.constant 0 : index
    %swap3A_1006 = vector.load %arg9[%swap3A_1003, %swap3A_1004, %swap3A_1005] : memref<1x512x16xf32, #tpu.memory_space<vmem>>, vector<1x512x16xf32>
    %swap3A_1007 = vector.shape_cast %swap3A_1006 : vector<1x512x16xf32> to vector<512x16xf32>
    %swap3A_1008 = vector.shape_cast %sqrt3A : vector<512x16xf32> to vector<1x512x16xf32>
    tpu.vector_store %arg9[%swap3A_1003, %swap3A_1004, %swap3A_1005], %swap3A_1008 {strides = array<i32>} : memref<1x512x16xf32, #tpu.memory_space<vmem>>, vector<1x512x16xf32>,
    %mul3A_1009 = arith.constant 2048 : i32
    %mul3A_1010 = arith.muli %arg0, %mul3A_1009 : i32
    %and3A_1011 = arith.constant 15 : i32
    %and3A_1012 = vector.broadcast %and3A_1011 : i32 to vector<512x16xi32>
    %and3A_1013 = arith.andi %sub3A_995, %and3A_1012 : vector<512x16xi32>
    %mul3A_1014 = arith.constant 128 : i32
    %mul3A_1015 = vector.broadcast %mul3A_1014 : i32 to vector<512x16xi32>
    %mul3A_1016 = arith.muli %and3A_1013, %mul3A_1015 : vector<512x16xi32>
    %add3A_1017 = vector.broadcast %mul3A_1010 : i32 to vector<512x16xi32>
    %add3A_1018 = arith.addi %add3A_1017, %mul3A_1016 : vector<512x16xi32>
    %concatenate3A_1019 = tpu.concatenate %broadcast_in_dim3A_718, %broadcast_in_dim3A_737, %broadcast_in_dim3A_756, %broadcast_in_dim3A_775, %broadcast_in_dim3A_794, %broadcast_in_dim3A_813, %broadcast_in_dim3A_832, %broadcast_in_dim3A_851, %broadcast_in_dim3A_870, %broadcast_in_dim3A_889, %broadcast_in_dim3A_908, %broadcast_in_dim3A_927, %broadcast_in_dim3A_946, %broadcast_in_dim3A_962, %broadcast_in_dim3A_977, %broadcast_in_dim3A_991 in 1 : vector<512x1xf32>, vector<512x1xf32>, vector<512x1xf32>, vector<512x1xf32>, vector<512x1xf32>, vector<512x1xf32>, vector<512x1xf32>, vector<512x1xf32>, vector<512x1xf32>, vector<512x1xf32>, vector<512x1xf32>, vector<512x1xf32>, vector<512x1xf32>, vector<512x1xf32>, vector<512x1xf32>, vector<512x1xf32> -> vector<512x16xf32>
    %convert_element_type3A_1020 = arith.fptosi %concatenate3A_1019 : vector<512x16xf32> to vector<512x16xi32>
    %add3A_1021 = arith.addi %add3A_1018, %convert_element_type3A_1020 : vector<512x16xi32>
    %swap3A_1022 = arith.constant 0 : index
    %swap3A_1023 = arith.constant 0 : index
    %swap3A_1024 = arith.constant 0 : index
    %swap3A_1025 = vector.load %arg8[%swap3A_1022, %swap3A_1023, %swap3A_1024] : memref<1x512x16xi32, #tpu.memory_space<vmem>>, vector<1x512x16xi32>
    %swap3A_1026 = vector.shape_cast %swap3A_1025 : vector<1x512x16xi32> to vector<512x16xi32>
    %swap3A_1027 = vector.shape_cast %add3A_1021 : vector<512x16xi32> to vector<1x512x16xi32>
    tpu.vector_store %arg8[%swap3A_1022, %swap3A_1023, %swap3A_1024], %swap3A_1027 {strides = array<i32>} : memref<1x512x16xi32, #tpu.memory_space<vmem>>, vector<1x512x16xi32>,
    return
  }
  func.func @transform_0(%arg0: i32, %arg1: i32) -> (i32, i32, i32) {
    %add3A = arith.constant 0 : i32
    %add3A_0 = arith.addi %arg1, %add3A : i32
    %c0_i32 = arith.constant 0 : i32
    %c0_i32_1 = arith.constant 0 : i32
    return %arg0, %add3A_0, %c0_i32 : i32, i32, i32
  }
  func.func @transform_1(%arg0: i32, %arg1: i32) -> (i32, i32, i32) {
    %c0_i32 = arith.constant 0 : i32
    %c0_i32_0 = arith.constant 0 : i32
    %c0_i32_1 = arith.constant 0 : i32
    return %arg0, %c0_i32, %c0_i32_0 : i32, i32, i32
  }
  func.func @transform_2(%arg0: i32, %arg1: i32) -> (i32, i32, i32) {
    %c0_i32 = arith.constant 0 : i32
    %c0_i32_0 = arith.constant 0 : i32
    return %arg0, %arg1, %c0_i32 : i32, i32, i32
  }
  func.func @transform_3(%arg0: i32, %arg1: i32) -> (i32, i32) {
    %c0_i32 = arith.constant 0 : i32
    %c0_i32_0 = arith.constant 0 : i32
    %c0_i32_1 = arith.constant 0 : i32
    return %c0_i32, %c0_i32_0 : i32, i32
  }
  func.func @transform_4(%arg0: i32, %arg1: i32) -> (i32, i32) {
    %c0_i32 = arith.constant 0 : i32
    %c0_i32_0 = arith.constant 0 : i32
    %c0_i32_1 = arith.constant 0 : i32
    return %c0_i32, %c0_i32_0 : i32, i32
  }
  func.func @transform_5(%arg0: i32, %arg1: i32) -> (i32, i32) {
    %c0_i32 = arith.constant 0 : i32
    %c0_i32_0 = arith.constant 0 : i32
    %c0_i32_1 = arith.constant 0 : i32
    return %c0_i32, %c0_i32_0 : i32, i32
  }
  func.func @transform_6(%arg0: i32, %arg1: i32) -> (i32, i32, i32) {
    %c0_i32 = arith.constant 0 : i32
    %c0_i32_0 = arith.constant 0 : i32
    return %arg0, %arg1, %c0_i32 : i32, i32, i32
  }
  func.func @transform_7(%arg0: i32, %arg1: i32) -> (i32, i32, i32) {
    %c0_i32 = arith.constant 0 : i32
    %c0_i32_0 = arith.constant 0 : i32
    return %arg0, %arg1, %c0_i32 : i32, i32, i32
  }
  func.func @transform_8(%arg0: i32, %arg1: i32) -> (i32, i32, i32) {
    %c0_i32 = arith.constant 0 : i32
    %c0_i32_0 = arith.constant 0 : i32
    return %arg0, %arg1, %c0_i32 : i32, i32, i32
  }
  func.func @transform_9(%arg0: i32, %arg1: i32) -> (i32, i32, i32) {
    %c0_i32 = arith.constant 0 : i32
    %c0_i32_0 = arith.constant 0 : i32
    return %arg0, %arg1, %c0_i32 : i32, i32, i32
  }
}

module attributes {stable_mosaic.version = 14 : i64} {
  func.func @_knn_body(%arg0: i32, %arg1: i32, %arg2: memref<1x512x3xf32, #tpu.memory_space<vmem>>, %arg3: memref<1x3x2048xf32, #tpu.memory_space<vmem>>, %arg4: memref<1x512x16xi32, #tpu.memory_space<vmem>>, %arg5: memref<1x512x16xf32, #tpu.memory_space<vmem>>) attributes {dimension_semantics = [#tpu.dimension_semantics<arbitrary>, #tpu.dimension_semantics<arbitrary>], iteration_bounds = array<i64: 2, 2>, scalar_prefetch = 0 : i64, scratch_operands = 0 : i64, tpu.core_type = #tpu.core_type<tc>, window_params = [{transform_indices = @transform_0, window_bounds = array<i64: 1, 512, 3>}, {transform_indices = @transform_1, window_bounds = array<i64: 1, 3, 2048>}, {transform_indices = @transform_2, window_bounds = array<i64: 1, 512, 16>}, {transform_indices = @transform_3, window_bounds = array<i64: 1, 512, 16>}]} {
    %get3A = arith.constant 0 : index
    %get3A_0 = arith.constant 0 : index
    %get3A_1 = arith.constant 0 : index
    %get3A_2 = vector.load %arg2[%get3A, %get3A_0, %get3A_1] : memref<1x512x3xf32, #tpu.memory_space<vmem>>, vector<1x512x3xf32>
    %get3A_3 = vector.shape_cast %get3A_2 : vector<1x512x3xf32> to vector<512x3xf32>
    %get3A_4 = arith.constant 0 : index
    %get3A_5 = arith.constant 0 : index
    %get3A_6 = arith.constant 0 : index
    %get3A_7 = vector.load %arg3[%get3A_4, %get3A_5, %get3A_6] : memref<1x3x2048xf32, #tpu.memory_space<vmem>>, vector<1x3x2048xf32>
    %get3A_8 = vector.shape_cast %get3A_7 : vector<1x3x2048xf32> to vector<3x2048xf32>
    %broadcast_in_dim3A = arith.constant 0x7F800000 : f32
    %broadcast_in_dim3A_9 = vector.broadcast %broadcast_in_dim3A : f32 to vector<512x128xf32>
    %broadcast_in_dim3A_10 = arith.constant 0x7F800000 : f32
    %broadcast_in_dim3A_11 = vector.broadcast %broadcast_in_dim3A_10 : f32 to vector<512x128xf32>
    %broadcast_in_dim3A_12 = arith.constant 0x7F800000 : f32
    %broadcast_in_dim3A_13 = vector.broadcast %broadcast_in_dim3A_12 : f32 to vector<512x128xf32>
    %broadcast_in_dim3A_14 = arith.constant 0x7F800000 : f32
    %broadcast_in_dim3A_15 = vector.broadcast %broadcast_in_dim3A_14 : f32 to vector<512x128xf32>
    %broadcast_in_dim3A_16 = arith.constant 0.000000e+00 : f32
    %broadcast_in_dim3A_17 = vector.broadcast %broadcast_in_dim3A_16 : f32 to vector<512x128xf32>
    %slice3A = vector.extract_strided_slice %get3A_3 {offsets = [0, 0], sizes = [512, 1], strides = [1, 1]} : vector<512x3xf32> to vector<512x1xf32>
    %slice3A_18 = vector.extract_strided_slice %get3A_8 {offsets = [0, 0], sizes = [1, 128], strides = [1, 1]} : vector<3x2048xf32> to vector<1x128xf32>
    %sub3A = vector.broadcast %slice3A : vector<512x1xf32> to vector<512x128xf32>
    %sub3A_19 = vector.broadcast %slice3A_18 : vector<1x128xf32> to vector<512x128xf32>
    %sub3A_20 = arith.subf %sub3A, %sub3A_19 : vector<512x128xf32>
    %mul3A = arith.mulf %sub3A_20, %sub3A_20 : vector<512x128xf32>
    %add3A = arith.addf %broadcast_in_dim3A_17, %mul3A : vector<512x128xf32>
    %slice3A_21 = vector.extract_strided_slice %get3A_3 {offsets = [0, 1], sizes = [512, 1], strides = [1, 1]} : vector<512x3xf32> to vector<512x1xf32>
    %slice3A_22 = vector.extract_strided_slice %get3A_8 {offsets = [1, 0], sizes = [1, 128], strides = [1, 1]} : vector<3x2048xf32> to vector<1x128xf32>
    %sub3A_23 = vector.broadcast %slice3A_21 : vector<512x1xf32> to vector<512x128xf32>
    %sub3A_24 = vector.broadcast %slice3A_22 : vector<1x128xf32> to vector<512x128xf32>
    %sub3A_25 = arith.subf %sub3A_23, %sub3A_24 : vector<512x128xf32>
    %mul3A_26 = arith.mulf %sub3A_25, %sub3A_25 : vector<512x128xf32>
    %add3A_27 = arith.addf %add3A, %mul3A_26 : vector<512x128xf32>
    %slice3A_28 = vector.extract_strided_slice %get3A_3 {offsets = [0, 2], sizes = [512, 1], strides = [1, 1]} : vector<512x3xf32> to vector<512x1xf32>
    %slice3A_29 = vector.extract_strided_slice %get3A_8 {offsets = [2, 0], sizes = [1, 128], strides = [1, 1]} : vector<3x2048xf32> to vector<1x128xf32>
    %sub3A_30 = vector.broadcast %slice3A_28 : vector<512x1xf32> to vector<512x128xf32>
    %sub3A_31 = vector.broadcast %slice3A_29 : vector<1x128xf32> to vector<512x128xf32>
    %sub3A_32 = arith.subf %sub3A_30, %sub3A_31 : vector<512x128xf32>
    %mul3A_33 = arith.mulf %sub3A_32, %sub3A_32 : vector<512x128xf32>
    %add3A_34 = arith.addf %add3A_27, %mul3A_33 : vector<512x128xf32>
    %bitcast_convert_type3A = tpu.bitcast %add3A_34 : vector<512x128xf32> -> vector<512x128xi32>
    %and3A = arith.constant -16 : i32
    %and3A_35 = vector.broadcast %and3A : i32 to vector<512x128xi32>
    %and3A_36 = arith.andi %bitcast_convert_type3A, %and3A_35 : vector<512x128xi32>
    %or3A = arith.constant 0 : i32
    %or3A_37 = vector.broadcast %or3A : i32 to vector<512x128xi32>
    %or3A_38 = arith.ori %and3A_36, %or3A_37 : vector<512x128xi32>
    %add3A_39 = arith.constant 268435456 : i32
    %add3A_40 = vector.broadcast %add3A_39 : i32 to vector<512x128xi32>
    %add3A_41 = arith.addi %or3A_38, %add3A_40 : vector<512x128xi32>
    %bitcast_convert_type3A_42 = tpu.bitcast %add3A_41 : vector<512x128xi32> -> vector<512x128xf32>
    %max3A = arith.maximumf %broadcast_in_dim3A_9, %bitcast_convert_type3A_42 : vector<512x128xf32>
    %min3A = arith.minimumf %broadcast_in_dim3A_9, %bitcast_convert_type3A_42 : vector<512x128xf32>
    %max3A_43 = arith.maximumf %broadcast_in_dim3A_11, %max3A : vector<512x128xf32>
    %min3A_44 = arith.minimumf %broadcast_in_dim3A_11, %max3A : vector<512x128xf32>
    %max3A_45 = arith.maximumf %broadcast_in_dim3A_13, %max3A_43 : vector<512x128xf32>
    %min3A_46 = arith.minimumf %broadcast_in_dim3A_13, %max3A_43 : vector<512x128xf32>
    %min3A_47 = arith.minimumf %broadcast_in_dim3A_15, %max3A_45 : vector<512x128xf32>
    %broadcast_in_dim3A_48 = arith.constant 0.000000e+00 : f32
    %broadcast_in_dim3A_49 = vector.broadcast %broadcast_in_dim3A_48 : f32 to vector<512x128xf32>
    %slice3A_50 = vector.extract_strided_slice %get3A_3 {offsets = [0, 0], sizes = [512, 1], strides = [1, 1]} : vector<512x3xf32> to vector<512x1xf32>
    %slice3A_51 = vector.extract_strided_slice %get3A_8 {offsets = [0, 128], sizes = [1, 128], strides = [1, 1]} : vector<3x2048xf32> to vector<1x128xf32>
    %sub3A_52 = vector.broadcast %slice3A_50 : vector<512x1xf32> to vector<512x128xf32>
    %sub3A_53 = vector.broadcast %slice3A_51 : vector<1x128xf32> to vector<512x128xf32>
    %sub3A_54 = arith.subf %sub3A_52, %sub3A_53 : vector<512x128xf32>
    %mul3A_55 = arith.mulf %sub3A_54, %sub3A_54 : vector<512x128xf32>
    %add3A_56 = arith.addf %broadcast_in_dim3A_49, %mul3A_55 : vector<512x128xf32>
    %slice3A_57 = vector.extract_strided_slice %get3A_3 {offsets = [0, 1], sizes = [512, 1], strides = [1, 1]} : vector<512x3xf32> to vector<512x1xf32>
    %slice3A_58 = vector.extract_strided_slice %get3A_8 {offsets = [1, 128], sizes = [1, 128], strides = [1, 1]} : vector<3x2048xf32> to vector<1x128xf32>
    %sub3A_59 = vector.broadcast %slice3A_57 : vector<512x1xf32> to vector<512x128xf32>
    %sub3A_60 = vector.broadcast %slice3A_58 : vector<1x128xf32> to vector<512x128xf32>
    %sub3A_61 = arith.subf %sub3A_59, %sub3A_60 : vector<512x128xf32>
    %mul3A_62 = arith.mulf %sub3A_61, %sub3A_61 : vector<512x128xf32>
    %add3A_63 = arith.addf %add3A_56, %mul3A_62 : vector<512x128xf32>
    %slice3A_64 = vector.extract_strided_slice %get3A_3 {offsets = [0, 2], sizes = [512, 1], strides = [1, 1]} : vector<512x3xf32> to vector<512x1xf32>
    %slice3A_65 = vector.extract_strided_slice %get3A_8 {offsets = [2, 128], sizes = [1, 128], strides = [1, 1]} : vector<3x2048xf32> to vector<1x128xf32>
    %sub3A_66 = vector.broadcast %slice3A_64 : vector<512x1xf32> to vector<512x128xf32>
    %sub3A_67 = vector.broadcast %slice3A_65 : vector<1x128xf32> to vector<512x128xf32>
    %sub3A_68 = arith.subf %sub3A_66, %sub3A_67 : vector<512x128xf32>
    %mul3A_69 = arith.mulf %sub3A_68, %sub3A_68 : vector<512x128xf32>
    %add3A_70 = arith.addf %add3A_63, %mul3A_69 : vector<512x128xf32>
    %bitcast_convert_type3A_71 = tpu.bitcast %add3A_70 : vector<512x128xf32> -> vector<512x128xi32>
    %and3A_72 = arith.constant -16 : i32
    %and3A_73 = vector.broadcast %and3A_72 : i32 to vector<512x128xi32>
    %and3A_74 = arith.andi %bitcast_convert_type3A_71, %and3A_73 : vector<512x128xi32>
    %or3A_75 = arith.constant 1 : i32
    %or3A_76 = vector.broadcast %or3A_75 : i32 to vector<512x128xi32>
    %or3A_77 = arith.ori %and3A_74, %or3A_76 : vector<512x128xi32>
    %add3A_78 = arith.constant 268435456 : i32
    %add3A_79 = vector.broadcast %add3A_78 : i32 to vector<512x128xi32>
    %add3A_80 = arith.addi %or3A_77, %add3A_79 : vector<512x128xi32>
    %bitcast_convert_type3A_81 = tpu.bitcast %add3A_80 : vector<512x128xi32> -> vector<512x128xf32>
    %max3A_82 = arith.maximumf %min3A, %bitcast_convert_type3A_81 : vector<512x128xf32>
    %min3A_83 = arith.minimumf %min3A, %bitcast_convert_type3A_81 : vector<512x128xf32>
    %max3A_84 = arith.maximumf %min3A_44, %max3A_82 : vector<512x128xf32>
    %min3A_85 = arith.minimumf %min3A_44, %max3A_82 : vector<512x128xf32>
    %max3A_86 = arith.maximumf %min3A_46, %max3A_84 : vector<512x128xf32>
    %min3A_87 = arith.minimumf %min3A_46, %max3A_84 : vector<512x128xf32>
    %min3A_88 = arith.minimumf %min3A_47, %max3A_86 : vector<512x128xf32>
    %broadcast_in_dim3A_89 = arith.constant 0.000000e+00 : f32
    %broadcast_in_dim3A_90 = vector.broadcast %broadcast_in_dim3A_89 : f32 to vector<512x128xf32>
    %slice3A_91 = vector.extract_strided_slice %get3A_3 {offsets = [0, 0], sizes = [512, 1], strides = [1, 1]} : vector<512x3xf32> to vector<512x1xf32>
    %slice3A_92 = vector.extract_strided_slice %get3A_8 {offsets = [0, 256], sizes = [1, 128], strides = [1, 1]} : vector<3x2048xf32> to vector<1x128xf32>
    %sub3A_93 = vector.broadcast %slice3A_91 : vector<512x1xf32> to vector<512x128xf32>
    %sub3A_94 = vector.broadcast %slice3A_92 : vector<1x128xf32> to vector<512x128xf32>
    %sub3A_95 = arith.subf %sub3A_93, %sub3A_94 : vector<512x128xf32>
    %mul3A_96 = arith.mulf %sub3A_95, %sub3A_95 : vector<512x128xf32>
    %add3A_97 = arith.addf %broadcast_in_dim3A_90, %mul3A_96 : vector<512x128xf32>
    %slice3A_98 = vector.extract_strided_slice %get3A_3 {offsets = [0, 1], sizes = [512, 1], strides = [1, 1]} : vector<512x3xf32> to vector<512x1xf32>
    %slice3A_99 = vector.extract_strided_slice %get3A_8 {offsets = [1, 256], sizes = [1, 128], strides = [1, 1]} : vector<3x2048xf32> to vector<1x128xf32>
    %sub3A_100 = vector.broadcast %slice3A_98 : vector<512x1xf32> to vector<512x128xf32>
    %sub3A_101 = vector.broadcast %slice3A_99 : vector<1x128xf32> to vector<512x128xf32>
    %sub3A_102 = arith.subf %sub3A_100, %sub3A_101 : vector<512x128xf32>
    %mul3A_103 = arith.mulf %sub3A_102, %sub3A_102 : vector<512x128xf32>
    %add3A_104 = arith.addf %add3A_97, %mul3A_103 : vector<512x128xf32>
    %slice3A_105 = vector.extract_strided_slice %get3A_3 {offsets = [0, 2], sizes = [512, 1], strides = [1, 1]} : vector<512x3xf32> to vector<512x1xf32>
    %slice3A_106 = vector.extract_strided_slice %get3A_8 {offsets = [2, 256], sizes = [1, 128], strides = [1, 1]} : vector<3x2048xf32> to vector<1x128xf32>
    %sub3A_107 = vector.broadcast %slice3A_105 : vector<512x1xf32> to vector<512x128xf32>
    %sub3A_108 = vector.broadcast %slice3A_106 : vector<1x128xf32> to vector<512x128xf32>
    %sub3A_109 = arith.subf %sub3A_107, %sub3A_108 : vector<512x128xf32>
    %mul3A_110 = arith.mulf %sub3A_109, %sub3A_109 : vector<512x128xf32>
    %add3A_111 = arith.addf %add3A_104, %mul3A_110 : vector<512x128xf32>
    %bitcast_convert_type3A_112 = tpu.bitcast %add3A_111 : vector<512x128xf32> -> vector<512x128xi32>
    %and3A_113 = arith.constant -16 : i32
    %and3A_114 = vector.broadcast %and3A_113 : i32 to vector<512x128xi32>
    %and3A_115 = arith.andi %bitcast_convert_type3A_112, %and3A_114 : vector<512x128xi32>
    %or3A_116 = arith.constant 2 : i32
    %or3A_117 = vector.broadcast %or3A_116 : i32 to vector<512x128xi32>
    %or3A_118 = arith.ori %and3A_115, %or3A_117 : vector<512x128xi32>
    %add3A_119 = arith.constant 268435456 : i32
    %add3A_120 = vector.broadcast %add3A_119 : i32 to vector<512x128xi32>
    %add3A_121 = arith.addi %or3A_118, %add3A_120 : vector<512x128xi32>
    %bitcast_convert_type3A_122 = tpu.bitcast %add3A_121 : vector<512x128xi32> -> vector<512x128xf32>
    %max3A_123 = arith.maximumf %min3A_83, %bitcast_convert_type3A_122 : vector<512x128xf32>
    %min3A_124 = arith.minimumf %min3A_83, %bitcast_convert_type3A_122 : vector<512x128xf32>
    %max3A_125 = arith.maximumf %min3A_85, %max3A_123 : vector<512x128xf32>
    %min3A_126 = arith.minimumf %min3A_85, %max3A_123 : vector<512x128xf32>
    %max3A_127 = arith.maximumf %min3A_87, %max3A_125 : vector<512x128xf32>
    %min3A_128 = arith.minimumf %min3A_87, %max3A_125 : vector<512x128xf32>
    %min3A_129 = arith.minimumf %min3A_88, %max3A_127 : vector<512x128xf32>
    %broadcast_in_dim3A_130 = arith.constant 0.000000e+00 : f32
    %broadcast_in_dim3A_131 = vector.broadcast %broadcast_in_dim3A_130 : f32 to vector<512x128xf32>
    %slice3A_132 = vector.extract_strided_slice %get3A_3 {offsets = [0, 0], sizes = [512, 1], strides = [1, 1]} : vector<512x3xf32> to vector<512x1xf32>
    %slice3A_133 = vector.extract_strided_slice %get3A_8 {offsets = [0, 384], sizes = [1, 128], strides = [1, 1]} : vector<3x2048xf32> to vector<1x128xf32>
    %sub3A_134 = vector.broadcast %slice3A_132 : vector<512x1xf32> to vector<512x128xf32>
    %sub3A_135 = vector.broadcast %slice3A_133 : vector<1x128xf32> to vector<512x128xf32>
    %sub3A_136 = arith.subf %sub3A_134, %sub3A_135 : vector<512x128xf32>
    %mul3A_137 = arith.mulf %sub3A_136, %sub3A_136 : vector<512x128xf32>
    %add3A_138 = arith.addf %broadcast_in_dim3A_131, %mul3A_137 : vector<512x128xf32>
    %slice3A_139 = vector.extract_strided_slice %get3A_3 {offsets = [0, 1], sizes = [512, 1], strides = [1, 1]} : vector<512x3xf32> to vector<512x1xf32>
    %slice3A_140 = vector.extract_strided_slice %get3A_8 {offsets = [1, 384], sizes = [1, 128], strides = [1, 1]} : vector<3x2048xf32> to vector<1x128xf32>
    %sub3A_141 = vector.broadcast %slice3A_139 : vector<512x1xf32> to vector<512x128xf32>
    %sub3A_142 = vector.broadcast %slice3A_140 : vector<1x128xf32> to vector<512x128xf32>
    %sub3A_143 = arith.subf %sub3A_141, %sub3A_142 : vector<512x128xf32>
    %mul3A_144 = arith.mulf %sub3A_143, %sub3A_143 : vector<512x128xf32>
    %add3A_145 = arith.addf %add3A_138, %mul3A_144 : vector<512x128xf32>
    %slice3A_146 = vector.extract_strided_slice %get3A_3 {offsets = [0, 2], sizes = [512, 1], strides = [1, 1]} : vector<512x3xf32> to vector<512x1xf32>
    %slice3A_147 = vector.extract_strided_slice %get3A_8 {offsets = [2, 384], sizes = [1, 128], strides = [1, 1]} : vector<3x2048xf32> to vector<1x128xf32>
    %sub3A_148 = vector.broadcast %slice3A_146 : vector<512x1xf32> to vector<512x128xf32>
    %sub3A_149 = vector.broadcast %slice3A_147 : vector<1x128xf32> to vector<512x128xf32>
    %sub3A_150 = arith.subf %sub3A_148, %sub3A_149 : vector<512x128xf32>
    %mul3A_151 = arith.mulf %sub3A_150, %sub3A_150 : vector<512x128xf32>
    %add3A_152 = arith.addf %add3A_145, %mul3A_151 : vector<512x128xf32>
    %bitcast_convert_type3A_153 = tpu.bitcast %add3A_152 : vector<512x128xf32> -> vector<512x128xi32>
    %and3A_154 = arith.constant -16 : i32
    %and3A_155 = vector.broadcast %and3A_154 : i32 to vector<512x128xi32>
    %and3A_156 = arith.andi %bitcast_convert_type3A_153, %and3A_155 : vector<512x128xi32>
    %or3A_157 = arith.constant 3 : i32
    %or3A_158 = vector.broadcast %or3A_157 : i32 to vector<512x128xi32>
    %or3A_159 = arith.ori %and3A_156, %or3A_158 : vector<512x128xi32>
    %add3A_160 = arith.constant 268435456 : i32
    %add3A_161 = vector.broadcast %add3A_160 : i32 to vector<512x128xi32>
    %add3A_162 = arith.addi %or3A_159, %add3A_161 : vector<512x128xi32>
    %bitcast_convert_type3A_163 = tpu.bitcast %add3A_162 : vector<512x128xi32> -> vector<512x128xf32>
    %max3A_164 = arith.maximumf %min3A_124, %bitcast_convert_type3A_163 : vector<512x128xf32>
    %min3A_165 = arith.minimumf %min3A_124, %bitcast_convert_type3A_163 : vector<512x128xf32>
    %max3A_166 = arith.maximumf %min3A_126, %max3A_164 : vector<512x128xf32>
    %min3A_167 = arith.minimumf %min3A_126, %max3A_164 : vector<512x128xf32>
    %max3A_168 = arith.maximumf %min3A_128, %max3A_166 : vector<512x128xf32>
    %min3A_169 = arith.minimumf %min3A_128, %max3A_166 : vector<512x128xf32>
    %min3A_170 = arith.minimumf %min3A_129, %max3A_168 : vector<512x128xf32>
    %broadcast_in_dim3A_171 = arith.constant 0.000000e+00 : f32
    %broadcast_in_dim3A_172 = vector.broadcast %broadcast_in_dim3A_171 : f32 to vector<512x128xf32>
    %slice3A_173 = vector.extract_strided_slice %get3A_3 {offsets = [0, 0], sizes = [512, 1], strides = [1, 1]} : vector<512x3xf32> to vector<512x1xf32>
    %slice3A_174 = vector.extract_strided_slice %get3A_8 {offsets = [0, 512], sizes = [1, 128], strides = [1, 1]} : vector<3x2048xf32> to vector<1x128xf32>
    %sub3A_175 = vector.broadcast %slice3A_173 : vector<512x1xf32> to vector<512x128xf32>
    %sub3A_176 = vector.broadcast %slice3A_174 : vector<1x128xf32> to vector<512x128xf32>
    %sub3A_177 = arith.subf %sub3A_175, %sub3A_176 : vector<512x128xf32>
    %mul3A_178 = arith.mulf %sub3A_177, %sub3A_177 : vector<512x128xf32>
    %add3A_179 = arith.addf %broadcast_in_dim3A_172, %mul3A_178 : vector<512x128xf32>
    %slice3A_180 = vector.extract_strided_slice %get3A_3 {offsets = [0, 1], sizes = [512, 1], strides = [1, 1]} : vector<512x3xf32> to vector<512x1xf32>
    %slice3A_181 = vector.extract_strided_slice %get3A_8 {offsets = [1, 512], sizes = [1, 128], strides = [1, 1]} : vector<3x2048xf32> to vector<1x128xf32>
    %sub3A_182 = vector.broadcast %slice3A_180 : vector<512x1xf32> to vector<512x128xf32>
    %sub3A_183 = vector.broadcast %slice3A_181 : vector<1x128xf32> to vector<512x128xf32>
    %sub3A_184 = arith.subf %sub3A_182, %sub3A_183 : vector<512x128xf32>
    %mul3A_185 = arith.mulf %sub3A_184, %sub3A_184 : vector<512x128xf32>
    %add3A_186 = arith.addf %add3A_179, %mul3A_185 : vector<512x128xf32>
    %slice3A_187 = vector.extract_strided_slice %get3A_3 {offsets = [0, 2], sizes = [512, 1], strides = [1, 1]} : vector<512x3xf32> to vector<512x1xf32>
    %slice3A_188 = vector.extract_strided_slice %get3A_8 {offsets = [2, 512], sizes = [1, 128], strides = [1, 1]} : vector<3x2048xf32> to vector<1x128xf32>
    %sub3A_189 = vector.broadcast %slice3A_187 : vector<512x1xf32> to vector<512x128xf32>
    %sub3A_190 = vector.broadcast %slice3A_188 : vector<1x128xf32> to vector<512x128xf32>
    %sub3A_191 = arith.subf %sub3A_189, %sub3A_190 : vector<512x128xf32>
    %mul3A_192 = arith.mulf %sub3A_191, %sub3A_191 : vector<512x128xf32>
    %add3A_193 = arith.addf %add3A_186, %mul3A_192 : vector<512x128xf32>
    %bitcast_convert_type3A_194 = tpu.bitcast %add3A_193 : vector<512x128xf32> -> vector<512x128xi32>
    %and3A_195 = arith.constant -16 : i32
    %and3A_196 = vector.broadcast %and3A_195 : i32 to vector<512x128xi32>
    %and3A_197 = arith.andi %bitcast_convert_type3A_194, %and3A_196 : vector<512x128xi32>
    %or3A_198 = arith.constant 4 : i32
    %or3A_199 = vector.broadcast %or3A_198 : i32 to vector<512x128xi32>
    %or3A_200 = arith.ori %and3A_197, %or3A_199 : vector<512x128xi32>
    %add3A_201 = arith.constant 268435456 : i32
    %add3A_202 = vector.broadcast %add3A_201 : i32 to vector<512x128xi32>
    %add3A_203 = arith.addi %or3A_200, %add3A_202 : vector<512x128xi32>
    %bitcast_convert_type3A_204 = tpu.bitcast %add3A_203 : vector<512x128xi32> -> vector<512x128xf32>
    %max3A_205 = arith.maximumf %min3A_165, %bitcast_convert_type3A_204 : vector<512x128xf32>
    %min3A_206 = arith.minimumf %min3A_165, %bitcast_convert_type3A_204 : vector<512x128xf32>
    %max3A_207 = arith.maximumf %min3A_167, %max3A_205 : vector<512x128xf32>
    %min3A_208 = arith.minimumf %min3A_167, %max3A_205 : vector<512x128xf32>
    %max3A_209 = arith.maximumf %min3A_169, %max3A_207 : vector<512x128xf32>
    %min3A_210 = arith.minimumf %min3A_169, %max3A_207 : vector<512x128xf32>
    %min3A_211 = arith.minimumf %min3A_170, %max3A_209 : vector<512x128xf32>
    %broadcast_in_dim3A_212 = arith.constant 0.000000e+00 : f32
    %broadcast_in_dim3A_213 = vector.broadcast %broadcast_in_dim3A_212 : f32 to vector<512x128xf32>
    %slice3A_214 = vector.extract_strided_slice %get3A_3 {offsets = [0, 0], sizes = [512, 1], strides = [1, 1]} : vector<512x3xf32> to vector<512x1xf32>
    %slice3A_215 = vector.extract_strided_slice %get3A_8 {offsets = [0, 640], sizes = [1, 128], strides = [1, 1]} : vector<3x2048xf32> to vector<1x128xf32>
    %sub3A_216 = vector.broadcast %slice3A_214 : vector<512x1xf32> to vector<512x128xf32>
    %sub3A_217 = vector.broadcast %slice3A_215 : vector<1x128xf32> to vector<512x128xf32>
    %sub3A_218 = arith.subf %sub3A_216, %sub3A_217 : vector<512x128xf32>
    %mul3A_219 = arith.mulf %sub3A_218, %sub3A_218 : vector<512x128xf32>
    %add3A_220 = arith.addf %broadcast_in_dim3A_213, %mul3A_219 : vector<512x128xf32>
    %slice3A_221 = vector.extract_strided_slice %get3A_3 {offsets = [0, 1], sizes = [512, 1], strides = [1, 1]} : vector<512x3xf32> to vector<512x1xf32>
    %slice3A_222 = vector.extract_strided_slice %get3A_8 {offsets = [1, 640], sizes = [1, 128], strides = [1, 1]} : vector<3x2048xf32> to vector<1x128xf32>
    %sub3A_223 = vector.broadcast %slice3A_221 : vector<512x1xf32> to vector<512x128xf32>
    %sub3A_224 = vector.broadcast %slice3A_222 : vector<1x128xf32> to vector<512x128xf32>
    %sub3A_225 = arith.subf %sub3A_223, %sub3A_224 : vector<512x128xf32>
    %mul3A_226 = arith.mulf %sub3A_225, %sub3A_225 : vector<512x128xf32>
    %add3A_227 = arith.addf %add3A_220, %mul3A_226 : vector<512x128xf32>
    %slice3A_228 = vector.extract_strided_slice %get3A_3 {offsets = [0, 2], sizes = [512, 1], strides = [1, 1]} : vector<512x3xf32> to vector<512x1xf32>
    %slice3A_229 = vector.extract_strided_slice %get3A_8 {offsets = [2, 640], sizes = [1, 128], strides = [1, 1]} : vector<3x2048xf32> to vector<1x128xf32>
    %sub3A_230 = vector.broadcast %slice3A_228 : vector<512x1xf32> to vector<512x128xf32>
    %sub3A_231 = vector.broadcast %slice3A_229 : vector<1x128xf32> to vector<512x128xf32>
    %sub3A_232 = arith.subf %sub3A_230, %sub3A_231 : vector<512x128xf32>
    %mul3A_233 = arith.mulf %sub3A_232, %sub3A_232 : vector<512x128xf32>
    %add3A_234 = arith.addf %add3A_227, %mul3A_233 : vector<512x128xf32>
    %bitcast_convert_type3A_235 = tpu.bitcast %add3A_234 : vector<512x128xf32> -> vector<512x128xi32>
    %and3A_236 = arith.constant -16 : i32
    %and3A_237 = vector.broadcast %and3A_236 : i32 to vector<512x128xi32>
    %and3A_238 = arith.andi %bitcast_convert_type3A_235, %and3A_237 : vector<512x128xi32>
    %or3A_239 = arith.constant 5 : i32
    %or3A_240 = vector.broadcast %or3A_239 : i32 to vector<512x128xi32>
    %or3A_241 = arith.ori %and3A_238, %or3A_240 : vector<512x128xi32>
    %add3A_242 = arith.constant 268435456 : i32
    %add3A_243 = vector.broadcast %add3A_242 : i32 to vector<512x128xi32>
    %add3A_244 = arith.addi %or3A_241, %add3A_243 : vector<512x128xi32>
    %bitcast_convert_type3A_245 = tpu.bitcast %add3A_244 : vector<512x128xi32> -> vector<512x128xf32>
    %max3A_246 = arith.maximumf %min3A_206, %bitcast_convert_type3A_245 : vector<512x128xf32>
    %min3A_247 = arith.minimumf %min3A_206, %bitcast_convert_type3A_245 : vector<512x128xf32>
    %max3A_248 = arith.maximumf %min3A_208, %max3A_246 : vector<512x128xf32>
    %min3A_249 = arith.minimumf %min3A_208, %max3A_246 : vector<512x128xf32>
    %max3A_250 = arith.maximumf %min3A_210, %max3A_248 : vector<512x128xf32>
    %min3A_251 = arith.minimumf %min3A_210, %max3A_248 : vector<512x128xf32>
    %min3A_252 = arith.minimumf %min3A_211, %max3A_250 : vector<512x128xf32>
    %broadcast_in_dim3A_253 = arith.constant 0.000000e+00 : f32
    %broadcast_in_dim3A_254 = vector.broadcast %broadcast_in_dim3A_253 : f32 to vector<512x128xf32>
    %slice3A_255 = vector.extract_strided_slice %get3A_3 {offsets = [0, 0], sizes = [512, 1], strides = [1, 1]} : vector<512x3xf32> to vector<512x1xf32>
    %slice3A_256 = vector.extract_strided_slice %get3A_8 {offsets = [0, 768], sizes = [1, 128], strides = [1, 1]} : vector<3x2048xf32> to vector<1x128xf32>
    %sub3A_257 = vector.broadcast %slice3A_255 : vector<512x1xf32> to vector<512x128xf32>
    %sub3A_258 = vector.broadcast %slice3A_256 : vector<1x128xf32> to vector<512x128xf32>
    %sub3A_259 = arith.subf %sub3A_257, %sub3A_258 : vector<512x128xf32>
    %mul3A_260 = arith.mulf %sub3A_259, %sub3A_259 : vector<512x128xf32>
    %add3A_261 = arith.addf %broadcast_in_dim3A_254, %mul3A_260 : vector<512x128xf32>
    %slice3A_262 = vector.extract_strided_slice %get3A_3 {offsets = [0, 1], sizes = [512, 1], strides = [1, 1]} : vector<512x3xf32> to vector<512x1xf32>
    %slice3A_263 = vector.extract_strided_slice %get3A_8 {offsets = [1, 768], sizes = [1, 128], strides = [1, 1]} : vector<3x2048xf32> to vector<1x128xf32>
    %sub3A_264 = vector.broadcast %slice3A_262 : vector<512x1xf32> to vector<512x128xf32>
    %sub3A_265 = vector.broadcast %slice3A_263 : vector<1x128xf32> to vector<512x128xf32>
    %sub3A_266 = arith.subf %sub3A_264, %sub3A_265 : vector<512x128xf32>
    %mul3A_267 = arith.mulf %sub3A_266, %sub3A_266 : vector<512x128xf32>
    %add3A_268 = arith.addf %add3A_261, %mul3A_267 : vector<512x128xf32>
    %slice3A_269 = vector.extract_strided_slice %get3A_3 {offsets = [0, 2], sizes = [512, 1], strides = [1, 1]} : vector<512x3xf32> to vector<512x1xf32>
    %slice3A_270 = vector.extract_strided_slice %get3A_8 {offsets = [2, 768], sizes = [1, 128], strides = [1, 1]} : vector<3x2048xf32> to vector<1x128xf32>
    %sub3A_271 = vector.broadcast %slice3A_269 : vector<512x1xf32> to vector<512x128xf32>
    %sub3A_272 = vector.broadcast %slice3A_270 : vector<1x128xf32> to vector<512x128xf32>
    %sub3A_273 = arith.subf %sub3A_271, %sub3A_272 : vector<512x128xf32>
    %mul3A_274 = arith.mulf %sub3A_273, %sub3A_273 : vector<512x128xf32>
    %add3A_275 = arith.addf %add3A_268, %mul3A_274 : vector<512x128xf32>
    %bitcast_convert_type3A_276 = tpu.bitcast %add3A_275 : vector<512x128xf32> -> vector<512x128xi32>
    %and3A_277 = arith.constant -16 : i32
    %and3A_278 = vector.broadcast %and3A_277 : i32 to vector<512x128xi32>
    %and3A_279 = arith.andi %bitcast_convert_type3A_276, %and3A_278 : vector<512x128xi32>
    %or3A_280 = arith.constant 6 : i32
    %or3A_281 = vector.broadcast %or3A_280 : i32 to vector<512x128xi32>
    %or3A_282 = arith.ori %and3A_279, %or3A_281 : vector<512x128xi32>
    %add3A_283 = arith.constant 268435456 : i32
    %add3A_284 = vector.broadcast %add3A_283 : i32 to vector<512x128xi32>
    %add3A_285 = arith.addi %or3A_282, %add3A_284 : vector<512x128xi32>
    %bitcast_convert_type3A_286 = tpu.bitcast %add3A_285 : vector<512x128xi32> -> vector<512x128xf32>
    %max3A_287 = arith.maximumf %min3A_247, %bitcast_convert_type3A_286 : vector<512x128xf32>
    %min3A_288 = arith.minimumf %min3A_247, %bitcast_convert_type3A_286 : vector<512x128xf32>
    %max3A_289 = arith.maximumf %min3A_249, %max3A_287 : vector<512x128xf32>
    %min3A_290 = arith.minimumf %min3A_249, %max3A_287 : vector<512x128xf32>
    %max3A_291 = arith.maximumf %min3A_251, %max3A_289 : vector<512x128xf32>
    %min3A_292 = arith.minimumf %min3A_251, %max3A_289 : vector<512x128xf32>
    %min3A_293 = arith.minimumf %min3A_252, %max3A_291 : vector<512x128xf32>
    %broadcast_in_dim3A_294 = arith.constant 0.000000e+00 : f32
    %broadcast_in_dim3A_295 = vector.broadcast %broadcast_in_dim3A_294 : f32 to vector<512x128xf32>
    %slice3A_296 = vector.extract_strided_slice %get3A_3 {offsets = [0, 0], sizes = [512, 1], strides = [1, 1]} : vector<512x3xf32> to vector<512x1xf32>
    %slice3A_297 = vector.extract_strided_slice %get3A_8 {offsets = [0, 896], sizes = [1, 128], strides = [1, 1]} : vector<3x2048xf32> to vector<1x128xf32>
    %sub3A_298 = vector.broadcast %slice3A_296 : vector<512x1xf32> to vector<512x128xf32>
    %sub3A_299 = vector.broadcast %slice3A_297 : vector<1x128xf32> to vector<512x128xf32>
    %sub3A_300 = arith.subf %sub3A_298, %sub3A_299 : vector<512x128xf32>
    %mul3A_301 = arith.mulf %sub3A_300, %sub3A_300 : vector<512x128xf32>
    %add3A_302 = arith.addf %broadcast_in_dim3A_295, %mul3A_301 : vector<512x128xf32>
    %slice3A_303 = vector.extract_strided_slice %get3A_3 {offsets = [0, 1], sizes = [512, 1], strides = [1, 1]} : vector<512x3xf32> to vector<512x1xf32>
    %slice3A_304 = vector.extract_strided_slice %get3A_8 {offsets = [1, 896], sizes = [1, 128], strides = [1, 1]} : vector<3x2048xf32> to vector<1x128xf32>
    %sub3A_305 = vector.broadcast %slice3A_303 : vector<512x1xf32> to vector<512x128xf32>
    %sub3A_306 = vector.broadcast %slice3A_304 : vector<1x128xf32> to vector<512x128xf32>
    %sub3A_307 = arith.subf %sub3A_305, %sub3A_306 : vector<512x128xf32>
    %mul3A_308 = arith.mulf %sub3A_307, %sub3A_307 : vector<512x128xf32>
    %add3A_309 = arith.addf %add3A_302, %mul3A_308 : vector<512x128xf32>
    %slice3A_310 = vector.extract_strided_slice %get3A_3 {offsets = [0, 2], sizes = [512, 1], strides = [1, 1]} : vector<512x3xf32> to vector<512x1xf32>
    %slice3A_311 = vector.extract_strided_slice %get3A_8 {offsets = [2, 896], sizes = [1, 128], strides = [1, 1]} : vector<3x2048xf32> to vector<1x128xf32>
    %sub3A_312 = vector.broadcast %slice3A_310 : vector<512x1xf32> to vector<512x128xf32>
    %sub3A_313 = vector.broadcast %slice3A_311 : vector<1x128xf32> to vector<512x128xf32>
    %sub3A_314 = arith.subf %sub3A_312, %sub3A_313 : vector<512x128xf32>
    %mul3A_315 = arith.mulf %sub3A_314, %sub3A_314 : vector<512x128xf32>
    %add3A_316 = arith.addf %add3A_309, %mul3A_315 : vector<512x128xf32>
    %bitcast_convert_type3A_317 = tpu.bitcast %add3A_316 : vector<512x128xf32> -> vector<512x128xi32>
    %and3A_318 = arith.constant -16 : i32
    %and3A_319 = vector.broadcast %and3A_318 : i32 to vector<512x128xi32>
    %and3A_320 = arith.andi %bitcast_convert_type3A_317, %and3A_319 : vector<512x128xi32>
    %or3A_321 = arith.constant 7 : i32
    %or3A_322 = vector.broadcast %or3A_321 : i32 to vector<512x128xi32>
    %or3A_323 = arith.ori %and3A_320, %or3A_322 : vector<512x128xi32>
    %add3A_324 = arith.constant 268435456 : i32
    %add3A_325 = vector.broadcast %add3A_324 : i32 to vector<512x128xi32>
    %add3A_326 = arith.addi %or3A_323, %add3A_325 : vector<512x128xi32>
    %bitcast_convert_type3A_327 = tpu.bitcast %add3A_326 : vector<512x128xi32> -> vector<512x128xf32>
    %max3A_328 = arith.maximumf %min3A_288, %bitcast_convert_type3A_327 : vector<512x128xf32>
    %min3A_329 = arith.minimumf %min3A_288, %bitcast_convert_type3A_327 : vector<512x128xf32>
    %max3A_330 = arith.maximumf %min3A_290, %max3A_328 : vector<512x128xf32>
    %min3A_331 = arith.minimumf %min3A_290, %max3A_328 : vector<512x128xf32>
    %max3A_332 = arith.maximumf %min3A_292, %max3A_330 : vector<512x128xf32>
    %min3A_333 = arith.minimumf %min3A_292, %max3A_330 : vector<512x128xf32>
    %min3A_334 = arith.minimumf %min3A_293, %max3A_332 : vector<512x128xf32>
    %broadcast_in_dim3A_335 = arith.constant 0.000000e+00 : f32
    %broadcast_in_dim3A_336 = vector.broadcast %broadcast_in_dim3A_335 : f32 to vector<512x128xf32>
    %slice3A_337 = vector.extract_strided_slice %get3A_3 {offsets = [0, 0], sizes = [512, 1], strides = [1, 1]} : vector<512x3xf32> to vector<512x1xf32>
    %slice3A_338 = vector.extract_strided_slice %get3A_8 {offsets = [0, 1024], sizes = [1, 128], strides = [1, 1]} : vector<3x2048xf32> to vector<1x128xf32>
    %sub3A_339 = vector.broadcast %slice3A_337 : vector<512x1xf32> to vector<512x128xf32>
    %sub3A_340 = vector.broadcast %slice3A_338 : vector<1x128xf32> to vector<512x128xf32>
    %sub3A_341 = arith.subf %sub3A_339, %sub3A_340 : vector<512x128xf32>
    %mul3A_342 = arith.mulf %sub3A_341, %sub3A_341 : vector<512x128xf32>
    %add3A_343 = arith.addf %broadcast_in_dim3A_336, %mul3A_342 : vector<512x128xf32>
    %slice3A_344 = vector.extract_strided_slice %get3A_3 {offsets = [0, 1], sizes = [512, 1], strides = [1, 1]} : vector<512x3xf32> to vector<512x1xf32>
    %slice3A_345 = vector.extract_strided_slice %get3A_8 {offsets = [1, 1024], sizes = [1, 128], strides = [1, 1]} : vector<3x2048xf32> to vector<1x128xf32>
    %sub3A_346 = vector.broadcast %slice3A_344 : vector<512x1xf32> to vector<512x128xf32>
    %sub3A_347 = vector.broadcast %slice3A_345 : vector<1x128xf32> to vector<512x128xf32>
    %sub3A_348 = arith.subf %sub3A_346, %sub3A_347 : vector<512x128xf32>
    %mul3A_349 = arith.mulf %sub3A_348, %sub3A_348 : vector<512x128xf32>
    %add3A_350 = arith.addf %add3A_343, %mul3A_349 : vector<512x128xf32>
    %slice3A_351 = vector.extract_strided_slice %get3A_3 {offsets = [0, 2], sizes = [512, 1], strides = [1, 1]} : vector<512x3xf32> to vector<512x1xf32>
    %slice3A_352 = vector.extract_strided_slice %get3A_8 {offsets = [2, 1024], sizes = [1, 128], strides = [1, 1]} : vector<3x2048xf32> to vector<1x128xf32>
    %sub3A_353 = vector.broadcast %slice3A_351 : vector<512x1xf32> to vector<512x128xf32>
    %sub3A_354 = vector.broadcast %slice3A_352 : vector<1x128xf32> to vector<512x128xf32>
    %sub3A_355 = arith.subf %sub3A_353, %sub3A_354 : vector<512x128xf32>
    %mul3A_356 = arith.mulf %sub3A_355, %sub3A_355 : vector<512x128xf32>
    %add3A_357 = arith.addf %add3A_350, %mul3A_356 : vector<512x128xf32>
    %bitcast_convert_type3A_358 = tpu.bitcast %add3A_357 : vector<512x128xf32> -> vector<512x128xi32>
    %and3A_359 = arith.constant -16 : i32
    %and3A_360 = vector.broadcast %and3A_359 : i32 to vector<512x128xi32>
    %and3A_361 = arith.andi %bitcast_convert_type3A_358, %and3A_360 : vector<512x128xi32>
    %or3A_362 = arith.constant 8 : i32
    %or3A_363 = vector.broadcast %or3A_362 : i32 to vector<512x128xi32>
    %or3A_364 = arith.ori %and3A_361, %or3A_363 : vector<512x128xi32>
    %add3A_365 = arith.constant 268435456 : i32
    %add3A_366 = vector.broadcast %add3A_365 : i32 to vector<512x128xi32>
    %add3A_367 = arith.addi %or3A_364, %add3A_366 : vector<512x128xi32>
    %bitcast_convert_type3A_368 = tpu.bitcast %add3A_367 : vector<512x128xi32> -> vector<512x128xf32>
    %max3A_369 = arith.maximumf %min3A_329, %bitcast_convert_type3A_368 : vector<512x128xf32>
    %min3A_370 = arith.minimumf %min3A_329, %bitcast_convert_type3A_368 : vector<512x128xf32>
    %max3A_371 = arith.maximumf %min3A_331, %max3A_369 : vector<512x128xf32>
    %min3A_372 = arith.minimumf %min3A_331, %max3A_369 : vector<512x128xf32>
    %max3A_373 = arith.maximumf %min3A_333, %max3A_371 : vector<512x128xf32>
    %min3A_374 = arith.minimumf %min3A_333, %max3A_371 : vector<512x128xf32>
    %min3A_375 = arith.minimumf %min3A_334, %max3A_373 : vector<512x128xf32>
    %broadcast_in_dim3A_376 = arith.constant 0.000000e+00 : f32
    %broadcast_in_dim3A_377 = vector.broadcast %broadcast_in_dim3A_376 : f32 to vector<512x128xf32>
    %slice3A_378 = vector.extract_strided_slice %get3A_3 {offsets = [0, 0], sizes = [512, 1], strides = [1, 1]} : vector<512x3xf32> to vector<512x1xf32>
    %slice3A_379 = vector.extract_strided_slice %get3A_8 {offsets = [0, 1152], sizes = [1, 128], strides = [1, 1]} : vector<3x2048xf32> to vector<1x128xf32>
    %sub3A_380 = vector.broadcast %slice3A_378 : vector<512x1xf32> to vector<512x128xf32>
    %sub3A_381 = vector.broadcast %slice3A_379 : vector<1x128xf32> to vector<512x128xf32>
    %sub3A_382 = arith.subf %sub3A_380, %sub3A_381 : vector<512x128xf32>
    %mul3A_383 = arith.mulf %sub3A_382, %sub3A_382 : vector<512x128xf32>
    %add3A_384 = arith.addf %broadcast_in_dim3A_377, %mul3A_383 : vector<512x128xf32>
    %slice3A_385 = vector.extract_strided_slice %get3A_3 {offsets = [0, 1], sizes = [512, 1], strides = [1, 1]} : vector<512x3xf32> to vector<512x1xf32>
    %slice3A_386 = vector.extract_strided_slice %get3A_8 {offsets = [1, 1152], sizes = [1, 128], strides = [1, 1]} : vector<3x2048xf32> to vector<1x128xf32>
    %sub3A_387 = vector.broadcast %slice3A_385 : vector<512x1xf32> to vector<512x128xf32>
    %sub3A_388 = vector.broadcast %slice3A_386 : vector<1x128xf32> to vector<512x128xf32>
    %sub3A_389 = arith.subf %sub3A_387, %sub3A_388 : vector<512x128xf32>
    %mul3A_390 = arith.mulf %sub3A_389, %sub3A_389 : vector<512x128xf32>
    %add3A_391 = arith.addf %add3A_384, %mul3A_390 : vector<512x128xf32>
    %slice3A_392 = vector.extract_strided_slice %get3A_3 {offsets = [0, 2], sizes = [512, 1], strides = [1, 1]} : vector<512x3xf32> to vector<512x1xf32>
    %slice3A_393 = vector.extract_strided_slice %get3A_8 {offsets = [2, 1152], sizes = [1, 128], strides = [1, 1]} : vector<3x2048xf32> to vector<1x128xf32>
    %sub3A_394 = vector.broadcast %slice3A_392 : vector<512x1xf32> to vector<512x128xf32>
    %sub3A_395 = vector.broadcast %slice3A_393 : vector<1x128xf32> to vector<512x128xf32>
    %sub3A_396 = arith.subf %sub3A_394, %sub3A_395 : vector<512x128xf32>
    %mul3A_397 = arith.mulf %sub3A_396, %sub3A_396 : vector<512x128xf32>
    %add3A_398 = arith.addf %add3A_391, %mul3A_397 : vector<512x128xf32>
    %bitcast_convert_type3A_399 = tpu.bitcast %add3A_398 : vector<512x128xf32> -> vector<512x128xi32>
    %and3A_400 = arith.constant -16 : i32
    %and3A_401 = vector.broadcast %and3A_400 : i32 to vector<512x128xi32>
    %and3A_402 = arith.andi %bitcast_convert_type3A_399, %and3A_401 : vector<512x128xi32>
    %or3A_403 = arith.constant 9 : i32
    %or3A_404 = vector.broadcast %or3A_403 : i32 to vector<512x128xi32>
    %or3A_405 = arith.ori %and3A_402, %or3A_404 : vector<512x128xi32>
    %add3A_406 = arith.constant 268435456 : i32
    %add3A_407 = vector.broadcast %add3A_406 : i32 to vector<512x128xi32>
    %add3A_408 = arith.addi %or3A_405, %add3A_407 : vector<512x128xi32>
    %bitcast_convert_type3A_409 = tpu.bitcast %add3A_408 : vector<512x128xi32> -> vector<512x128xf32>
    %max3A_410 = arith.maximumf %min3A_370, %bitcast_convert_type3A_409 : vector<512x128xf32>
    %min3A_411 = arith.minimumf %min3A_370, %bitcast_convert_type3A_409 : vector<512x128xf32>
    %max3A_412 = arith.maximumf %min3A_372, %max3A_410 : vector<512x128xf32>
    %min3A_413 = arith.minimumf %min3A_372, %max3A_410 : vector<512x128xf32>
    %max3A_414 = arith.maximumf %min3A_374, %max3A_412 : vector<512x128xf32>
    %min3A_415 = arith.minimumf %min3A_374, %max3A_412 : vector<512x128xf32>
    %min3A_416 = arith.minimumf %min3A_375, %max3A_414 : vector<512x128xf32>
    %broadcast_in_dim3A_417 = arith.constant 0.000000e+00 : f32
    %broadcast_in_dim3A_418 = vector.broadcast %broadcast_in_dim3A_417 : f32 to vector<512x128xf32>
    %slice3A_419 = vector.extract_strided_slice %get3A_3 {offsets = [0, 0], sizes = [512, 1], strides = [1, 1]} : vector<512x3xf32> to vector<512x1xf32>
    %slice3A_420 = vector.extract_strided_slice %get3A_8 {offsets = [0, 1280], sizes = [1, 128], strides = [1, 1]} : vector<3x2048xf32> to vector<1x128xf32>
    %sub3A_421 = vector.broadcast %slice3A_419 : vector<512x1xf32> to vector<512x128xf32>
    %sub3A_422 = vector.broadcast %slice3A_420 : vector<1x128xf32> to vector<512x128xf32>
    %sub3A_423 = arith.subf %sub3A_421, %sub3A_422 : vector<512x128xf32>
    %mul3A_424 = arith.mulf %sub3A_423, %sub3A_423 : vector<512x128xf32>
    %add3A_425 = arith.addf %broadcast_in_dim3A_418, %mul3A_424 : vector<512x128xf32>
    %slice3A_426 = vector.extract_strided_slice %get3A_3 {offsets = [0, 1], sizes = [512, 1], strides = [1, 1]} : vector<512x3xf32> to vector<512x1xf32>
    %slice3A_427 = vector.extract_strided_slice %get3A_8 {offsets = [1, 1280], sizes = [1, 128], strides = [1, 1]} : vector<3x2048xf32> to vector<1x128xf32>
    %sub3A_428 = vector.broadcast %slice3A_426 : vector<512x1xf32> to vector<512x128xf32>
    %sub3A_429 = vector.broadcast %slice3A_427 : vector<1x128xf32> to vector<512x128xf32>
    %sub3A_430 = arith.subf %sub3A_428, %sub3A_429 : vector<512x128xf32>
    %mul3A_431 = arith.mulf %sub3A_430, %sub3A_430 : vector<512x128xf32>
    %add3A_432 = arith.addf %add3A_425, %mul3A_431 : vector<512x128xf32>
    %slice3A_433 = vector.extract_strided_slice %get3A_3 {offsets = [0, 2], sizes = [512, 1], strides = [1, 1]} : vector<512x3xf32> to vector<512x1xf32>
    %slice3A_434 = vector.extract_strided_slice %get3A_8 {offsets = [2, 1280], sizes = [1, 128], strides = [1, 1]} : vector<3x2048xf32> to vector<1x128xf32>
    %sub3A_435 = vector.broadcast %slice3A_433 : vector<512x1xf32> to vector<512x128xf32>
    %sub3A_436 = vector.broadcast %slice3A_434 : vector<1x128xf32> to vector<512x128xf32>
    %sub3A_437 = arith.subf %sub3A_435, %sub3A_436 : vector<512x128xf32>
    %mul3A_438 = arith.mulf %sub3A_437, %sub3A_437 : vector<512x128xf32>
    %add3A_439 = arith.addf %add3A_432, %mul3A_438 : vector<512x128xf32>
    %bitcast_convert_type3A_440 = tpu.bitcast %add3A_439 : vector<512x128xf32> -> vector<512x128xi32>
    %and3A_441 = arith.constant -16 : i32
    %and3A_442 = vector.broadcast %and3A_441 : i32 to vector<512x128xi32>
    %and3A_443 = arith.andi %bitcast_convert_type3A_440, %and3A_442 : vector<512x128xi32>
    %or3A_444 = arith.constant 10 : i32
    %or3A_445 = vector.broadcast %or3A_444 : i32 to vector<512x128xi32>
    %or3A_446 = arith.ori %and3A_443, %or3A_445 : vector<512x128xi32>
    %add3A_447 = arith.constant 268435456 : i32
    %add3A_448 = vector.broadcast %add3A_447 : i32 to vector<512x128xi32>
    %add3A_449 = arith.addi %or3A_446, %add3A_448 : vector<512x128xi32>
    %bitcast_convert_type3A_450 = tpu.bitcast %add3A_449 : vector<512x128xi32> -> vector<512x128xf32>
    %max3A_451 = arith.maximumf %min3A_411, %bitcast_convert_type3A_450 : vector<512x128xf32>
    %min3A_452 = arith.minimumf %min3A_411, %bitcast_convert_type3A_450 : vector<512x128xf32>
    %max3A_453 = arith.maximumf %min3A_413, %max3A_451 : vector<512x128xf32>
    %min3A_454 = arith.minimumf %min3A_413, %max3A_451 : vector<512x128xf32>
    %max3A_455 = arith.maximumf %min3A_415, %max3A_453 : vector<512x128xf32>
    %min3A_456 = arith.minimumf %min3A_415, %max3A_453 : vector<512x128xf32>
    %min3A_457 = arith.minimumf %min3A_416, %max3A_455 : vector<512x128xf32>
    %broadcast_in_dim3A_458 = arith.constant 0.000000e+00 : f32
    %broadcast_in_dim3A_459 = vector.broadcast %broadcast_in_dim3A_458 : f32 to vector<512x128xf32>
    %slice3A_460 = vector.extract_strided_slice %get3A_3 {offsets = [0, 0], sizes = [512, 1], strides = [1, 1]} : vector<512x3xf32> to vector<512x1xf32>
    %slice3A_461 = vector.extract_strided_slice %get3A_8 {offsets = [0, 1408], sizes = [1, 128], strides = [1, 1]} : vector<3x2048xf32> to vector<1x128xf32>
    %sub3A_462 = vector.broadcast %slice3A_460 : vector<512x1xf32> to vector<512x128xf32>
    %sub3A_463 = vector.broadcast %slice3A_461 : vector<1x128xf32> to vector<512x128xf32>
    %sub3A_464 = arith.subf %sub3A_462, %sub3A_463 : vector<512x128xf32>
    %mul3A_465 = arith.mulf %sub3A_464, %sub3A_464 : vector<512x128xf32>
    %add3A_466 = arith.addf %broadcast_in_dim3A_459, %mul3A_465 : vector<512x128xf32>
    %slice3A_467 = vector.extract_strided_slice %get3A_3 {offsets = [0, 1], sizes = [512, 1], strides = [1, 1]} : vector<512x3xf32> to vector<512x1xf32>
    %slice3A_468 = vector.extract_strided_slice %get3A_8 {offsets = [1, 1408], sizes = [1, 128], strides = [1, 1]} : vector<3x2048xf32> to vector<1x128xf32>
    %sub3A_469 = vector.broadcast %slice3A_467 : vector<512x1xf32> to vector<512x128xf32>
    %sub3A_470 = vector.broadcast %slice3A_468 : vector<1x128xf32> to vector<512x128xf32>
    %sub3A_471 = arith.subf %sub3A_469, %sub3A_470 : vector<512x128xf32>
    %mul3A_472 = arith.mulf %sub3A_471, %sub3A_471 : vector<512x128xf32>
    %add3A_473 = arith.addf %add3A_466, %mul3A_472 : vector<512x128xf32>
    %slice3A_474 = vector.extract_strided_slice %get3A_3 {offsets = [0, 2], sizes = [512, 1], strides = [1, 1]} : vector<512x3xf32> to vector<512x1xf32>
    %slice3A_475 = vector.extract_strided_slice %get3A_8 {offsets = [2, 1408], sizes = [1, 128], strides = [1, 1]} : vector<3x2048xf32> to vector<1x128xf32>
    %sub3A_476 = vector.broadcast %slice3A_474 : vector<512x1xf32> to vector<512x128xf32>
    %sub3A_477 = vector.broadcast %slice3A_475 : vector<1x128xf32> to vector<512x128xf32>
    %sub3A_478 = arith.subf %sub3A_476, %sub3A_477 : vector<512x128xf32>
    %mul3A_479 = arith.mulf %sub3A_478, %sub3A_478 : vector<512x128xf32>
    %add3A_480 = arith.addf %add3A_473, %mul3A_479 : vector<512x128xf32>
    %bitcast_convert_type3A_481 = tpu.bitcast %add3A_480 : vector<512x128xf32> -> vector<512x128xi32>
    %and3A_482 = arith.constant -16 : i32
    %and3A_483 = vector.broadcast %and3A_482 : i32 to vector<512x128xi32>
    %and3A_484 = arith.andi %bitcast_convert_type3A_481, %and3A_483 : vector<512x128xi32>
    %or3A_485 = arith.constant 11 : i32
    %or3A_486 = vector.broadcast %or3A_485 : i32 to vector<512x128xi32>
    %or3A_487 = arith.ori %and3A_484, %or3A_486 : vector<512x128xi32>
    %add3A_488 = arith.constant 268435456 : i32
    %add3A_489 = vector.broadcast %add3A_488 : i32 to vector<512x128xi32>
    %add3A_490 = arith.addi %or3A_487, %add3A_489 : vector<512x128xi32>
    %bitcast_convert_type3A_491 = tpu.bitcast %add3A_490 : vector<512x128xi32> -> vector<512x128xf32>
    %max3A_492 = arith.maximumf %min3A_452, %bitcast_convert_type3A_491 : vector<512x128xf32>
    %min3A_493 = arith.minimumf %min3A_452, %bitcast_convert_type3A_491 : vector<512x128xf32>
    %max3A_494 = arith.maximumf %min3A_454, %max3A_492 : vector<512x128xf32>
    %min3A_495 = arith.minimumf %min3A_454, %max3A_492 : vector<512x128xf32>
    %max3A_496 = arith.maximumf %min3A_456, %max3A_494 : vector<512x128xf32>
    %min3A_497 = arith.minimumf %min3A_456, %max3A_494 : vector<512x128xf32>
    %min3A_498 = arith.minimumf %min3A_457, %max3A_496 : vector<512x128xf32>
    %broadcast_in_dim3A_499 = arith.constant 0.000000e+00 : f32
    %broadcast_in_dim3A_500 = vector.broadcast %broadcast_in_dim3A_499 : f32 to vector<512x128xf32>
    %slice3A_501 = vector.extract_strided_slice %get3A_3 {offsets = [0, 0], sizes = [512, 1], strides = [1, 1]} : vector<512x3xf32> to vector<512x1xf32>
    %slice3A_502 = vector.extract_strided_slice %get3A_8 {offsets = [0, 1536], sizes = [1, 128], strides = [1, 1]} : vector<3x2048xf32> to vector<1x128xf32>
    %sub3A_503 = vector.broadcast %slice3A_501 : vector<512x1xf32> to vector<512x128xf32>
    %sub3A_504 = vector.broadcast %slice3A_502 : vector<1x128xf32> to vector<512x128xf32>
    %sub3A_505 = arith.subf %sub3A_503, %sub3A_504 : vector<512x128xf32>
    %mul3A_506 = arith.mulf %sub3A_505, %sub3A_505 : vector<512x128xf32>
    %add3A_507 = arith.addf %broadcast_in_dim3A_500, %mul3A_506 : vector<512x128xf32>
    %slice3A_508 = vector.extract_strided_slice %get3A_3 {offsets = [0, 1], sizes = [512, 1], strides = [1, 1]} : vector<512x3xf32> to vector<512x1xf32>
    %slice3A_509 = vector.extract_strided_slice %get3A_8 {offsets = [1, 1536], sizes = [1, 128], strides = [1, 1]} : vector<3x2048xf32> to vector<1x128xf32>
    %sub3A_510 = vector.broadcast %slice3A_508 : vector<512x1xf32> to vector<512x128xf32>
    %sub3A_511 = vector.broadcast %slice3A_509 : vector<1x128xf32> to vector<512x128xf32>
    %sub3A_512 = arith.subf %sub3A_510, %sub3A_511 : vector<512x128xf32>
    %mul3A_513 = arith.mulf %sub3A_512, %sub3A_512 : vector<512x128xf32>
    %add3A_514 = arith.addf %add3A_507, %mul3A_513 : vector<512x128xf32>
    %slice3A_515 = vector.extract_strided_slice %get3A_3 {offsets = [0, 2], sizes = [512, 1], strides = [1, 1]} : vector<512x3xf32> to vector<512x1xf32>
    %slice3A_516 = vector.extract_strided_slice %get3A_8 {offsets = [2, 1536], sizes = [1, 128], strides = [1, 1]} : vector<3x2048xf32> to vector<1x128xf32>
    %sub3A_517 = vector.broadcast %slice3A_515 : vector<512x1xf32> to vector<512x128xf32>
    %sub3A_518 = vector.broadcast %slice3A_516 : vector<1x128xf32> to vector<512x128xf32>
    %sub3A_519 = arith.subf %sub3A_517, %sub3A_518 : vector<512x128xf32>
    %mul3A_520 = arith.mulf %sub3A_519, %sub3A_519 : vector<512x128xf32>
    %add3A_521 = arith.addf %add3A_514, %mul3A_520 : vector<512x128xf32>
    %bitcast_convert_type3A_522 = tpu.bitcast %add3A_521 : vector<512x128xf32> -> vector<512x128xi32>
    %and3A_523 = arith.constant -16 : i32
    %and3A_524 = vector.broadcast %and3A_523 : i32 to vector<512x128xi32>
    %and3A_525 = arith.andi %bitcast_convert_type3A_522, %and3A_524 : vector<512x128xi32>
    %or3A_526 = arith.constant 12 : i32
    %or3A_527 = vector.broadcast %or3A_526 : i32 to vector<512x128xi32>
    %or3A_528 = arith.ori %and3A_525, %or3A_527 : vector<512x128xi32>
    %add3A_529 = arith.constant 268435456 : i32
    %add3A_530 = vector.broadcast %add3A_529 : i32 to vector<512x128xi32>
    %add3A_531 = arith.addi %or3A_528, %add3A_530 : vector<512x128xi32>
    %bitcast_convert_type3A_532 = tpu.bitcast %add3A_531 : vector<512x128xi32> -> vector<512x128xf32>
    %max3A_533 = arith.maximumf %min3A_493, %bitcast_convert_type3A_532 : vector<512x128xf32>
    %min3A_534 = arith.minimumf %min3A_493, %bitcast_convert_type3A_532 : vector<512x128xf32>
    %max3A_535 = arith.maximumf %min3A_495, %max3A_533 : vector<512x128xf32>
    %min3A_536 = arith.minimumf %min3A_495, %max3A_533 : vector<512x128xf32>
    %max3A_537 = arith.maximumf %min3A_497, %max3A_535 : vector<512x128xf32>
    %min3A_538 = arith.minimumf %min3A_497, %max3A_535 : vector<512x128xf32>
    %min3A_539 = arith.minimumf %min3A_498, %max3A_537 : vector<512x128xf32>
    %broadcast_in_dim3A_540 = arith.constant 0.000000e+00 : f32
    %broadcast_in_dim3A_541 = vector.broadcast %broadcast_in_dim3A_540 : f32 to vector<512x128xf32>
    %slice3A_542 = vector.extract_strided_slice %get3A_3 {offsets = [0, 0], sizes = [512, 1], strides = [1, 1]} : vector<512x3xf32> to vector<512x1xf32>
    %slice3A_543 = vector.extract_strided_slice %get3A_8 {offsets = [0, 1664], sizes = [1, 128], strides = [1, 1]} : vector<3x2048xf32> to vector<1x128xf32>
    %sub3A_544 = vector.broadcast %slice3A_542 : vector<512x1xf32> to vector<512x128xf32>
    %sub3A_545 = vector.broadcast %slice3A_543 : vector<1x128xf32> to vector<512x128xf32>
    %sub3A_546 = arith.subf %sub3A_544, %sub3A_545 : vector<512x128xf32>
    %mul3A_547 = arith.mulf %sub3A_546, %sub3A_546 : vector<512x128xf32>
    %add3A_548 = arith.addf %broadcast_in_dim3A_541, %mul3A_547 : vector<512x128xf32>
    %slice3A_549 = vector.extract_strided_slice %get3A_3 {offsets = [0, 1], sizes = [512, 1], strides = [1, 1]} : vector<512x3xf32> to vector<512x1xf32>
    %slice3A_550 = vector.extract_strided_slice %get3A_8 {offsets = [1, 1664], sizes = [1, 128], strides = [1, 1]} : vector<3x2048xf32> to vector<1x128xf32>
    %sub3A_551 = vector.broadcast %slice3A_549 : vector<512x1xf32> to vector<512x128xf32>
    %sub3A_552 = vector.broadcast %slice3A_550 : vector<1x128xf32> to vector<512x128xf32>
    %sub3A_553 = arith.subf %sub3A_551, %sub3A_552 : vector<512x128xf32>
    %mul3A_554 = arith.mulf %sub3A_553, %sub3A_553 : vector<512x128xf32>
    %add3A_555 = arith.addf %add3A_548, %mul3A_554 : vector<512x128xf32>
    %slice3A_556 = vector.extract_strided_slice %get3A_3 {offsets = [0, 2], sizes = [512, 1], strides = [1, 1]} : vector<512x3xf32> to vector<512x1xf32>
    %slice3A_557 = vector.extract_strided_slice %get3A_8 {offsets = [2, 1664], sizes = [1, 128], strides = [1, 1]} : vector<3x2048xf32> to vector<1x128xf32>
    %sub3A_558 = vector.broadcast %slice3A_556 : vector<512x1xf32> to vector<512x128xf32>
    %sub3A_559 = vector.broadcast %slice3A_557 : vector<1x128xf32> to vector<512x128xf32>
    %sub3A_560 = arith.subf %sub3A_558, %sub3A_559 : vector<512x128xf32>
    %mul3A_561 = arith.mulf %sub3A_560, %sub3A_560 : vector<512x128xf32>
    %add3A_562 = arith.addf %add3A_555, %mul3A_561 : vector<512x128xf32>
    %bitcast_convert_type3A_563 = tpu.bitcast %add3A_562 : vector<512x128xf32> -> vector<512x128xi32>
    %and3A_564 = arith.constant -16 : i32
    %and3A_565 = vector.broadcast %and3A_564 : i32 to vector<512x128xi32>
    %and3A_566 = arith.andi %bitcast_convert_type3A_563, %and3A_565 : vector<512x128xi32>
    %or3A_567 = arith.constant 13 : i32
    %or3A_568 = vector.broadcast %or3A_567 : i32 to vector<512x128xi32>
    %or3A_569 = arith.ori %and3A_566, %or3A_568 : vector<512x128xi32>
    %add3A_570 = arith.constant 268435456 : i32
    %add3A_571 = vector.broadcast %add3A_570 : i32 to vector<512x128xi32>
    %add3A_572 = arith.addi %or3A_569, %add3A_571 : vector<512x128xi32>
    %bitcast_convert_type3A_573 = tpu.bitcast %add3A_572 : vector<512x128xi32> -> vector<512x128xf32>
    %max3A_574 = arith.maximumf %min3A_534, %bitcast_convert_type3A_573 : vector<512x128xf32>
    %min3A_575 = arith.minimumf %min3A_534, %bitcast_convert_type3A_573 : vector<512x128xf32>
    %max3A_576 = arith.maximumf %min3A_536, %max3A_574 : vector<512x128xf32>
    %min3A_577 = arith.minimumf %min3A_536, %max3A_574 : vector<512x128xf32>
    %max3A_578 = arith.maximumf %min3A_538, %max3A_576 : vector<512x128xf32>
    %min3A_579 = arith.minimumf %min3A_538, %max3A_576 : vector<512x128xf32>
    %min3A_580 = arith.minimumf %min3A_539, %max3A_578 : vector<512x128xf32>
    %broadcast_in_dim3A_581 = arith.constant 0.000000e+00 : f32
    %broadcast_in_dim3A_582 = vector.broadcast %broadcast_in_dim3A_581 : f32 to vector<512x128xf32>
    %slice3A_583 = vector.extract_strided_slice %get3A_3 {offsets = [0, 0], sizes = [512, 1], strides = [1, 1]} : vector<512x3xf32> to vector<512x1xf32>
    %slice3A_584 = vector.extract_strided_slice %get3A_8 {offsets = [0, 1792], sizes = [1, 128], strides = [1, 1]} : vector<3x2048xf32> to vector<1x128xf32>
    %sub3A_585 = vector.broadcast %slice3A_583 : vector<512x1xf32> to vector<512x128xf32>
    %sub3A_586 = vector.broadcast %slice3A_584 : vector<1x128xf32> to vector<512x128xf32>
    %sub3A_587 = arith.subf %sub3A_585, %sub3A_586 : vector<512x128xf32>
    %mul3A_588 = arith.mulf %sub3A_587, %sub3A_587 : vector<512x128xf32>
    %add3A_589 = arith.addf %broadcast_in_dim3A_582, %mul3A_588 : vector<512x128xf32>
    %slice3A_590 = vector.extract_strided_slice %get3A_3 {offsets = [0, 1], sizes = [512, 1], strides = [1, 1]} : vector<512x3xf32> to vector<512x1xf32>
    %slice3A_591 = vector.extract_strided_slice %get3A_8 {offsets = [1, 1792], sizes = [1, 128], strides = [1, 1]} : vector<3x2048xf32> to vector<1x128xf32>
    %sub3A_592 = vector.broadcast %slice3A_590 : vector<512x1xf32> to vector<512x128xf32>
    %sub3A_593 = vector.broadcast %slice3A_591 : vector<1x128xf32> to vector<512x128xf32>
    %sub3A_594 = arith.subf %sub3A_592, %sub3A_593 : vector<512x128xf32>
    %mul3A_595 = arith.mulf %sub3A_594, %sub3A_594 : vector<512x128xf32>
    %add3A_596 = arith.addf %add3A_589, %mul3A_595 : vector<512x128xf32>
    %slice3A_597 = vector.extract_strided_slice %get3A_3 {offsets = [0, 2], sizes = [512, 1], strides = [1, 1]} : vector<512x3xf32> to vector<512x1xf32>
    %slice3A_598 = vector.extract_strided_slice %get3A_8 {offsets = [2, 1792], sizes = [1, 128], strides = [1, 1]} : vector<3x2048xf32> to vector<1x128xf32>
    %sub3A_599 = vector.broadcast %slice3A_597 : vector<512x1xf32> to vector<512x128xf32>
    %sub3A_600 = vector.broadcast %slice3A_598 : vector<1x128xf32> to vector<512x128xf32>
    %sub3A_601 = arith.subf %sub3A_599, %sub3A_600 : vector<512x128xf32>
    %mul3A_602 = arith.mulf %sub3A_601, %sub3A_601 : vector<512x128xf32>
    %add3A_603 = arith.addf %add3A_596, %mul3A_602 : vector<512x128xf32>
    %bitcast_convert_type3A_604 = tpu.bitcast %add3A_603 : vector<512x128xf32> -> vector<512x128xi32>
    %and3A_605 = arith.constant -16 : i32
    %and3A_606 = vector.broadcast %and3A_605 : i32 to vector<512x128xi32>
    %and3A_607 = arith.andi %bitcast_convert_type3A_604, %and3A_606 : vector<512x128xi32>
    %or3A_608 = arith.constant 14 : i32
    %or3A_609 = vector.broadcast %or3A_608 : i32 to vector<512x128xi32>
    %or3A_610 = arith.ori %and3A_607, %or3A_609 : vector<512x128xi32>
    %add3A_611 = arith.constant 268435456 : i32
    %add3A_612 = vector.broadcast %add3A_611 : i32 to vector<512x128xi32>
    %add3A_613 = arith.addi %or3A_610, %add3A_612 : vector<512x128xi32>
    %bitcast_convert_type3A_614 = tpu.bitcast %add3A_613 : vector<512x128xi32> -> vector<512x128xf32>
    %max3A_615 = arith.maximumf %min3A_575, %bitcast_convert_type3A_614 : vector<512x128xf32>
    %min3A_616 = arith.minimumf %min3A_575, %bitcast_convert_type3A_614 : vector<512x128xf32>
    %max3A_617 = arith.maximumf %min3A_577, %max3A_615 : vector<512x128xf32>
    %min3A_618 = arith.minimumf %min3A_577, %max3A_615 : vector<512x128xf32>
    %max3A_619 = arith.maximumf %min3A_579, %max3A_617 : vector<512x128xf32>
    %min3A_620 = arith.minimumf %min3A_579, %max3A_617 : vector<512x128xf32>
    %min3A_621 = arith.minimumf %min3A_580, %max3A_619 : vector<512x128xf32>
    %broadcast_in_dim3A_622 = arith.constant 0.000000e+00 : f32
    %broadcast_in_dim3A_623 = vector.broadcast %broadcast_in_dim3A_622 : f32 to vector<512x128xf32>
    %slice3A_624 = vector.extract_strided_slice %get3A_3 {offsets = [0, 0], sizes = [512, 1], strides = [1, 1]} : vector<512x3xf32> to vector<512x1xf32>
    %slice3A_625 = vector.extract_strided_slice %get3A_8 {offsets = [0, 1920], sizes = [1, 128], strides = [1, 1]} : vector<3x2048xf32> to vector<1x128xf32>
    %sub3A_626 = vector.broadcast %slice3A_624 : vector<512x1xf32> to vector<512x128xf32>
    %sub3A_627 = vector.broadcast %slice3A_625 : vector<1x128xf32> to vector<512x128xf32>
    %sub3A_628 = arith.subf %sub3A_626, %sub3A_627 : vector<512x128xf32>
    %mul3A_629 = arith.mulf %sub3A_628, %sub3A_628 : vector<512x128xf32>
    %add3A_630 = arith.addf %broadcast_in_dim3A_623, %mul3A_629 : vector<512x128xf32>
    %slice3A_631 = vector.extract_strided_slice %get3A_3 {offsets = [0, 1], sizes = [512, 1], strides = [1, 1]} : vector<512x3xf32> to vector<512x1xf32>
    %slice3A_632 = vector.extract_strided_slice %get3A_8 {offsets = [1, 1920], sizes = [1, 128], strides = [1, 1]} : vector<3x2048xf32> to vector<1x128xf32>
    %sub3A_633 = vector.broadcast %slice3A_631 : vector<512x1xf32> to vector<512x128xf32>
    %sub3A_634 = vector.broadcast %slice3A_632 : vector<1x128xf32> to vector<512x128xf32>
    %sub3A_635 = arith.subf %sub3A_633, %sub3A_634 : vector<512x128xf32>
    %mul3A_636 = arith.mulf %sub3A_635, %sub3A_635 : vector<512x128xf32>
    %add3A_637 = arith.addf %add3A_630, %mul3A_636 : vector<512x128xf32>
    %slice3A_638 = vector.extract_strided_slice %get3A_3 {offsets = [0, 2], sizes = [512, 1], strides = [1, 1]} : vector<512x3xf32> to vector<512x1xf32>
    %slice3A_639 = vector.extract_strided_slice %get3A_8 {offsets = [2, 1920], sizes = [1, 128], strides = [1, 1]} : vector<3x2048xf32> to vector<1x128xf32>
    %sub3A_640 = vector.broadcast %slice3A_638 : vector<512x1xf32> to vector<512x128xf32>
    %sub3A_641 = vector.broadcast %slice3A_639 : vector<1x128xf32> to vector<512x128xf32>
    %sub3A_642 = arith.subf %sub3A_640, %sub3A_641 : vector<512x128xf32>
    %mul3A_643 = arith.mulf %sub3A_642, %sub3A_642 : vector<512x128xf32>
    %add3A_644 = arith.addf %add3A_637, %mul3A_643 : vector<512x128xf32>
    %bitcast_convert_type3A_645 = tpu.bitcast %add3A_644 : vector<512x128xf32> -> vector<512x128xi32>
    %and3A_646 = arith.constant -16 : i32
    %and3A_647 = vector.broadcast %and3A_646 : i32 to vector<512x128xi32>
    %and3A_648 = arith.andi %bitcast_convert_type3A_645, %and3A_647 : vector<512x128xi32>
    %or3A_649 = arith.constant 15 : i32
    %or3A_650 = vector.broadcast %or3A_649 : i32 to vector<512x128xi32>
    %or3A_651 = arith.ori %and3A_648, %or3A_650 : vector<512x128xi32>
    %add3A_652 = arith.constant 268435456 : i32
    %add3A_653 = vector.broadcast %add3A_652 : i32 to vector<512x128xi32>
    %add3A_654 = arith.addi %or3A_651, %add3A_653 : vector<512x128xi32>
    %bitcast_convert_type3A_655 = tpu.bitcast %add3A_654 : vector<512x128xi32> -> vector<512x128xf32>
    %max3A_656 = arith.maximumf %min3A_616, %bitcast_convert_type3A_655 : vector<512x128xf32>
    %min3A_657 = arith.minimumf %min3A_616, %bitcast_convert_type3A_655 : vector<512x128xf32>
    %max3A_658 = arith.maximumf %min3A_618, %max3A_656 : vector<512x128xf32>
    %min3A_659 = arith.minimumf %min3A_618, %max3A_656 : vector<512x128xf32>
    %max3A_660 = arith.maximumf %min3A_620, %max3A_658 : vector<512x128xf32>
    %min3A_661 = arith.minimumf %min3A_620, %max3A_658 : vector<512x128xf32>
    %min3A_662 = arith.minimumf %min3A_621, %max3A_660 : vector<512x128xf32>
    %iota3A = tpu.iota {dimensions = array<i32: 1>} : vector<512x128xi32>
    %convert_element_type3A = arith.sitofp %iota3A : vector<512x128xi32> to vector<512x128xf32>
    %reduce_min3A = arith.constant dense<0x7F800000> : vector<512xf32>
    %reduce_min3A_663 = vector.multi_reduction <minimumf>, %min3A_657, %reduce_min3A [1] : vector<512x128xf32> to vector<512xf32>
    %broadcast_in_dim3A_664 = vector.shape_cast %reduce_min3A_663 : vector<512xf32> to vector<512x1xf32>
    %eq3A = vector.broadcast %broadcast_in_dim3A_664 : vector<512x1xf32> to vector<512x128xf32>
    %eq3A_665 = arith.cmpf oeq, %min3A_657, %eq3A : vector<512x128xf32>
    %jit3A = arith.constant 1.280000e+02 : f32
    %broadcast_in_dim3A_666 = vector.broadcast %jit3A : f32 to vector<512x128xf32>
    %select_n3A = arith.select %eq3A_665, %convert_element_type3A, %broadcast_in_dim3A_666 : vector<512x128xi1>, vector<512x128xf32>
    %reduce_min3A_667 = arith.constant dense<0x7F800000> : vector<512xf32>
    %reduce_min3A_668 = vector.multi_reduction <minimumf>, %select_n3A, %reduce_min3A_667 [1] : vector<512x128xf32> to vector<512xf32>
    %broadcast_in_dim3A_669 = vector.shape_cast %reduce_min3A_668 : vector<512xf32> to vector<512x1xf32>
    %eq3A_670 = vector.broadcast %broadcast_in_dim3A_669 : vector<512x1xf32> to vector<512x128xf32>
    %eq3A_671 = arith.cmpf oeq, %convert_element_type3A, %eq3A_670 : vector<512x128xf32>
    %select_n3A_672 = arith.select %eq3A_671, %min3A_659, %min3A_657 : vector<512x128xi1>, vector<512x128xf32>
    %select_n3A_673 = arith.select %eq3A_671, %min3A_661, %min3A_659 : vector<512x128xi1>, vector<512x128xf32>
    %select_n3A_674 = arith.select %eq3A_671, %min3A_662, %min3A_661 : vector<512x128xi1>, vector<512x128xf32>
    %jit3A_675 = arith.constant 0x7F800000 : f32
    %broadcast_in_dim3A_676 = vector.broadcast %jit3A_675 : f32 to vector<512x128xf32>
    %select_n3A_677 = arith.select %eq3A_671, %broadcast_in_dim3A_676, %min3A_662 : vector<512x128xi1>, vector<512x128xf32>
    %reduce_min3A_678 = arith.constant dense<0x7F800000> : vector<512xf32>
    %reduce_min3A_679 = vector.multi_reduction <minimumf>, %select_n3A_672, %reduce_min3A_678 [1] : vector<512x128xf32> to vector<512xf32>
    %broadcast_in_dim3A_680 = vector.shape_cast %reduce_min3A_679 : vector<512xf32> to vector<512x1xf32>
    %eq3A_681 = vector.broadcast %broadcast_in_dim3A_680 : vector<512x1xf32> to vector<512x128xf32>
    %eq3A_682 = arith.cmpf oeq, %select_n3A_672, %eq3A_681 : vector<512x128xf32>
    %jit3A_683 = arith.constant 1.280000e+02 : f32
    %broadcast_in_dim3A_684 = vector.broadcast %jit3A_683 : f32 to vector<512x128xf32>
    %select_n3A_685 = arith.select %eq3A_682, %convert_element_type3A, %broadcast_in_dim3A_684 : vector<512x128xi1>, vector<512x128xf32>
    %reduce_min3A_686 = arith.constant dense<0x7F800000> : vector<512xf32>
    %reduce_min3A_687 = vector.multi_reduction <minimumf>, %select_n3A_685, %reduce_min3A_686 [1] : vector<512x128xf32> to vector<512xf32>
    %broadcast_in_dim3A_688 = vector.shape_cast %reduce_min3A_687 : vector<512xf32> to vector<512x1xf32>
    %eq3A_689 = vector.broadcast %broadcast_in_dim3A_688 : vector<512x1xf32> to vector<512x128xf32>
    %eq3A_690 = arith.cmpf oeq, %convert_element_type3A, %eq3A_689 : vector<512x128xf32>
    %select_n3A_691 = arith.select %eq3A_690, %select_n3A_673, %select_n3A_672 : vector<512x128xi1>, vector<512x128xf32>
    %select_n3A_692 = arith.select %eq3A_690, %select_n3A_674, %select_n3A_673 : vector<512x128xi1>, vector<512x128xf32>
    %select_n3A_693 = arith.select %eq3A_690, %select_n3A_677, %select_n3A_674 : vector<512x128xi1>, vector<512x128xf32>
    %jit3A_694 = arith.constant 0x7F800000 : f32
    %broadcast_in_dim3A_695 = vector.broadcast %jit3A_694 : f32 to vector<512x128xf32>
    %select_n3A_696 = arith.select %eq3A_690, %broadcast_in_dim3A_695, %select_n3A_677 : vector<512x128xi1>, vector<512x128xf32>
    %reduce_min3A_697 = arith.constant dense<0x7F800000> : vector<512xf32>
    %reduce_min3A_698 = vector.multi_reduction <minimumf>, %select_n3A_691, %reduce_min3A_697 [1] : vector<512x128xf32> to vector<512xf32>
    %broadcast_in_dim3A_699 = vector.shape_cast %reduce_min3A_698 : vector<512xf32> to vector<512x1xf32>
    %eq3A_700 = vector.broadcast %broadcast_in_dim3A_699 : vector<512x1xf32> to vector<512x128xf32>
    %eq3A_701 = arith.cmpf oeq, %select_n3A_691, %eq3A_700 : vector<512x128xf32>
    %jit3A_702 = arith.constant 1.280000e+02 : f32
    %broadcast_in_dim3A_703 = vector.broadcast %jit3A_702 : f32 to vector<512x128xf32>
    %select_n3A_704 = arith.select %eq3A_701, %convert_element_type3A, %broadcast_in_dim3A_703 : vector<512x128xi1>, vector<512x128xf32>
    %reduce_min3A_705 = arith.constant dense<0x7F800000> : vector<512xf32>
    %reduce_min3A_706 = vector.multi_reduction <minimumf>, %select_n3A_704, %reduce_min3A_705 [1] : vector<512x128xf32> to vector<512xf32>
    %broadcast_in_dim3A_707 = vector.shape_cast %reduce_min3A_706 : vector<512xf32> to vector<512x1xf32>
    %eq3A_708 = vector.broadcast %broadcast_in_dim3A_707 : vector<512x1xf32> to vector<512x128xf32>
    %eq3A_709 = arith.cmpf oeq, %convert_element_type3A, %eq3A_708 : vector<512x128xf32>
    %select_n3A_710 = arith.select %eq3A_709, %select_n3A_692, %select_n3A_691 : vector<512x128xi1>, vector<512x128xf32>
    %select_n3A_711 = arith.select %eq3A_709, %select_n3A_693, %select_n3A_692 : vector<512x128xi1>, vector<512x128xf32>
    %select_n3A_712 = arith.select %eq3A_709, %select_n3A_696, %select_n3A_693 : vector<512x128xi1>, vector<512x128xf32>
    %jit3A_713 = arith.constant 0x7F800000 : f32
    %broadcast_in_dim3A_714 = vector.broadcast %jit3A_713 : f32 to vector<512x128xf32>
    %select_n3A_715 = arith.select %eq3A_709, %broadcast_in_dim3A_714, %select_n3A_696 : vector<512x128xi1>, vector<512x128xf32>
    %reduce_min3A_716 = arith.constant dense<0x7F800000> : vector<512xf32>
    %reduce_min3A_717 = vector.multi_reduction <minimumf>, %select_n3A_710, %reduce_min3A_716 [1] : vector<512x128xf32> to vector<512xf32>
    %broadcast_in_dim3A_718 = vector.shape_cast %reduce_min3A_717 : vector<512xf32> to vector<512x1xf32>
    %eq3A_719 = vector.broadcast %broadcast_in_dim3A_718 : vector<512x1xf32> to vector<512x128xf32>
    %eq3A_720 = arith.cmpf oeq, %select_n3A_710, %eq3A_719 : vector<512x128xf32>
    %jit3A_721 = arith.constant 1.280000e+02 : f32
    %broadcast_in_dim3A_722 = vector.broadcast %jit3A_721 : f32 to vector<512x128xf32>
    %select_n3A_723 = arith.select %eq3A_720, %convert_element_type3A, %broadcast_in_dim3A_722 : vector<512x128xi1>, vector<512x128xf32>
    %reduce_min3A_724 = arith.constant dense<0x7F800000> : vector<512xf32>
    %reduce_min3A_725 = vector.multi_reduction <minimumf>, %select_n3A_723, %reduce_min3A_724 [1] : vector<512x128xf32> to vector<512xf32>
    %broadcast_in_dim3A_726 = vector.shape_cast %reduce_min3A_725 : vector<512xf32> to vector<512x1xf32>
    %eq3A_727 = vector.broadcast %broadcast_in_dim3A_726 : vector<512x1xf32> to vector<512x128xf32>
    %eq3A_728 = arith.cmpf oeq, %convert_element_type3A, %eq3A_727 : vector<512x128xf32>
    %select_n3A_729 = arith.select %eq3A_728, %select_n3A_711, %select_n3A_710 : vector<512x128xi1>, vector<512x128xf32>
    %select_n3A_730 = arith.select %eq3A_728, %select_n3A_712, %select_n3A_711 : vector<512x128xi1>, vector<512x128xf32>
    %select_n3A_731 = arith.select %eq3A_728, %select_n3A_715, %select_n3A_712 : vector<512x128xi1>, vector<512x128xf32>
    %jit3A_732 = arith.constant 0x7F800000 : f32
    %broadcast_in_dim3A_733 = vector.broadcast %jit3A_732 : f32 to vector<512x128xf32>
    %select_n3A_734 = arith.select %eq3A_728, %broadcast_in_dim3A_733, %select_n3A_715 : vector<512x128xi1>, vector<512x128xf32>
    %reduce_min3A_735 = arith.constant dense<0x7F800000> : vector<512xf32>
    %reduce_min3A_736 = vector.multi_reduction <minimumf>, %select_n3A_729, %reduce_min3A_735 [1] : vector<512x128xf32> to vector<512xf32>
    %broadcast_in_dim3A_737 = vector.shape_cast %reduce_min3A_736 : vector<512xf32> to vector<512x1xf32>
    %eq3A_738 = vector.broadcast %broadcast_in_dim3A_737 : vector<512x1xf32> to vector<512x128xf32>
    %eq3A_739 = arith.cmpf oeq, %select_n3A_729, %eq3A_738 : vector<512x128xf32>
    %jit3A_740 = arith.constant 1.280000e+02 : f32
    %broadcast_in_dim3A_741 = vector.broadcast %jit3A_740 : f32 to vector<512x128xf32>
    %select_n3A_742 = arith.select %eq3A_739, %convert_element_type3A, %broadcast_in_dim3A_741 : vector<512x128xi1>, vector<512x128xf32>
    %reduce_min3A_743 = arith.constant dense<0x7F800000> : vector<512xf32>
    %reduce_min3A_744 = vector.multi_reduction <minimumf>, %select_n3A_742, %reduce_min3A_743 [1] : vector<512x128xf32> to vector<512xf32>
    %broadcast_in_dim3A_745 = vector.shape_cast %reduce_min3A_744 : vector<512xf32> to vector<512x1xf32>
    %eq3A_746 = vector.broadcast %broadcast_in_dim3A_745 : vector<512x1xf32> to vector<512x128xf32>
    %eq3A_747 = arith.cmpf oeq, %convert_element_type3A, %eq3A_746 : vector<512x128xf32>
    %select_n3A_748 = arith.select %eq3A_747, %select_n3A_730, %select_n3A_729 : vector<512x128xi1>, vector<512x128xf32>
    %select_n3A_749 = arith.select %eq3A_747, %select_n3A_731, %select_n3A_730 : vector<512x128xi1>, vector<512x128xf32>
    %select_n3A_750 = arith.select %eq3A_747, %select_n3A_734, %select_n3A_731 : vector<512x128xi1>, vector<512x128xf32>
    %jit3A_751 = arith.constant 0x7F800000 : f32
    %broadcast_in_dim3A_752 = vector.broadcast %jit3A_751 : f32 to vector<512x128xf32>
    %select_n3A_753 = arith.select %eq3A_747, %broadcast_in_dim3A_752, %select_n3A_734 : vector<512x128xi1>, vector<512x128xf32>
    %reduce_min3A_754 = arith.constant dense<0x7F800000> : vector<512xf32>
    %reduce_min3A_755 = vector.multi_reduction <minimumf>, %select_n3A_748, %reduce_min3A_754 [1] : vector<512x128xf32> to vector<512xf32>
    %broadcast_in_dim3A_756 = vector.shape_cast %reduce_min3A_755 : vector<512xf32> to vector<512x1xf32>
    %eq3A_757 = vector.broadcast %broadcast_in_dim3A_756 : vector<512x1xf32> to vector<512x128xf32>
    %eq3A_758 = arith.cmpf oeq, %select_n3A_748, %eq3A_757 : vector<512x128xf32>
    %jit3A_759 = arith.constant 1.280000e+02 : f32
    %broadcast_in_dim3A_760 = vector.broadcast %jit3A_759 : f32 to vector<512x128xf32>
    %select_n3A_761 = arith.select %eq3A_758, %convert_element_type3A, %broadcast_in_dim3A_760 : vector<512x128xi1>, vector<512x128xf32>
    %reduce_min3A_762 = arith.constant dense<0x7F800000> : vector<512xf32>
    %reduce_min3A_763 = vector.multi_reduction <minimumf>, %select_n3A_761, %reduce_min3A_762 [1] : vector<512x128xf32> to vector<512xf32>
    %broadcast_in_dim3A_764 = vector.shape_cast %reduce_min3A_763 : vector<512xf32> to vector<512x1xf32>
    %eq3A_765 = vector.broadcast %broadcast_in_dim3A_764 : vector<512x1xf32> to vector<512x128xf32>
    %eq3A_766 = arith.cmpf oeq, %convert_element_type3A, %eq3A_765 : vector<512x128xf32>
    %select_n3A_767 = arith.select %eq3A_766, %select_n3A_749, %select_n3A_748 : vector<512x128xi1>, vector<512x128xf32>
    %select_n3A_768 = arith.select %eq3A_766, %select_n3A_750, %select_n3A_749 : vector<512x128xi1>, vector<512x128xf32>
    %select_n3A_769 = arith.select %eq3A_766, %select_n3A_753, %select_n3A_750 : vector<512x128xi1>, vector<512x128xf32>
    %jit3A_770 = arith.constant 0x7F800000 : f32
    %broadcast_in_dim3A_771 = vector.broadcast %jit3A_770 : f32 to vector<512x128xf32>
    %select_n3A_772 = arith.select %eq3A_766, %broadcast_in_dim3A_771, %select_n3A_753 : vector<512x128xi1>, vector<512x128xf32>
    %reduce_min3A_773 = arith.constant dense<0x7F800000> : vector<512xf32>
    %reduce_min3A_774 = vector.multi_reduction <minimumf>, %select_n3A_767, %reduce_min3A_773 [1] : vector<512x128xf32> to vector<512xf32>
    %broadcast_in_dim3A_775 = vector.shape_cast %reduce_min3A_774 : vector<512xf32> to vector<512x1xf32>
    %eq3A_776 = vector.broadcast %broadcast_in_dim3A_775 : vector<512x1xf32> to vector<512x128xf32>
    %eq3A_777 = arith.cmpf oeq, %select_n3A_767, %eq3A_776 : vector<512x128xf32>
    %jit3A_778 = arith.constant 1.280000e+02 : f32
    %broadcast_in_dim3A_779 = vector.broadcast %jit3A_778 : f32 to vector<512x128xf32>
    %select_n3A_780 = arith.select %eq3A_777, %convert_element_type3A, %broadcast_in_dim3A_779 : vector<512x128xi1>, vector<512x128xf32>
    %reduce_min3A_781 = arith.constant dense<0x7F800000> : vector<512xf32>
    %reduce_min3A_782 = vector.multi_reduction <minimumf>, %select_n3A_780, %reduce_min3A_781 [1] : vector<512x128xf32> to vector<512xf32>
    %broadcast_in_dim3A_783 = vector.shape_cast %reduce_min3A_782 : vector<512xf32> to vector<512x1xf32>
    %eq3A_784 = vector.broadcast %broadcast_in_dim3A_783 : vector<512x1xf32> to vector<512x128xf32>
    %eq3A_785 = arith.cmpf oeq, %convert_element_type3A, %eq3A_784 : vector<512x128xf32>
    %select_n3A_786 = arith.select %eq3A_785, %select_n3A_768, %select_n3A_767 : vector<512x128xi1>, vector<512x128xf32>
    %select_n3A_787 = arith.select %eq3A_785, %select_n3A_769, %select_n3A_768 : vector<512x128xi1>, vector<512x128xf32>
    %select_n3A_788 = arith.select %eq3A_785, %select_n3A_772, %select_n3A_769 : vector<512x128xi1>, vector<512x128xf32>
    %jit3A_789 = arith.constant 0x7F800000 : f32
    %broadcast_in_dim3A_790 = vector.broadcast %jit3A_789 : f32 to vector<512x128xf32>
    %select_n3A_791 = arith.select %eq3A_785, %broadcast_in_dim3A_790, %select_n3A_772 : vector<512x128xi1>, vector<512x128xf32>
    %reduce_min3A_792 = arith.constant dense<0x7F800000> : vector<512xf32>
    %reduce_min3A_793 = vector.multi_reduction <minimumf>, %select_n3A_786, %reduce_min3A_792 [1] : vector<512x128xf32> to vector<512xf32>
    %broadcast_in_dim3A_794 = vector.shape_cast %reduce_min3A_793 : vector<512xf32> to vector<512x1xf32>
    %eq3A_795 = vector.broadcast %broadcast_in_dim3A_794 : vector<512x1xf32> to vector<512x128xf32>
    %eq3A_796 = arith.cmpf oeq, %select_n3A_786, %eq3A_795 : vector<512x128xf32>
    %jit3A_797 = arith.constant 1.280000e+02 : f32
    %broadcast_in_dim3A_798 = vector.broadcast %jit3A_797 : f32 to vector<512x128xf32>
    %select_n3A_799 = arith.select %eq3A_796, %convert_element_type3A, %broadcast_in_dim3A_798 : vector<512x128xi1>, vector<512x128xf32>
    %reduce_min3A_800 = arith.constant dense<0x7F800000> : vector<512xf32>
    %reduce_min3A_801 = vector.multi_reduction <minimumf>, %select_n3A_799, %reduce_min3A_800 [1] : vector<512x128xf32> to vector<512xf32>
    %broadcast_in_dim3A_802 = vector.shape_cast %reduce_min3A_801 : vector<512xf32> to vector<512x1xf32>
    %eq3A_803 = vector.broadcast %broadcast_in_dim3A_802 : vector<512x1xf32> to vector<512x128xf32>
    %eq3A_804 = arith.cmpf oeq, %convert_element_type3A, %eq3A_803 : vector<512x128xf32>
    %select_n3A_805 = arith.select %eq3A_804, %select_n3A_787, %select_n3A_786 : vector<512x128xi1>, vector<512x128xf32>
    %select_n3A_806 = arith.select %eq3A_804, %select_n3A_788, %select_n3A_787 : vector<512x128xi1>, vector<512x128xf32>
    %select_n3A_807 = arith.select %eq3A_804, %select_n3A_791, %select_n3A_788 : vector<512x128xi1>, vector<512x128xf32>
    %jit3A_808 = arith.constant 0x7F800000 : f32
    %broadcast_in_dim3A_809 = vector.broadcast %jit3A_808 : f32 to vector<512x128xf32>
    %select_n3A_810 = arith.select %eq3A_804, %broadcast_in_dim3A_809, %select_n3A_791 : vector<512x128xi1>, vector<512x128xf32>
    %reduce_min3A_811 = arith.constant dense<0x7F800000> : vector<512xf32>
    %reduce_min3A_812 = vector.multi_reduction <minimumf>, %select_n3A_805, %reduce_min3A_811 [1] : vector<512x128xf32> to vector<512xf32>
    %broadcast_in_dim3A_813 = vector.shape_cast %reduce_min3A_812 : vector<512xf32> to vector<512x1xf32>
    %eq3A_814 = vector.broadcast %broadcast_in_dim3A_813 : vector<512x1xf32> to vector<512x128xf32>
    %eq3A_815 = arith.cmpf oeq, %select_n3A_805, %eq3A_814 : vector<512x128xf32>
    %jit3A_816 = arith.constant 1.280000e+02 : f32
    %broadcast_in_dim3A_817 = vector.broadcast %jit3A_816 : f32 to vector<512x128xf32>
    %select_n3A_818 = arith.select %eq3A_815, %convert_element_type3A, %broadcast_in_dim3A_817 : vector<512x128xi1>, vector<512x128xf32>
    %reduce_min3A_819 = arith.constant dense<0x7F800000> : vector<512xf32>
    %reduce_min3A_820 = vector.multi_reduction <minimumf>, %select_n3A_818, %reduce_min3A_819 [1] : vector<512x128xf32> to vector<512xf32>
    %broadcast_in_dim3A_821 = vector.shape_cast %reduce_min3A_820 : vector<512xf32> to vector<512x1xf32>
    %eq3A_822 = vector.broadcast %broadcast_in_dim3A_821 : vector<512x1xf32> to vector<512x128xf32>
    %eq3A_823 = arith.cmpf oeq, %convert_element_type3A, %eq3A_822 : vector<512x128xf32>
    %select_n3A_824 = arith.select %eq3A_823, %select_n3A_806, %select_n3A_805 : vector<512x128xi1>, vector<512x128xf32>
    %select_n3A_825 = arith.select %eq3A_823, %select_n3A_807, %select_n3A_806 : vector<512x128xi1>, vector<512x128xf32>
    %select_n3A_826 = arith.select %eq3A_823, %select_n3A_810, %select_n3A_807 : vector<512x128xi1>, vector<512x128xf32>
    %jit3A_827 = arith.constant 0x7F800000 : f32
    %broadcast_in_dim3A_828 = vector.broadcast %jit3A_827 : f32 to vector<512x128xf32>
    %select_n3A_829 = arith.select %eq3A_823, %broadcast_in_dim3A_828, %select_n3A_810 : vector<512x128xi1>, vector<512x128xf32>
    %reduce_min3A_830 = arith.constant dense<0x7F800000> : vector<512xf32>
    %reduce_min3A_831 = vector.multi_reduction <minimumf>, %select_n3A_824, %reduce_min3A_830 [1] : vector<512x128xf32> to vector<512xf32>
    %broadcast_in_dim3A_832 = vector.shape_cast %reduce_min3A_831 : vector<512xf32> to vector<512x1xf32>
    %eq3A_833 = vector.broadcast %broadcast_in_dim3A_832 : vector<512x1xf32> to vector<512x128xf32>
    %eq3A_834 = arith.cmpf oeq, %select_n3A_824, %eq3A_833 : vector<512x128xf32>
    %jit3A_835 = arith.constant 1.280000e+02 : f32
    %broadcast_in_dim3A_836 = vector.broadcast %jit3A_835 : f32 to vector<512x128xf32>
    %select_n3A_837 = arith.select %eq3A_834, %convert_element_type3A, %broadcast_in_dim3A_836 : vector<512x128xi1>, vector<512x128xf32>
    %reduce_min3A_838 = arith.constant dense<0x7F800000> : vector<512xf32>
    %reduce_min3A_839 = vector.multi_reduction <minimumf>, %select_n3A_837, %reduce_min3A_838 [1] : vector<512x128xf32> to vector<512xf32>
    %broadcast_in_dim3A_840 = vector.shape_cast %reduce_min3A_839 : vector<512xf32> to vector<512x1xf32>
    %eq3A_841 = vector.broadcast %broadcast_in_dim3A_840 : vector<512x1xf32> to vector<512x128xf32>
    %eq3A_842 = arith.cmpf oeq, %convert_element_type3A, %eq3A_841 : vector<512x128xf32>
    %select_n3A_843 = arith.select %eq3A_842, %select_n3A_825, %select_n3A_824 : vector<512x128xi1>, vector<512x128xf32>
    %select_n3A_844 = arith.select %eq3A_842, %select_n3A_826, %select_n3A_825 : vector<512x128xi1>, vector<512x128xf32>
    %select_n3A_845 = arith.select %eq3A_842, %select_n3A_829, %select_n3A_826 : vector<512x128xi1>, vector<512x128xf32>
    %jit3A_846 = arith.constant 0x7F800000 : f32
    %broadcast_in_dim3A_847 = vector.broadcast %jit3A_846 : f32 to vector<512x128xf32>
    %select_n3A_848 = arith.select %eq3A_842, %broadcast_in_dim3A_847, %select_n3A_829 : vector<512x128xi1>, vector<512x128xf32>
    %reduce_min3A_849 = arith.constant dense<0x7F800000> : vector<512xf32>
    %reduce_min3A_850 = vector.multi_reduction <minimumf>, %select_n3A_843, %reduce_min3A_849 [1] : vector<512x128xf32> to vector<512xf32>
    %broadcast_in_dim3A_851 = vector.shape_cast %reduce_min3A_850 : vector<512xf32> to vector<512x1xf32>
    %eq3A_852 = vector.broadcast %broadcast_in_dim3A_851 : vector<512x1xf32> to vector<512x128xf32>
    %eq3A_853 = arith.cmpf oeq, %select_n3A_843, %eq3A_852 : vector<512x128xf32>
    %jit3A_854 = arith.constant 1.280000e+02 : f32
    %broadcast_in_dim3A_855 = vector.broadcast %jit3A_854 : f32 to vector<512x128xf32>
    %select_n3A_856 = arith.select %eq3A_853, %convert_element_type3A, %broadcast_in_dim3A_855 : vector<512x128xi1>, vector<512x128xf32>
    %reduce_min3A_857 = arith.constant dense<0x7F800000> : vector<512xf32>
    %reduce_min3A_858 = vector.multi_reduction <minimumf>, %select_n3A_856, %reduce_min3A_857 [1] : vector<512x128xf32> to vector<512xf32>
    %broadcast_in_dim3A_859 = vector.shape_cast %reduce_min3A_858 : vector<512xf32> to vector<512x1xf32>
    %eq3A_860 = vector.broadcast %broadcast_in_dim3A_859 : vector<512x1xf32> to vector<512x128xf32>
    %eq3A_861 = arith.cmpf oeq, %convert_element_type3A, %eq3A_860 : vector<512x128xf32>
    %select_n3A_862 = arith.select %eq3A_861, %select_n3A_844, %select_n3A_843 : vector<512x128xi1>, vector<512x128xf32>
    %select_n3A_863 = arith.select %eq3A_861, %select_n3A_845, %select_n3A_844 : vector<512x128xi1>, vector<512x128xf32>
    %select_n3A_864 = arith.select %eq3A_861, %select_n3A_848, %select_n3A_845 : vector<512x128xi1>, vector<512x128xf32>
    %jit3A_865 = arith.constant 0x7F800000 : f32
    %broadcast_in_dim3A_866 = vector.broadcast %jit3A_865 : f32 to vector<512x128xf32>
    %select_n3A_867 = arith.select %eq3A_861, %broadcast_in_dim3A_866, %select_n3A_848 : vector<512x128xi1>, vector<512x128xf32>
    %reduce_min3A_868 = arith.constant dense<0x7F800000> : vector<512xf32>
    %reduce_min3A_869 = vector.multi_reduction <minimumf>, %select_n3A_862, %reduce_min3A_868 [1] : vector<512x128xf32> to vector<512xf32>
    %broadcast_in_dim3A_870 = vector.shape_cast %reduce_min3A_869 : vector<512xf32> to vector<512x1xf32>
    %eq3A_871 = vector.broadcast %broadcast_in_dim3A_870 : vector<512x1xf32> to vector<512x128xf32>
    %eq3A_872 = arith.cmpf oeq, %select_n3A_862, %eq3A_871 : vector<512x128xf32>
    %jit3A_873 = arith.constant 1.280000e+02 : f32
    %broadcast_in_dim3A_874 = vector.broadcast %jit3A_873 : f32 to vector<512x128xf32>
    %select_n3A_875 = arith.select %eq3A_872, %convert_element_type3A, %broadcast_in_dim3A_874 : vector<512x128xi1>, vector<512x128xf32>
    %reduce_min3A_876 = arith.constant dense<0x7F800000> : vector<512xf32>
    %reduce_min3A_877 = vector.multi_reduction <minimumf>, %select_n3A_875, %reduce_min3A_876 [1] : vector<512x128xf32> to vector<512xf32>
    %broadcast_in_dim3A_878 = vector.shape_cast %reduce_min3A_877 : vector<512xf32> to vector<512x1xf32>
    %eq3A_879 = vector.broadcast %broadcast_in_dim3A_878 : vector<512x1xf32> to vector<512x128xf32>
    %eq3A_880 = arith.cmpf oeq, %convert_element_type3A, %eq3A_879 : vector<512x128xf32>
    %select_n3A_881 = arith.select %eq3A_880, %select_n3A_863, %select_n3A_862 : vector<512x128xi1>, vector<512x128xf32>
    %select_n3A_882 = arith.select %eq3A_880, %select_n3A_864, %select_n3A_863 : vector<512x128xi1>, vector<512x128xf32>
    %select_n3A_883 = arith.select %eq3A_880, %select_n3A_867, %select_n3A_864 : vector<512x128xi1>, vector<512x128xf32>
    %jit3A_884 = arith.constant 0x7F800000 : f32
    %broadcast_in_dim3A_885 = vector.broadcast %jit3A_884 : f32 to vector<512x128xf32>
    %select_n3A_886 = arith.select %eq3A_880, %broadcast_in_dim3A_885, %select_n3A_867 : vector<512x128xi1>, vector<512x128xf32>
    %reduce_min3A_887 = arith.constant dense<0x7F800000> : vector<512xf32>
    %reduce_min3A_888 = vector.multi_reduction <minimumf>, %select_n3A_881, %reduce_min3A_887 [1] : vector<512x128xf32> to vector<512xf32>
    %broadcast_in_dim3A_889 = vector.shape_cast %reduce_min3A_888 : vector<512xf32> to vector<512x1xf32>
    %eq3A_890 = vector.broadcast %broadcast_in_dim3A_889 : vector<512x1xf32> to vector<512x128xf32>
    %eq3A_891 = arith.cmpf oeq, %select_n3A_881, %eq3A_890 : vector<512x128xf32>
    %jit3A_892 = arith.constant 1.280000e+02 : f32
    %broadcast_in_dim3A_893 = vector.broadcast %jit3A_892 : f32 to vector<512x128xf32>
    %select_n3A_894 = arith.select %eq3A_891, %convert_element_type3A, %broadcast_in_dim3A_893 : vector<512x128xi1>, vector<512x128xf32>
    %reduce_min3A_895 = arith.constant dense<0x7F800000> : vector<512xf32>
    %reduce_min3A_896 = vector.multi_reduction <minimumf>, %select_n3A_894, %reduce_min3A_895 [1] : vector<512x128xf32> to vector<512xf32>
    %broadcast_in_dim3A_897 = vector.shape_cast %reduce_min3A_896 : vector<512xf32> to vector<512x1xf32>
    %eq3A_898 = vector.broadcast %broadcast_in_dim3A_897 : vector<512x1xf32> to vector<512x128xf32>
    %eq3A_899 = arith.cmpf oeq, %convert_element_type3A, %eq3A_898 : vector<512x128xf32>
    %select_n3A_900 = arith.select %eq3A_899, %select_n3A_882, %select_n3A_881 : vector<512x128xi1>, vector<512x128xf32>
    %select_n3A_901 = arith.select %eq3A_899, %select_n3A_883, %select_n3A_882 : vector<512x128xi1>, vector<512x128xf32>
    %select_n3A_902 = arith.select %eq3A_899, %select_n3A_886, %select_n3A_883 : vector<512x128xi1>, vector<512x128xf32>
    %jit3A_903 = arith.constant 0x7F800000 : f32
    %broadcast_in_dim3A_904 = vector.broadcast %jit3A_903 : f32 to vector<512x128xf32>
    %select_n3A_905 = arith.select %eq3A_899, %broadcast_in_dim3A_904, %select_n3A_886 : vector<512x128xi1>, vector<512x128xf32>
    %reduce_min3A_906 = arith.constant dense<0x7F800000> : vector<512xf32>
    %reduce_min3A_907 = vector.multi_reduction <minimumf>, %select_n3A_900, %reduce_min3A_906 [1] : vector<512x128xf32> to vector<512xf32>
    %broadcast_in_dim3A_908 = vector.shape_cast %reduce_min3A_907 : vector<512xf32> to vector<512x1xf32>
    %eq3A_909 = vector.broadcast %broadcast_in_dim3A_908 : vector<512x1xf32> to vector<512x128xf32>
    %eq3A_910 = arith.cmpf oeq, %select_n3A_900, %eq3A_909 : vector<512x128xf32>
    %jit3A_911 = arith.constant 1.280000e+02 : f32
    %broadcast_in_dim3A_912 = vector.broadcast %jit3A_911 : f32 to vector<512x128xf32>
    %select_n3A_913 = arith.select %eq3A_910, %convert_element_type3A, %broadcast_in_dim3A_912 : vector<512x128xi1>, vector<512x128xf32>
    %reduce_min3A_914 = arith.constant dense<0x7F800000> : vector<512xf32>
    %reduce_min3A_915 = vector.multi_reduction <minimumf>, %select_n3A_913, %reduce_min3A_914 [1] : vector<512x128xf32> to vector<512xf32>
    %broadcast_in_dim3A_916 = vector.shape_cast %reduce_min3A_915 : vector<512xf32> to vector<512x1xf32>
    %eq3A_917 = vector.broadcast %broadcast_in_dim3A_916 : vector<512x1xf32> to vector<512x128xf32>
    %eq3A_918 = arith.cmpf oeq, %convert_element_type3A, %eq3A_917 : vector<512x128xf32>
    %select_n3A_919 = arith.select %eq3A_918, %select_n3A_901, %select_n3A_900 : vector<512x128xi1>, vector<512x128xf32>
    %select_n3A_920 = arith.select %eq3A_918, %select_n3A_902, %select_n3A_901 : vector<512x128xi1>, vector<512x128xf32>
    %select_n3A_921 = arith.select %eq3A_918, %select_n3A_905, %select_n3A_902 : vector<512x128xi1>, vector<512x128xf32>
    %reduce_min3A_922 = arith.constant dense<0x7F800000> : vector<512xf32>
    %reduce_min3A_923 = vector.multi_reduction <minimumf>, %select_n3A_919, %reduce_min3A_922 [1] : vector<512x128xf32> to vector<512xf32>
    %broadcast_in_dim3A_924 = vector.shape_cast %reduce_min3A_923 : vector<512xf32> to vector<512x1xf32>
    %eq3A_925 = vector.broadcast %broadcast_in_dim3A_924 : vector<512x1xf32> to vector<512x128xf32>
    %eq3A_926 = arith.cmpf oeq, %select_n3A_919, %eq3A_925 : vector<512x128xf32>
    %jit3A_927 = arith.constant 1.280000e+02 : f32
    %broadcast_in_dim3A_928 = vector.broadcast %jit3A_927 : f32 to vector<512x128xf32>
    %select_n3A_929 = arith.select %eq3A_926, %convert_element_type3A, %broadcast_in_dim3A_928 : vector<512x128xi1>, vector<512x128xf32>
    %reduce_min3A_930 = arith.constant dense<0x7F800000> : vector<512xf32>
    %reduce_min3A_931 = vector.multi_reduction <minimumf>, %select_n3A_929, %reduce_min3A_930 [1] : vector<512x128xf32> to vector<512xf32>
    %broadcast_in_dim3A_932 = vector.shape_cast %reduce_min3A_931 : vector<512xf32> to vector<512x1xf32>
    %eq3A_933 = vector.broadcast %broadcast_in_dim3A_932 : vector<512x1xf32> to vector<512x128xf32>
    %eq3A_934 = arith.cmpf oeq, %convert_element_type3A, %eq3A_933 : vector<512x128xf32>
    %select_n3A_935 = arith.select %eq3A_934, %select_n3A_920, %select_n3A_919 : vector<512x128xi1>, vector<512x128xf32>
    %select_n3A_936 = arith.select %eq3A_934, %select_n3A_921, %select_n3A_920 : vector<512x128xi1>, vector<512x128xf32>
    %reduce_min3A_937 = arith.constant dense<0x7F800000> : vector<512xf32>
    %reduce_min3A_938 = vector.multi_reduction <minimumf>, %select_n3A_935, %reduce_min3A_937 [1] : vector<512x128xf32> to vector<512xf32>
    %broadcast_in_dim3A_939 = vector.shape_cast %reduce_min3A_938 : vector<512xf32> to vector<512x1xf32>
    %eq3A_940 = vector.broadcast %broadcast_in_dim3A_939 : vector<512x1xf32> to vector<512x128xf32>
    %eq3A_941 = arith.cmpf oeq, %select_n3A_935, %eq3A_940 : vector<512x128xf32>
    %jit3A_942 = arith.constant 1.280000e+02 : f32
    %broadcast_in_dim3A_943 = vector.broadcast %jit3A_942 : f32 to vector<512x128xf32>
    %select_n3A_944 = arith.select %eq3A_941, %convert_element_type3A, %broadcast_in_dim3A_943 : vector<512x128xi1>, vector<512x128xf32>
    %reduce_min3A_945 = arith.constant dense<0x7F800000> : vector<512xf32>
    %reduce_min3A_946 = vector.multi_reduction <minimumf>, %select_n3A_944, %reduce_min3A_945 [1] : vector<512x128xf32> to vector<512xf32>
    %broadcast_in_dim3A_947 = vector.shape_cast %reduce_min3A_946 : vector<512xf32> to vector<512x1xf32>
    %eq3A_948 = vector.broadcast %broadcast_in_dim3A_947 : vector<512x1xf32> to vector<512x128xf32>
    %eq3A_949 = arith.cmpf oeq, %convert_element_type3A, %eq3A_948 : vector<512x128xf32>
    %select_n3A_950 = arith.select %eq3A_949, %select_n3A_936, %select_n3A_935 : vector<512x128xi1>, vector<512x128xf32>
    %reduce_min3A_951 = arith.constant dense<0x7F800000> : vector<512xf32>
    %reduce_min3A_952 = vector.multi_reduction <minimumf>, %select_n3A_950, %reduce_min3A_951 [1] : vector<512x128xf32> to vector<512xf32>
    %broadcast_in_dim3A_953 = vector.shape_cast %reduce_min3A_952 : vector<512xf32> to vector<512x1xf32>
    %eq3A_954 = vector.broadcast %broadcast_in_dim3A_953 : vector<512x1xf32> to vector<512x128xf32>
    %eq3A_955 = arith.cmpf oeq, %select_n3A_950, %eq3A_954 : vector<512x128xf32>
    %jit3A_956 = arith.constant 1.280000e+02 : f32
    %broadcast_in_dim3A_957 = vector.broadcast %jit3A_956 : f32 to vector<512x128xf32>
    %select_n3A_958 = arith.select %eq3A_955, %convert_element_type3A, %broadcast_in_dim3A_957 : vector<512x128xi1>, vector<512x128xf32>
    %reduce_min3A_959 = arith.constant dense<0x7F800000> : vector<512xf32>
    %reduce_min3A_960 = vector.multi_reduction <minimumf>, %select_n3A_958, %reduce_min3A_959 [1] : vector<512x128xf32> to vector<512xf32>
    %broadcast_in_dim3A_961 = vector.shape_cast %reduce_min3A_960 : vector<512xf32> to vector<512x1xf32>
    %concatenate3A = tpu.concatenate %broadcast_in_dim3A_680, %broadcast_in_dim3A_699, %broadcast_in_dim3A_718, %broadcast_in_dim3A_737, %broadcast_in_dim3A_756, %broadcast_in_dim3A_775, %broadcast_in_dim3A_794, %broadcast_in_dim3A_813, %broadcast_in_dim3A_832, %broadcast_in_dim3A_851, %broadcast_in_dim3A_870, %broadcast_in_dim3A_889, %broadcast_in_dim3A_908, %broadcast_in_dim3A_924, %broadcast_in_dim3A_939, %broadcast_in_dim3A_953 in 1 : vector<512x1xf32>, vector<512x1xf32>, vector<512x1xf32>, vector<512x1xf32>, vector<512x1xf32>, vector<512x1xf32>, vector<512x1xf32>, vector<512x1xf32>, vector<512x1xf32>, vector<512x1xf32>, vector<512x1xf32>, vector<512x1xf32>, vector<512x1xf32>, vector<512x1xf32>, vector<512x1xf32>, vector<512x1xf32> -> vector<512x16xf32>
    %bitcast_convert_type3A_962 = tpu.bitcast %concatenate3A : vector<512x16xf32> -> vector<512x16xi32>
    %sub3A_963 = arith.constant 268435456 : i32
    %sub3A_964 = vector.broadcast %sub3A_963 : i32 to vector<512x16xi32>
    %sub3A_965 = arith.subi %bitcast_convert_type3A_962, %sub3A_964 : vector<512x16xi32>
    %and3A_966 = arith.constant -16 : i32
    %and3A_967 = vector.broadcast %and3A_966 : i32 to vector<512x16xi32>
    %and3A_968 = arith.andi %sub3A_965, %and3A_967 : vector<512x16xi32>
    %bitcast_convert_type3A_969 = tpu.bitcast %and3A_968 : vector<512x16xi32> -> vector<512x16xf32>
    %add3A_970 = arith.constant 9.99999993E-9 : f32
    %add3A_971 = vector.broadcast %add3A_970 : f32 to vector<512x16xf32>
    %add3A_972 = arith.addf %bitcast_convert_type3A_969, %add3A_971 : vector<512x16xf32>
    %sqrt3A = math.sqrt %add3A_972 : vector<512x16xf32>
    %swap3A = arith.constant 0 : index
    %swap3A_973 = arith.constant 0 : index
    %swap3A_974 = arith.constant 0 : index
    %swap3A_975 = vector.load %arg5[%swap3A, %swap3A_973, %swap3A_974] : memref<1x512x16xf32, #tpu.memory_space<vmem>>, vector<1x512x16xf32>
    %swap3A_976 = vector.shape_cast %swap3A_975 : vector<1x512x16xf32> to vector<512x16xf32>
    %swap3A_977 = vector.shape_cast %sqrt3A : vector<512x16xf32> to vector<1x512x16xf32>
    tpu.vector_store %arg5[%swap3A, %swap3A_973, %swap3A_974], %swap3A_977 {strides = array<i32>} : memref<1x512x16xf32, #tpu.memory_space<vmem>>, vector<1x512x16xf32>,
    %mul3A_978 = arith.constant 2048 : i32
    %mul3A_979 = arith.muli %arg0, %mul3A_978 : i32
    %and3A_980 = arith.constant 15 : i32
    %and3A_981 = vector.broadcast %and3A_980 : i32 to vector<512x16xi32>
    %and3A_982 = arith.andi %sub3A_965, %and3A_981 : vector<512x16xi32>
    %mul3A_983 = arith.constant 128 : i32
    %mul3A_984 = vector.broadcast %mul3A_983 : i32 to vector<512x16xi32>
    %mul3A_985 = arith.muli %and3A_982, %mul3A_984 : vector<512x16xi32>
    %add3A_986 = vector.broadcast %mul3A_979 : i32 to vector<512x16xi32>
    %add3A_987 = arith.addi %add3A_986, %mul3A_985 : vector<512x16xi32>
    %concatenate3A_988 = tpu.concatenate %broadcast_in_dim3A_688, %broadcast_in_dim3A_707, %broadcast_in_dim3A_726, %broadcast_in_dim3A_745, %broadcast_in_dim3A_764, %broadcast_in_dim3A_783, %broadcast_in_dim3A_802, %broadcast_in_dim3A_821, %broadcast_in_dim3A_840, %broadcast_in_dim3A_859, %broadcast_in_dim3A_878, %broadcast_in_dim3A_897, %broadcast_in_dim3A_916, %broadcast_in_dim3A_932, %broadcast_in_dim3A_947, %broadcast_in_dim3A_961 in 1 : vector<512x1xf32>, vector<512x1xf32>, vector<512x1xf32>, vector<512x1xf32>, vector<512x1xf32>, vector<512x1xf32>, vector<512x1xf32>, vector<512x1xf32>, vector<512x1xf32>, vector<512x1xf32>, vector<512x1xf32>, vector<512x1xf32>, vector<512x1xf32>, vector<512x1xf32>, vector<512x1xf32>, vector<512x1xf32> -> vector<512x16xf32>
    %convert_element_type3A_989 = arith.fptosi %concatenate3A_988 : vector<512x16xf32> to vector<512x16xi32>
    %add3A_990 = arith.addi %add3A_987, %convert_element_type3A_989 : vector<512x16xi32>
    %swap3A_991 = arith.constant 0 : index
    %swap3A_992 = arith.constant 0 : index
    %swap3A_993 = arith.constant 0 : index
    %swap3A_994 = vector.load %arg4[%swap3A_991, %swap3A_992, %swap3A_993] : memref<1x512x16xi32, #tpu.memory_space<vmem>>, vector<1x512x16xi32>
    %swap3A_995 = vector.shape_cast %swap3A_994 : vector<1x512x16xi32> to vector<512x16xi32>
    %swap3A_996 = vector.shape_cast %add3A_990 : vector<512x16xi32> to vector<1x512x16xi32>
    tpu.vector_store %arg4[%swap3A_991, %swap3A_992, %swap3A_993], %swap3A_996 {strides = array<i32>} : memref<1x512x16xi32, #tpu.memory_space<vmem>>, vector<1x512x16xi32>,
    return
  }
  func.func @transform_0(%arg0: i32, %arg1: i32) -> (i32, i32, i32) {
    %add3A = arith.constant 2 : i32
    %add3A_0 = arith.addi %arg1, %add3A : i32
    %c0_i32 = arith.constant 0 : i32
    %c0_i32_1 = arith.constant 0 : i32
    return %arg0, %add3A_0, %c0_i32 : i32, i32, i32
  }
  func.func @transform_1(%arg0: i32, %arg1: i32) -> (i32, i32, i32) {
    %c0_i32 = arith.constant 0 : i32
    %c0_i32_0 = arith.constant 0 : i32
    %c0_i32_1 = arith.constant 0 : i32
    return %arg0, %c0_i32, %c0_i32_0 : i32, i32, i32
  }
  func.func @transform_2(%arg0: i32, %arg1: i32) -> (i32, i32, i32) {
    %c0_i32 = arith.constant 0 : i32
    %c0_i32_0 = arith.constant 0 : i32
    return %arg0, %arg1, %c0_i32 : i32, i32, i32
  }
  func.func @transform_3(%arg0: i32, %arg1: i32) -> (i32, i32, i32) {
    %c0_i32 = arith.constant 0 : i32
    %c0_i32_0 = arith.constant 0 : i32
    return %arg0, %arg1, %c0_i32 : i32, i32, i32
  }
}

module attributes {stable_mosaic.version = 14 : i64} {
  func.func @_edge_node_body(%arg0: i32, %arg1: i32, %arg2: memref<1x16x512x128xf32, #tpu.memory_space<vmem>>, %arg3: memref<1x512x16xf32, #tpu.memory_space<vmem>>, %arg4: memref<1x512x128xf32, #tpu.memory_space<vmem>>, %arg5: memref<1x512x128xf32, #tpu.memory_space<vmem>>, %arg6: memref<20x128xf32, #tpu.memory_space<vmem>>, %arg7: memref<128x128xf32, #tpu.memory_space<vmem>>, %arg8: memref<1x128xf32, #tpu.memory_space<vmem>>, %arg9: memref<128x128xf32, #tpu.memory_space<vmem>>, %arg10: memref<128x128xf32, #tpu.memory_space<vmem>>, %arg11: memref<1x128xf32, #tpu.memory_space<vmem>>, %arg12: memref<128x128xf32, #tpu.memory_space<vmem>>, %arg13: memref<1x128xf32, #tpu.memory_space<vmem>>, %arg14: memref<1x128xf32, #tpu.memory_space<vmem>>, %arg15: memref<1x128xf32, #tpu.memory_space<vmem>>, %arg16: memref<1x20xf32, #tpu.memory_space<vmem>>, %arg17: memref<1x20xf32, #tpu.memory_space<vmem>>, %arg18: memref<1x512x128xf32, #tpu.memory_space<vmem>>) attributes {dimension_semantics = [#tpu.dimension_semantics<arbitrary>, #tpu.dimension_semantics<arbitrary>], iteration_bounds = array<i64: 2, 2>, scalar_prefetch = 0 : i64, scratch_operands = 0 : i64, tpu.core_type = #tpu.core_type<tc>, window_params = [{transform_indices = @transform_0, window_bounds = array<i64: 1, 16, 512, 128>}, {transform_indices = @transform_1, window_bounds = array<i64: 1, 512, 16>}, {transform_indices = @transform_2, window_bounds = array<i64: 1, 512, 128>}, {transform_indices = @transform_3, window_bounds = array<i64: 1, 512, 128>}, {pipeline_mode = #tpu.pipeline_mode<synchronous>, transform_indices = @transform_4, window_bounds = array<i64: 20, 128>}, {pipeline_mode = #tpu.pipeline_mode<synchronous>, transform_indices = @transform_5, window_bounds = array<i64: 128, 128>}, {pipeline_mode = #tpu.pipeline_mode<synchronous>, transform_indices = @transform_6, window_bounds = array<i64: 1, 128>}, {pipeline_mode = #tpu.pipeline_mode<synchronous>, transform_indices = @transform_7, window_bounds = array<i64: 128, 128>}, {pipeline_mode = #tpu.pipeline_mode<synchronous>, transform_indices = @transform_8, window_bounds = array<i64: 128, 128>}, {pipeline_mode = #tpu.pipeline_mode<synchronous>, transform_indices = @transform_9, window_bounds = array<i64: 1, 128>}, {pipeline_mode = #tpu.pipeline_mode<synchronous>, transform_indices = @transform_10, window_bounds = array<i64: 128, 128>}, {pipeline_mode = #tpu.pipeline_mode<synchronous>, transform_indices = @transform_11, window_bounds = array<i64: 1, 128>}, {pipeline_mode = #tpu.pipeline_mode<synchronous>, transform_indices = @transform_12, window_bounds = array<i64: 1, 128>}, {pipeline_mode = #tpu.pipeline_mode<synchronous>, transform_indices = @transform_13, window_bounds = array<i64: 1, 128>}, {pipeline_mode = #tpu.pipeline_mode<synchronous>, transform_indices = @transform_14, window_bounds = array<i64: 1, 20>}, {pipeline_mode = #tpu.pipeline_mode<synchronous>, transform_indices = @transform_15, window_bounds = array<i64: 1, 20>}, {transform_indices = @transform_16, window_bounds = array<i64: 1, 512, 128>}]} {
    %get3A = arith.constant 0 : index
    %get3A_0 = arith.constant 0 : index
    %get3A_1 = arith.constant 0 : index
    %get3A_2 = vector.load %arg4[%get3A, %get3A_0, %get3A_1] : memref<1x512x128xf32, #tpu.memory_space<vmem>>, vector<1x512x128xf32>
    %get3A_3 = vector.shape_cast %get3A_2 : vector<1x512x128xf32> to vector<512x128xf32>
    %get3A_4 = arith.constant 0 : index
    %get3A_5 = arith.constant 0 : index
    %get3A_6 = vector.load %arg16[%get3A_4, %get3A_5] : memref<1x20xf32, #tpu.memory_space<vmem>>, vector<1x20xf32>
    %get3A_7 = arith.constant 0 : index
    %get3A_8 = arith.constant 0 : index
    %get3A_9 = vector.load %arg17[%get3A_7, %get3A_8] : memref<1x20xf32, #tpu.memory_space<vmem>>, vector<1x20xf32>
    %get3A_10 = arith.constant 0 : index
    %get3A_11 = arith.constant 0 : index
    %get3A_12 = vector.load %arg6[%get3A_10, %get3A_11] : memref<20x128xf32, #tpu.memory_space<vmem>>, vector<20x128xf32>
    %get3A_13 = arith.constant 0 : index
    %get3A_14 = arith.constant 0 : index
    %get3A_15 = vector.load %arg7[%get3A_13, %get3A_14] : memref<128x128xf32, #tpu.memory_space<vmem>>, vector<128x128xf32>
    %get3A_16 = arith.constant 0 : index
    %get3A_17 = arith.constant 0 : index
    %get3A_18 = vector.load %arg8[%get3A_16, %get3A_17] : memref<1x128xf32, #tpu.memory_space<vmem>>, vector<1x128xf32>
    %broadcast_in_dim3A = arith.constant 0.000000e+00 : f32
    %broadcast_in_dim3A_19 = vector.broadcast %broadcast_in_dim3A : f32 to vector<512x128xf32>
    %get3A_20 = arith.constant 0 : index
    %get3A_21 = arith.constant 0 : index
    %get3A_22 = arith.constant 0 : index
    %get3A_23 = vector.load %arg3[%get3A_20, %get3A_21, %get3A_22] : memref<1x512x16xf32, #tpu.memory_space<vmem>>, vector<1x512x1xf32>
    %get3A_24 = vector.shape_cast %get3A_23 : vector<1x512x1xf32> to vector<512x1xf32>
    %neg3A = arith.constant 0.000000e+00 : f32
    %neg3A_25 = vector.broadcast %neg3A : f32 to vector<1x20xf32>
    %neg3A_26 = arith.subf %neg3A_25, %get3A_9 : vector<1x20xf32>
    %sub3A = vector.broadcast %get3A_24 : vector<512x1xf32> to vector<512x20xf32>
    %sub3A_27 = vector.broadcast %get3A_6 : vector<1x20xf32> to vector<512x20xf32>
    %sub3A_28 = arith.subf %sub3A, %sub3A_27 : vector<512x20xf32>
    %integer_pow3A = arith.mulf %sub3A_28, %sub3A_28 : vector<512x20xf32>
    %mul3A = vector.broadcast %neg3A_26 : vector<1x20xf32> to vector<512x20xf32>
    %mul3A_29 = arith.mulf %mul3A, %integer_pow3A : vector<512x20xf32>
    %exp3A = math.exp %mul3A_29 : vector<512x20xf32>
    %get3A_30 = arith.constant 0 : index
    %get3A_31 = arith.constant 0 : index
    %get3A_32 = arith.constant 0 : index
    %get3A_33 = arith.constant 0 : index
    %get3A_34 = vector.load %arg2[%get3A_30, %get3A_31, %get3A_32, %get3A_33] : memref<1x16x512x128xf32, #tpu.memory_space<vmem>>, vector<1x1x512x128xf32>
    %get3A_35 = vector.shape_cast %get3A_34 : vector<1x1x512x128xf32> to vector<512x128xf32>
    %add3A = arith.addf %get3A_3, %get3A_35 : vector<512x128xf32>
    %dot_general3A = arith.constant dense<0.000000e+00> : vector<512x128xf32>
    %dot_general3A_36 = tpu.matmul %exp3A, %get3A_12, %dot_general3A {dimension_numbers = #tpu.dot_dimension_numbers<[1], [0], [0], [1], [0, 0, 1, 1], [], []>, transpose_lhs_hint = false} : vector<512x20xf32>, vector<20x128xf32>, vector<512x128xf32> -> vector<512x128xf32>
    %add3A_37 = arith.addf %add3A, %dot_general3A_36 : vector<512x128xf32>
    %logistic3A = arith.negf %add3A_37 : vector<512x128xf32>
    %logistic3A_38 = math.exp %logistic3A : vector<512x128xf32>
    %logistic3A_39 = arith.constant 1.000000e+00 : f32
    %logistic3A_40 = vector.broadcast %logistic3A_39 : f32 to vector<512x128xf32>
    %logistic3A_41 = arith.addf %logistic3A_40, %logistic3A_38 : vector<512x128xf32>
    %logistic3A_42 = arith.divf %logistic3A_40, %logistic3A_41 : vector<512x128xf32>
    %mul3A_43 = arith.mulf %add3A_37, %logistic3A_42 : vector<512x128xf32>
    %dot_general3A_44 = arith.constant dense<0.000000e+00> : vector<512x128xf32>
    %dot_general3A_45 = tpu.matmul %mul3A_43, %get3A_15, %dot_general3A_44 {dimension_numbers = #tpu.dot_dimension_numbers<[1], [0], [0], [1], [0, 0, 1, 1], [], []>, transpose_lhs_hint = false} : vector<512x128xf32>, vector<128x128xf32>, vector<512x128xf32> -> vector<512x128xf32>
    %add3A_46 = vector.broadcast %get3A_18 : vector<1x128xf32> to vector<512x128xf32>
    %add3A_47 = arith.addf %dot_general3A_45, %add3A_46 : vector<512x128xf32>
    %logistic3A_48 = arith.negf %add3A_47 : vector<512x128xf32>
    %logistic3A_49 = math.exp %logistic3A_48 : vector<512x128xf32>
    %logistic3A_50 = arith.constant 1.000000e+00 : f32
    %logistic3A_51 = vector.broadcast %logistic3A_50 : f32 to vector<512x128xf32>
    %logistic3A_52 = arith.addf %logistic3A_51, %logistic3A_49 : vector<512x128xf32>
    %logistic3A_53 = arith.divf %logistic3A_51, %logistic3A_52 : vector<512x128xf32>
    %mul3A_54 = arith.mulf %add3A_47, %logistic3A_53 : vector<512x128xf32>
    %lt3A = arith.constant 5.000000e+00 : f32
    %lt3A_55 = vector.broadcast %lt3A : f32 to vector<512x1xf32>
    %lt3A_56 = arith.cmpf olt, %get3A_24, %lt3A_55 : vector<512x1xf32>
    %jit3A = arith.constant 0.000000e+00 : f32
    %broadcast_in_dim3A_57 = vector.shape_cast %lt3A_56 : vector<512x1xi1> to vector<512x1xi1>
    %broadcast_in_dim3A_58 = vector.broadcast %broadcast_in_dim3A_57 : vector<512x1xi1> to vector<512x128xi1>
    %broadcast_in_dim3A_59 = vector.broadcast %jit3A : f32 to vector<512x128xf32>
    %select_n3A = arith.select %broadcast_in_dim3A_58, %mul3A_54, %broadcast_in_dim3A_59 : vector<512x128xi1>, vector<512x128xf32>
    %add3A_60 = arith.addf %broadcast_in_dim3A_19, %select_n3A : vector<512x128xf32>
    %get3A_61 = arith.constant 0 : index
    %get3A_62 = arith.constant 0 : index
    %get3A_63 = arith.constant 1 : index
    %get3A_64 = vector.load %arg3[%get3A_61, %get3A_62, %get3A_63] : memref<1x512x16xf32, #tpu.memory_space<vmem>>, vector<1x512x1xf32>
    %get3A_65 = vector.shape_cast %get3A_64 : vector<1x512x1xf32> to vector<512x1xf32>
    %neg3A_66 = arith.constant 0.000000e+00 : f32
    %neg3A_67 = vector.broadcast %neg3A_66 : f32 to vector<1x20xf32>
    %neg3A_68 = arith.subf %neg3A_67, %get3A_9 : vector<1x20xf32>
    %sub3A_69 = vector.broadcast %get3A_65 : vector<512x1xf32> to vector<512x20xf32>
    %sub3A_70 = vector.broadcast %get3A_6 : vector<1x20xf32> to vector<512x20xf32>
    %sub3A_71 = arith.subf %sub3A_69, %sub3A_70 : vector<512x20xf32>
    %integer_pow3A_72 = arith.mulf %sub3A_71, %sub3A_71 : vector<512x20xf32>
    %mul3A_73 = vector.broadcast %neg3A_68 : vector<1x20xf32> to vector<512x20xf32>
    %mul3A_74 = arith.mulf %mul3A_73, %integer_pow3A_72 : vector<512x20xf32>
    %exp3A_75 = math.exp %mul3A_74 : vector<512x20xf32>
    %get3A_76 = arith.constant 0 : index
    %get3A_77 = arith.constant 1 : index
    %get3A_78 = arith.constant 0 : index
    %get3A_79 = arith.constant 0 : index
    %get3A_80 = vector.load %arg2[%get3A_76, %get3A_77, %get3A_78, %get3A_79] : memref<1x16x512x128xf32, #tpu.memory_space<vmem>>, vector<1x1x512x128xf32>
    %get3A_81 = vector.shape_cast %get3A_80 : vector<1x1x512x128xf32> to vector<512x128xf32>
    %add3A_82 = arith.addf %get3A_3, %get3A_81 : vector<512x128xf32>
    %dot_general3A_83 = arith.constant dense<0.000000e+00> : vector<512x128xf32>
    %dot_general3A_84 = tpu.matmul %exp3A_75, %get3A_12, %dot_general3A_83 {dimension_numbers = #tpu.dot_dimension_numbers<[1], [0], [0], [1], [0, 0, 1, 1], [], []>, transpose_lhs_hint = false} : vector<512x20xf32>, vector<20x128xf32>, vector<512x128xf32> -> vector<512x128xf32>
    %add3A_85 = arith.addf %add3A_82, %dot_general3A_84 : vector<512x128xf32>
    %logistic3A_86 = arith.negf %add3A_85 : vector<512x128xf32>
    %logistic3A_87 = math.exp %logistic3A_86 : vector<512x128xf32>
    %logistic3A_88 = arith.constant 1.000000e+00 : f32
    %logistic3A_89 = vector.broadcast %logistic3A_88 : f32 to vector<512x128xf32>
    %logistic3A_90 = arith.addf %logistic3A_89, %logistic3A_87 : vector<512x128xf32>
    %logistic3A_91 = arith.divf %logistic3A_89, %logistic3A_90 : vector<512x128xf32>
    %mul3A_92 = arith.mulf %add3A_85, %logistic3A_91 : vector<512x128xf32>
    %dot_general3A_93 = arith.constant dense<0.000000e+00> : vector<512x128xf32>
    %dot_general3A_94 = tpu.matmul %mul3A_92, %get3A_15, %dot_general3A_93 {dimension_numbers = #tpu.dot_dimension_numbers<[1], [0], [0], [1], [0, 0, 1, 1], [], []>, transpose_lhs_hint = false} : vector<512x128xf32>, vector<128x128xf32>, vector<512x128xf32> -> vector<512x128xf32>
    %add3A_95 = vector.broadcast %get3A_18 : vector<1x128xf32> to vector<512x128xf32>
    %add3A_96 = arith.addf %dot_general3A_94, %add3A_95 : vector<512x128xf32>
    %logistic3A_97 = arith.negf %add3A_96 : vector<512x128xf32>
    %logistic3A_98 = math.exp %logistic3A_97 : vector<512x128xf32>
    %logistic3A_99 = arith.constant 1.000000e+00 : f32
    %logistic3A_100 = vector.broadcast %logistic3A_99 : f32 to vector<512x128xf32>
    %logistic3A_101 = arith.addf %logistic3A_100, %logistic3A_98 : vector<512x128xf32>
    %logistic3A_102 = arith.divf %logistic3A_100, %logistic3A_101 : vector<512x128xf32>
    %mul3A_103 = arith.mulf %add3A_96, %logistic3A_102 : vector<512x128xf32>
    %lt3A_104 = arith.constant 5.000000e+00 : f32
    %lt3A_105 = vector.broadcast %lt3A_104 : f32 to vector<512x1xf32>
    %lt3A_106 = arith.cmpf olt, %get3A_65, %lt3A_105 : vector<512x1xf32>
    %jit3A_107 = arith.constant 0.000000e+00 : f32
    %broadcast_in_dim3A_108 = vector.shape_cast %lt3A_106 : vector<512x1xi1> to vector<512x1xi1>
    %broadcast_in_dim3A_109 = vector.broadcast %broadcast_in_dim3A_108 : vector<512x1xi1> to vector<512x128xi1>
    %broadcast_in_dim3A_110 = vector.broadcast %jit3A_107 : f32 to vector<512x128xf32>
    %select_n3A_111 = arith.select %broadcast_in_dim3A_109, %mul3A_103, %broadcast_in_dim3A_110 : vector<512x128xi1>, vector<512x128xf32>
    %add3A_112 = arith.addf %add3A_60, %select_n3A_111 : vector<512x128xf32>
    %get3A_113 = arith.constant 0 : index
    %get3A_114 = arith.constant 0 : index
    %get3A_115 = arith.constant 2 : index
    %get3A_116 = vector.load %arg3[%get3A_113, %get3A_114, %get3A_115] : memref<1x512x16xf32, #tpu.memory_space<vmem>>, vector<1x512x1xf32>
    %get3A_117 = vector.shape_cast %get3A_116 : vector<1x512x1xf32> to vector<512x1xf32>
    %neg3A_118 = arith.constant 0.000000e+00 : f32
    %neg3A_119 = vector.broadcast %neg3A_118 : f32 to vector<1x20xf32>
    %neg3A_120 = arith.subf %neg3A_119, %get3A_9 : vector<1x20xf32>
    %sub3A_121 = vector.broadcast %get3A_117 : vector<512x1xf32> to vector<512x20xf32>
    %sub3A_122 = vector.broadcast %get3A_6 : vector<1x20xf32> to vector<512x20xf32>
    %sub3A_123 = arith.subf %sub3A_121, %sub3A_122 : vector<512x20xf32>
    %integer_pow3A_124 = arith.mulf %sub3A_123, %sub3A_123 : vector<512x20xf32>
    %mul3A_125 = vector.broadcast %neg3A_120 : vector<1x20xf32> to vector<512x20xf32>
    %mul3A_126 = arith.mulf %mul3A_125, %integer_pow3A_124 : vector<512x20xf32>
    %exp3A_127 = math.exp %mul3A_126 : vector<512x20xf32>
    %get3A_128 = arith.constant 0 : index
    %get3A_129 = arith.constant 2 : index
    %get3A_130 = arith.constant 0 : index
    %get3A_131 = arith.constant 0 : index
    %get3A_132 = vector.load %arg2[%get3A_128, %get3A_129, %get3A_130, %get3A_131] : memref<1x16x512x128xf32, #tpu.memory_space<vmem>>, vector<1x1x512x128xf32>
    %get3A_133 = vector.shape_cast %get3A_132 : vector<1x1x512x128xf32> to vector<512x128xf32>
    %add3A_134 = arith.addf %get3A_3, %get3A_133 : vector<512x128xf32>
    %dot_general3A_135 = arith.constant dense<0.000000e+00> : vector<512x128xf32>
    %dot_general3A_136 = tpu.matmul %exp3A_127, %get3A_12, %dot_general3A_135 {dimension_numbers = #tpu.dot_dimension_numbers<[1], [0], [0], [1], [0, 0, 1, 1], [], []>, transpose_lhs_hint = false} : vector<512x20xf32>, vector<20x128xf32>, vector<512x128xf32> -> vector<512x128xf32>
    %add3A_137 = arith.addf %add3A_134, %dot_general3A_136 : vector<512x128xf32>
    %logistic3A_138 = arith.negf %add3A_137 : vector<512x128xf32>
    %logistic3A_139 = math.exp %logistic3A_138 : vector<512x128xf32>
    %logistic3A_140 = arith.constant 1.000000e+00 : f32
    %logistic3A_141 = vector.broadcast %logistic3A_140 : f32 to vector<512x128xf32>
    %logistic3A_142 = arith.addf %logistic3A_141, %logistic3A_139 : vector<512x128xf32>
    %logistic3A_143 = arith.divf %logistic3A_141, %logistic3A_142 : vector<512x128xf32>
    %mul3A_144 = arith.mulf %add3A_137, %logistic3A_143 : vector<512x128xf32>
    %dot_general3A_145 = arith.constant dense<0.000000e+00> : vector<512x128xf32>
    %dot_general3A_146 = tpu.matmul %mul3A_144, %get3A_15, %dot_general3A_145 {dimension_numbers = #tpu.dot_dimension_numbers<[1], [0], [0], [1], [0, 0, 1, 1], [], []>, transpose_lhs_hint = false} : vector<512x128xf32>, vector<128x128xf32>, vector<512x128xf32> -> vector<512x128xf32>
    %add3A_147 = vector.broadcast %get3A_18 : vector<1x128xf32> to vector<512x128xf32>
    %add3A_148 = arith.addf %dot_general3A_146, %add3A_147 : vector<512x128xf32>
    %logistic3A_149 = arith.negf %add3A_148 : vector<512x128xf32>
    %logistic3A_150 = math.exp %logistic3A_149 : vector<512x128xf32>
    %logistic3A_151 = arith.constant 1.000000e+00 : f32
    %logistic3A_152 = vector.broadcast %logistic3A_151 : f32 to vector<512x128xf32>
    %logistic3A_153 = arith.addf %logistic3A_152, %logistic3A_150 : vector<512x128xf32>
    %logistic3A_154 = arith.divf %logistic3A_152, %logistic3A_153 : vector<512x128xf32>
    %mul3A_155 = arith.mulf %add3A_148, %logistic3A_154 : vector<512x128xf32>
    %lt3A_156 = arith.constant 5.000000e+00 : f32
    %lt3A_157 = vector.broadcast %lt3A_156 : f32 to vector<512x1xf32>
    %lt3A_158 = arith.cmpf olt, %get3A_117, %lt3A_157 : vector<512x1xf32>
    %jit3A_159 = arith.constant 0.000000e+00 : f32
    %broadcast_in_dim3A_160 = vector.shape_cast %lt3A_158 : vector<512x1xi1> to vector<512x1xi1>
    %broadcast_in_dim3A_161 = vector.broadcast %broadcast_in_dim3A_160 : vector<512x1xi1> to vector<512x128xi1>
    %broadcast_in_dim3A_162 = vector.broadcast %jit3A_159 : f32 to vector<512x128xf32>
    %select_n3A_163 = arith.select %broadcast_in_dim3A_161, %mul3A_155, %broadcast_in_dim3A_162 : vector<512x128xi1>, vector<512x128xf32>
    %add3A_164 = arith.addf %add3A_112, %select_n3A_163 : vector<512x128xf32>
    %get3A_165 = arith.constant 0 : index
    %get3A_166 = arith.constant 0 : index
    %get3A_167 = arith.constant 3 : index
    %get3A_168 = vector.load %arg3[%get3A_165, %get3A_166, %get3A_167] : memref<1x512x16xf32, #tpu.memory_space<vmem>>, vector<1x512x1xf32>
    %get3A_169 = vector.shape_cast %get3A_168 : vector<1x512x1xf32> to vector<512x1xf32>
    %neg3A_170 = arith.constant 0.000000e+00 : f32
    %neg3A_171 = vector.broadcast %neg3A_170 : f32 to vector<1x20xf32>
    %neg3A_172 = arith.subf %neg3A_171, %get3A_9 : vector<1x20xf32>
    %sub3A_173 = vector.broadcast %get3A_169 : vector<512x1xf32> to vector<512x20xf32>
    %sub3A_174 = vector.broadcast %get3A_6 : vector<1x20xf32> to vector<512x20xf32>
    %sub3A_175 = arith.subf %sub3A_173, %sub3A_174 : vector<512x20xf32>
    %integer_pow3A_176 = arith.mulf %sub3A_175, %sub3A_175 : vector<512x20xf32>
    %mul3A_177 = vector.broadcast %neg3A_172 : vector<1x20xf32> to vector<512x20xf32>
    %mul3A_178 = arith.mulf %mul3A_177, %integer_pow3A_176 : vector<512x20xf32>
    %exp3A_179 = math.exp %mul3A_178 : vector<512x20xf32>
    %get3A_180 = arith.constant 0 : index
    %get3A_181 = arith.constant 3 : index
    %get3A_182 = arith.constant 0 : index
    %get3A_183 = arith.constant 0 : index
    %get3A_184 = vector.load %arg2[%get3A_180, %get3A_181, %get3A_182, %get3A_183] : memref<1x16x512x128xf32, #tpu.memory_space<vmem>>, vector<1x1x512x128xf32>
    %get3A_185 = vector.shape_cast %get3A_184 : vector<1x1x512x128xf32> to vector<512x128xf32>
    %add3A_186 = arith.addf %get3A_3, %get3A_185 : vector<512x128xf32>
    %dot_general3A_187 = arith.constant dense<0.000000e+00> : vector<512x128xf32>
    %dot_general3A_188 = tpu.matmul %exp3A_179, %get3A_12, %dot_general3A_187 {dimension_numbers = #tpu.dot_dimension_numbers<[1], [0], [0], [1], [0, 0, 1, 1], [], []>, transpose_lhs_hint = false} : vector<512x20xf32>, vector<20x128xf32>, vector<512x128xf32> -> vector<512x128xf32>
    %add3A_189 = arith.addf %add3A_186, %dot_general3A_188 : vector<512x128xf32>
    %logistic3A_190 = arith.negf %add3A_189 : vector<512x128xf32>
    %logistic3A_191 = math.exp %logistic3A_190 : vector<512x128xf32>
    %logistic3A_192 = arith.constant 1.000000e+00 : f32
    %logistic3A_193 = vector.broadcast %logistic3A_192 : f32 to vector<512x128xf32>
    %logistic3A_194 = arith.addf %logistic3A_193, %logistic3A_191 : vector<512x128xf32>
    %logistic3A_195 = arith.divf %logistic3A_193, %logistic3A_194 : vector<512x128xf32>
    %mul3A_196 = arith.mulf %add3A_189, %logistic3A_195 : vector<512x128xf32>
    %dot_general3A_197 = arith.constant dense<0.000000e+00> : vector<512x128xf32>
    %dot_general3A_198 = tpu.matmul %mul3A_196, %get3A_15, %dot_general3A_197 {dimension_numbers = #tpu.dot_dimension_numbers<[1], [0], [0], [1], [0, 0, 1, 1], [], []>, transpose_lhs_hint = false} : vector<512x128xf32>, vector<128x128xf32>, vector<512x128xf32> -> vector<512x128xf32>
    %add3A_199 = vector.broadcast %get3A_18 : vector<1x128xf32> to vector<512x128xf32>
    %add3A_200 = arith.addf %dot_general3A_198, %add3A_199 : vector<512x128xf32>
    %logistic3A_201 = arith.negf %add3A_200 : vector<512x128xf32>
    %logistic3A_202 = math.exp %logistic3A_201 : vector<512x128xf32>
    %logistic3A_203 = arith.constant 1.000000e+00 : f32
    %logistic3A_204 = vector.broadcast %logistic3A_203 : f32 to vector<512x128xf32>
    %logistic3A_205 = arith.addf %logistic3A_204, %logistic3A_202 : vector<512x128xf32>
    %logistic3A_206 = arith.divf %logistic3A_204, %logistic3A_205 : vector<512x128xf32>
    %mul3A_207 = arith.mulf %add3A_200, %logistic3A_206 : vector<512x128xf32>
    %lt3A_208 = arith.constant 5.000000e+00 : f32
    %lt3A_209 = vector.broadcast %lt3A_208 : f32 to vector<512x1xf32>
    %lt3A_210 = arith.cmpf olt, %get3A_169, %lt3A_209 : vector<512x1xf32>
    %jit3A_211 = arith.constant 0.000000e+00 : f32
    %broadcast_in_dim3A_212 = vector.shape_cast %lt3A_210 : vector<512x1xi1> to vector<512x1xi1>
    %broadcast_in_dim3A_213 = vector.broadcast %broadcast_in_dim3A_212 : vector<512x1xi1> to vector<512x128xi1>
    %broadcast_in_dim3A_214 = vector.broadcast %jit3A_211 : f32 to vector<512x128xf32>
    %select_n3A_215 = arith.select %broadcast_in_dim3A_213, %mul3A_207, %broadcast_in_dim3A_214 : vector<512x128xi1>, vector<512x128xf32>
    %add3A_216 = arith.addf %add3A_164, %select_n3A_215 : vector<512x128xf32>
    %get3A_217 = arith.constant 0 : index
    %get3A_218 = arith.constant 0 : index
    %get3A_219 = arith.constant 4 : index
    %get3A_220 = vector.load %arg3[%get3A_217, %get3A_218, %get3A_219] : memref<1x512x16xf32, #tpu.memory_space<vmem>>, vector<1x512x1xf32>
    %get3A_221 = vector.shape_cast %get3A_220 : vector<1x512x1xf32> to vector<512x1xf32>
    %neg3A_222 = arith.constant 0.000000e+00 : f32
    %neg3A_223 = vector.broadcast %neg3A_222 : f32 to vector<1x20xf32>
    %neg3A_224 = arith.subf %neg3A_223, %get3A_9 : vector<1x20xf32>
    %sub3A_225 = vector.broadcast %get3A_221 : vector<512x1xf32> to vector<512x20xf32>
    %sub3A_226 = vector.broadcast %get3A_6 : vector<1x20xf32> to vector<512x20xf32>
    %sub3A_227 = arith.subf %sub3A_225, %sub3A_226 : vector<512x20xf32>
    %integer_pow3A_228 = arith.mulf %sub3A_227, %sub3A_227 : vector<512x20xf32>
    %mul3A_229 = vector.broadcast %neg3A_224 : vector<1x20xf32> to vector<512x20xf32>
    %mul3A_230 = arith.mulf %mul3A_229, %integer_pow3A_228 : vector<512x20xf32>
    %exp3A_231 = math.exp %mul3A_230 : vector<512x20xf32>
    %get3A_232 = arith.constant 0 : index
    %get3A_233 = arith.constant 4 : index
    %get3A_234 = arith.constant 0 : index
    %get3A_235 = arith.constant 0 : index
    %get3A_236 = vector.load %arg2[%get3A_232, %get3A_233, %get3A_234, %get3A_235] : memref<1x16x512x128xf32, #tpu.memory_space<vmem>>, vector<1x1x512x128xf32>
    %get3A_237 = vector.shape_cast %get3A_236 : vector<1x1x512x128xf32> to vector<512x128xf32>
    %add3A_238 = arith.addf %get3A_3, %get3A_237 : vector<512x128xf32>
    %dot_general3A_239 = arith.constant dense<0.000000e+00> : vector<512x128xf32>
    %dot_general3A_240 = tpu.matmul %exp3A_231, %get3A_12, %dot_general3A_239 {dimension_numbers = #tpu.dot_dimension_numbers<[1], [0], [0], [1], [0, 0, 1, 1], [], []>, transpose_lhs_hint = false} : vector<512x20xf32>, vector<20x128xf32>, vector<512x128xf32> -> vector<512x128xf32>
    %add3A_241 = arith.addf %add3A_238, %dot_general3A_240 : vector<512x128xf32>
    %logistic3A_242 = arith.negf %add3A_241 : vector<512x128xf32>
    %logistic3A_243 = math.exp %logistic3A_242 : vector<512x128xf32>
    %logistic3A_244 = arith.constant 1.000000e+00 : f32
    %logistic3A_245 = vector.broadcast %logistic3A_244 : f32 to vector<512x128xf32>
    %logistic3A_246 = arith.addf %logistic3A_245, %logistic3A_243 : vector<512x128xf32>
    %logistic3A_247 = arith.divf %logistic3A_245, %logistic3A_246 : vector<512x128xf32>
    %mul3A_248 = arith.mulf %add3A_241, %logistic3A_247 : vector<512x128xf32>
    %dot_general3A_249 = arith.constant dense<0.000000e+00> : vector<512x128xf32>
    %dot_general3A_250 = tpu.matmul %mul3A_248, %get3A_15, %dot_general3A_249 {dimension_numbers = #tpu.dot_dimension_numbers<[1], [0], [0], [1], [0, 0, 1, 1], [], []>, transpose_lhs_hint = false} : vector<512x128xf32>, vector<128x128xf32>, vector<512x128xf32> -> vector<512x128xf32>
    %add3A_251 = vector.broadcast %get3A_18 : vector<1x128xf32> to vector<512x128xf32>
    %add3A_252 = arith.addf %dot_general3A_250, %add3A_251 : vector<512x128xf32>
    %logistic3A_253 = arith.negf %add3A_252 : vector<512x128xf32>
    %logistic3A_254 = math.exp %logistic3A_253 : vector<512x128xf32>
    %logistic3A_255 = arith.constant 1.000000e+00 : f32
    %logistic3A_256 = vector.broadcast %logistic3A_255 : f32 to vector<512x128xf32>
    %logistic3A_257 = arith.addf %logistic3A_256, %logistic3A_254 : vector<512x128xf32>
    %logistic3A_258 = arith.divf %logistic3A_256, %logistic3A_257 : vector<512x128xf32>
    %mul3A_259 = arith.mulf %add3A_252, %logistic3A_258 : vector<512x128xf32>
    %lt3A_260 = arith.constant 5.000000e+00 : f32
    %lt3A_261 = vector.broadcast %lt3A_260 : f32 to vector<512x1xf32>
    %lt3A_262 = arith.cmpf olt, %get3A_221, %lt3A_261 : vector<512x1xf32>
    %jit3A_263 = arith.constant 0.000000e+00 : f32
    %broadcast_in_dim3A_264 = vector.shape_cast %lt3A_262 : vector<512x1xi1> to vector<512x1xi1>
    %broadcast_in_dim3A_265 = vector.broadcast %broadcast_in_dim3A_264 : vector<512x1xi1> to vector<512x128xi1>
    %broadcast_in_dim3A_266 = vector.broadcast %jit3A_263 : f32 to vector<512x128xf32>
    %select_n3A_267 = arith.select %broadcast_in_dim3A_265, %mul3A_259, %broadcast_in_dim3A_266 : vector<512x128xi1>, vector<512x128xf32>
    %add3A_268 = arith.addf %add3A_216, %select_n3A_267 : vector<512x128xf32>
    %get3A_269 = arith.constant 0 : index
    %get3A_270 = arith.constant 0 : index
    %get3A_271 = arith.constant 5 : index
    %get3A_272 = vector.load %arg3[%get3A_269, %get3A_270, %get3A_271] : memref<1x512x16xf32, #tpu.memory_space<vmem>>, vector<1x512x1xf32>
    %get3A_273 = vector.shape_cast %get3A_272 : vector<1x512x1xf32> to vector<512x1xf32>
    %neg3A_274 = arith.constant 0.000000e+00 : f32
    %neg3A_275 = vector.broadcast %neg3A_274 : f32 to vector<1x20xf32>
    %neg3A_276 = arith.subf %neg3A_275, %get3A_9 : vector<1x20xf32>
    %sub3A_277 = vector.broadcast %get3A_273 : vector<512x1xf32> to vector<512x20xf32>
    %sub3A_278 = vector.broadcast %get3A_6 : vector<1x20xf32> to vector<512x20xf32>
    %sub3A_279 = arith.subf %sub3A_277, %sub3A_278 : vector<512x20xf32>
    %integer_pow3A_280 = arith.mulf %sub3A_279, %sub3A_279 : vector<512x20xf32>
    %mul3A_281 = vector.broadcast %neg3A_276 : vector<1x20xf32> to vector<512x20xf32>
    %mul3A_282 = arith.mulf %mul3A_281, %integer_pow3A_280 : vector<512x20xf32>
    %exp3A_283 = math.exp %mul3A_282 : vector<512x20xf32>
    %get3A_284 = arith.constant 0 : index
    %get3A_285 = arith.constant 5 : index
    %get3A_286 = arith.constant 0 : index
    %get3A_287 = arith.constant 0 : index
    %get3A_288 = vector.load %arg2[%get3A_284, %get3A_285, %get3A_286, %get3A_287] : memref<1x16x512x128xf32, #tpu.memory_space<vmem>>, vector<1x1x512x128xf32>
    %get3A_289 = vector.shape_cast %get3A_288 : vector<1x1x512x128xf32> to vector<512x128xf32>
    %add3A_290 = arith.addf %get3A_3, %get3A_289 : vector<512x128xf32>
    %dot_general3A_291 = arith.constant dense<0.000000e+00> : vector<512x128xf32>
    %dot_general3A_292 = tpu.matmul %exp3A_283, %get3A_12, %dot_general3A_291 {dimension_numbers = #tpu.dot_dimension_numbers<[1], [0], [0], [1], [0, 0, 1, 1], [], []>, transpose_lhs_hint = false} : vector<512x20xf32>, vector<20x128xf32>, vector<512x128xf32> -> vector<512x128xf32>
    %add3A_293 = arith.addf %add3A_290, %dot_general3A_292 : vector<512x128xf32>
    %logistic3A_294 = arith.negf %add3A_293 : vector<512x128xf32>
    %logistic3A_295 = math.exp %logistic3A_294 : vector<512x128xf32>
    %logistic3A_296 = arith.constant 1.000000e+00 : f32
    %logistic3A_297 = vector.broadcast %logistic3A_296 : f32 to vector<512x128xf32>
    %logistic3A_298 = arith.addf %logistic3A_297, %logistic3A_295 : vector<512x128xf32>
    %logistic3A_299 = arith.divf %logistic3A_297, %logistic3A_298 : vector<512x128xf32>
    %mul3A_300 = arith.mulf %add3A_293, %logistic3A_299 : vector<512x128xf32>
    %dot_general3A_301 = arith.constant dense<0.000000e+00> : vector<512x128xf32>
    %dot_general3A_302 = tpu.matmul %mul3A_300, %get3A_15, %dot_general3A_301 {dimension_numbers = #tpu.dot_dimension_numbers<[1], [0], [0], [1], [0, 0, 1, 1], [], []>, transpose_lhs_hint = false} : vector<512x128xf32>, vector<128x128xf32>, vector<512x128xf32> -> vector<512x128xf32>
    %add3A_303 = vector.broadcast %get3A_18 : vector<1x128xf32> to vector<512x128xf32>
    %add3A_304 = arith.addf %dot_general3A_302, %add3A_303 : vector<512x128xf32>
    %logistic3A_305 = arith.negf %add3A_304 : vector<512x128xf32>
    %logistic3A_306 = math.exp %logistic3A_305 : vector<512x128xf32>
    %logistic3A_307 = arith.constant 1.000000e+00 : f32
    %logistic3A_308 = vector.broadcast %logistic3A_307 : f32 to vector<512x128xf32>
    %logistic3A_309 = arith.addf %logistic3A_308, %logistic3A_306 : vector<512x128xf32>
    %logistic3A_310 = arith.divf %logistic3A_308, %logistic3A_309 : vector<512x128xf32>
    %mul3A_311 = arith.mulf %add3A_304, %logistic3A_310 : vector<512x128xf32>
    %lt3A_312 = arith.constant 5.000000e+00 : f32
    %lt3A_313 = vector.broadcast %lt3A_312 : f32 to vector<512x1xf32>
    %lt3A_314 = arith.cmpf olt, %get3A_273, %lt3A_313 : vector<512x1xf32>
    %jit3A_315 = arith.constant 0.000000e+00 : f32
    %broadcast_in_dim3A_316 = vector.shape_cast %lt3A_314 : vector<512x1xi1> to vector<512x1xi1>
    %broadcast_in_dim3A_317 = vector.broadcast %broadcast_in_dim3A_316 : vector<512x1xi1> to vector<512x128xi1>
    %broadcast_in_dim3A_318 = vector.broadcast %jit3A_315 : f32 to vector<512x128xf32>
    %select_n3A_319 = arith.select %broadcast_in_dim3A_317, %mul3A_311, %broadcast_in_dim3A_318 : vector<512x128xi1>, vector<512x128xf32>
    %add3A_320 = arith.addf %add3A_268, %select_n3A_319 : vector<512x128xf32>
    %get3A_321 = arith.constant 0 : index
    %get3A_322 = arith.constant 0 : index
    %get3A_323 = arith.constant 6 : index
    %get3A_324 = vector.load %arg3[%get3A_321, %get3A_322, %get3A_323] : memref<1x512x16xf32, #tpu.memory_space<vmem>>, vector<1x512x1xf32>
    %get3A_325 = vector.shape_cast %get3A_324 : vector<1x512x1xf32> to vector<512x1xf32>
    %neg3A_326 = arith.constant 0.000000e+00 : f32
    %neg3A_327 = vector.broadcast %neg3A_326 : f32 to vector<1x20xf32>
    %neg3A_328 = arith.subf %neg3A_327, %get3A_9 : vector<1x20xf32>
    %sub3A_329 = vector.broadcast %get3A_325 : vector<512x1xf32> to vector<512x20xf32>
    %sub3A_330 = vector.broadcast %get3A_6 : vector<1x20xf32> to vector<512x20xf32>
    %sub3A_331 = arith.subf %sub3A_329, %sub3A_330 : vector<512x20xf32>
    %integer_pow3A_332 = arith.mulf %sub3A_331, %sub3A_331 : vector<512x20xf32>
    %mul3A_333 = vector.broadcast %neg3A_328 : vector<1x20xf32> to vector<512x20xf32>
    %mul3A_334 = arith.mulf %mul3A_333, %integer_pow3A_332 : vector<512x20xf32>
    %exp3A_335 = math.exp %mul3A_334 : vector<512x20xf32>
    %get3A_336 = arith.constant 0 : index
    %get3A_337 = arith.constant 6 : index
    %get3A_338 = arith.constant 0 : index
    %get3A_339 = arith.constant 0 : index
    %get3A_340 = vector.load %arg2[%get3A_336, %get3A_337, %get3A_338, %get3A_339] : memref<1x16x512x128xf32, #tpu.memory_space<vmem>>, vector<1x1x512x128xf32>
    %get3A_341 = vector.shape_cast %get3A_340 : vector<1x1x512x128xf32> to vector<512x128xf32>
    %add3A_342 = arith.addf %get3A_3, %get3A_341 : vector<512x128xf32>
    %dot_general3A_343 = arith.constant dense<0.000000e+00> : vector<512x128xf32>
    %dot_general3A_344 = tpu.matmul %exp3A_335, %get3A_12, %dot_general3A_343 {dimension_numbers = #tpu.dot_dimension_numbers<[1], [0], [0], [1], [0, 0, 1, 1], [], []>, transpose_lhs_hint = false} : vector<512x20xf32>, vector<20x128xf32>, vector<512x128xf32> -> vector<512x128xf32>
    %add3A_345 = arith.addf %add3A_342, %dot_general3A_344 : vector<512x128xf32>
    %logistic3A_346 = arith.negf %add3A_345 : vector<512x128xf32>
    %logistic3A_347 = math.exp %logistic3A_346 : vector<512x128xf32>
    %logistic3A_348 = arith.constant 1.000000e+00 : f32
    %logistic3A_349 = vector.broadcast %logistic3A_348 : f32 to vector<512x128xf32>
    %logistic3A_350 = arith.addf %logistic3A_349, %logistic3A_347 : vector<512x128xf32>
    %logistic3A_351 = arith.divf %logistic3A_349, %logistic3A_350 : vector<512x128xf32>
    %mul3A_352 = arith.mulf %add3A_345, %logistic3A_351 : vector<512x128xf32>
    %dot_general3A_353 = arith.constant dense<0.000000e+00> : vector<512x128xf32>
    %dot_general3A_354 = tpu.matmul %mul3A_352, %get3A_15, %dot_general3A_353 {dimension_numbers = #tpu.dot_dimension_numbers<[1], [0], [0], [1], [0, 0, 1, 1], [], []>, transpose_lhs_hint = false} : vector<512x128xf32>, vector<128x128xf32>, vector<512x128xf32> -> vector<512x128xf32>
    %add3A_355 = vector.broadcast %get3A_18 : vector<1x128xf32> to vector<512x128xf32>
    %add3A_356 = arith.addf %dot_general3A_354, %add3A_355 : vector<512x128xf32>
    %logistic3A_357 = arith.negf %add3A_356 : vector<512x128xf32>
    %logistic3A_358 = math.exp %logistic3A_357 : vector<512x128xf32>
    %logistic3A_359 = arith.constant 1.000000e+00 : f32
    %logistic3A_360 = vector.broadcast %logistic3A_359 : f32 to vector<512x128xf32>
    %logistic3A_361 = arith.addf %logistic3A_360, %logistic3A_358 : vector<512x128xf32>
    %logistic3A_362 = arith.divf %logistic3A_360, %logistic3A_361 : vector<512x128xf32>
    %mul3A_363 = arith.mulf %add3A_356, %logistic3A_362 : vector<512x128xf32>
    %lt3A_364 = arith.constant 5.000000e+00 : f32
    %lt3A_365 = vector.broadcast %lt3A_364 : f32 to vector<512x1xf32>
    %lt3A_366 = arith.cmpf olt, %get3A_325, %lt3A_365 : vector<512x1xf32>
    %jit3A_367 = arith.constant 0.000000e+00 : f32
    %broadcast_in_dim3A_368 = vector.shape_cast %lt3A_366 : vector<512x1xi1> to vector<512x1xi1>
    %broadcast_in_dim3A_369 = vector.broadcast %broadcast_in_dim3A_368 : vector<512x1xi1> to vector<512x128xi1>
    %broadcast_in_dim3A_370 = vector.broadcast %jit3A_367 : f32 to vector<512x128xf32>
    %select_n3A_371 = arith.select %broadcast_in_dim3A_369, %mul3A_363, %broadcast_in_dim3A_370 : vector<512x128xi1>, vector<512x128xf32>
    %add3A_372 = arith.addf %add3A_320, %select_n3A_371 : vector<512x128xf32>
    %get3A_373 = arith.constant 0 : index
    %get3A_374 = arith.constant 0 : index
    %get3A_375 = arith.constant 7 : index
    %get3A_376 = vector.load %arg3[%get3A_373, %get3A_374, %get3A_375] : memref<1x512x16xf32, #tpu.memory_space<vmem>>, vector<1x512x1xf32>
    %get3A_377 = vector.shape_cast %get3A_376 : vector<1x512x1xf32> to vector<512x1xf32>
    %neg3A_378 = arith.constant 0.000000e+00 : f32
    %neg3A_379 = vector.broadcast %neg3A_378 : f32 to vector<1x20xf32>
    %neg3A_380 = arith.subf %neg3A_379, %get3A_9 : vector<1x20xf32>
    %sub3A_381 = vector.broadcast %get3A_377 : vector<512x1xf32> to vector<512x20xf32>
    %sub3A_382 = vector.broadcast %get3A_6 : vector<1x20xf32> to vector<512x20xf32>
    %sub3A_383 = arith.subf %sub3A_381, %sub3A_382 : vector<512x20xf32>
    %integer_pow3A_384 = arith.mulf %sub3A_383, %sub3A_383 : vector<512x20xf32>
    %mul3A_385 = vector.broadcast %neg3A_380 : vector<1x20xf32> to vector<512x20xf32>
    %mul3A_386 = arith.mulf %mul3A_385, %integer_pow3A_384 : vector<512x20xf32>
    %exp3A_387 = math.exp %mul3A_386 : vector<512x20xf32>
    %get3A_388 = arith.constant 0 : index
    %get3A_389 = arith.constant 7 : index
    %get3A_390 = arith.constant 0 : index
    %get3A_391 = arith.constant 0 : index
    %get3A_392 = vector.load %arg2[%get3A_388, %get3A_389, %get3A_390, %get3A_391] : memref<1x16x512x128xf32, #tpu.memory_space<vmem>>, vector<1x1x512x128xf32>
    %get3A_393 = vector.shape_cast %get3A_392 : vector<1x1x512x128xf32> to vector<512x128xf32>
    %add3A_394 = arith.addf %get3A_3, %get3A_393 : vector<512x128xf32>
    %dot_general3A_395 = arith.constant dense<0.000000e+00> : vector<512x128xf32>
    %dot_general3A_396 = tpu.matmul %exp3A_387, %get3A_12, %dot_general3A_395 {dimension_numbers = #tpu.dot_dimension_numbers<[1], [0], [0], [1], [0, 0, 1, 1], [], []>, transpose_lhs_hint = false} : vector<512x20xf32>, vector<20x128xf32>, vector<512x128xf32> -> vector<512x128xf32>
    %add3A_397 = arith.addf %add3A_394, %dot_general3A_396 : vector<512x128xf32>
    %logistic3A_398 = arith.negf %add3A_397 : vector<512x128xf32>
    %logistic3A_399 = math.exp %logistic3A_398 : vector<512x128xf32>
    %logistic3A_400 = arith.constant 1.000000e+00 : f32
    %logistic3A_401 = vector.broadcast %logistic3A_400 : f32 to vector<512x128xf32>
    %logistic3A_402 = arith.addf %logistic3A_401, %logistic3A_399 : vector<512x128xf32>
    %logistic3A_403 = arith.divf %logistic3A_401, %logistic3A_402 : vector<512x128xf32>
    %mul3A_404 = arith.mulf %add3A_397, %logistic3A_403 : vector<512x128xf32>
    %dot_general3A_405 = arith.constant dense<0.000000e+00> : vector<512x128xf32>
    %dot_general3A_406 = tpu.matmul %mul3A_404, %get3A_15, %dot_general3A_405 {dimension_numbers = #tpu.dot_dimension_numbers<[1], [0], [0], [1], [0, 0, 1, 1], [], []>, transpose_lhs_hint = false} : vector<512x128xf32>, vector<128x128xf32>, vector<512x128xf32> -> vector<512x128xf32>
    %add3A_407 = vector.broadcast %get3A_18 : vector<1x128xf32> to vector<512x128xf32>
    %add3A_408 = arith.addf %dot_general3A_406, %add3A_407 : vector<512x128xf32>
    %logistic3A_409 = arith.negf %add3A_408 : vector<512x128xf32>
    %logistic3A_410 = math.exp %logistic3A_409 : vector<512x128xf32>
    %logistic3A_411 = arith.constant 1.000000e+00 : f32
    %logistic3A_412 = vector.broadcast %logistic3A_411 : f32 to vector<512x128xf32>
    %logistic3A_413 = arith.addf %logistic3A_412, %logistic3A_410 : vector<512x128xf32>
    %logistic3A_414 = arith.divf %logistic3A_412, %logistic3A_413 : vector<512x128xf32>
    %mul3A_415 = arith.mulf %add3A_408, %logistic3A_414 : vector<512x128xf32>
    %lt3A_416 = arith.constant 5.000000e+00 : f32
    %lt3A_417 = vector.broadcast %lt3A_416 : f32 to vector<512x1xf32>
    %lt3A_418 = arith.cmpf olt, %get3A_377, %lt3A_417 : vector<512x1xf32>
    %jit3A_419 = arith.constant 0.000000e+00 : f32
    %broadcast_in_dim3A_420 = vector.shape_cast %lt3A_418 : vector<512x1xi1> to vector<512x1xi1>
    %broadcast_in_dim3A_421 = vector.broadcast %broadcast_in_dim3A_420 : vector<512x1xi1> to vector<512x128xi1>
    %broadcast_in_dim3A_422 = vector.broadcast %jit3A_419 : f32 to vector<512x128xf32>
    %select_n3A_423 = arith.select %broadcast_in_dim3A_421, %mul3A_415, %broadcast_in_dim3A_422 : vector<512x128xi1>, vector<512x128xf32>
    %add3A_424 = arith.addf %add3A_372, %select_n3A_423 : vector<512x128xf32>
    %get3A_425 = arith.constant 0 : index
    %get3A_426 = arith.constant 0 : index
    %get3A_427 = arith.constant 8 : index
    %get3A_428 = vector.load %arg3[%get3A_425, %get3A_426, %get3A_427] : memref<1x512x16xf32, #tpu.memory_space<vmem>>, vector<1x512x1xf32>
    %get3A_429 = vector.shape_cast %get3A_428 : vector<1x512x1xf32> to vector<512x1xf32>
    %neg3A_430 = arith.constant 0.000000e+00 : f32
    %neg3A_431 = vector.broadcast %neg3A_430 : f32 to vector<1x20xf32>
    %neg3A_432 = arith.subf %neg3A_431, %get3A_9 : vector<1x20xf32>
    %sub3A_433 = vector.broadcast %get3A_429 : vector<512x1xf32> to vector<512x20xf32>
    %sub3A_434 = vector.broadcast %get3A_6 : vector<1x20xf32> to vector<512x20xf32>
    %sub3A_435 = arith.subf %sub3A_433, %sub3A_434 : vector<512x20xf32>
    %integer_pow3A_436 = arith.mulf %sub3A_435, %sub3A_435 : vector<512x20xf32>
    %mul3A_437 = vector.broadcast %neg3A_432 : vector<1x20xf32> to vector<512x20xf32>
    %mul3A_438 = arith.mulf %mul3A_437, %integer_pow3A_436 : vector<512x20xf32>
    %exp3A_439 = math.exp %mul3A_438 : vector<512x20xf32>
    %get3A_440 = arith.constant 0 : index
    %get3A_441 = arith.constant 8 : index
    %get3A_442 = arith.constant 0 : index
    %get3A_443 = arith.constant 0 : index
    %get3A_444 = vector.load %arg2[%get3A_440, %get3A_441, %get3A_442, %get3A_443] : memref<1x16x512x128xf32, #tpu.memory_space<vmem>>, vector<1x1x512x128xf32>
    %get3A_445 = vector.shape_cast %get3A_444 : vector<1x1x512x128xf32> to vector<512x128xf32>
    %add3A_446 = arith.addf %get3A_3, %get3A_445 : vector<512x128xf32>
    %dot_general3A_447 = arith.constant dense<0.000000e+00> : vector<512x128xf32>
    %dot_general3A_448 = tpu.matmul %exp3A_439, %get3A_12, %dot_general3A_447 {dimension_numbers = #tpu.dot_dimension_numbers<[1], [0], [0], [1], [0, 0, 1, 1], [], []>, transpose_lhs_hint = false} : vector<512x20xf32>, vector<20x128xf32>, vector<512x128xf32> -> vector<512x128xf32>
    %add3A_449 = arith.addf %add3A_446, %dot_general3A_448 : vector<512x128xf32>
    %logistic3A_450 = arith.negf %add3A_449 : vector<512x128xf32>
    %logistic3A_451 = math.exp %logistic3A_450 : vector<512x128xf32>
    %logistic3A_452 = arith.constant 1.000000e+00 : f32
    %logistic3A_453 = vector.broadcast %logistic3A_452 : f32 to vector<512x128xf32>
    %logistic3A_454 = arith.addf %logistic3A_453, %logistic3A_451 : vector<512x128xf32>
    %logistic3A_455 = arith.divf %logistic3A_453, %logistic3A_454 : vector<512x128xf32>
    %mul3A_456 = arith.mulf %add3A_449, %logistic3A_455 : vector<512x128xf32>
    %dot_general3A_457 = arith.constant dense<0.000000e+00> : vector<512x128xf32>
    %dot_general3A_458 = tpu.matmul %mul3A_456, %get3A_15, %dot_general3A_457 {dimension_numbers = #tpu.dot_dimension_numbers<[1], [0], [0], [1], [0, 0, 1, 1], [], []>, transpose_lhs_hint = false} : vector<512x128xf32>, vector<128x128xf32>, vector<512x128xf32> -> vector<512x128xf32>
    %add3A_459 = vector.broadcast %get3A_18 : vector<1x128xf32> to vector<512x128xf32>
    %add3A_460 = arith.addf %dot_general3A_458, %add3A_459 : vector<512x128xf32>
    %logistic3A_461 = arith.negf %add3A_460 : vector<512x128xf32>
    %logistic3A_462 = math.exp %logistic3A_461 : vector<512x128xf32>
    %logistic3A_463 = arith.constant 1.000000e+00 : f32
    %logistic3A_464 = vector.broadcast %logistic3A_463 : f32 to vector<512x128xf32>
    %logistic3A_465 = arith.addf %logistic3A_464, %logistic3A_462 : vector<512x128xf32>
    %logistic3A_466 = arith.divf %logistic3A_464, %logistic3A_465 : vector<512x128xf32>
    %mul3A_467 = arith.mulf %add3A_460, %logistic3A_466 : vector<512x128xf32>
    %lt3A_468 = arith.constant 5.000000e+00 : f32
    %lt3A_469 = vector.broadcast %lt3A_468 : f32 to vector<512x1xf32>
    %lt3A_470 = arith.cmpf olt, %get3A_429, %lt3A_469 : vector<512x1xf32>
    %jit3A_471 = arith.constant 0.000000e+00 : f32
    %broadcast_in_dim3A_472 = vector.shape_cast %lt3A_470 : vector<512x1xi1> to vector<512x1xi1>
    %broadcast_in_dim3A_473 = vector.broadcast %broadcast_in_dim3A_472 : vector<512x1xi1> to vector<512x128xi1>
    %broadcast_in_dim3A_474 = vector.broadcast %jit3A_471 : f32 to vector<512x128xf32>
    %select_n3A_475 = arith.select %broadcast_in_dim3A_473, %mul3A_467, %broadcast_in_dim3A_474 : vector<512x128xi1>, vector<512x128xf32>
    %add3A_476 = arith.addf %add3A_424, %select_n3A_475 : vector<512x128xf32>
    %get3A_477 = arith.constant 0 : index
    %get3A_478 = arith.constant 0 : index
    %get3A_479 = arith.constant 9 : index
    %get3A_480 = vector.load %arg3[%get3A_477, %get3A_478, %get3A_479] : memref<1x512x16xf32, #tpu.memory_space<vmem>>, vector<1x512x1xf32>
    %get3A_481 = vector.shape_cast %get3A_480 : vector<1x512x1xf32> to vector<512x1xf32>
    %neg3A_482 = arith.constant 0.000000e+00 : f32
    %neg3A_483 = vector.broadcast %neg3A_482 : f32 to vector<1x20xf32>
    %neg3A_484 = arith.subf %neg3A_483, %get3A_9 : vector<1x20xf32>
    %sub3A_485 = vector.broadcast %get3A_481 : vector<512x1xf32> to vector<512x20xf32>
    %sub3A_486 = vector.broadcast %get3A_6 : vector<1x20xf32> to vector<512x20xf32>
    %sub3A_487 = arith.subf %sub3A_485, %sub3A_486 : vector<512x20xf32>
    %integer_pow3A_488 = arith.mulf %sub3A_487, %sub3A_487 : vector<512x20xf32>
    %mul3A_489 = vector.broadcast %neg3A_484 : vector<1x20xf32> to vector<512x20xf32>
    %mul3A_490 = arith.mulf %mul3A_489, %integer_pow3A_488 : vector<512x20xf32>
    %exp3A_491 = math.exp %mul3A_490 : vector<512x20xf32>
    %get3A_492 = arith.constant 0 : index
    %get3A_493 = arith.constant 9 : index
    %get3A_494 = arith.constant 0 : index
    %get3A_495 = arith.constant 0 : index
    %get3A_496 = vector.load %arg2[%get3A_492, %get3A_493, %get3A_494, %get3A_495] : memref<1x16x512x128xf32, #tpu.memory_space<vmem>>, vector<1x1x512x128xf32>
    %get3A_497 = vector.shape_cast %get3A_496 : vector<1x1x512x128xf32> to vector<512x128xf32>
    %add3A_498 = arith.addf %get3A_3, %get3A_497 : vector<512x128xf32>
    %dot_general3A_499 = arith.constant dense<0.000000e+00> : vector<512x128xf32>
    %dot_general3A_500 = tpu.matmul %exp3A_491, %get3A_12, %dot_general3A_499 {dimension_numbers = #tpu.dot_dimension_numbers<[1], [0], [0], [1], [0, 0, 1, 1], [], []>, transpose_lhs_hint = false} : vector<512x20xf32>, vector<20x128xf32>, vector<512x128xf32> -> vector<512x128xf32>
    %add3A_501 = arith.addf %add3A_498, %dot_general3A_500 : vector<512x128xf32>
    %logistic3A_502 = arith.negf %add3A_501 : vector<512x128xf32>
    %logistic3A_503 = math.exp %logistic3A_502 : vector<512x128xf32>
    %logistic3A_504 = arith.constant 1.000000e+00 : f32
    %logistic3A_505 = vector.broadcast %logistic3A_504 : f32 to vector<512x128xf32>
    %logistic3A_506 = arith.addf %logistic3A_505, %logistic3A_503 : vector<512x128xf32>
    %logistic3A_507 = arith.divf %logistic3A_505, %logistic3A_506 : vector<512x128xf32>
    %mul3A_508 = arith.mulf %add3A_501, %logistic3A_507 : vector<512x128xf32>
    %dot_general3A_509 = arith.constant dense<0.000000e+00> : vector<512x128xf32>
    %dot_general3A_510 = tpu.matmul %mul3A_508, %get3A_15, %dot_general3A_509 {dimension_numbers = #tpu.dot_dimension_numbers<[1], [0], [0], [1], [0, 0, 1, 1], [], []>, transpose_lhs_hint = false} : vector<512x128xf32>, vector<128x128xf32>, vector<512x128xf32> -> vector<512x128xf32>
    %add3A_511 = vector.broadcast %get3A_18 : vector<1x128xf32> to vector<512x128xf32>
    %add3A_512 = arith.addf %dot_general3A_510, %add3A_511 : vector<512x128xf32>
    %logistic3A_513 = arith.negf %add3A_512 : vector<512x128xf32>
    %logistic3A_514 = math.exp %logistic3A_513 : vector<512x128xf32>
    %logistic3A_515 = arith.constant 1.000000e+00 : f32
    %logistic3A_516 = vector.broadcast %logistic3A_515 : f32 to vector<512x128xf32>
    %logistic3A_517 = arith.addf %logistic3A_516, %logistic3A_514 : vector<512x128xf32>
    %logistic3A_518 = arith.divf %logistic3A_516, %logistic3A_517 : vector<512x128xf32>
    %mul3A_519 = arith.mulf %add3A_512, %logistic3A_518 : vector<512x128xf32>
    %lt3A_520 = arith.constant 5.000000e+00 : f32
    %lt3A_521 = vector.broadcast %lt3A_520 : f32 to vector<512x1xf32>
    %lt3A_522 = arith.cmpf olt, %get3A_481, %lt3A_521 : vector<512x1xf32>
    %jit3A_523 = arith.constant 0.000000e+00 : f32
    %broadcast_in_dim3A_524 = vector.shape_cast %lt3A_522 : vector<512x1xi1> to vector<512x1xi1>
    %broadcast_in_dim3A_525 = vector.broadcast %broadcast_in_dim3A_524 : vector<512x1xi1> to vector<512x128xi1>
    %broadcast_in_dim3A_526 = vector.broadcast %jit3A_523 : f32 to vector<512x128xf32>
    %select_n3A_527 = arith.select %broadcast_in_dim3A_525, %mul3A_519, %broadcast_in_dim3A_526 : vector<512x128xi1>, vector<512x128xf32>
    %add3A_528 = arith.addf %add3A_476, %select_n3A_527 : vector<512x128xf32>
    %get3A_529 = arith.constant 0 : index
    %get3A_530 = arith.constant 0 : index
    %get3A_531 = arith.constant 10 : index
    %get3A_532 = vector.load %arg3[%get3A_529, %get3A_530, %get3A_531] : memref<1x512x16xf32, #tpu.memory_space<vmem>>, vector<1x512x1xf32>
    %get3A_533 = vector.shape_cast %get3A_532 : vector<1x512x1xf32> to vector<512x1xf32>
    %neg3A_534 = arith.constant 0.000000e+00 : f32
    %neg3A_535 = vector.broadcast %neg3A_534 : f32 to vector<1x20xf32>
    %neg3A_536 = arith.subf %neg3A_535, %get3A_9 : vector<1x20xf32>
    %sub3A_537 = vector.broadcast %get3A_533 : vector<512x1xf32> to vector<512x20xf32>
    %sub3A_538 = vector.broadcast %get3A_6 : vector<1x20xf32> to vector<512x20xf32>
    %sub3A_539 = arith.subf %sub3A_537, %sub3A_538 : vector<512x20xf32>
    %integer_pow3A_540 = arith.mulf %sub3A_539, %sub3A_539 : vector<512x20xf32>
    %mul3A_541 = vector.broadcast %neg3A_536 : vector<1x20xf32> to vector<512x20xf32>
    %mul3A_542 = arith.mulf %mul3A_541, %integer_pow3A_540 : vector<512x20xf32>
    %exp3A_543 = math.exp %mul3A_542 : vector<512x20xf32>
    %get3A_544 = arith.constant 0 : index
    %get3A_545 = arith.constant 10 : index
    %get3A_546 = arith.constant 0 : index
    %get3A_547 = arith.constant 0 : index
    %get3A_548 = vector.load %arg2[%get3A_544, %get3A_545, %get3A_546, %get3A_547] : memref<1x16x512x128xf32, #tpu.memory_space<vmem>>, vector<1x1x512x128xf32>
    %get3A_549 = vector.shape_cast %get3A_548 : vector<1x1x512x128xf32> to vector<512x128xf32>
    %add3A_550 = arith.addf %get3A_3, %get3A_549 : vector<512x128xf32>
    %dot_general3A_551 = arith.constant dense<0.000000e+00> : vector<512x128xf32>
    %dot_general3A_552 = tpu.matmul %exp3A_543, %get3A_12, %dot_general3A_551 {dimension_numbers = #tpu.dot_dimension_numbers<[1], [0], [0], [1], [0, 0, 1, 1], [], []>, transpose_lhs_hint = false} : vector<512x20xf32>, vector<20x128xf32>, vector<512x128xf32> -> vector<512x128xf32>
    %add3A_553 = arith.addf %add3A_550, %dot_general3A_552 : vector<512x128xf32>
    %logistic3A_554 = arith.negf %add3A_553 : vector<512x128xf32>
    %logistic3A_555 = math.exp %logistic3A_554 : vector<512x128xf32>
    %logistic3A_556 = arith.constant 1.000000e+00 : f32
    %logistic3A_557 = vector.broadcast %logistic3A_556 : f32 to vector<512x128xf32>
    %logistic3A_558 = arith.addf %logistic3A_557, %logistic3A_555 : vector<512x128xf32>
    %logistic3A_559 = arith.divf %logistic3A_557, %logistic3A_558 : vector<512x128xf32>
    %mul3A_560 = arith.mulf %add3A_553, %logistic3A_559 : vector<512x128xf32>
    %dot_general3A_561 = arith.constant dense<0.000000e+00> : vector<512x128xf32>
    %dot_general3A_562 = tpu.matmul %mul3A_560, %get3A_15, %dot_general3A_561 {dimension_numbers = #tpu.dot_dimension_numbers<[1], [0], [0], [1], [0, 0, 1, 1], [], []>, transpose_lhs_hint = false} : vector<512x128xf32>, vector<128x128xf32>, vector<512x128xf32> -> vector<512x128xf32>
    %add3A_563 = vector.broadcast %get3A_18 : vector<1x128xf32> to vector<512x128xf32>
    %add3A_564 = arith.addf %dot_general3A_562, %add3A_563 : vector<512x128xf32>
    %logistic3A_565 = arith.negf %add3A_564 : vector<512x128xf32>
    %logistic3A_566 = math.exp %logistic3A_565 : vector<512x128xf32>
    %logistic3A_567 = arith.constant 1.000000e+00 : f32
    %logistic3A_568 = vector.broadcast %logistic3A_567 : f32 to vector<512x128xf32>
    %logistic3A_569 = arith.addf %logistic3A_568, %logistic3A_566 : vector<512x128xf32>
    %logistic3A_570 = arith.divf %logistic3A_568, %logistic3A_569 : vector<512x128xf32>
    %mul3A_571 = arith.mulf %add3A_564, %logistic3A_570 : vector<512x128xf32>
    %lt3A_572 = arith.constant 5.000000e+00 : f32
    %lt3A_573 = vector.broadcast %lt3A_572 : f32 to vector<512x1xf32>
    %lt3A_574 = arith.cmpf olt, %get3A_533, %lt3A_573 : vector<512x1xf32>
    %jit3A_575 = arith.constant 0.000000e+00 : f32
    %broadcast_in_dim3A_576 = vector.shape_cast %lt3A_574 : vector<512x1xi1> to vector<512x1xi1>
    %broadcast_in_dim3A_577 = vector.broadcast %broadcast_in_dim3A_576 : vector<512x1xi1> to vector<512x128xi1>
    %broadcast_in_dim3A_578 = vector.broadcast %jit3A_575 : f32 to vector<512x128xf32>
    %select_n3A_579 = arith.select %broadcast_in_dim3A_577, %mul3A_571, %broadcast_in_dim3A_578 : vector<512x128xi1>, vector<512x128xf32>
    %add3A_580 = arith.addf %add3A_528, %select_n3A_579 : vector<512x128xf32>
    %get3A_581 = arith.constant 0 : index
    %get3A_582 = arith.constant 0 : index
    %get3A_583 = arith.constant 11 : index
    %get3A_584 = vector.load %arg3[%get3A_581, %get3A_582, %get3A_583] : memref<1x512x16xf32, #tpu.memory_space<vmem>>, vector<1x512x1xf32>
    %get3A_585 = vector.shape_cast %get3A_584 : vector<1x512x1xf32> to vector<512x1xf32>
    %neg3A_586 = arith.constant 0.000000e+00 : f32
    %neg3A_587 = vector.broadcast %neg3A_586 : f32 to vector<1x20xf32>
    %neg3A_588 = arith.subf %neg3A_587, %get3A_9 : vector<1x20xf32>
    %sub3A_589 = vector.broadcast %get3A_585 : vector<512x1xf32> to vector<512x20xf32>
    %sub3A_590 = vector.broadcast %get3A_6 : vector<1x20xf32> to vector<512x20xf32>
    %sub3A_591 = arith.subf %sub3A_589, %sub3A_590 : vector<512x20xf32>
    %integer_pow3A_592 = arith.mulf %sub3A_591, %sub3A_591 : vector<512x20xf32>
    %mul3A_593 = vector.broadcast %neg3A_588 : vector<1x20xf32> to vector<512x20xf32>
    %mul3A_594 = arith.mulf %mul3A_593, %integer_pow3A_592 : vector<512x20xf32>
    %exp3A_595 = math.exp %mul3A_594 : vector<512x20xf32>
    %get3A_596 = arith.constant 0 : index
    %get3A_597 = arith.constant 11 : index
    %get3A_598 = arith.constant 0 : index
    %get3A_599 = arith.constant 0 : index
    %get3A_600 = vector.load %arg2[%get3A_596, %get3A_597, %get3A_598, %get3A_599] : memref<1x16x512x128xf32, #tpu.memory_space<vmem>>, vector<1x1x512x128xf32>
    %get3A_601 = vector.shape_cast %get3A_600 : vector<1x1x512x128xf32> to vector<512x128xf32>
    %add3A_602 = arith.addf %get3A_3, %get3A_601 : vector<512x128xf32>
    %dot_general3A_603 = arith.constant dense<0.000000e+00> : vector<512x128xf32>
    %dot_general3A_604 = tpu.matmul %exp3A_595, %get3A_12, %dot_general3A_603 {dimension_numbers = #tpu.dot_dimension_numbers<[1], [0], [0], [1], [0, 0, 1, 1], [], []>, transpose_lhs_hint = false} : vector<512x20xf32>, vector<20x128xf32>, vector<512x128xf32> -> vector<512x128xf32>
    %add3A_605 = arith.addf %add3A_602, %dot_general3A_604 : vector<512x128xf32>
    %logistic3A_606 = arith.negf %add3A_605 : vector<512x128xf32>
    %logistic3A_607 = math.exp %logistic3A_606 : vector<512x128xf32>
    %logistic3A_608 = arith.constant 1.000000e+00 : f32
    %logistic3A_609 = vector.broadcast %logistic3A_608 : f32 to vector<512x128xf32>
    %logistic3A_610 = arith.addf %logistic3A_609, %logistic3A_607 : vector<512x128xf32>
    %logistic3A_611 = arith.divf %logistic3A_609, %logistic3A_610 : vector<512x128xf32>
    %mul3A_612 = arith.mulf %add3A_605, %logistic3A_611 : vector<512x128xf32>
    %dot_general3A_613 = arith.constant dense<0.000000e+00> : vector<512x128xf32>
    %dot_general3A_614 = tpu.matmul %mul3A_612, %get3A_15, %dot_general3A_613 {dimension_numbers = #tpu.dot_dimension_numbers<[1], [0], [0], [1], [0, 0, 1, 1], [], []>, transpose_lhs_hint = false} : vector<512x128xf32>, vector<128x128xf32>, vector<512x128xf32> -> vector<512x128xf32>
    %add3A_615 = vector.broadcast %get3A_18 : vector<1x128xf32> to vector<512x128xf32>
    %add3A_616 = arith.addf %dot_general3A_614, %add3A_615 : vector<512x128xf32>
    %logistic3A_617 = arith.negf %add3A_616 : vector<512x128xf32>
    %logistic3A_618 = math.exp %logistic3A_617 : vector<512x128xf32>
    %logistic3A_619 = arith.constant 1.000000e+00 : f32
    %logistic3A_620 = vector.broadcast %logistic3A_619 : f32 to vector<512x128xf32>
    %logistic3A_621 = arith.addf %logistic3A_620, %logistic3A_618 : vector<512x128xf32>
    %logistic3A_622 = arith.divf %logistic3A_620, %logistic3A_621 : vector<512x128xf32>
    %mul3A_623 = arith.mulf %add3A_616, %logistic3A_622 : vector<512x128xf32>
    %lt3A_624 = arith.constant 5.000000e+00 : f32
    %lt3A_625 = vector.broadcast %lt3A_624 : f32 to vector<512x1xf32>
    %lt3A_626 = arith.cmpf olt, %get3A_585, %lt3A_625 : vector<512x1xf32>
    %jit3A_627 = arith.constant 0.000000e+00 : f32
    %broadcast_in_dim3A_628 = vector.shape_cast %lt3A_626 : vector<512x1xi1> to vector<512x1xi1>
    %broadcast_in_dim3A_629 = vector.broadcast %broadcast_in_dim3A_628 : vector<512x1xi1> to vector<512x128xi1>
    %broadcast_in_dim3A_630 = vector.broadcast %jit3A_627 : f32 to vector<512x128xf32>
    %select_n3A_631 = arith.select %broadcast_in_dim3A_629, %mul3A_623, %broadcast_in_dim3A_630 : vector<512x128xi1>, vector<512x128xf32>
    %add3A_632 = arith.addf %add3A_580, %select_n3A_631 : vector<512x128xf32>
    %get3A_633 = arith.constant 0 : index
    %get3A_634 = arith.constant 0 : index
    %get3A_635 = arith.constant 12 : index
    %get3A_636 = vector.load %arg3[%get3A_633, %get3A_634, %get3A_635] : memref<1x512x16xf32, #tpu.memory_space<vmem>>, vector<1x512x1xf32>
    %get3A_637 = vector.shape_cast %get3A_636 : vector<1x512x1xf32> to vector<512x1xf32>
    %neg3A_638 = arith.constant 0.000000e+00 : f32
    %neg3A_639 = vector.broadcast %neg3A_638 : f32 to vector<1x20xf32>
    %neg3A_640 = arith.subf %neg3A_639, %get3A_9 : vector<1x20xf32>
    %sub3A_641 = vector.broadcast %get3A_637 : vector<512x1xf32> to vector<512x20xf32>
    %sub3A_642 = vector.broadcast %get3A_6 : vector<1x20xf32> to vector<512x20xf32>
    %sub3A_643 = arith.subf %sub3A_641, %sub3A_642 : vector<512x20xf32>
    %integer_pow3A_644 = arith.mulf %sub3A_643, %sub3A_643 : vector<512x20xf32>
    %mul3A_645 = vector.broadcast %neg3A_640 : vector<1x20xf32> to vector<512x20xf32>
    %mul3A_646 = arith.mulf %mul3A_645, %integer_pow3A_644 : vector<512x20xf32>
    %exp3A_647 = math.exp %mul3A_646 : vector<512x20xf32>
    %get3A_648 = arith.constant 0 : index
    %get3A_649 = arith.constant 12 : index
    %get3A_650 = arith.constant 0 : index
    %get3A_651 = arith.constant 0 : index
    %get3A_652 = vector.load %arg2[%get3A_648, %get3A_649, %get3A_650, %get3A_651] : memref<1x16x512x128xf32, #tpu.memory_space<vmem>>, vector<1x1x512x128xf32>
    %get3A_653 = vector.shape_cast %get3A_652 : vector<1x1x512x128xf32> to vector<512x128xf32>
    %add3A_654 = arith.addf %get3A_3, %get3A_653 : vector<512x128xf32>
    %dot_general3A_655 = arith.constant dense<0.000000e+00> : vector<512x128xf32>
    %dot_general3A_656 = tpu.matmul %exp3A_647, %get3A_12, %dot_general3A_655 {dimension_numbers = #tpu.dot_dimension_numbers<[1], [0], [0], [1], [0, 0, 1, 1], [], []>, transpose_lhs_hint = false} : vector<512x20xf32>, vector<20x128xf32>, vector<512x128xf32> -> vector<512x128xf32>
    %add3A_657 = arith.addf %add3A_654, %dot_general3A_656 : vector<512x128xf32>
    %logistic3A_658 = arith.negf %add3A_657 : vector<512x128xf32>
    %logistic3A_659 = math.exp %logistic3A_658 : vector<512x128xf32>
    %logistic3A_660 = arith.constant 1.000000e+00 : f32
    %logistic3A_661 = vector.broadcast %logistic3A_660 : f32 to vector<512x128xf32>
    %logistic3A_662 = arith.addf %logistic3A_661, %logistic3A_659 : vector<512x128xf32>
    %logistic3A_663 = arith.divf %logistic3A_661, %logistic3A_662 : vector<512x128xf32>
    %mul3A_664 = arith.mulf %add3A_657, %logistic3A_663 : vector<512x128xf32>
    %dot_general3A_665 = arith.constant dense<0.000000e+00> : vector<512x128xf32>
    %dot_general3A_666 = tpu.matmul %mul3A_664, %get3A_15, %dot_general3A_665 {dimension_numbers = #tpu.dot_dimension_numbers<[1], [0], [0], [1], [0, 0, 1, 1], [], []>, transpose_lhs_hint = false} : vector<512x128xf32>, vector<128x128xf32>, vector<512x128xf32> -> vector<512x128xf32>
    %add3A_667 = vector.broadcast %get3A_18 : vector<1x128xf32> to vector<512x128xf32>
    %add3A_668 = arith.addf %dot_general3A_666, %add3A_667 : vector<512x128xf32>
    %logistic3A_669 = arith.negf %add3A_668 : vector<512x128xf32>
    %logistic3A_670 = math.exp %logistic3A_669 : vector<512x128xf32>
    %logistic3A_671 = arith.constant 1.000000e+00 : f32
    %logistic3A_672 = vector.broadcast %logistic3A_671 : f32 to vector<512x128xf32>
    %logistic3A_673 = arith.addf %logistic3A_672, %logistic3A_670 : vector<512x128xf32>
    %logistic3A_674 = arith.divf %logistic3A_672, %logistic3A_673 : vector<512x128xf32>
    %mul3A_675 = arith.mulf %add3A_668, %logistic3A_674 : vector<512x128xf32>
    %lt3A_676 = arith.constant 5.000000e+00 : f32
    %lt3A_677 = vector.broadcast %lt3A_676 : f32 to vector<512x1xf32>
    %lt3A_678 = arith.cmpf olt, %get3A_637, %lt3A_677 : vector<512x1xf32>
    %jit3A_679 = arith.constant 0.000000e+00 : f32
    %broadcast_in_dim3A_680 = vector.shape_cast %lt3A_678 : vector<512x1xi1> to vector<512x1xi1>
    %broadcast_in_dim3A_681 = vector.broadcast %broadcast_in_dim3A_680 : vector<512x1xi1> to vector<512x128xi1>
    %broadcast_in_dim3A_682 = vector.broadcast %jit3A_679 : f32 to vector<512x128xf32>
    %select_n3A_683 = arith.select %broadcast_in_dim3A_681, %mul3A_675, %broadcast_in_dim3A_682 : vector<512x128xi1>, vector<512x128xf32>
    %add3A_684 = arith.addf %add3A_632, %select_n3A_683 : vector<512x128xf32>
    %get3A_685 = arith.constant 0 : index
    %get3A_686 = arith.constant 0 : index
    %get3A_687 = arith.constant 13 : index
    %get3A_688 = vector.load %arg3[%get3A_685, %get3A_686, %get3A_687] : memref<1x512x16xf32, #tpu.memory_space<vmem>>, vector<1x512x1xf32>
    %get3A_689 = vector.shape_cast %get3A_688 : vector<1x512x1xf32> to vector<512x1xf32>
    %neg3A_690 = arith.constant 0.000000e+00 : f32
    %neg3A_691 = vector.broadcast %neg3A_690 : f32 to vector<1x20xf32>
    %neg3A_692 = arith.subf %neg3A_691, %get3A_9 : vector<1x20xf32>
    %sub3A_693 = vector.broadcast %get3A_689 : vector<512x1xf32> to vector<512x20xf32>
    %sub3A_694 = vector.broadcast %get3A_6 : vector<1x20xf32> to vector<512x20xf32>
    %sub3A_695 = arith.subf %sub3A_693, %sub3A_694 : vector<512x20xf32>
    %integer_pow3A_696 = arith.mulf %sub3A_695, %sub3A_695 : vector<512x20xf32>
    %mul3A_697 = vector.broadcast %neg3A_692 : vector<1x20xf32> to vector<512x20xf32>
    %mul3A_698 = arith.mulf %mul3A_697, %integer_pow3A_696 : vector<512x20xf32>
    %exp3A_699 = math.exp %mul3A_698 : vector<512x20xf32>
    %get3A_700 = arith.constant 0 : index
    %get3A_701 = arith.constant 13 : index
    %get3A_702 = arith.constant 0 : index
    %get3A_703 = arith.constant 0 : index
    %get3A_704 = vector.load %arg2[%get3A_700, %get3A_701, %get3A_702, %get3A_703] : memref<1x16x512x128xf32, #tpu.memory_space<vmem>>, vector<1x1x512x128xf32>
    %get3A_705 = vector.shape_cast %get3A_704 : vector<1x1x512x128xf32> to vector<512x128xf32>
    %add3A_706 = arith.addf %get3A_3, %get3A_705 : vector<512x128xf32>
    %dot_general3A_707 = arith.constant dense<0.000000e+00> : vector<512x128xf32>
    %dot_general3A_708 = tpu.matmul %exp3A_699, %get3A_12, %dot_general3A_707 {dimension_numbers = #tpu.dot_dimension_numbers<[1], [0], [0], [1], [0, 0, 1, 1], [], []>, transpose_lhs_hint = false} : vector<512x20xf32>, vector<20x128xf32>, vector<512x128xf32> -> vector<512x128xf32>
    %add3A_709 = arith.addf %add3A_706, %dot_general3A_708 : vector<512x128xf32>
    %logistic3A_710 = arith.negf %add3A_709 : vector<512x128xf32>
    %logistic3A_711 = math.exp %logistic3A_710 : vector<512x128xf32>
    %logistic3A_712 = arith.constant 1.000000e+00 : f32
    %logistic3A_713 = vector.broadcast %logistic3A_712 : f32 to vector<512x128xf32>
    %logistic3A_714 = arith.addf %logistic3A_713, %logistic3A_711 : vector<512x128xf32>
    %logistic3A_715 = arith.divf %logistic3A_713, %logistic3A_714 : vector<512x128xf32>
    %mul3A_716 = arith.mulf %add3A_709, %logistic3A_715 : vector<512x128xf32>
    %dot_general3A_717 = arith.constant dense<0.000000e+00> : vector<512x128xf32>
    %dot_general3A_718 = tpu.matmul %mul3A_716, %get3A_15, %dot_general3A_717 {dimension_numbers = #tpu.dot_dimension_numbers<[1], [0], [0], [1], [0, 0, 1, 1], [], []>, transpose_lhs_hint = false} : vector<512x128xf32>, vector<128x128xf32>, vector<512x128xf32> -> vector<512x128xf32>
    %add3A_719 = vector.broadcast %get3A_18 : vector<1x128xf32> to vector<512x128xf32>
    %add3A_720 = arith.addf %dot_general3A_718, %add3A_719 : vector<512x128xf32>
    %logistic3A_721 = arith.negf %add3A_720 : vector<512x128xf32>
    %logistic3A_722 = math.exp %logistic3A_721 : vector<512x128xf32>
    %logistic3A_723 = arith.constant 1.000000e+00 : f32
    %logistic3A_724 = vector.broadcast %logistic3A_723 : f32 to vector<512x128xf32>
    %logistic3A_725 = arith.addf %logistic3A_724, %logistic3A_722 : vector<512x128xf32>
    %logistic3A_726 = arith.divf %logistic3A_724, %logistic3A_725 : vector<512x128xf32>
    %mul3A_727 = arith.mulf %add3A_720, %logistic3A_726 : vector<512x128xf32>
    %lt3A_728 = arith.constant 5.000000e+00 : f32
    %lt3A_729 = vector.broadcast %lt3A_728 : f32 to vector<512x1xf32>
    %lt3A_730 = arith.cmpf olt, %get3A_689, %lt3A_729 : vector<512x1xf32>
    %jit3A_731 = arith.constant 0.000000e+00 : f32
    %broadcast_in_dim3A_732 = vector.shape_cast %lt3A_730 : vector<512x1xi1> to vector<512x1xi1>
    %broadcast_in_dim3A_733 = vector.broadcast %broadcast_in_dim3A_732 : vector<512x1xi1> to vector<512x128xi1>
    %broadcast_in_dim3A_734 = vector.broadcast %jit3A_731 : f32 to vector<512x128xf32>
    %select_n3A_735 = arith.select %broadcast_in_dim3A_733, %mul3A_727, %broadcast_in_dim3A_734 : vector<512x128xi1>, vector<512x128xf32>
    %add3A_736 = arith.addf %add3A_684, %select_n3A_735 : vector<512x128xf32>
    %get3A_737 = arith.constant 0 : index
    %get3A_738 = arith.constant 0 : index
    %get3A_739 = arith.constant 14 : index
    %get3A_740 = vector.load %arg3[%get3A_737, %get3A_738, %get3A_739] : memref<1x512x16xf32, #tpu.memory_space<vmem>>, vector<1x512x1xf32>
    %get3A_741 = vector.shape_cast %get3A_740 : vector<1x512x1xf32> to vector<512x1xf32>
    %neg3A_742 = arith.constant 0.000000e+00 : f32
    %neg3A_743 = vector.broadcast %neg3A_742 : f32 to vector<1x20xf32>
    %neg3A_744 = arith.subf %neg3A_743, %get3A_9 : vector<1x20xf32>
    %sub3A_745 = vector.broadcast %get3A_741 : vector<512x1xf32> to vector<512x20xf32>
    %sub3A_746 = vector.broadcast %get3A_6 : vector<1x20xf32> to vector<512x20xf32>
    %sub3A_747 = arith.subf %sub3A_745, %sub3A_746 : vector<512x20xf32>
    %integer_pow3A_748 = arith.mulf %sub3A_747, %sub3A_747 : vector<512x20xf32>
    %mul3A_749 = vector.broadcast %neg3A_744 : vector<1x20xf32> to vector<512x20xf32>
    %mul3A_750 = arith.mulf %mul3A_749, %integer_pow3A_748 : vector<512x20xf32>
    %exp3A_751 = math.exp %mul3A_750 : vector<512x20xf32>
    %get3A_752 = arith.constant 0 : index
    %get3A_753 = arith.constant 14 : index
    %get3A_754 = arith.constant 0 : index
    %get3A_755 = arith.constant 0 : index
    %get3A_756 = vector.load %arg2[%get3A_752, %get3A_753, %get3A_754, %get3A_755] : memref<1x16x512x128xf32, #tpu.memory_space<vmem>>, vector<1x1x512x128xf32>
    %get3A_757 = vector.shape_cast %get3A_756 : vector<1x1x512x128xf32> to vector<512x128xf32>
    %add3A_758 = arith.addf %get3A_3, %get3A_757 : vector<512x128xf32>
    %dot_general3A_759 = arith.constant dense<0.000000e+00> : vector<512x128xf32>
    %dot_general3A_760 = tpu.matmul %exp3A_751, %get3A_12, %dot_general3A_759 {dimension_numbers = #tpu.dot_dimension_numbers<[1], [0], [0], [1], [0, 0, 1, 1], [], []>, transpose_lhs_hint = false} : vector<512x20xf32>, vector<20x128xf32>, vector<512x128xf32> -> vector<512x128xf32>
    %add3A_761 = arith.addf %add3A_758, %dot_general3A_760 : vector<512x128xf32>
    %logistic3A_762 = arith.negf %add3A_761 : vector<512x128xf32>
    %logistic3A_763 = math.exp %logistic3A_762 : vector<512x128xf32>
    %logistic3A_764 = arith.constant 1.000000e+00 : f32
    %logistic3A_765 = vector.broadcast %logistic3A_764 : f32 to vector<512x128xf32>
    %logistic3A_766 = arith.addf %logistic3A_765, %logistic3A_763 : vector<512x128xf32>
    %logistic3A_767 = arith.divf %logistic3A_765, %logistic3A_766 : vector<512x128xf32>
    %mul3A_768 = arith.mulf %add3A_761, %logistic3A_767 : vector<512x128xf32>
    %dot_general3A_769 = arith.constant dense<0.000000e+00> : vector<512x128xf32>
    %dot_general3A_770 = tpu.matmul %mul3A_768, %get3A_15, %dot_general3A_769 {dimension_numbers = #tpu.dot_dimension_numbers<[1], [0], [0], [1], [0, 0, 1, 1], [], []>, transpose_lhs_hint = false} : vector<512x128xf32>, vector<128x128xf32>, vector<512x128xf32> -> vector<512x128xf32>
    %add3A_771 = vector.broadcast %get3A_18 : vector<1x128xf32> to vector<512x128xf32>
    %add3A_772 = arith.addf %dot_general3A_770, %add3A_771 : vector<512x128xf32>
    %logistic3A_773 = arith.negf %add3A_772 : vector<512x128xf32>
    %logistic3A_774 = math.exp %logistic3A_773 : vector<512x128xf32>
    %logistic3A_775 = arith.constant 1.000000e+00 : f32
    %logistic3A_776 = vector.broadcast %logistic3A_775 : f32 to vector<512x128xf32>
    %logistic3A_777 = arith.addf %logistic3A_776, %logistic3A_774 : vector<512x128xf32>
    %logistic3A_778 = arith.divf %logistic3A_776, %logistic3A_777 : vector<512x128xf32>
    %mul3A_779 = arith.mulf %add3A_772, %logistic3A_778 : vector<512x128xf32>
    %lt3A_780 = arith.constant 5.000000e+00 : f32
    %lt3A_781 = vector.broadcast %lt3A_780 : f32 to vector<512x1xf32>
    %lt3A_782 = arith.cmpf olt, %get3A_741, %lt3A_781 : vector<512x1xf32>
    %jit3A_783 = arith.constant 0.000000e+00 : f32
    %broadcast_in_dim3A_784 = vector.shape_cast %lt3A_782 : vector<512x1xi1> to vector<512x1xi1>
    %broadcast_in_dim3A_785 = vector.broadcast %broadcast_in_dim3A_784 : vector<512x1xi1> to vector<512x128xi1>
    %broadcast_in_dim3A_786 = vector.broadcast %jit3A_783 : f32 to vector<512x128xf32>
    %select_n3A_787 = arith.select %broadcast_in_dim3A_785, %mul3A_779, %broadcast_in_dim3A_786 : vector<512x128xi1>, vector<512x128xf32>
    %add3A_788 = arith.addf %add3A_736, %select_n3A_787 : vector<512x128xf32>
    %get3A_789 = arith.constant 0 : index
    %get3A_790 = arith.constant 0 : index
    %get3A_791 = arith.constant 15 : index
    %get3A_792 = vector.load %arg3[%get3A_789, %get3A_790, %get3A_791] : memref<1x512x16xf32, #tpu.memory_space<vmem>>, vector<1x512x1xf32>
    %get3A_793 = vector.shape_cast %get3A_792 : vector<1x512x1xf32> to vector<512x1xf32>
    %neg3A_794 = arith.constant 0.000000e+00 : f32
    %neg3A_795 = vector.broadcast %neg3A_794 : f32 to vector<1x20xf32>
    %neg3A_796 = arith.subf %neg3A_795, %get3A_9 : vector<1x20xf32>
    %sub3A_797 = vector.broadcast %get3A_793 : vector<512x1xf32> to vector<512x20xf32>
    %sub3A_798 = vector.broadcast %get3A_6 : vector<1x20xf32> to vector<512x20xf32>
    %sub3A_799 = arith.subf %sub3A_797, %sub3A_798 : vector<512x20xf32>
    %integer_pow3A_800 = arith.mulf %sub3A_799, %sub3A_799 : vector<512x20xf32>
    %mul3A_801 = vector.broadcast %neg3A_796 : vector<1x20xf32> to vector<512x20xf32>
    %mul3A_802 = arith.mulf %mul3A_801, %integer_pow3A_800 : vector<512x20xf32>
    %exp3A_803 = math.exp %mul3A_802 : vector<512x20xf32>
    %get3A_804 = arith.constant 0 : index
    %get3A_805 = arith.constant 15 : index
    %get3A_806 = arith.constant 0 : index
    %get3A_807 = arith.constant 0 : index
    %get3A_808 = vector.load %arg2[%get3A_804, %get3A_805, %get3A_806, %get3A_807] : memref<1x16x512x128xf32, #tpu.memory_space<vmem>>, vector<1x1x512x128xf32>
    %get3A_809 = vector.shape_cast %get3A_808 : vector<1x1x512x128xf32> to vector<512x128xf32>
    %add3A_810 = arith.addf %get3A_3, %get3A_809 : vector<512x128xf32>
    %dot_general3A_811 = arith.constant dense<0.000000e+00> : vector<512x128xf32>
    %dot_general3A_812 = tpu.matmul %exp3A_803, %get3A_12, %dot_general3A_811 {dimension_numbers = #tpu.dot_dimension_numbers<[1], [0], [0], [1], [0, 0, 1, 1], [], []>, transpose_lhs_hint = false} : vector<512x20xf32>, vector<20x128xf32>, vector<512x128xf32> -> vector<512x128xf32>
    %add3A_813 = arith.addf %add3A_810, %dot_general3A_812 : vector<512x128xf32>
    %logistic3A_814 = arith.negf %add3A_813 : vector<512x128xf32>
    %logistic3A_815 = math.exp %logistic3A_814 : vector<512x128xf32>
    %logistic3A_816 = arith.constant 1.000000e+00 : f32
    %logistic3A_817 = vector.broadcast %logistic3A_816 : f32 to vector<512x128xf32>
    %logistic3A_818 = arith.addf %logistic3A_817, %logistic3A_815 : vector<512x128xf32>
    %logistic3A_819 = arith.divf %logistic3A_817, %logistic3A_818 : vector<512x128xf32>
    %mul3A_820 = arith.mulf %add3A_813, %logistic3A_819 : vector<512x128xf32>
    %dot_general3A_821 = arith.constant dense<0.000000e+00> : vector<512x128xf32>
    %dot_general3A_822 = tpu.matmul %mul3A_820, %get3A_15, %dot_general3A_821 {dimension_numbers = #tpu.dot_dimension_numbers<[1], [0], [0], [1], [0, 0, 1, 1], [], []>, transpose_lhs_hint = false} : vector<512x128xf32>, vector<128x128xf32>, vector<512x128xf32> -> vector<512x128xf32>
    %add3A_823 = vector.broadcast %get3A_18 : vector<1x128xf32> to vector<512x128xf32>
    %add3A_824 = arith.addf %dot_general3A_822, %add3A_823 : vector<512x128xf32>
    %logistic3A_825 = arith.negf %add3A_824 : vector<512x128xf32>
    %logistic3A_826 = math.exp %logistic3A_825 : vector<512x128xf32>
    %logistic3A_827 = arith.constant 1.000000e+00 : f32
    %logistic3A_828 = vector.broadcast %logistic3A_827 : f32 to vector<512x128xf32>
    %logistic3A_829 = arith.addf %logistic3A_828, %logistic3A_826 : vector<512x128xf32>
    %logistic3A_830 = arith.divf %logistic3A_828, %logistic3A_829 : vector<512x128xf32>
    %mul3A_831 = arith.mulf %add3A_824, %logistic3A_830 : vector<512x128xf32>
    %lt3A_832 = arith.constant 5.000000e+00 : f32
    %lt3A_833 = vector.broadcast %lt3A_832 : f32 to vector<512x1xf32>
    %lt3A_834 = arith.cmpf olt, %get3A_793, %lt3A_833 : vector<512x1xf32>
    %jit3A_835 = arith.constant 0.000000e+00 : f32
    %broadcast_in_dim3A_836 = vector.shape_cast %lt3A_834 : vector<512x1xi1> to vector<512x1xi1>
    %broadcast_in_dim3A_837 = vector.broadcast %broadcast_in_dim3A_836 : vector<512x1xi1> to vector<512x128xi1>
    %broadcast_in_dim3A_838 = vector.broadcast %jit3A_835 : f32 to vector<512x128xf32>
    %select_n3A_839 = arith.select %broadcast_in_dim3A_837, %mul3A_831, %broadcast_in_dim3A_838 : vector<512x128xi1>, vector<512x128xf32>
    %add3A_840 = arith.addf %add3A_788, %select_n3A_839 : vector<512x128xf32>
    %get3A_841 = arith.constant 0 : index
    %get3A_842 = arith.constant 0 : index
    %get3A_843 = arith.constant 0 : index
    %get3A_844 = vector.load %arg5[%get3A_841, %get3A_842, %get3A_843] : memref<1x512x128xf32, #tpu.memory_space<vmem>>, vector<1x512x128xf32>
    %get3A_845 = vector.shape_cast %get3A_844 : vector<1x512x128xf32> to vector<512x128xf32>
    %get3A_846 = arith.constant 0 : index
    %get3A_847 = arith.constant 0 : index
    %get3A_848 = vector.load %arg9[%get3A_846, %get3A_847] : memref<128x128xf32, #tpu.memory_space<vmem>>, vector<128x128xf32>
    %dot_general3A_849 = arith.constant dense<0.000000e+00> : vector<512x128xf32>
    %dot_general3A_850 = tpu.matmul %get3A_845, %get3A_848, %dot_general3A_849 {dimension_numbers = #tpu.dot_dimension_numbers<[1], [0], [0], [1], [0, 0, 1, 1], [], []>, transpose_lhs_hint = false} : vector<512x128xf32>, vector<128x128xf32>, vector<512x128xf32> -> vector<512x128xf32>
    %get3A_851 = arith.constant 0 : index
    %get3A_852 = arith.constant 0 : index
    %get3A_853 = vector.load %arg10[%get3A_851, %get3A_852] : memref<128x128xf32, #tpu.memory_space<vmem>>, vector<128x128xf32>
    %dot_general3A_854 = arith.constant dense<0.000000e+00> : vector<512x128xf32>
    %dot_general3A_855 = tpu.matmul %add3A_840, %get3A_853, %dot_general3A_854 {dimension_numbers = #tpu.dot_dimension_numbers<[1], [0], [0], [1], [0, 0, 1, 1], [], []>, transpose_lhs_hint = false} : vector<512x128xf32>, vector<128x128xf32>, vector<512x128xf32> -> vector<512x128xf32>
    %add3A_856 = arith.addf %dot_general3A_850, %dot_general3A_855 : vector<512x128xf32>
    %get3A_857 = arith.constant 0 : index
    %get3A_858 = arith.constant 0 : index
    %get3A_859 = vector.load %arg11[%get3A_857, %get3A_858] : memref<1x128xf32, #tpu.memory_space<vmem>>, vector<1x128xf32>
    %add3A_860 = vector.broadcast %get3A_859 : vector<1x128xf32> to vector<512x128xf32>
    %add3A_861 = arith.addf %add3A_856, %add3A_860 : vector<512x128xf32>
    %logistic3A_862 = arith.negf %add3A_861 : vector<512x128xf32>
    %logistic3A_863 = math.exp %logistic3A_862 : vector<512x128xf32>
    %logistic3A_864 = arith.constant 1.000000e+00 : f32
    %logistic3A_865 = vector.broadcast %logistic3A_864 : f32 to vector<512x128xf32>
    %logistic3A_866 = arith.addf %logistic3A_865, %logistic3A_863 : vector<512x128xf32>
    %logistic3A_867 = arith.divf %logistic3A_865, %logistic3A_866 : vector<512x128xf32>
    %mul3A_868 = arith.mulf %add3A_861, %logistic3A_867 : vector<512x128xf32>
    %get3A_869 = arith.constant 0 : index
    %get3A_870 = arith.constant 0 : index
    %get3A_871 = vector.load %arg12[%get3A_869, %get3A_870] : memref<128x128xf32, #tpu.memory_space<vmem>>, vector<128x128xf32>
    %dot_general3A_872 = arith.constant dense<0.000000e+00> : vector<512x128xf32>
    %dot_general3A_873 = tpu.matmul %mul3A_868, %get3A_871, %dot_general3A_872 {dimension_numbers = #tpu.dot_dimension_numbers<[1], [0], [0], [1], [0, 0, 1, 1], [], []>, transpose_lhs_hint = false} : vector<512x128xf32>, vector<128x128xf32>, vector<512x128xf32> -> vector<512x128xf32>
    %add3A_874 = arith.addf %get3A_845, %dot_general3A_873 : vector<512x128xf32>
    %get3A_875 = arith.constant 0 : index
    %get3A_876 = arith.constant 0 : index
    %get3A_877 = vector.load %arg13[%get3A_875, %get3A_876] : memref<1x128xf32, #tpu.memory_space<vmem>>, vector<1x128xf32>
    %add3A_878 = vector.broadcast %get3A_877 : vector<1x128xf32> to vector<512x128xf32>
    %add3A_879 = arith.addf %add3A_874, %add3A_878 : vector<512x128xf32>
    %reduce_sum3A = arith.constant dense<0.000000e+00> : vector<512xf32>
    %reduce_sum3A_880 = vector.multi_reduction <add>, %add3A_879, %reduce_sum3A [1] : vector<512x128xf32> to vector<512xf32>
    %broadcast_in_dim3A_881 = vector.shape_cast %reduce_sum3A_880 : vector<512xf32> to vector<512x1xf32>
    %div3A = arith.constant 1.280000e+02 : f32
    %div3A_882 = vector.broadcast %div3A : f32 to vector<512x1xf32>
    %div3A_883 = arith.divf %broadcast_in_dim3A_881, %div3A_882 : vector<512x1xf32>
    %sub3A_884 = vector.broadcast %div3A_883 : vector<512x1xf32> to vector<512x128xf32>
    %sub3A_885 = arith.subf %add3A_879, %sub3A_884 : vector<512x128xf32>
    %integer_pow3A_886 = arith.mulf %sub3A_885, %sub3A_885 : vector<512x128xf32>
    %reduce_sum3A_887 = arith.constant dense<0.000000e+00> : vector<512xf32>
    %reduce_sum3A_888 = vector.multi_reduction <add>, %integer_pow3A_886, %reduce_sum3A_887 [1] : vector<512x128xf32> to vector<512xf32>
    %broadcast_in_dim3A_889 = vector.shape_cast %reduce_sum3A_888 : vector<512xf32> to vector<512x1xf32>
    %div3A_890 = arith.constant 1.280000e+02 : f32
    %div3A_891 = vector.broadcast %div3A_890 : f32 to vector<512x1xf32>
    %div3A_892 = arith.divf %broadcast_in_dim3A_889, %div3A_891 : vector<512x1xf32>
    %sub3A_893 = vector.broadcast %div3A_883 : vector<512x1xf32> to vector<512x128xf32>
    %sub3A_894 = arith.subf %add3A_879, %sub3A_893 : vector<512x128xf32>
    %add3A_895 = arith.constant 9.99999974E-6 : f32
    %add3A_896 = vector.broadcast %add3A_895 : f32 to vector<512x1xf32>
    %add3A_897 = arith.addf %div3A_892, %add3A_896 : vector<512x1xf32>
    %sqrt3A = math.sqrt %add3A_897 : vector<512x1xf32>
    %div3A_898 = vector.broadcast %sqrt3A : vector<512x1xf32> to vector<512x128xf32>
    %div3A_899 = arith.divf %sub3A_894, %div3A_898 : vector<512x128xf32>
    %get3A_900 = arith.constant 0 : index
    %get3A_901 = arith.constant 0 : index
    %get3A_902 = vector.load %arg14[%get3A_900, %get3A_901] : memref<1x128xf32, #tpu.memory_space<vmem>>, vector<1x128xf32>
    %mul3A_903 = vector.broadcast %get3A_902 : vector<1x128xf32> to vector<512x128xf32>
    %mul3A_904 = arith.mulf %div3A_899, %mul3A_903 : vector<512x128xf32>
    %get3A_905 = arith.constant 0 : index
    %get3A_906 = arith.constant 0 : index
    %get3A_907 = vector.load %arg15[%get3A_905, %get3A_906] : memref<1x128xf32, #tpu.memory_space<vmem>>, vector<1x128xf32>
    %add3A_908 = vector.broadcast %get3A_907 : vector<1x128xf32> to vector<512x128xf32>
    %add3A_909 = arith.addf %mul3A_904, %add3A_908 : vector<512x128xf32>
    %swap3A = arith.constant 0 : index
    %swap3A_910 = arith.constant 0 : index
    %swap3A_911 = arith.constant 0 : index
    %swap3A_912 = vector.load %arg18[%swap3A, %swap3A_910, %swap3A_911] : memref<1x512x128xf32, #tpu.memory_space<vmem>>, vector<1x512x128xf32>
    %swap3A_913 = vector.shape_cast %swap3A_912 : vector<1x512x128xf32> to vector<512x128xf32>
    %swap3A_914 = vector.shape_cast %add3A_909 : vector<512x128xf32> to vector<1x512x128xf32>
    tpu.vector_store %arg18[%swap3A, %swap3A_910, %swap3A_911], %swap3A_914 {strides = array<i32>} : memref<1x512x128xf32, #tpu.memory_space<vmem>>, vector<1x512x128xf32>,
    return
  }
  func.func @transform_0(%arg0: i32, %arg1: i32) -> (i32, i32, i32, i32) {
    %c0_i32 = arith.constant 0 : i32
    %c0_i32_0 = arith.constant 0 : i32
    %c0_i32_1 = arith.constant 0 : i32
    return %arg0, %c0_i32, %arg1, %c0_i32_0 : i32, i32, i32, i32
  }
  func.func @transform_1(%arg0: i32, %arg1: i32) -> (i32, i32, i32) {
    %c0_i32 = arith.constant 0 : i32
    %c0_i32_0 = arith.constant 0 : i32
    return %arg0, %arg1, %c0_i32 : i32, i32, i32
  }
  func.func @transform_2(%arg0: i32, %arg1: i32) -> (i32, i32, i32) {
    %add3A = arith.constant 0 : i32
    %add3A_0 = arith.addi %arg1, %add3A : i32
    %c0_i32 = arith.constant 0 : i32
    %c0_i32_1 = arith.constant 0 : i32
    return %arg0, %add3A_0, %c0_i32 : i32, i32, i32
  }
  func.func @transform_3(%arg0: i32, %arg1: i32) -> (i32, i32, i32) {
    %add3A = arith.constant 0 : i32
    %add3A_0 = arith.addi %arg1, %add3A : i32
    %c0_i32 = arith.constant 0 : i32
    %c0_i32_1 = arith.constant 0 : i32
    return %arg0, %add3A_0, %c0_i32 : i32, i32, i32
  }
  func.func @transform_4(%arg0: i32, %arg1: i32) -> (i32, i32) {
    %c0_i32 = arith.constant 0 : i32
    %c0_i32_0 = arith.constant 0 : i32
    %c0_i32_1 = arith.constant 0 : i32
    return %c0_i32, %c0_i32_0 : i32, i32
  }
  func.func @transform_5(%arg0: i32, %arg1: i32) -> (i32, i32) {
    %c0_i32 = arith.constant 0 : i32
    %c0_i32_0 = arith.constant 0 : i32
    %c0_i32_1 = arith.constant 0 : i32
    return %c0_i32, %c0_i32_0 : i32, i32
  }
  func.func @transform_6(%arg0: i32, %arg1: i32) -> (i32, i32) {
    %c0_i32 = arith.constant 0 : i32
    %c0_i32_0 = arith.constant 0 : i32
    %c0_i32_1 = arith.constant 0 : i32
    return %c0_i32, %c0_i32_0 : i32, i32
  }
  func.func @transform_7(%arg0: i32, %arg1: i32) -> (i32, i32) {
    %c0_i32 = arith.constant 0 : i32
    %c0_i32_0 = arith.constant 0 : i32
    %c0_i32_1 = arith.constant 0 : i32
    return %c0_i32, %c0_i32_0 : i32, i32
  }
  func.func @transform_8(%arg0: i32, %arg1: i32) -> (i32, i32) {
    %c0_i32 = arith.constant 0 : i32
    %c0_i32_0 = arith.constant 0 : i32
    %c0_i32_1 = arith.constant 0 : i32
    return %c0_i32, %c0_i32_0 : i32, i32
  }
  func.func @transform_9(%arg0: i32, %arg1: i32) -> (i32, i32) {
    %c0_i32 = arith.constant 0 : i32
    %c0_i32_0 = arith.constant 0 : i32
    %c0_i32_1 = arith.constant 0 : i32
    return %c0_i32, %c0_i32_0 : i32, i32
  }
  func.func @transform_10(%arg0: i32, %arg1: i32) -> (i32, i32) {
    %c0_i32 = arith.constant 0 : i32
    %c0_i32_0 = arith.constant 0 : i32
    %c0_i32_1 = arith.constant 0 : i32
    return %c0_i32, %c0_i32_0 : i32, i32
  }
  func.func @transform_11(%arg0: i32, %arg1: i32) -> (i32, i32) {
    %c0_i32 = arith.constant 0 : i32
    %c0_i32_0 = arith.constant 0 : i32
    %c0_i32_1 = arith.constant 0 : i32
    return %c0_i32, %c0_i32_0 : i32, i32
  }
  func.func @transform_12(%arg0: i32, %arg1: i32) -> (i32, i32) {
    %c0_i32 = arith.constant 0 : i32
    %c0_i32_0 = arith.constant 0 : i32
    %c0_i32_1 = arith.constant 0 : i32
    return %c0_i32, %c0_i32_0 : i32, i32
  }
  func.func @transform_13(%arg0: i32, %arg1: i32) -> (i32, i32) {
    %c0_i32 = arith.constant 0 : i32
    %c0_i32_0 = arith.constant 0 : i32
    %c0_i32_1 = arith.constant 0 : i32
    return %c0_i32, %c0_i32_0 : i32, i32
  }
  func.func @transform_14(%arg0: i32, %arg1: i32) -> (i32, i32) {
    %c0_i32 = arith.constant 0 : i32
    %c0_i32_0 = arith.constant 0 : i32
    %c0_i32_1 = arith.constant 0 : i32
    return %c0_i32, %c0_i32_0 : i32, i32
  }
  func.func @transform_15(%arg0: i32, %arg1: i32) -> (i32, i32) {
    %c0_i32 = arith.constant 0 : i32
    %c0_i32_0 = arith.constant 0 : i32
    %c0_i32_1 = arith.constant 0 : i32
    return %c0_i32, %c0_i32_0 : i32, i32
  }
  func.func @transform_16(%arg0: i32, %arg1: i32) -> (i32, i32, i32) {
    %add3A = arith.constant 0 : i32
    %add3A_0 = arith.addi %arg1, %add3A : i32
    %c0_i32 = arith.constant 0 : i32
    %c0_i32_1 = arith.constant 0 : i32
    return %arg0, %add3A_0, %c0_i32 : i32, i32, i32
  }
}

module attributes {stable_mosaic.version = 14 : i64} {
  func.func @_edge_node_acc_body(%arg0: i32, %arg1: i32, %arg2: memref<1x16x512x128xf32, #tpu.memory_space<vmem>>, %arg3: memref<1x512x16xf32, #tpu.memory_space<vmem>>, %arg4: memref<1x512x128xf32, #tpu.memory_space<vmem>>, %arg5: memref<1x512x128xf32, #tpu.memory_space<vmem>>, %arg6: memref<20x128xf32, #tpu.memory_space<vmem>>, %arg7: memref<128x128xf32, #tpu.memory_space<vmem>>, %arg8: memref<1x128xf32, #tpu.memory_space<vmem>>, %arg9: memref<128x128xf32, #tpu.memory_space<vmem>>, %arg10: memref<128x128xf32, #tpu.memory_space<vmem>>, %arg11: memref<1x128xf32, #tpu.memory_space<vmem>>, %arg12: memref<128x128xf32, #tpu.memory_space<vmem>>, %arg13: memref<1x128xf32, #tpu.memory_space<vmem>>, %arg14: memref<1x128xf32, #tpu.memory_space<vmem>>, %arg15: memref<1x128xf32, #tpu.memory_space<vmem>>, %arg16: memref<1x20xf32, #tpu.memory_space<vmem>>, %arg17: memref<1x20xf32, #tpu.memory_space<vmem>>, %arg18: memref<2x2048x128xf32, #tpu.memory_space<any>>, %arg19: memref<1x512x128xf32, #tpu.memory_space<vmem>>) attributes {dimension_semantics = [#tpu.dimension_semantics<arbitrary>, #tpu.dimension_semantics<arbitrary>], iteration_bounds = array<i64: 2, 2>, scalar_prefetch = 0 : i64, scratch_operands = 0 : i64, tpu.core_type = #tpu.core_type<tc>, window_params = [{transform_indices = @transform_0, window_bounds = array<i64: 1, 16, 512, 128>}, {transform_indices = @transform_1, window_bounds = array<i64: 1, 512, 16>}, {transform_indices = @transform_2, window_bounds = array<i64: 1, 512, 128>}, {transform_indices = @transform_3, window_bounds = array<i64: 1, 512, 128>}, {pipeline_mode = #tpu.pipeline_mode<synchronous>, transform_indices = @transform_4, window_bounds = array<i64: 20, 128>}, {pipeline_mode = #tpu.pipeline_mode<synchronous>, transform_indices = @transform_5, window_bounds = array<i64: 128, 128>}, {pipeline_mode = #tpu.pipeline_mode<synchronous>, transform_indices = @transform_6, window_bounds = array<i64: 1, 128>}, {pipeline_mode = #tpu.pipeline_mode<synchronous>, transform_indices = @transform_7, window_bounds = array<i64: 128, 128>}, {pipeline_mode = #tpu.pipeline_mode<synchronous>, transform_indices = @transform_8, window_bounds = array<i64: 128, 128>}, {pipeline_mode = #tpu.pipeline_mode<synchronous>, transform_indices = @transform_9, window_bounds = array<i64: 1, 128>}, {pipeline_mode = #tpu.pipeline_mode<synchronous>, transform_indices = @transform_10, window_bounds = array<i64: 128, 128>}, {pipeline_mode = #tpu.pipeline_mode<synchronous>, transform_indices = @transform_11, window_bounds = array<i64: 1, 128>}, {pipeline_mode = #tpu.pipeline_mode<synchronous>, transform_indices = @transform_12, window_bounds = array<i64: 1, 128>}, {pipeline_mode = #tpu.pipeline_mode<synchronous>, transform_indices = @transform_13, window_bounds = array<i64: 1, 128>}, {pipeline_mode = #tpu.pipeline_mode<synchronous>, transform_indices = @transform_14, window_bounds = array<i64: 1, 20>}, {pipeline_mode = #tpu.pipeline_mode<synchronous>, transform_indices = @transform_15, window_bounds = array<i64: 1, 20>}, {}, {transform_indices = @transform_17, window_bounds = array<i64: 1, 512, 128>}]} {
    %get3A = arith.constant 0 : index
    %get3A_0 = arith.constant 0 : index
    %get3A_1 = arith.constant 0 : index
    %get3A_2 = vector.load %arg4[%get3A, %get3A_0, %get3A_1] : memref<1x512x128xf32, #tpu.memory_space<vmem>>, vector<1x512x128xf32>
    %get3A_3 = vector.shape_cast %get3A_2 : vector<1x512x128xf32> to vector<512x128xf32>
    %get3A_4 = arith.constant 0 : index
    %get3A_5 = arith.constant 0 : index
    %get3A_6 = vector.load %arg16[%get3A_4, %get3A_5] : memref<1x20xf32, #tpu.memory_space<vmem>>, vector<1x20xf32>
    %get3A_7 = arith.constant 0 : index
    %get3A_8 = arith.constant 0 : index
    %get3A_9 = vector.load %arg17[%get3A_7, %get3A_8] : memref<1x20xf32, #tpu.memory_space<vmem>>, vector<1x20xf32>
    %get3A_10 = arith.constant 0 : index
    %get3A_11 = arith.constant 0 : index
    %get3A_12 = vector.load %arg6[%get3A_10, %get3A_11] : memref<20x128xf32, #tpu.memory_space<vmem>>, vector<20x128xf32>
    %get3A_13 = arith.constant 0 : index
    %get3A_14 = arith.constant 0 : index
    %get3A_15 = vector.load %arg7[%get3A_13, %get3A_14] : memref<128x128xf32, #tpu.memory_space<vmem>>, vector<128x128xf32>
    %get3A_16 = arith.constant 0 : index
    %get3A_17 = arith.constant 0 : index
    %get3A_18 = vector.load %arg8[%get3A_16, %get3A_17] : memref<1x128xf32, #tpu.memory_space<vmem>>, vector<1x128xf32>
    %broadcast_in_dim3A = arith.constant 0.000000e+00 : f32
    %broadcast_in_dim3A_19 = vector.broadcast %broadcast_in_dim3A : f32 to vector<512x128xf32>
    %get3A_20 = arith.constant 0 : index
    %get3A_21 = arith.constant 0 : index
    %get3A_22 = arith.constant 0 : index
    %get3A_23 = vector.load %arg3[%get3A_20, %get3A_21, %get3A_22] : memref<1x512x16xf32, #tpu.memory_space<vmem>>, vector<1x512x1xf32>
    %get3A_24 = vector.shape_cast %get3A_23 : vector<1x512x1xf32> to vector<512x1xf32>
    %neg3A = arith.constant 0.000000e+00 : f32
    %neg3A_25 = vector.broadcast %neg3A : f32 to vector<1x20xf32>
    %neg3A_26 = arith.subf %neg3A_25, %get3A_9 : vector<1x20xf32>
    %sub3A = vector.broadcast %get3A_24 : vector<512x1xf32> to vector<512x20xf32>
    %sub3A_27 = vector.broadcast %get3A_6 : vector<1x20xf32> to vector<512x20xf32>
    %sub3A_28 = arith.subf %sub3A, %sub3A_27 : vector<512x20xf32>
    %integer_pow3A = arith.mulf %sub3A_28, %sub3A_28 : vector<512x20xf32>
    %mul3A = vector.broadcast %neg3A_26 : vector<1x20xf32> to vector<512x20xf32>
    %mul3A_29 = arith.mulf %mul3A, %integer_pow3A : vector<512x20xf32>
    %exp3A = math.exp %mul3A_29 : vector<512x20xf32>
    %get3A_30 = arith.constant 0 : index
    %get3A_31 = arith.constant 0 : index
    %get3A_32 = arith.constant 0 : index
    %get3A_33 = arith.constant 0 : index
    %get3A_34 = vector.load %arg2[%get3A_30, %get3A_31, %get3A_32, %get3A_33] : memref<1x16x512x128xf32, #tpu.memory_space<vmem>>, vector<1x1x512x128xf32>
    %get3A_35 = vector.shape_cast %get3A_34 : vector<1x1x512x128xf32> to vector<512x128xf32>
    %add3A = arith.addf %get3A_3, %get3A_35 : vector<512x128xf32>
    %dot_general3A = arith.constant dense<0.000000e+00> : vector<512x128xf32>
    %dot_general3A_36 = tpu.matmul %exp3A, %get3A_12, %dot_general3A {dimension_numbers = #tpu.dot_dimension_numbers<[1], [0], [0], [1], [0, 0, 1, 1], [], []>, transpose_lhs_hint = false} : vector<512x20xf32>, vector<20x128xf32>, vector<512x128xf32> -> vector<512x128xf32>
    %add3A_37 = arith.addf %add3A, %dot_general3A_36 : vector<512x128xf32>
    %logistic3A = arith.negf %add3A_37 : vector<512x128xf32>
    %logistic3A_38 = math.exp %logistic3A : vector<512x128xf32>
    %logistic3A_39 = arith.constant 1.000000e+00 : f32
    %logistic3A_40 = vector.broadcast %logistic3A_39 : f32 to vector<512x128xf32>
    %logistic3A_41 = arith.addf %logistic3A_40, %logistic3A_38 : vector<512x128xf32>
    %logistic3A_42 = arith.divf %logistic3A_40, %logistic3A_41 : vector<512x128xf32>
    %mul3A_43 = arith.mulf %add3A_37, %logistic3A_42 : vector<512x128xf32>
    %dot_general3A_44 = arith.constant dense<0.000000e+00> : vector<512x128xf32>
    %dot_general3A_45 = tpu.matmul %mul3A_43, %get3A_15, %dot_general3A_44 {dimension_numbers = #tpu.dot_dimension_numbers<[1], [0], [0], [1], [0, 0, 1, 1], [], []>, transpose_lhs_hint = false} : vector<512x128xf32>, vector<128x128xf32>, vector<512x128xf32> -> vector<512x128xf32>
    %add3A_46 = vector.broadcast %get3A_18 : vector<1x128xf32> to vector<512x128xf32>
    %add3A_47 = arith.addf %dot_general3A_45, %add3A_46 : vector<512x128xf32>
    %logistic3A_48 = arith.negf %add3A_47 : vector<512x128xf32>
    %logistic3A_49 = math.exp %logistic3A_48 : vector<512x128xf32>
    %logistic3A_50 = arith.constant 1.000000e+00 : f32
    %logistic3A_51 = vector.broadcast %logistic3A_50 : f32 to vector<512x128xf32>
    %logistic3A_52 = arith.addf %logistic3A_51, %logistic3A_49 : vector<512x128xf32>
    %logistic3A_53 = arith.divf %logistic3A_51, %logistic3A_52 : vector<512x128xf32>
    %mul3A_54 = arith.mulf %add3A_47, %logistic3A_53 : vector<512x128xf32>
    %lt3A = arith.constant 5.000000e+00 : f32
    %lt3A_55 = vector.broadcast %lt3A : f32 to vector<512x1xf32>
    %lt3A_56 = arith.cmpf olt, %get3A_24, %lt3A_55 : vector<512x1xf32>
    %jit3A = arith.constant 0.000000e+00 : f32
    %broadcast_in_dim3A_57 = vector.shape_cast %lt3A_56 : vector<512x1xi1> to vector<512x1xi1>
    %broadcast_in_dim3A_58 = vector.broadcast %broadcast_in_dim3A_57 : vector<512x1xi1> to vector<512x128xi1>
    %broadcast_in_dim3A_59 = vector.broadcast %jit3A : f32 to vector<512x128xf32>
    %select_n3A = arith.select %broadcast_in_dim3A_58, %mul3A_54, %broadcast_in_dim3A_59 : vector<512x128xi1>, vector<512x128xf32>
    %add3A_60 = arith.addf %broadcast_in_dim3A_19, %select_n3A : vector<512x128xf32>
    %get3A_61 = arith.constant 0 : index
    %get3A_62 = arith.constant 0 : index
    %get3A_63 = arith.constant 1 : index
    %get3A_64 = vector.load %arg3[%get3A_61, %get3A_62, %get3A_63] : memref<1x512x16xf32, #tpu.memory_space<vmem>>, vector<1x512x1xf32>
    %get3A_65 = vector.shape_cast %get3A_64 : vector<1x512x1xf32> to vector<512x1xf32>
    %neg3A_66 = arith.constant 0.000000e+00 : f32
    %neg3A_67 = vector.broadcast %neg3A_66 : f32 to vector<1x20xf32>
    %neg3A_68 = arith.subf %neg3A_67, %get3A_9 : vector<1x20xf32>
    %sub3A_69 = vector.broadcast %get3A_65 : vector<512x1xf32> to vector<512x20xf32>
    %sub3A_70 = vector.broadcast %get3A_6 : vector<1x20xf32> to vector<512x20xf32>
    %sub3A_71 = arith.subf %sub3A_69, %sub3A_70 : vector<512x20xf32>
    %integer_pow3A_72 = arith.mulf %sub3A_71, %sub3A_71 : vector<512x20xf32>
    %mul3A_73 = vector.broadcast %neg3A_68 : vector<1x20xf32> to vector<512x20xf32>
    %mul3A_74 = arith.mulf %mul3A_73, %integer_pow3A_72 : vector<512x20xf32>
    %exp3A_75 = math.exp %mul3A_74 : vector<512x20xf32>
    %get3A_76 = arith.constant 0 : index
    %get3A_77 = arith.constant 1 : index
    %get3A_78 = arith.constant 0 : index
    %get3A_79 = arith.constant 0 : index
    %get3A_80 = vector.load %arg2[%get3A_76, %get3A_77, %get3A_78, %get3A_79] : memref<1x16x512x128xf32, #tpu.memory_space<vmem>>, vector<1x1x512x128xf32>
    %get3A_81 = vector.shape_cast %get3A_80 : vector<1x1x512x128xf32> to vector<512x128xf32>
    %add3A_82 = arith.addf %get3A_3, %get3A_81 : vector<512x128xf32>
    %dot_general3A_83 = arith.constant dense<0.000000e+00> : vector<512x128xf32>
    %dot_general3A_84 = tpu.matmul %exp3A_75, %get3A_12, %dot_general3A_83 {dimension_numbers = #tpu.dot_dimension_numbers<[1], [0], [0], [1], [0, 0, 1, 1], [], []>, transpose_lhs_hint = false} : vector<512x20xf32>, vector<20x128xf32>, vector<512x128xf32> -> vector<512x128xf32>
    %add3A_85 = arith.addf %add3A_82, %dot_general3A_84 : vector<512x128xf32>
    %logistic3A_86 = arith.negf %add3A_85 : vector<512x128xf32>
    %logistic3A_87 = math.exp %logistic3A_86 : vector<512x128xf32>
    %logistic3A_88 = arith.constant 1.000000e+00 : f32
    %logistic3A_89 = vector.broadcast %logistic3A_88 : f32 to vector<512x128xf32>
    %logistic3A_90 = arith.addf %logistic3A_89, %logistic3A_87 : vector<512x128xf32>
    %logistic3A_91 = arith.divf %logistic3A_89, %logistic3A_90 : vector<512x128xf32>
    %mul3A_92 = arith.mulf %add3A_85, %logistic3A_91 : vector<512x128xf32>
    %dot_general3A_93 = arith.constant dense<0.000000e+00> : vector<512x128xf32>
    %dot_general3A_94 = tpu.matmul %mul3A_92, %get3A_15, %dot_general3A_93 {dimension_numbers = #tpu.dot_dimension_numbers<[1], [0], [0], [1], [0, 0, 1, 1], [], []>, transpose_lhs_hint = false} : vector<512x128xf32>, vector<128x128xf32>, vector<512x128xf32> -> vector<512x128xf32>
    %add3A_95 = vector.broadcast %get3A_18 : vector<1x128xf32> to vector<512x128xf32>
    %add3A_96 = arith.addf %dot_general3A_94, %add3A_95 : vector<512x128xf32>
    %logistic3A_97 = arith.negf %add3A_96 : vector<512x128xf32>
    %logistic3A_98 = math.exp %logistic3A_97 : vector<512x128xf32>
    %logistic3A_99 = arith.constant 1.000000e+00 : f32
    %logistic3A_100 = vector.broadcast %logistic3A_99 : f32 to vector<512x128xf32>
    %logistic3A_101 = arith.addf %logistic3A_100, %logistic3A_98 : vector<512x128xf32>
    %logistic3A_102 = arith.divf %logistic3A_100, %logistic3A_101 : vector<512x128xf32>
    %mul3A_103 = arith.mulf %add3A_96, %logistic3A_102 : vector<512x128xf32>
    %lt3A_104 = arith.constant 5.000000e+00 : f32
    %lt3A_105 = vector.broadcast %lt3A_104 : f32 to vector<512x1xf32>
    %lt3A_106 = arith.cmpf olt, %get3A_65, %lt3A_105 : vector<512x1xf32>
    %jit3A_107 = arith.constant 0.000000e+00 : f32
    %broadcast_in_dim3A_108 = vector.shape_cast %lt3A_106 : vector<512x1xi1> to vector<512x1xi1>
    %broadcast_in_dim3A_109 = vector.broadcast %broadcast_in_dim3A_108 : vector<512x1xi1> to vector<512x128xi1>
    %broadcast_in_dim3A_110 = vector.broadcast %jit3A_107 : f32 to vector<512x128xf32>
    %select_n3A_111 = arith.select %broadcast_in_dim3A_109, %mul3A_103, %broadcast_in_dim3A_110 : vector<512x128xi1>, vector<512x128xf32>
    %add3A_112 = arith.addf %add3A_60, %select_n3A_111 : vector<512x128xf32>
    %get3A_113 = arith.constant 0 : index
    %get3A_114 = arith.constant 0 : index
    %get3A_115 = arith.constant 2 : index
    %get3A_116 = vector.load %arg3[%get3A_113, %get3A_114, %get3A_115] : memref<1x512x16xf32, #tpu.memory_space<vmem>>, vector<1x512x1xf32>
    %get3A_117 = vector.shape_cast %get3A_116 : vector<1x512x1xf32> to vector<512x1xf32>
    %neg3A_118 = arith.constant 0.000000e+00 : f32
    %neg3A_119 = vector.broadcast %neg3A_118 : f32 to vector<1x20xf32>
    %neg3A_120 = arith.subf %neg3A_119, %get3A_9 : vector<1x20xf32>
    %sub3A_121 = vector.broadcast %get3A_117 : vector<512x1xf32> to vector<512x20xf32>
    %sub3A_122 = vector.broadcast %get3A_6 : vector<1x20xf32> to vector<512x20xf32>
    %sub3A_123 = arith.subf %sub3A_121, %sub3A_122 : vector<512x20xf32>
    %integer_pow3A_124 = arith.mulf %sub3A_123, %sub3A_123 : vector<512x20xf32>
    %mul3A_125 = vector.broadcast %neg3A_120 : vector<1x20xf32> to vector<512x20xf32>
    %mul3A_126 = arith.mulf %mul3A_125, %integer_pow3A_124 : vector<512x20xf32>
    %exp3A_127 = math.exp %mul3A_126 : vector<512x20xf32>
    %get3A_128 = arith.constant 0 : index
    %get3A_129 = arith.constant 2 : index
    %get3A_130 = arith.constant 0 : index
    %get3A_131 = arith.constant 0 : index
    %get3A_132 = vector.load %arg2[%get3A_128, %get3A_129, %get3A_130, %get3A_131] : memref<1x16x512x128xf32, #tpu.memory_space<vmem>>, vector<1x1x512x128xf32>
    %get3A_133 = vector.shape_cast %get3A_132 : vector<1x1x512x128xf32> to vector<512x128xf32>
    %add3A_134 = arith.addf %get3A_3, %get3A_133 : vector<512x128xf32>
    %dot_general3A_135 = arith.constant dense<0.000000e+00> : vector<512x128xf32>
    %dot_general3A_136 = tpu.matmul %exp3A_127, %get3A_12, %dot_general3A_135 {dimension_numbers = #tpu.dot_dimension_numbers<[1], [0], [0], [1], [0, 0, 1, 1], [], []>, transpose_lhs_hint = false} : vector<512x20xf32>, vector<20x128xf32>, vector<512x128xf32> -> vector<512x128xf32>
    %add3A_137 = arith.addf %add3A_134, %dot_general3A_136 : vector<512x128xf32>
    %logistic3A_138 = arith.negf %add3A_137 : vector<512x128xf32>
    %logistic3A_139 = math.exp %logistic3A_138 : vector<512x128xf32>
    %logistic3A_140 = arith.constant 1.000000e+00 : f32
    %logistic3A_141 = vector.broadcast %logistic3A_140 : f32 to vector<512x128xf32>
    %logistic3A_142 = arith.addf %logistic3A_141, %logistic3A_139 : vector<512x128xf32>
    %logistic3A_143 = arith.divf %logistic3A_141, %logistic3A_142 : vector<512x128xf32>
    %mul3A_144 = arith.mulf %add3A_137, %logistic3A_143 : vector<512x128xf32>
    %dot_general3A_145 = arith.constant dense<0.000000e+00> : vector<512x128xf32>
    %dot_general3A_146 = tpu.matmul %mul3A_144, %get3A_15, %dot_general3A_145 {dimension_numbers = #tpu.dot_dimension_numbers<[1], [0], [0], [1], [0, 0, 1, 1], [], []>, transpose_lhs_hint = false} : vector<512x128xf32>, vector<128x128xf32>, vector<512x128xf32> -> vector<512x128xf32>
    %add3A_147 = vector.broadcast %get3A_18 : vector<1x128xf32> to vector<512x128xf32>
    %add3A_148 = arith.addf %dot_general3A_146, %add3A_147 : vector<512x128xf32>
    %logistic3A_149 = arith.negf %add3A_148 : vector<512x128xf32>
    %logistic3A_150 = math.exp %logistic3A_149 : vector<512x128xf32>
    %logistic3A_151 = arith.constant 1.000000e+00 : f32
    %logistic3A_152 = vector.broadcast %logistic3A_151 : f32 to vector<512x128xf32>
    %logistic3A_153 = arith.addf %logistic3A_152, %logistic3A_150 : vector<512x128xf32>
    %logistic3A_154 = arith.divf %logistic3A_152, %logistic3A_153 : vector<512x128xf32>
    %mul3A_155 = arith.mulf %add3A_148, %logistic3A_154 : vector<512x128xf32>
    %lt3A_156 = arith.constant 5.000000e+00 : f32
    %lt3A_157 = vector.broadcast %lt3A_156 : f32 to vector<512x1xf32>
    %lt3A_158 = arith.cmpf olt, %get3A_117, %lt3A_157 : vector<512x1xf32>
    %jit3A_159 = arith.constant 0.000000e+00 : f32
    %broadcast_in_dim3A_160 = vector.shape_cast %lt3A_158 : vector<512x1xi1> to vector<512x1xi1>
    %broadcast_in_dim3A_161 = vector.broadcast %broadcast_in_dim3A_160 : vector<512x1xi1> to vector<512x128xi1>
    %broadcast_in_dim3A_162 = vector.broadcast %jit3A_159 : f32 to vector<512x128xf32>
    %select_n3A_163 = arith.select %broadcast_in_dim3A_161, %mul3A_155, %broadcast_in_dim3A_162 : vector<512x128xi1>, vector<512x128xf32>
    %add3A_164 = arith.addf %add3A_112, %select_n3A_163 : vector<512x128xf32>
    %get3A_165 = arith.constant 0 : index
    %get3A_166 = arith.constant 0 : index
    %get3A_167 = arith.constant 3 : index
    %get3A_168 = vector.load %arg3[%get3A_165, %get3A_166, %get3A_167] : memref<1x512x16xf32, #tpu.memory_space<vmem>>, vector<1x512x1xf32>
    %get3A_169 = vector.shape_cast %get3A_168 : vector<1x512x1xf32> to vector<512x1xf32>
    %neg3A_170 = arith.constant 0.000000e+00 : f32
    %neg3A_171 = vector.broadcast %neg3A_170 : f32 to vector<1x20xf32>
    %neg3A_172 = arith.subf %neg3A_171, %get3A_9 : vector<1x20xf32>
    %sub3A_173 = vector.broadcast %get3A_169 : vector<512x1xf32> to vector<512x20xf32>
    %sub3A_174 = vector.broadcast %get3A_6 : vector<1x20xf32> to vector<512x20xf32>
    %sub3A_175 = arith.subf %sub3A_173, %sub3A_174 : vector<512x20xf32>
    %integer_pow3A_176 = arith.mulf %sub3A_175, %sub3A_175 : vector<512x20xf32>
    %mul3A_177 = vector.broadcast %neg3A_172 : vector<1x20xf32> to vector<512x20xf32>
    %mul3A_178 = arith.mulf %mul3A_177, %integer_pow3A_176 : vector<512x20xf32>
    %exp3A_179 = math.exp %mul3A_178 : vector<512x20xf32>
    %get3A_180 = arith.constant 0 : index
    %get3A_181 = arith.constant 3 : index
    %get3A_182 = arith.constant 0 : index
    %get3A_183 = arith.constant 0 : index
    %get3A_184 = vector.load %arg2[%get3A_180, %get3A_181, %get3A_182, %get3A_183] : memref<1x16x512x128xf32, #tpu.memory_space<vmem>>, vector<1x1x512x128xf32>
    %get3A_185 = vector.shape_cast %get3A_184 : vector<1x1x512x128xf32> to vector<512x128xf32>
    %add3A_186 = arith.addf %get3A_3, %get3A_185 : vector<512x128xf32>
    %dot_general3A_187 = arith.constant dense<0.000000e+00> : vector<512x128xf32>
    %dot_general3A_188 = tpu.matmul %exp3A_179, %get3A_12, %dot_general3A_187 {dimension_numbers = #tpu.dot_dimension_numbers<[1], [0], [0], [1], [0, 0, 1, 1], [], []>, transpose_lhs_hint = false} : vector<512x20xf32>, vector<20x128xf32>, vector<512x128xf32> -> vector<512x128xf32>
    %add3A_189 = arith.addf %add3A_186, %dot_general3A_188 : vector<512x128xf32>
    %logistic3A_190 = arith.negf %add3A_189 : vector<512x128xf32>
    %logistic3A_191 = math.exp %logistic3A_190 : vector<512x128xf32>
    %logistic3A_192 = arith.constant 1.000000e+00 : f32
    %logistic3A_193 = vector.broadcast %logistic3A_192 : f32 to vector<512x128xf32>
    %logistic3A_194 = arith.addf %logistic3A_193, %logistic3A_191 : vector<512x128xf32>
    %logistic3A_195 = arith.divf %logistic3A_193, %logistic3A_194 : vector<512x128xf32>
    %mul3A_196 = arith.mulf %add3A_189, %logistic3A_195 : vector<512x128xf32>
    %dot_general3A_197 = arith.constant dense<0.000000e+00> : vector<512x128xf32>
    %dot_general3A_198 = tpu.matmul %mul3A_196, %get3A_15, %dot_general3A_197 {dimension_numbers = #tpu.dot_dimension_numbers<[1], [0], [0], [1], [0, 0, 1, 1], [], []>, transpose_lhs_hint = false} : vector<512x128xf32>, vector<128x128xf32>, vector<512x128xf32> -> vector<512x128xf32>
    %add3A_199 = vector.broadcast %get3A_18 : vector<1x128xf32> to vector<512x128xf32>
    %add3A_200 = arith.addf %dot_general3A_198, %add3A_199 : vector<512x128xf32>
    %logistic3A_201 = arith.negf %add3A_200 : vector<512x128xf32>
    %logistic3A_202 = math.exp %logistic3A_201 : vector<512x128xf32>
    %logistic3A_203 = arith.constant 1.000000e+00 : f32
    %logistic3A_204 = vector.broadcast %logistic3A_203 : f32 to vector<512x128xf32>
    %logistic3A_205 = arith.addf %logistic3A_204, %logistic3A_202 : vector<512x128xf32>
    %logistic3A_206 = arith.divf %logistic3A_204, %logistic3A_205 : vector<512x128xf32>
    %mul3A_207 = arith.mulf %add3A_200, %logistic3A_206 : vector<512x128xf32>
    %lt3A_208 = arith.constant 5.000000e+00 : f32
    %lt3A_209 = vector.broadcast %lt3A_208 : f32 to vector<512x1xf32>
    %lt3A_210 = arith.cmpf olt, %get3A_169, %lt3A_209 : vector<512x1xf32>
    %jit3A_211 = arith.constant 0.000000e+00 : f32
    %broadcast_in_dim3A_212 = vector.shape_cast %lt3A_210 : vector<512x1xi1> to vector<512x1xi1>
    %broadcast_in_dim3A_213 = vector.broadcast %broadcast_in_dim3A_212 : vector<512x1xi1> to vector<512x128xi1>
    %broadcast_in_dim3A_214 = vector.broadcast %jit3A_211 : f32 to vector<512x128xf32>
    %select_n3A_215 = arith.select %broadcast_in_dim3A_213, %mul3A_207, %broadcast_in_dim3A_214 : vector<512x128xi1>, vector<512x128xf32>
    %add3A_216 = arith.addf %add3A_164, %select_n3A_215 : vector<512x128xf32>
    %get3A_217 = arith.constant 0 : index
    %get3A_218 = arith.constant 0 : index
    %get3A_219 = arith.constant 4 : index
    %get3A_220 = vector.load %arg3[%get3A_217, %get3A_218, %get3A_219] : memref<1x512x16xf32, #tpu.memory_space<vmem>>, vector<1x512x1xf32>
    %get3A_221 = vector.shape_cast %get3A_220 : vector<1x512x1xf32> to vector<512x1xf32>
    %neg3A_222 = arith.constant 0.000000e+00 : f32
    %neg3A_223 = vector.broadcast %neg3A_222 : f32 to vector<1x20xf32>
    %neg3A_224 = arith.subf %neg3A_223, %get3A_9 : vector<1x20xf32>
    %sub3A_225 = vector.broadcast %get3A_221 : vector<512x1xf32> to vector<512x20xf32>
    %sub3A_226 = vector.broadcast %get3A_6 : vector<1x20xf32> to vector<512x20xf32>
    %sub3A_227 = arith.subf %sub3A_225, %sub3A_226 : vector<512x20xf32>
    %integer_pow3A_228 = arith.mulf %sub3A_227, %sub3A_227 : vector<512x20xf32>
    %mul3A_229 = vector.broadcast %neg3A_224 : vector<1x20xf32> to vector<512x20xf32>
    %mul3A_230 = arith.mulf %mul3A_229, %integer_pow3A_228 : vector<512x20xf32>
    %exp3A_231 = math.exp %mul3A_230 : vector<512x20xf32>
    %get3A_232 = arith.constant 0 : index
    %get3A_233 = arith.constant 4 : index
    %get3A_234 = arith.constant 0 : index
    %get3A_235 = arith.constant 0 : index
    %get3A_236 = vector.load %arg2[%get3A_232, %get3A_233, %get3A_234, %get3A_235] : memref<1x16x512x128xf32, #tpu.memory_space<vmem>>, vector<1x1x512x128xf32>
    %get3A_237 = vector.shape_cast %get3A_236 : vector<1x1x512x128xf32> to vector<512x128xf32>
    %add3A_238 = arith.addf %get3A_3, %get3A_237 : vector<512x128xf32>
    %dot_general3A_239 = arith.constant dense<0.000000e+00> : vector<512x128xf32>
    %dot_general3A_240 = tpu.matmul %exp3A_231, %get3A_12, %dot_general3A_239 {dimension_numbers = #tpu.dot_dimension_numbers<[1], [0], [0], [1], [0, 0, 1, 1], [], []>, transpose_lhs_hint = false} : vector<512x20xf32>, vector<20x128xf32>, vector<512x128xf32> -> vector<512x128xf32>
    %add3A_241 = arith.addf %add3A_238, %dot_general3A_240 : vector<512x128xf32>
    %logistic3A_242 = arith.negf %add3A_241 : vector<512x128xf32>
    %logistic3A_243 = math.exp %logistic3A_242 : vector<512x128xf32>
    %logistic3A_244 = arith.constant 1.000000e+00 : f32
    %logistic3A_245 = vector.broadcast %logistic3A_244 : f32 to vector<512x128xf32>
    %logistic3A_246 = arith.addf %logistic3A_245, %logistic3A_243 : vector<512x128xf32>
    %logistic3A_247 = arith.divf %logistic3A_245, %logistic3A_246 : vector<512x128xf32>
    %mul3A_248 = arith.mulf %add3A_241, %logistic3A_247 : vector<512x128xf32>
    %dot_general3A_249 = arith.constant dense<0.000000e+00> : vector<512x128xf32>
    %dot_general3A_250 = tpu.matmul %mul3A_248, %get3A_15, %dot_general3A_249 {dimension_numbers = #tpu.dot_dimension_numbers<[1], [0], [0], [1], [0, 0, 1, 1], [], []>, transpose_lhs_hint = false} : vector<512x128xf32>, vector<128x128xf32>, vector<512x128xf32> -> vector<512x128xf32>
    %add3A_251 = vector.broadcast %get3A_18 : vector<1x128xf32> to vector<512x128xf32>
    %add3A_252 = arith.addf %dot_general3A_250, %add3A_251 : vector<512x128xf32>
    %logistic3A_253 = arith.negf %add3A_252 : vector<512x128xf32>
    %logistic3A_254 = math.exp %logistic3A_253 : vector<512x128xf32>
    %logistic3A_255 = arith.constant 1.000000e+00 : f32
    %logistic3A_256 = vector.broadcast %logistic3A_255 : f32 to vector<512x128xf32>
    %logistic3A_257 = arith.addf %logistic3A_256, %logistic3A_254 : vector<512x128xf32>
    %logistic3A_258 = arith.divf %logistic3A_256, %logistic3A_257 : vector<512x128xf32>
    %mul3A_259 = arith.mulf %add3A_252, %logistic3A_258 : vector<512x128xf32>
    %lt3A_260 = arith.constant 5.000000e+00 : f32
    %lt3A_261 = vector.broadcast %lt3A_260 : f32 to vector<512x1xf32>
    %lt3A_262 = arith.cmpf olt, %get3A_221, %lt3A_261 : vector<512x1xf32>
    %jit3A_263 = arith.constant 0.000000e+00 : f32
    %broadcast_in_dim3A_264 = vector.shape_cast %lt3A_262 : vector<512x1xi1> to vector<512x1xi1>
    %broadcast_in_dim3A_265 = vector.broadcast %broadcast_in_dim3A_264 : vector<512x1xi1> to vector<512x128xi1>
    %broadcast_in_dim3A_266 = vector.broadcast %jit3A_263 : f32 to vector<512x128xf32>
    %select_n3A_267 = arith.select %broadcast_in_dim3A_265, %mul3A_259, %broadcast_in_dim3A_266 : vector<512x128xi1>, vector<512x128xf32>
    %add3A_268 = arith.addf %add3A_216, %select_n3A_267 : vector<512x128xf32>
    %get3A_269 = arith.constant 0 : index
    %get3A_270 = arith.constant 0 : index
    %get3A_271 = arith.constant 5 : index
    %get3A_272 = vector.load %arg3[%get3A_269, %get3A_270, %get3A_271] : memref<1x512x16xf32, #tpu.memory_space<vmem>>, vector<1x512x1xf32>
    %get3A_273 = vector.shape_cast %get3A_272 : vector<1x512x1xf32> to vector<512x1xf32>
    %neg3A_274 = arith.constant 0.000000e+00 : f32
    %neg3A_275 = vector.broadcast %neg3A_274 : f32 to vector<1x20xf32>
    %neg3A_276 = arith.subf %neg3A_275, %get3A_9 : vector<1x20xf32>
    %sub3A_277 = vector.broadcast %get3A_273 : vector<512x1xf32> to vector<512x20xf32>
    %sub3A_278 = vector.broadcast %get3A_6 : vector<1x20xf32> to vector<512x20xf32>
    %sub3A_279 = arith.subf %sub3A_277, %sub3A_278 : vector<512x20xf32>
    %integer_pow3A_280 = arith.mulf %sub3A_279, %sub3A_279 : vector<512x20xf32>
    %mul3A_281 = vector.broadcast %neg3A_276 : vector<1x20xf32> to vector<512x20xf32>
    %mul3A_282 = arith.mulf %mul3A_281, %integer_pow3A_280 : vector<512x20xf32>
    %exp3A_283 = math.exp %mul3A_282 : vector<512x20xf32>
    %get3A_284 = arith.constant 0 : index
    %get3A_285 = arith.constant 5 : index
    %get3A_286 = arith.constant 0 : index
    %get3A_287 = arith.constant 0 : index
    %get3A_288 = vector.load %arg2[%get3A_284, %get3A_285, %get3A_286, %get3A_287] : memref<1x16x512x128xf32, #tpu.memory_space<vmem>>, vector<1x1x512x128xf32>
    %get3A_289 = vector.shape_cast %get3A_288 : vector<1x1x512x128xf32> to vector<512x128xf32>
    %add3A_290 = arith.addf %get3A_3, %get3A_289 : vector<512x128xf32>
    %dot_general3A_291 = arith.constant dense<0.000000e+00> : vector<512x128xf32>
    %dot_general3A_292 = tpu.matmul %exp3A_283, %get3A_12, %dot_general3A_291 {dimension_numbers = #tpu.dot_dimension_numbers<[1], [0], [0], [1], [0, 0, 1, 1], [], []>, transpose_lhs_hint = false} : vector<512x20xf32>, vector<20x128xf32>, vector<512x128xf32> -> vector<512x128xf32>
    %add3A_293 = arith.addf %add3A_290, %dot_general3A_292 : vector<512x128xf32>
    %logistic3A_294 = arith.negf %add3A_293 : vector<512x128xf32>
    %logistic3A_295 = math.exp %logistic3A_294 : vector<512x128xf32>
    %logistic3A_296 = arith.constant 1.000000e+00 : f32
    %logistic3A_297 = vector.broadcast %logistic3A_296 : f32 to vector<512x128xf32>
    %logistic3A_298 = arith.addf %logistic3A_297, %logistic3A_295 : vector<512x128xf32>
    %logistic3A_299 = arith.divf %logistic3A_297, %logistic3A_298 : vector<512x128xf32>
    %mul3A_300 = arith.mulf %add3A_293, %logistic3A_299 : vector<512x128xf32>
    %dot_general3A_301 = arith.constant dense<0.000000e+00> : vector<512x128xf32>
    %dot_general3A_302 = tpu.matmul %mul3A_300, %get3A_15, %dot_general3A_301 {dimension_numbers = #tpu.dot_dimension_numbers<[1], [0], [0], [1], [0, 0, 1, 1], [], []>, transpose_lhs_hint = false} : vector<512x128xf32>, vector<128x128xf32>, vector<512x128xf32> -> vector<512x128xf32>
    %add3A_303 = vector.broadcast %get3A_18 : vector<1x128xf32> to vector<512x128xf32>
    %add3A_304 = arith.addf %dot_general3A_302, %add3A_303 : vector<512x128xf32>
    %logistic3A_305 = arith.negf %add3A_304 : vector<512x128xf32>
    %logistic3A_306 = math.exp %logistic3A_305 : vector<512x128xf32>
    %logistic3A_307 = arith.constant 1.000000e+00 : f32
    %logistic3A_308 = vector.broadcast %logistic3A_307 : f32 to vector<512x128xf32>
    %logistic3A_309 = arith.addf %logistic3A_308, %logistic3A_306 : vector<512x128xf32>
    %logistic3A_310 = arith.divf %logistic3A_308, %logistic3A_309 : vector<512x128xf32>
    %mul3A_311 = arith.mulf %add3A_304, %logistic3A_310 : vector<512x128xf32>
    %lt3A_312 = arith.constant 5.000000e+00 : f32
    %lt3A_313 = vector.broadcast %lt3A_312 : f32 to vector<512x1xf32>
    %lt3A_314 = arith.cmpf olt, %get3A_273, %lt3A_313 : vector<512x1xf32>
    %jit3A_315 = arith.constant 0.000000e+00 : f32
    %broadcast_in_dim3A_316 = vector.shape_cast %lt3A_314 : vector<512x1xi1> to vector<512x1xi1>
    %broadcast_in_dim3A_317 = vector.broadcast %broadcast_in_dim3A_316 : vector<512x1xi1> to vector<512x128xi1>
    %broadcast_in_dim3A_318 = vector.broadcast %jit3A_315 : f32 to vector<512x128xf32>
    %select_n3A_319 = arith.select %broadcast_in_dim3A_317, %mul3A_311, %broadcast_in_dim3A_318 : vector<512x128xi1>, vector<512x128xf32>
    %add3A_320 = arith.addf %add3A_268, %select_n3A_319 : vector<512x128xf32>
    %get3A_321 = arith.constant 0 : index
    %get3A_322 = arith.constant 0 : index
    %get3A_323 = arith.constant 6 : index
    %get3A_324 = vector.load %arg3[%get3A_321, %get3A_322, %get3A_323] : memref<1x512x16xf32, #tpu.memory_space<vmem>>, vector<1x512x1xf32>
    %get3A_325 = vector.shape_cast %get3A_324 : vector<1x512x1xf32> to vector<512x1xf32>
    %neg3A_326 = arith.constant 0.000000e+00 : f32
    %neg3A_327 = vector.broadcast %neg3A_326 : f32 to vector<1x20xf32>
    %neg3A_328 = arith.subf %neg3A_327, %get3A_9 : vector<1x20xf32>
    %sub3A_329 = vector.broadcast %get3A_325 : vector<512x1xf32> to vector<512x20xf32>
    %sub3A_330 = vector.broadcast %get3A_6 : vector<1x20xf32> to vector<512x20xf32>
    %sub3A_331 = arith.subf %sub3A_329, %sub3A_330 : vector<512x20xf32>
    %integer_pow3A_332 = arith.mulf %sub3A_331, %sub3A_331 : vector<512x20xf32>
    %mul3A_333 = vector.broadcast %neg3A_328 : vector<1x20xf32> to vector<512x20xf32>
    %mul3A_334 = arith.mulf %mul3A_333, %integer_pow3A_332 : vector<512x20xf32>
    %exp3A_335 = math.exp %mul3A_334 : vector<512x20xf32>
    %get3A_336 = arith.constant 0 : index
    %get3A_337 = arith.constant 6 : index
    %get3A_338 = arith.constant 0 : index
    %get3A_339 = arith.constant 0 : index
    %get3A_340 = vector.load %arg2[%get3A_336, %get3A_337, %get3A_338, %get3A_339] : memref<1x16x512x128xf32, #tpu.memory_space<vmem>>, vector<1x1x512x128xf32>
    %get3A_341 = vector.shape_cast %get3A_340 : vector<1x1x512x128xf32> to vector<512x128xf32>
    %add3A_342 = arith.addf %get3A_3, %get3A_341 : vector<512x128xf32>
    %dot_general3A_343 = arith.constant dense<0.000000e+00> : vector<512x128xf32>
    %dot_general3A_344 = tpu.matmul %exp3A_335, %get3A_12, %dot_general3A_343 {dimension_numbers = #tpu.dot_dimension_numbers<[1], [0], [0], [1], [0, 0, 1, 1], [], []>, transpose_lhs_hint = false} : vector<512x20xf32>, vector<20x128xf32>, vector<512x128xf32> -> vector<512x128xf32>
    %add3A_345 = arith.addf %add3A_342, %dot_general3A_344 : vector<512x128xf32>
    %logistic3A_346 = arith.negf %add3A_345 : vector<512x128xf32>
    %logistic3A_347 = math.exp %logistic3A_346 : vector<512x128xf32>
    %logistic3A_348 = arith.constant 1.000000e+00 : f32
    %logistic3A_349 = vector.broadcast %logistic3A_348 : f32 to vector<512x128xf32>
    %logistic3A_350 = arith.addf %logistic3A_349, %logistic3A_347 : vector<512x128xf32>
    %logistic3A_351 = arith.divf %logistic3A_349, %logistic3A_350 : vector<512x128xf32>
    %mul3A_352 = arith.mulf %add3A_345, %logistic3A_351 : vector<512x128xf32>
    %dot_general3A_353 = arith.constant dense<0.000000e+00> : vector<512x128xf32>
    %dot_general3A_354 = tpu.matmul %mul3A_352, %get3A_15, %dot_general3A_353 {dimension_numbers = #tpu.dot_dimension_numbers<[1], [0], [0], [1], [0, 0, 1, 1], [], []>, transpose_lhs_hint = false} : vector<512x128xf32>, vector<128x128xf32>, vector<512x128xf32> -> vector<512x128xf32>
    %add3A_355 = vector.broadcast %get3A_18 : vector<1x128xf32> to vector<512x128xf32>
    %add3A_356 = arith.addf %dot_general3A_354, %add3A_355 : vector<512x128xf32>
    %logistic3A_357 = arith.negf %add3A_356 : vector<512x128xf32>
    %logistic3A_358 = math.exp %logistic3A_357 : vector<512x128xf32>
    %logistic3A_359 = arith.constant 1.000000e+00 : f32
    %logistic3A_360 = vector.broadcast %logistic3A_359 : f32 to vector<512x128xf32>
    %logistic3A_361 = arith.addf %logistic3A_360, %logistic3A_358 : vector<512x128xf32>
    %logistic3A_362 = arith.divf %logistic3A_360, %logistic3A_361 : vector<512x128xf32>
    %mul3A_363 = arith.mulf %add3A_356, %logistic3A_362 : vector<512x128xf32>
    %lt3A_364 = arith.constant 5.000000e+00 : f32
    %lt3A_365 = vector.broadcast %lt3A_364 : f32 to vector<512x1xf32>
    %lt3A_366 = arith.cmpf olt, %get3A_325, %lt3A_365 : vector<512x1xf32>
    %jit3A_367 = arith.constant 0.000000e+00 : f32
    %broadcast_in_dim3A_368 = vector.shape_cast %lt3A_366 : vector<512x1xi1> to vector<512x1xi1>
    %broadcast_in_dim3A_369 = vector.broadcast %broadcast_in_dim3A_368 : vector<512x1xi1> to vector<512x128xi1>
    %broadcast_in_dim3A_370 = vector.broadcast %jit3A_367 : f32 to vector<512x128xf32>
    %select_n3A_371 = arith.select %broadcast_in_dim3A_369, %mul3A_363, %broadcast_in_dim3A_370 : vector<512x128xi1>, vector<512x128xf32>
    %add3A_372 = arith.addf %add3A_320, %select_n3A_371 : vector<512x128xf32>
    %get3A_373 = arith.constant 0 : index
    %get3A_374 = arith.constant 0 : index
    %get3A_375 = arith.constant 7 : index
    %get3A_376 = vector.load %arg3[%get3A_373, %get3A_374, %get3A_375] : memref<1x512x16xf32, #tpu.memory_space<vmem>>, vector<1x512x1xf32>
    %get3A_377 = vector.shape_cast %get3A_376 : vector<1x512x1xf32> to vector<512x1xf32>
    %neg3A_378 = arith.constant 0.000000e+00 : f32
    %neg3A_379 = vector.broadcast %neg3A_378 : f32 to vector<1x20xf32>
    %neg3A_380 = arith.subf %neg3A_379, %get3A_9 : vector<1x20xf32>
    %sub3A_381 = vector.broadcast %get3A_377 : vector<512x1xf32> to vector<512x20xf32>
    %sub3A_382 = vector.broadcast %get3A_6 : vector<1x20xf32> to vector<512x20xf32>
    %sub3A_383 = arith.subf %sub3A_381, %sub3A_382 : vector<512x20xf32>
    %integer_pow3A_384 = arith.mulf %sub3A_383, %sub3A_383 : vector<512x20xf32>
    %mul3A_385 = vector.broadcast %neg3A_380 : vector<1x20xf32> to vector<512x20xf32>
    %mul3A_386 = arith.mulf %mul3A_385, %integer_pow3A_384 : vector<512x20xf32>
    %exp3A_387 = math.exp %mul3A_386 : vector<512x20xf32>
    %get3A_388 = arith.constant 0 : index
    %get3A_389 = arith.constant 7 : index
    %get3A_390 = arith.constant 0 : index
    %get3A_391 = arith.constant 0 : index
    %get3A_392 = vector.load %arg2[%get3A_388, %get3A_389, %get3A_390, %get3A_391] : memref<1x16x512x128xf32, #tpu.memory_space<vmem>>, vector<1x1x512x128xf32>
    %get3A_393 = vector.shape_cast %get3A_392 : vector<1x1x512x128xf32> to vector<512x128xf32>
    %add3A_394 = arith.addf %get3A_3, %get3A_393 : vector<512x128xf32>
    %dot_general3A_395 = arith.constant dense<0.000000e+00> : vector<512x128xf32>
    %dot_general3A_396 = tpu.matmul %exp3A_387, %get3A_12, %dot_general3A_395 {dimension_numbers = #tpu.dot_dimension_numbers<[1], [0], [0], [1], [0, 0, 1, 1], [], []>, transpose_lhs_hint = false} : vector<512x20xf32>, vector<20x128xf32>, vector<512x128xf32> -> vector<512x128xf32>
    %add3A_397 = arith.addf %add3A_394, %dot_general3A_396 : vector<512x128xf32>
    %logistic3A_398 = arith.negf %add3A_397 : vector<512x128xf32>
    %logistic3A_399 = math.exp %logistic3A_398 : vector<512x128xf32>
    %logistic3A_400 = arith.constant 1.000000e+00 : f32
    %logistic3A_401 = vector.broadcast %logistic3A_400 : f32 to vector<512x128xf32>
    %logistic3A_402 = arith.addf %logistic3A_401, %logistic3A_399 : vector<512x128xf32>
    %logistic3A_403 = arith.divf %logistic3A_401, %logistic3A_402 : vector<512x128xf32>
    %mul3A_404 = arith.mulf %add3A_397, %logistic3A_403 : vector<512x128xf32>
    %dot_general3A_405 = arith.constant dense<0.000000e+00> : vector<512x128xf32>
    %dot_general3A_406 = tpu.matmul %mul3A_404, %get3A_15, %dot_general3A_405 {dimension_numbers = #tpu.dot_dimension_numbers<[1], [0], [0], [1], [0, 0, 1, 1], [], []>, transpose_lhs_hint = false} : vector<512x128xf32>, vector<128x128xf32>, vector<512x128xf32> -> vector<512x128xf32>
    %add3A_407 = vector.broadcast %get3A_18 : vector<1x128xf32> to vector<512x128xf32>
    %add3A_408 = arith.addf %dot_general3A_406, %add3A_407 : vector<512x128xf32>
    %logistic3A_409 = arith.negf %add3A_408 : vector<512x128xf32>
    %logistic3A_410 = math.exp %logistic3A_409 : vector<512x128xf32>
    %logistic3A_411 = arith.constant 1.000000e+00 : f32
    %logistic3A_412 = vector.broadcast %logistic3A_411 : f32 to vector<512x128xf32>
    %logistic3A_413 = arith.addf %logistic3A_412, %logistic3A_410 : vector<512x128xf32>
    %logistic3A_414 = arith.divf %logistic3A_412, %logistic3A_413 : vector<512x128xf32>
    %mul3A_415 = arith.mulf %add3A_408, %logistic3A_414 : vector<512x128xf32>
    %lt3A_416 = arith.constant 5.000000e+00 : f32
    %lt3A_417 = vector.broadcast %lt3A_416 : f32 to vector<512x1xf32>
    %lt3A_418 = arith.cmpf olt, %get3A_377, %lt3A_417 : vector<512x1xf32>
    %jit3A_419 = arith.constant 0.000000e+00 : f32
    %broadcast_in_dim3A_420 = vector.shape_cast %lt3A_418 : vector<512x1xi1> to vector<512x1xi1>
    %broadcast_in_dim3A_421 = vector.broadcast %broadcast_in_dim3A_420 : vector<512x1xi1> to vector<512x128xi1>
    %broadcast_in_dim3A_422 = vector.broadcast %jit3A_419 : f32 to vector<512x128xf32>
    %select_n3A_423 = arith.select %broadcast_in_dim3A_421, %mul3A_415, %broadcast_in_dim3A_422 : vector<512x128xi1>, vector<512x128xf32>
    %add3A_424 = arith.addf %add3A_372, %select_n3A_423 : vector<512x128xf32>
    %get3A_425 = arith.constant 0 : index
    %get3A_426 = arith.constant 0 : index
    %get3A_427 = arith.constant 8 : index
    %get3A_428 = vector.load %arg3[%get3A_425, %get3A_426, %get3A_427] : memref<1x512x16xf32, #tpu.memory_space<vmem>>, vector<1x512x1xf32>
    %get3A_429 = vector.shape_cast %get3A_428 : vector<1x512x1xf32> to vector<512x1xf32>
    %neg3A_430 = arith.constant 0.000000e+00 : f32
    %neg3A_431 = vector.broadcast %neg3A_430 : f32 to vector<1x20xf32>
    %neg3A_432 = arith.subf %neg3A_431, %get3A_9 : vector<1x20xf32>
    %sub3A_433 = vector.broadcast %get3A_429 : vector<512x1xf32> to vector<512x20xf32>
    %sub3A_434 = vector.broadcast %get3A_6 : vector<1x20xf32> to vector<512x20xf32>
    %sub3A_435 = arith.subf %sub3A_433, %sub3A_434 : vector<512x20xf32>
    %integer_pow3A_436 = arith.mulf %sub3A_435, %sub3A_435 : vector<512x20xf32>
    %mul3A_437 = vector.broadcast %neg3A_432 : vector<1x20xf32> to vector<512x20xf32>
    %mul3A_438 = arith.mulf %mul3A_437, %integer_pow3A_436 : vector<512x20xf32>
    %exp3A_439 = math.exp %mul3A_438 : vector<512x20xf32>
    %get3A_440 = arith.constant 0 : index
    %get3A_441 = arith.constant 8 : index
    %get3A_442 = arith.constant 0 : index
    %get3A_443 = arith.constant 0 : index
    %get3A_444 = vector.load %arg2[%get3A_440, %get3A_441, %get3A_442, %get3A_443] : memref<1x16x512x128xf32, #tpu.memory_space<vmem>>, vector<1x1x512x128xf32>
    %get3A_445 = vector.shape_cast %get3A_444 : vector<1x1x512x128xf32> to vector<512x128xf32>
    %add3A_446 = arith.addf %get3A_3, %get3A_445 : vector<512x128xf32>
    %dot_general3A_447 = arith.constant dense<0.000000e+00> : vector<512x128xf32>
    %dot_general3A_448 = tpu.matmul %exp3A_439, %get3A_12, %dot_general3A_447 {dimension_numbers = #tpu.dot_dimension_numbers<[1], [0], [0], [1], [0, 0, 1, 1], [], []>, transpose_lhs_hint = false} : vector<512x20xf32>, vector<20x128xf32>, vector<512x128xf32> -> vector<512x128xf32>
    %add3A_449 = arith.addf %add3A_446, %dot_general3A_448 : vector<512x128xf32>
    %logistic3A_450 = arith.negf %add3A_449 : vector<512x128xf32>
    %logistic3A_451 = math.exp %logistic3A_450 : vector<512x128xf32>
    %logistic3A_452 = arith.constant 1.000000e+00 : f32
    %logistic3A_453 = vector.broadcast %logistic3A_452 : f32 to vector<512x128xf32>
    %logistic3A_454 = arith.addf %logistic3A_453, %logistic3A_451 : vector<512x128xf32>
    %logistic3A_455 = arith.divf %logistic3A_453, %logistic3A_454 : vector<512x128xf32>
    %mul3A_456 = arith.mulf %add3A_449, %logistic3A_455 : vector<512x128xf32>
    %dot_general3A_457 = arith.constant dense<0.000000e+00> : vector<512x128xf32>
    %dot_general3A_458 = tpu.matmul %mul3A_456, %get3A_15, %dot_general3A_457 {dimension_numbers = #tpu.dot_dimension_numbers<[1], [0], [0], [1], [0, 0, 1, 1], [], []>, transpose_lhs_hint = false} : vector<512x128xf32>, vector<128x128xf32>, vector<512x128xf32> -> vector<512x128xf32>
    %add3A_459 = vector.broadcast %get3A_18 : vector<1x128xf32> to vector<512x128xf32>
    %add3A_460 = arith.addf %dot_general3A_458, %add3A_459 : vector<512x128xf32>
    %logistic3A_461 = arith.negf %add3A_460 : vector<512x128xf32>
    %logistic3A_462 = math.exp %logistic3A_461 : vector<512x128xf32>
    %logistic3A_463 = arith.constant 1.000000e+00 : f32
    %logistic3A_464 = vector.broadcast %logistic3A_463 : f32 to vector<512x128xf32>
    %logistic3A_465 = arith.addf %logistic3A_464, %logistic3A_462 : vector<512x128xf32>
    %logistic3A_466 = arith.divf %logistic3A_464, %logistic3A_465 : vector<512x128xf32>
    %mul3A_467 = arith.mulf %add3A_460, %logistic3A_466 : vector<512x128xf32>
    %lt3A_468 = arith.constant 5.000000e+00 : f32
    %lt3A_469 = vector.broadcast %lt3A_468 : f32 to vector<512x1xf32>
    %lt3A_470 = arith.cmpf olt, %get3A_429, %lt3A_469 : vector<512x1xf32>
    %jit3A_471 = arith.constant 0.000000e+00 : f32
    %broadcast_in_dim3A_472 = vector.shape_cast %lt3A_470 : vector<512x1xi1> to vector<512x1xi1>
    %broadcast_in_dim3A_473 = vector.broadcast %broadcast_in_dim3A_472 : vector<512x1xi1> to vector<512x128xi1>
    %broadcast_in_dim3A_474 = vector.broadcast %jit3A_471 : f32 to vector<512x128xf32>
    %select_n3A_475 = arith.select %broadcast_in_dim3A_473, %mul3A_467, %broadcast_in_dim3A_474 : vector<512x128xi1>, vector<512x128xf32>
    %add3A_476 = arith.addf %add3A_424, %select_n3A_475 : vector<512x128xf32>
    %get3A_477 = arith.constant 0 : index
    %get3A_478 = arith.constant 0 : index
    %get3A_479 = arith.constant 9 : index
    %get3A_480 = vector.load %arg3[%get3A_477, %get3A_478, %get3A_479] : memref<1x512x16xf32, #tpu.memory_space<vmem>>, vector<1x512x1xf32>
    %get3A_481 = vector.shape_cast %get3A_480 : vector<1x512x1xf32> to vector<512x1xf32>
    %neg3A_482 = arith.constant 0.000000e+00 : f32
    %neg3A_483 = vector.broadcast %neg3A_482 : f32 to vector<1x20xf32>
    %neg3A_484 = arith.subf %neg3A_483, %get3A_9 : vector<1x20xf32>
    %sub3A_485 = vector.broadcast %get3A_481 : vector<512x1xf32> to vector<512x20xf32>
    %sub3A_486 = vector.broadcast %get3A_6 : vector<1x20xf32> to vector<512x20xf32>
    %sub3A_487 = arith.subf %sub3A_485, %sub3A_486 : vector<512x20xf32>
    %integer_pow3A_488 = arith.mulf %sub3A_487, %sub3A_487 : vector<512x20xf32>
    %mul3A_489 = vector.broadcast %neg3A_484 : vector<1x20xf32> to vector<512x20xf32>
    %mul3A_490 = arith.mulf %mul3A_489, %integer_pow3A_488 : vector<512x20xf32>
    %exp3A_491 = math.exp %mul3A_490 : vector<512x20xf32>
    %get3A_492 = arith.constant 0 : index
    %get3A_493 = arith.constant 9 : index
    %get3A_494 = arith.constant 0 : index
    %get3A_495 = arith.constant 0 : index
    %get3A_496 = vector.load %arg2[%get3A_492, %get3A_493, %get3A_494, %get3A_495] : memref<1x16x512x128xf32, #tpu.memory_space<vmem>>, vector<1x1x512x128xf32>
    %get3A_497 = vector.shape_cast %get3A_496 : vector<1x1x512x128xf32> to vector<512x128xf32>
    %add3A_498 = arith.addf %get3A_3, %get3A_497 : vector<512x128xf32>
    %dot_general3A_499 = arith.constant dense<0.000000e+00> : vector<512x128xf32>
    %dot_general3A_500 = tpu.matmul %exp3A_491, %get3A_12, %dot_general3A_499 {dimension_numbers = #tpu.dot_dimension_numbers<[1], [0], [0], [1], [0, 0, 1, 1], [], []>, transpose_lhs_hint = false} : vector<512x20xf32>, vector<20x128xf32>, vector<512x128xf32> -> vector<512x128xf32>
    %add3A_501 = arith.addf %add3A_498, %dot_general3A_500 : vector<512x128xf32>
    %logistic3A_502 = arith.negf %add3A_501 : vector<512x128xf32>
    %logistic3A_503 = math.exp %logistic3A_502 : vector<512x128xf32>
    %logistic3A_504 = arith.constant 1.000000e+00 : f32
    %logistic3A_505 = vector.broadcast %logistic3A_504 : f32 to vector<512x128xf32>
    %logistic3A_506 = arith.addf %logistic3A_505, %logistic3A_503 : vector<512x128xf32>
    %logistic3A_507 = arith.divf %logistic3A_505, %logistic3A_506 : vector<512x128xf32>
    %mul3A_508 = arith.mulf %add3A_501, %logistic3A_507 : vector<512x128xf32>
    %dot_general3A_509 = arith.constant dense<0.000000e+00> : vector<512x128xf32>
    %dot_general3A_510 = tpu.matmul %mul3A_508, %get3A_15, %dot_general3A_509 {dimension_numbers = #tpu.dot_dimension_numbers<[1], [0], [0], [1], [0, 0, 1, 1], [], []>, transpose_lhs_hint = false} : vector<512x128xf32>, vector<128x128xf32>, vector<512x128xf32> -> vector<512x128xf32>
    %add3A_511 = vector.broadcast %get3A_18 : vector<1x128xf32> to vector<512x128xf32>
    %add3A_512 = arith.addf %dot_general3A_510, %add3A_511 : vector<512x128xf32>
    %logistic3A_513 = arith.negf %add3A_512 : vector<512x128xf32>
    %logistic3A_514 = math.exp %logistic3A_513 : vector<512x128xf32>
    %logistic3A_515 = arith.constant 1.000000e+00 : f32
    %logistic3A_516 = vector.broadcast %logistic3A_515 : f32 to vector<512x128xf32>
    %logistic3A_517 = arith.addf %logistic3A_516, %logistic3A_514 : vector<512x128xf32>
    %logistic3A_518 = arith.divf %logistic3A_516, %logistic3A_517 : vector<512x128xf32>
    %mul3A_519 = arith.mulf %add3A_512, %logistic3A_518 : vector<512x128xf32>
    %lt3A_520 = arith.constant 5.000000e+00 : f32
    %lt3A_521 = vector.broadcast %lt3A_520 : f32 to vector<512x1xf32>
    %lt3A_522 = arith.cmpf olt, %get3A_481, %lt3A_521 : vector<512x1xf32>
    %jit3A_523 = arith.constant 0.000000e+00 : f32
    %broadcast_in_dim3A_524 = vector.shape_cast %lt3A_522 : vector<512x1xi1> to vector<512x1xi1>
    %broadcast_in_dim3A_525 = vector.broadcast %broadcast_in_dim3A_524 : vector<512x1xi1> to vector<512x128xi1>
    %broadcast_in_dim3A_526 = vector.broadcast %jit3A_523 : f32 to vector<512x128xf32>
    %select_n3A_527 = arith.select %broadcast_in_dim3A_525, %mul3A_519, %broadcast_in_dim3A_526 : vector<512x128xi1>, vector<512x128xf32>
    %add3A_528 = arith.addf %add3A_476, %select_n3A_527 : vector<512x128xf32>
    %get3A_529 = arith.constant 0 : index
    %get3A_530 = arith.constant 0 : index
    %get3A_531 = arith.constant 10 : index
    %get3A_532 = vector.load %arg3[%get3A_529, %get3A_530, %get3A_531] : memref<1x512x16xf32, #tpu.memory_space<vmem>>, vector<1x512x1xf32>
    %get3A_533 = vector.shape_cast %get3A_532 : vector<1x512x1xf32> to vector<512x1xf32>
    %neg3A_534 = arith.constant 0.000000e+00 : f32
    %neg3A_535 = vector.broadcast %neg3A_534 : f32 to vector<1x20xf32>
    %neg3A_536 = arith.subf %neg3A_535, %get3A_9 : vector<1x20xf32>
    %sub3A_537 = vector.broadcast %get3A_533 : vector<512x1xf32> to vector<512x20xf32>
    %sub3A_538 = vector.broadcast %get3A_6 : vector<1x20xf32> to vector<512x20xf32>
    %sub3A_539 = arith.subf %sub3A_537, %sub3A_538 : vector<512x20xf32>
    %integer_pow3A_540 = arith.mulf %sub3A_539, %sub3A_539 : vector<512x20xf32>
    %mul3A_541 = vector.broadcast %neg3A_536 : vector<1x20xf32> to vector<512x20xf32>
    %mul3A_542 = arith.mulf %mul3A_541, %integer_pow3A_540 : vector<512x20xf32>
    %exp3A_543 = math.exp %mul3A_542 : vector<512x20xf32>
    %get3A_544 = arith.constant 0 : index
    %get3A_545 = arith.constant 10 : index
    %get3A_546 = arith.constant 0 : index
    %get3A_547 = arith.constant 0 : index
    %get3A_548 = vector.load %arg2[%get3A_544, %get3A_545, %get3A_546, %get3A_547] : memref<1x16x512x128xf32, #tpu.memory_space<vmem>>, vector<1x1x512x128xf32>
    %get3A_549 = vector.shape_cast %get3A_548 : vector<1x1x512x128xf32> to vector<512x128xf32>
    %add3A_550 = arith.addf %get3A_3, %get3A_549 : vector<512x128xf32>
    %dot_general3A_551 = arith.constant dense<0.000000e+00> : vector<512x128xf32>
    %dot_general3A_552 = tpu.matmul %exp3A_543, %get3A_12, %dot_general3A_551 {dimension_numbers = #tpu.dot_dimension_numbers<[1], [0], [0], [1], [0, 0, 1, 1], [], []>, transpose_lhs_hint = false} : vector<512x20xf32>, vector<20x128xf32>, vector<512x128xf32> -> vector<512x128xf32>
    %add3A_553 = arith.addf %add3A_550, %dot_general3A_552 : vector<512x128xf32>
    %logistic3A_554 = arith.negf %add3A_553 : vector<512x128xf32>
    %logistic3A_555 = math.exp %logistic3A_554 : vector<512x128xf32>
    %logistic3A_556 = arith.constant 1.000000e+00 : f32
    %logistic3A_557 = vector.broadcast %logistic3A_556 : f32 to vector<512x128xf32>
    %logistic3A_558 = arith.addf %logistic3A_557, %logistic3A_555 : vector<512x128xf32>
    %logistic3A_559 = arith.divf %logistic3A_557, %logistic3A_558 : vector<512x128xf32>
    %mul3A_560 = arith.mulf %add3A_553, %logistic3A_559 : vector<512x128xf32>
    %dot_general3A_561 = arith.constant dense<0.000000e+00> : vector<512x128xf32>
    %dot_general3A_562 = tpu.matmul %mul3A_560, %get3A_15, %dot_general3A_561 {dimension_numbers = #tpu.dot_dimension_numbers<[1], [0], [0], [1], [0, 0, 1, 1], [], []>, transpose_lhs_hint = false} : vector<512x128xf32>, vector<128x128xf32>, vector<512x128xf32> -> vector<512x128xf32>
    %add3A_563 = vector.broadcast %get3A_18 : vector<1x128xf32> to vector<512x128xf32>
    %add3A_564 = arith.addf %dot_general3A_562, %add3A_563 : vector<512x128xf32>
    %logistic3A_565 = arith.negf %add3A_564 : vector<512x128xf32>
    %logistic3A_566 = math.exp %logistic3A_565 : vector<512x128xf32>
    %logistic3A_567 = arith.constant 1.000000e+00 : f32
    %logistic3A_568 = vector.broadcast %logistic3A_567 : f32 to vector<512x128xf32>
    %logistic3A_569 = arith.addf %logistic3A_568, %logistic3A_566 : vector<512x128xf32>
    %logistic3A_570 = arith.divf %logistic3A_568, %logistic3A_569 : vector<512x128xf32>
    %mul3A_571 = arith.mulf %add3A_564, %logistic3A_570 : vector<512x128xf32>
    %lt3A_572 = arith.constant 5.000000e+00 : f32
    %lt3A_573 = vector.broadcast %lt3A_572 : f32 to vector<512x1xf32>
    %lt3A_574 = arith.cmpf olt, %get3A_533, %lt3A_573 : vector<512x1xf32>
    %jit3A_575 = arith.constant 0.000000e+00 : f32
    %broadcast_in_dim3A_576 = vector.shape_cast %lt3A_574 : vector<512x1xi1> to vector<512x1xi1>
    %broadcast_in_dim3A_577 = vector.broadcast %broadcast_in_dim3A_576 : vector<512x1xi1> to vector<512x128xi1>
    %broadcast_in_dim3A_578 = vector.broadcast %jit3A_575 : f32 to vector<512x128xf32>
    %select_n3A_579 = arith.select %broadcast_in_dim3A_577, %mul3A_571, %broadcast_in_dim3A_578 : vector<512x128xi1>, vector<512x128xf32>
    %add3A_580 = arith.addf %add3A_528, %select_n3A_579 : vector<512x128xf32>
    %get3A_581 = arith.constant 0 : index
    %get3A_582 = arith.constant 0 : index
    %get3A_583 = arith.constant 11 : index
    %get3A_584 = vector.load %arg3[%get3A_581, %get3A_582, %get3A_583] : memref<1x512x16xf32, #tpu.memory_space<vmem>>, vector<1x512x1xf32>
    %get3A_585 = vector.shape_cast %get3A_584 : vector<1x512x1xf32> to vector<512x1xf32>
    %neg3A_586 = arith.constant 0.000000e+00 : f32
    %neg3A_587 = vector.broadcast %neg3A_586 : f32 to vector<1x20xf32>
    %neg3A_588 = arith.subf %neg3A_587, %get3A_9 : vector<1x20xf32>
    %sub3A_589 = vector.broadcast %get3A_585 : vector<512x1xf32> to vector<512x20xf32>
    %sub3A_590 = vector.broadcast %get3A_6 : vector<1x20xf32> to vector<512x20xf32>
    %sub3A_591 = arith.subf %sub3A_589, %sub3A_590 : vector<512x20xf32>
    %integer_pow3A_592 = arith.mulf %sub3A_591, %sub3A_591 : vector<512x20xf32>
    %mul3A_593 = vector.broadcast %neg3A_588 : vector<1x20xf32> to vector<512x20xf32>
    %mul3A_594 = arith.mulf %mul3A_593, %integer_pow3A_592 : vector<512x20xf32>
    %exp3A_595 = math.exp %mul3A_594 : vector<512x20xf32>
    %get3A_596 = arith.constant 0 : index
    %get3A_597 = arith.constant 11 : index
    %get3A_598 = arith.constant 0 : index
    %get3A_599 = arith.constant 0 : index
    %get3A_600 = vector.load %arg2[%get3A_596, %get3A_597, %get3A_598, %get3A_599] : memref<1x16x512x128xf32, #tpu.memory_space<vmem>>, vector<1x1x512x128xf32>
    %get3A_601 = vector.shape_cast %get3A_600 : vector<1x1x512x128xf32> to vector<512x128xf32>
    %add3A_602 = arith.addf %get3A_3, %get3A_601 : vector<512x128xf32>
    %dot_general3A_603 = arith.constant dense<0.000000e+00> : vector<512x128xf32>
    %dot_general3A_604 = tpu.matmul %exp3A_595, %get3A_12, %dot_general3A_603 {dimension_numbers = #tpu.dot_dimension_numbers<[1], [0], [0], [1], [0, 0, 1, 1], [], []>, transpose_lhs_hint = false} : vector<512x20xf32>, vector<20x128xf32>, vector<512x128xf32> -> vector<512x128xf32>
    %add3A_605 = arith.addf %add3A_602, %dot_general3A_604 : vector<512x128xf32>
    %logistic3A_606 = arith.negf %add3A_605 : vector<512x128xf32>
    %logistic3A_607 = math.exp %logistic3A_606 : vector<512x128xf32>
    %logistic3A_608 = arith.constant 1.000000e+00 : f32
    %logistic3A_609 = vector.broadcast %logistic3A_608 : f32 to vector<512x128xf32>
    %logistic3A_610 = arith.addf %logistic3A_609, %logistic3A_607 : vector<512x128xf32>
    %logistic3A_611 = arith.divf %logistic3A_609, %logistic3A_610 : vector<512x128xf32>
    %mul3A_612 = arith.mulf %add3A_605, %logistic3A_611 : vector<512x128xf32>
    %dot_general3A_613 = arith.constant dense<0.000000e+00> : vector<512x128xf32>
    %dot_general3A_614 = tpu.matmul %mul3A_612, %get3A_15, %dot_general3A_613 {dimension_numbers = #tpu.dot_dimension_numbers<[1], [0], [0], [1], [0, 0, 1, 1], [], []>, transpose_lhs_hint = false} : vector<512x128xf32>, vector<128x128xf32>, vector<512x128xf32> -> vector<512x128xf32>
    %add3A_615 = vector.broadcast %get3A_18 : vector<1x128xf32> to vector<512x128xf32>
    %add3A_616 = arith.addf %dot_general3A_614, %add3A_615 : vector<512x128xf32>
    %logistic3A_617 = arith.negf %add3A_616 : vector<512x128xf32>
    %logistic3A_618 = math.exp %logistic3A_617 : vector<512x128xf32>
    %logistic3A_619 = arith.constant 1.000000e+00 : f32
    %logistic3A_620 = vector.broadcast %logistic3A_619 : f32 to vector<512x128xf32>
    %logistic3A_621 = arith.addf %logistic3A_620, %logistic3A_618 : vector<512x128xf32>
    %logistic3A_622 = arith.divf %logistic3A_620, %logistic3A_621 : vector<512x128xf32>
    %mul3A_623 = arith.mulf %add3A_616, %logistic3A_622 : vector<512x128xf32>
    %lt3A_624 = arith.constant 5.000000e+00 : f32
    %lt3A_625 = vector.broadcast %lt3A_624 : f32 to vector<512x1xf32>
    %lt3A_626 = arith.cmpf olt, %get3A_585, %lt3A_625 : vector<512x1xf32>
    %jit3A_627 = arith.constant 0.000000e+00 : f32
    %broadcast_in_dim3A_628 = vector.shape_cast %lt3A_626 : vector<512x1xi1> to vector<512x1xi1>
    %broadcast_in_dim3A_629 = vector.broadcast %broadcast_in_dim3A_628 : vector<512x1xi1> to vector<512x128xi1>
    %broadcast_in_dim3A_630 = vector.broadcast %jit3A_627 : f32 to vector<512x128xf32>
    %select_n3A_631 = arith.select %broadcast_in_dim3A_629, %mul3A_623, %broadcast_in_dim3A_630 : vector<512x128xi1>, vector<512x128xf32>
    %add3A_632 = arith.addf %add3A_580, %select_n3A_631 : vector<512x128xf32>
    %get3A_633 = arith.constant 0 : index
    %get3A_634 = arith.constant 0 : index
    %get3A_635 = arith.constant 12 : index
    %get3A_636 = vector.load %arg3[%get3A_633, %get3A_634, %get3A_635] : memref<1x512x16xf32, #tpu.memory_space<vmem>>, vector<1x512x1xf32>
    %get3A_637 = vector.shape_cast %get3A_636 : vector<1x512x1xf32> to vector<512x1xf32>
    %neg3A_638 = arith.constant 0.000000e+00 : f32
    %neg3A_639 = vector.broadcast %neg3A_638 : f32 to vector<1x20xf32>
    %neg3A_640 = arith.subf %neg3A_639, %get3A_9 : vector<1x20xf32>
    %sub3A_641 = vector.broadcast %get3A_637 : vector<512x1xf32> to vector<512x20xf32>
    %sub3A_642 = vector.broadcast %get3A_6 : vector<1x20xf32> to vector<512x20xf32>
    %sub3A_643 = arith.subf %sub3A_641, %sub3A_642 : vector<512x20xf32>
    %integer_pow3A_644 = arith.mulf %sub3A_643, %sub3A_643 : vector<512x20xf32>
    %mul3A_645 = vector.broadcast %neg3A_640 : vector<1x20xf32> to vector<512x20xf32>
    %mul3A_646 = arith.mulf %mul3A_645, %integer_pow3A_644 : vector<512x20xf32>
    %exp3A_647 = math.exp %mul3A_646 : vector<512x20xf32>
    %get3A_648 = arith.constant 0 : index
    %get3A_649 = arith.constant 12 : index
    %get3A_650 = arith.constant 0 : index
    %get3A_651 = arith.constant 0 : index
    %get3A_652 = vector.load %arg2[%get3A_648, %get3A_649, %get3A_650, %get3A_651] : memref<1x16x512x128xf32, #tpu.memory_space<vmem>>, vector<1x1x512x128xf32>
    %get3A_653 = vector.shape_cast %get3A_652 : vector<1x1x512x128xf32> to vector<512x128xf32>
    %add3A_654 = arith.addf %get3A_3, %get3A_653 : vector<512x128xf32>
    %dot_general3A_655 = arith.constant dense<0.000000e+00> : vector<512x128xf32>
    %dot_general3A_656 = tpu.matmul %exp3A_647, %get3A_12, %dot_general3A_655 {dimension_numbers = #tpu.dot_dimension_numbers<[1], [0], [0], [1], [0, 0, 1, 1], [], []>, transpose_lhs_hint = false} : vector<512x20xf32>, vector<20x128xf32>, vector<512x128xf32> -> vector<512x128xf32>
    %add3A_657 = arith.addf %add3A_654, %dot_general3A_656 : vector<512x128xf32>
    %logistic3A_658 = arith.negf %add3A_657 : vector<512x128xf32>
    %logistic3A_659 = math.exp %logistic3A_658 : vector<512x128xf32>
    %logistic3A_660 = arith.constant 1.000000e+00 : f32
    %logistic3A_661 = vector.broadcast %logistic3A_660 : f32 to vector<512x128xf32>
    %logistic3A_662 = arith.addf %logistic3A_661, %logistic3A_659 : vector<512x128xf32>
    %logistic3A_663 = arith.divf %logistic3A_661, %logistic3A_662 : vector<512x128xf32>
    %mul3A_664 = arith.mulf %add3A_657, %logistic3A_663 : vector<512x128xf32>
    %dot_general3A_665 = arith.constant dense<0.000000e+00> : vector<512x128xf32>
    %dot_general3A_666 = tpu.matmul %mul3A_664, %get3A_15, %dot_general3A_665 {dimension_numbers = #tpu.dot_dimension_numbers<[1], [0], [0], [1], [0, 0, 1, 1], [], []>, transpose_lhs_hint = false} : vector<512x128xf32>, vector<128x128xf32>, vector<512x128xf32> -> vector<512x128xf32>
    %add3A_667 = vector.broadcast %get3A_18 : vector<1x128xf32> to vector<512x128xf32>
    %add3A_668 = arith.addf %dot_general3A_666, %add3A_667 : vector<512x128xf32>
    %logistic3A_669 = arith.negf %add3A_668 : vector<512x128xf32>
    %logistic3A_670 = math.exp %logistic3A_669 : vector<512x128xf32>
    %logistic3A_671 = arith.constant 1.000000e+00 : f32
    %logistic3A_672 = vector.broadcast %logistic3A_671 : f32 to vector<512x128xf32>
    %logistic3A_673 = arith.addf %logistic3A_672, %logistic3A_670 : vector<512x128xf32>
    %logistic3A_674 = arith.divf %logistic3A_672, %logistic3A_673 : vector<512x128xf32>
    %mul3A_675 = arith.mulf %add3A_668, %logistic3A_674 : vector<512x128xf32>
    %lt3A_676 = arith.constant 5.000000e+00 : f32
    %lt3A_677 = vector.broadcast %lt3A_676 : f32 to vector<512x1xf32>
    %lt3A_678 = arith.cmpf olt, %get3A_637, %lt3A_677 : vector<512x1xf32>
    %jit3A_679 = arith.constant 0.000000e+00 : f32
    %broadcast_in_dim3A_680 = vector.shape_cast %lt3A_678 : vector<512x1xi1> to vector<512x1xi1>
    %broadcast_in_dim3A_681 = vector.broadcast %broadcast_in_dim3A_680 : vector<512x1xi1> to vector<512x128xi1>
    %broadcast_in_dim3A_682 = vector.broadcast %jit3A_679 : f32 to vector<512x128xf32>
    %select_n3A_683 = arith.select %broadcast_in_dim3A_681, %mul3A_675, %broadcast_in_dim3A_682 : vector<512x128xi1>, vector<512x128xf32>
    %add3A_684 = arith.addf %add3A_632, %select_n3A_683 : vector<512x128xf32>
    %get3A_685 = arith.constant 0 : index
    %get3A_686 = arith.constant 0 : index
    %get3A_687 = arith.constant 13 : index
    %get3A_688 = vector.load %arg3[%get3A_685, %get3A_686, %get3A_687] : memref<1x512x16xf32, #tpu.memory_space<vmem>>, vector<1x512x1xf32>
    %get3A_689 = vector.shape_cast %get3A_688 : vector<1x512x1xf32> to vector<512x1xf32>
    %neg3A_690 = arith.constant 0.000000e+00 : f32
    %neg3A_691 = vector.broadcast %neg3A_690 : f32 to vector<1x20xf32>
    %neg3A_692 = arith.subf %neg3A_691, %get3A_9 : vector<1x20xf32>
    %sub3A_693 = vector.broadcast %get3A_689 : vector<512x1xf32> to vector<512x20xf32>
    %sub3A_694 = vector.broadcast %get3A_6 : vector<1x20xf32> to vector<512x20xf32>
    %sub3A_695 = arith.subf %sub3A_693, %sub3A_694 : vector<512x20xf32>
    %integer_pow3A_696 = arith.mulf %sub3A_695, %sub3A_695 : vector<512x20xf32>
    %mul3A_697 = vector.broadcast %neg3A_692 : vector<1x20xf32> to vector<512x20xf32>
    %mul3A_698 = arith.mulf %mul3A_697, %integer_pow3A_696 : vector<512x20xf32>
    %exp3A_699 = math.exp %mul3A_698 : vector<512x20xf32>
    %get3A_700 = arith.constant 0 : index
    %get3A_701 = arith.constant 13 : index
    %get3A_702 = arith.constant 0 : index
    %get3A_703 = arith.constant 0 : index
    %get3A_704 = vector.load %arg2[%get3A_700, %get3A_701, %get3A_702, %get3A_703] : memref<1x16x512x128xf32, #tpu.memory_space<vmem>>, vector<1x1x512x128xf32>
    %get3A_705 = vector.shape_cast %get3A_704 : vector<1x1x512x128xf32> to vector<512x128xf32>
    %add3A_706 = arith.addf %get3A_3, %get3A_705 : vector<512x128xf32>
    %dot_general3A_707 = arith.constant dense<0.000000e+00> : vector<512x128xf32>
    %dot_general3A_708 = tpu.matmul %exp3A_699, %get3A_12, %dot_general3A_707 {dimension_numbers = #tpu.dot_dimension_numbers<[1], [0], [0], [1], [0, 0, 1, 1], [], []>, transpose_lhs_hint = false} : vector<512x20xf32>, vector<20x128xf32>, vector<512x128xf32> -> vector<512x128xf32>
    %add3A_709 = arith.addf %add3A_706, %dot_general3A_708 : vector<512x128xf32>
    %logistic3A_710 = arith.negf %add3A_709 : vector<512x128xf32>
    %logistic3A_711 = math.exp %logistic3A_710 : vector<512x128xf32>
    %logistic3A_712 = arith.constant 1.000000e+00 : f32
    %logistic3A_713 = vector.broadcast %logistic3A_712 : f32 to vector<512x128xf32>
    %logistic3A_714 = arith.addf %logistic3A_713, %logistic3A_711 : vector<512x128xf32>
    %logistic3A_715 = arith.divf %logistic3A_713, %logistic3A_714 : vector<512x128xf32>
    %mul3A_716 = arith.mulf %add3A_709, %logistic3A_715 : vector<512x128xf32>
    %dot_general3A_717 = arith.constant dense<0.000000e+00> : vector<512x128xf32>
    %dot_general3A_718 = tpu.matmul %mul3A_716, %get3A_15, %dot_general3A_717 {dimension_numbers = #tpu.dot_dimension_numbers<[1], [0], [0], [1], [0, 0, 1, 1], [], []>, transpose_lhs_hint = false} : vector<512x128xf32>, vector<128x128xf32>, vector<512x128xf32> -> vector<512x128xf32>
    %add3A_719 = vector.broadcast %get3A_18 : vector<1x128xf32> to vector<512x128xf32>
    %add3A_720 = arith.addf %dot_general3A_718, %add3A_719 : vector<512x128xf32>
    %logistic3A_721 = arith.negf %add3A_720 : vector<512x128xf32>
    %logistic3A_722 = math.exp %logistic3A_721 : vector<512x128xf32>
    %logistic3A_723 = arith.constant 1.000000e+00 : f32
    %logistic3A_724 = vector.broadcast %logistic3A_723 : f32 to vector<512x128xf32>
    %logistic3A_725 = arith.addf %logistic3A_724, %logistic3A_722 : vector<512x128xf32>
    %logistic3A_726 = arith.divf %logistic3A_724, %logistic3A_725 : vector<512x128xf32>
    %mul3A_727 = arith.mulf %add3A_720, %logistic3A_726 : vector<512x128xf32>
    %lt3A_728 = arith.constant 5.000000e+00 : f32
    %lt3A_729 = vector.broadcast %lt3A_728 : f32 to vector<512x1xf32>
    %lt3A_730 = arith.cmpf olt, %get3A_689, %lt3A_729 : vector<512x1xf32>
    %jit3A_731 = arith.constant 0.000000e+00 : f32
    %broadcast_in_dim3A_732 = vector.shape_cast %lt3A_730 : vector<512x1xi1> to vector<512x1xi1>
    %broadcast_in_dim3A_733 = vector.broadcast %broadcast_in_dim3A_732 : vector<512x1xi1> to vector<512x128xi1>
    %broadcast_in_dim3A_734 = vector.broadcast %jit3A_731 : f32 to vector<512x128xf32>
    %select_n3A_735 = arith.select %broadcast_in_dim3A_733, %mul3A_727, %broadcast_in_dim3A_734 : vector<512x128xi1>, vector<512x128xf32>
    %add3A_736 = arith.addf %add3A_684, %select_n3A_735 : vector<512x128xf32>
    %get3A_737 = arith.constant 0 : index
    %get3A_738 = arith.constant 0 : index
    %get3A_739 = arith.constant 14 : index
    %get3A_740 = vector.load %arg3[%get3A_737, %get3A_738, %get3A_739] : memref<1x512x16xf32, #tpu.memory_space<vmem>>, vector<1x512x1xf32>
    %get3A_741 = vector.shape_cast %get3A_740 : vector<1x512x1xf32> to vector<512x1xf32>
    %neg3A_742 = arith.constant 0.000000e+00 : f32
    %neg3A_743 = vector.broadcast %neg3A_742 : f32 to vector<1x20xf32>
    %neg3A_744 = arith.subf %neg3A_743, %get3A_9 : vector<1x20xf32>
    %sub3A_745 = vector.broadcast %get3A_741 : vector<512x1xf32> to vector<512x20xf32>
    %sub3A_746 = vector.broadcast %get3A_6 : vector<1x20xf32> to vector<512x20xf32>
    %sub3A_747 = arith.subf %sub3A_745, %sub3A_746 : vector<512x20xf32>
    %integer_pow3A_748 = arith.mulf %sub3A_747, %sub3A_747 : vector<512x20xf32>
    %mul3A_749 = vector.broadcast %neg3A_744 : vector<1x20xf32> to vector<512x20xf32>
    %mul3A_750 = arith.mulf %mul3A_749, %integer_pow3A_748 : vector<512x20xf32>
    %exp3A_751 = math.exp %mul3A_750 : vector<512x20xf32>
    %get3A_752 = arith.constant 0 : index
    %get3A_753 = arith.constant 14 : index
    %get3A_754 = arith.constant 0 : index
    %get3A_755 = arith.constant 0 : index
    %get3A_756 = vector.load %arg2[%get3A_752, %get3A_753, %get3A_754, %get3A_755] : memref<1x16x512x128xf32, #tpu.memory_space<vmem>>, vector<1x1x512x128xf32>
    %get3A_757 = vector.shape_cast %get3A_756 : vector<1x1x512x128xf32> to vector<512x128xf32>
    %add3A_758 = arith.addf %get3A_3, %get3A_757 : vector<512x128xf32>
    %dot_general3A_759 = arith.constant dense<0.000000e+00> : vector<512x128xf32>
    %dot_general3A_760 = tpu.matmul %exp3A_751, %get3A_12, %dot_general3A_759 {dimension_numbers = #tpu.dot_dimension_numbers<[1], [0], [0], [1], [0, 0, 1, 1], [], []>, transpose_lhs_hint = false} : vector<512x20xf32>, vector<20x128xf32>, vector<512x128xf32> -> vector<512x128xf32>
    %add3A_761 = arith.addf %add3A_758, %dot_general3A_760 : vector<512x128xf32>
    %logistic3A_762 = arith.negf %add3A_761 : vector<512x128xf32>
    %logistic3A_763 = math.exp %logistic3A_762 : vector<512x128xf32>
    %logistic3A_764 = arith.constant 1.000000e+00 : f32
    %logistic3A_765 = vector.broadcast %logistic3A_764 : f32 to vector<512x128xf32>
    %logistic3A_766 = arith.addf %logistic3A_765, %logistic3A_763 : vector<512x128xf32>
    %logistic3A_767 = arith.divf %logistic3A_765, %logistic3A_766 : vector<512x128xf32>
    %mul3A_768 = arith.mulf %add3A_761, %logistic3A_767 : vector<512x128xf32>
    %dot_general3A_769 = arith.constant dense<0.000000e+00> : vector<512x128xf32>
    %dot_general3A_770 = tpu.matmul %mul3A_768, %get3A_15, %dot_general3A_769 {dimension_numbers = #tpu.dot_dimension_numbers<[1], [0], [0], [1], [0, 0, 1, 1], [], []>, transpose_lhs_hint = false} : vector<512x128xf32>, vector<128x128xf32>, vector<512x128xf32> -> vector<512x128xf32>
    %add3A_771 = vector.broadcast %get3A_18 : vector<1x128xf32> to vector<512x128xf32>
    %add3A_772 = arith.addf %dot_general3A_770, %add3A_771 : vector<512x128xf32>
    %logistic3A_773 = arith.negf %add3A_772 : vector<512x128xf32>
    %logistic3A_774 = math.exp %logistic3A_773 : vector<512x128xf32>
    %logistic3A_775 = arith.constant 1.000000e+00 : f32
    %logistic3A_776 = vector.broadcast %logistic3A_775 : f32 to vector<512x128xf32>
    %logistic3A_777 = arith.addf %logistic3A_776, %logistic3A_774 : vector<512x128xf32>
    %logistic3A_778 = arith.divf %logistic3A_776, %logistic3A_777 : vector<512x128xf32>
    %mul3A_779 = arith.mulf %add3A_772, %logistic3A_778 : vector<512x128xf32>
    %lt3A_780 = arith.constant 5.000000e+00 : f32
    %lt3A_781 = vector.broadcast %lt3A_780 : f32 to vector<512x1xf32>
    %lt3A_782 = arith.cmpf olt, %get3A_741, %lt3A_781 : vector<512x1xf32>
    %jit3A_783 = arith.constant 0.000000e+00 : f32
    %broadcast_in_dim3A_784 = vector.shape_cast %lt3A_782 : vector<512x1xi1> to vector<512x1xi1>
    %broadcast_in_dim3A_785 = vector.broadcast %broadcast_in_dim3A_784 : vector<512x1xi1> to vector<512x128xi1>
    %broadcast_in_dim3A_786 = vector.broadcast %jit3A_783 : f32 to vector<512x128xf32>
    %select_n3A_787 = arith.select %broadcast_in_dim3A_785, %mul3A_779, %broadcast_in_dim3A_786 : vector<512x128xi1>, vector<512x128xf32>
    %add3A_788 = arith.addf %add3A_736, %select_n3A_787 : vector<512x128xf32>
    %get3A_789 = arith.constant 0 : index
    %get3A_790 = arith.constant 0 : index
    %get3A_791 = arith.constant 15 : index
    %get3A_792 = vector.load %arg3[%get3A_789, %get3A_790, %get3A_791] : memref<1x512x16xf32, #tpu.memory_space<vmem>>, vector<1x512x1xf32>
    %get3A_793 = vector.shape_cast %get3A_792 : vector<1x512x1xf32> to vector<512x1xf32>
    %neg3A_794 = arith.constant 0.000000e+00 : f32
    %neg3A_795 = vector.broadcast %neg3A_794 : f32 to vector<1x20xf32>
    %neg3A_796 = arith.subf %neg3A_795, %get3A_9 : vector<1x20xf32>
    %sub3A_797 = vector.broadcast %get3A_793 : vector<512x1xf32> to vector<512x20xf32>
    %sub3A_798 = vector.broadcast %get3A_6 : vector<1x20xf32> to vector<512x20xf32>
    %sub3A_799 = arith.subf %sub3A_797, %sub3A_798 : vector<512x20xf32>
    %integer_pow3A_800 = arith.mulf %sub3A_799, %sub3A_799 : vector<512x20xf32>
    %mul3A_801 = vector.broadcast %neg3A_796 : vector<1x20xf32> to vector<512x20xf32>
    %mul3A_802 = arith.mulf %mul3A_801, %integer_pow3A_800 : vector<512x20xf32>
    %exp3A_803 = math.exp %mul3A_802 : vector<512x20xf32>
    %get3A_804 = arith.constant 0 : index
    %get3A_805 = arith.constant 15 : index
    %get3A_806 = arith.constant 0 : index
    %get3A_807 = arith.constant 0 : index
    %get3A_808 = vector.load %arg2[%get3A_804, %get3A_805, %get3A_806, %get3A_807] : memref<1x16x512x128xf32, #tpu.memory_space<vmem>>, vector<1x1x512x128xf32>
    %get3A_809 = vector.shape_cast %get3A_808 : vector<1x1x512x128xf32> to vector<512x128xf32>
    %add3A_810 = arith.addf %get3A_3, %get3A_809 : vector<512x128xf32>
    %dot_general3A_811 = arith.constant dense<0.000000e+00> : vector<512x128xf32>
    %dot_general3A_812 = tpu.matmul %exp3A_803, %get3A_12, %dot_general3A_811 {dimension_numbers = #tpu.dot_dimension_numbers<[1], [0], [0], [1], [0, 0, 1, 1], [], []>, transpose_lhs_hint = false} : vector<512x20xf32>, vector<20x128xf32>, vector<512x128xf32> -> vector<512x128xf32>
    %add3A_813 = arith.addf %add3A_810, %dot_general3A_812 : vector<512x128xf32>
    %logistic3A_814 = arith.negf %add3A_813 : vector<512x128xf32>
    %logistic3A_815 = math.exp %logistic3A_814 : vector<512x128xf32>
    %logistic3A_816 = arith.constant 1.000000e+00 : f32
    %logistic3A_817 = vector.broadcast %logistic3A_816 : f32 to vector<512x128xf32>
    %logistic3A_818 = arith.addf %logistic3A_817, %logistic3A_815 : vector<512x128xf32>
    %logistic3A_819 = arith.divf %logistic3A_817, %logistic3A_818 : vector<512x128xf32>
    %mul3A_820 = arith.mulf %add3A_813, %logistic3A_819 : vector<512x128xf32>
    %dot_general3A_821 = arith.constant dense<0.000000e+00> : vector<512x128xf32>
    %dot_general3A_822 = tpu.matmul %mul3A_820, %get3A_15, %dot_general3A_821 {dimension_numbers = #tpu.dot_dimension_numbers<[1], [0], [0], [1], [0, 0, 1, 1], [], []>, transpose_lhs_hint = false} : vector<512x128xf32>, vector<128x128xf32>, vector<512x128xf32> -> vector<512x128xf32>
    %add3A_823 = vector.broadcast %get3A_18 : vector<1x128xf32> to vector<512x128xf32>
    %add3A_824 = arith.addf %dot_general3A_822, %add3A_823 : vector<512x128xf32>
    %logistic3A_825 = arith.negf %add3A_824 : vector<512x128xf32>
    %logistic3A_826 = math.exp %logistic3A_825 : vector<512x128xf32>
    %logistic3A_827 = arith.constant 1.000000e+00 : f32
    %logistic3A_828 = vector.broadcast %logistic3A_827 : f32 to vector<512x128xf32>
    %logistic3A_829 = arith.addf %logistic3A_828, %logistic3A_826 : vector<512x128xf32>
    %logistic3A_830 = arith.divf %logistic3A_828, %logistic3A_829 : vector<512x128xf32>
    %mul3A_831 = arith.mulf %add3A_824, %logistic3A_830 : vector<512x128xf32>
    %lt3A_832 = arith.constant 5.000000e+00 : f32
    %lt3A_833 = vector.broadcast %lt3A_832 : f32 to vector<512x1xf32>
    %lt3A_834 = arith.cmpf olt, %get3A_793, %lt3A_833 : vector<512x1xf32>
    %jit3A_835 = arith.constant 0.000000e+00 : f32
    %broadcast_in_dim3A_836 = vector.shape_cast %lt3A_834 : vector<512x1xi1> to vector<512x1xi1>
    %broadcast_in_dim3A_837 = vector.broadcast %broadcast_in_dim3A_836 : vector<512x1xi1> to vector<512x128xi1>
    %broadcast_in_dim3A_838 = vector.broadcast %jit3A_835 : f32 to vector<512x128xf32>
    %select_n3A_839 = arith.select %broadcast_in_dim3A_837, %mul3A_831, %broadcast_in_dim3A_838 : vector<512x128xi1>, vector<512x128xf32>
    %add3A_840 = arith.addf %add3A_788, %select_n3A_839 : vector<512x128xf32>
    %get3A_841 = arith.constant 0 : index
    %get3A_842 = arith.constant 0 : index
    %get3A_843 = arith.constant 0 : index
    %get3A_844 = vector.load %arg5[%get3A_841, %get3A_842, %get3A_843] : memref<1x512x128xf32, #tpu.memory_space<vmem>>, vector<1x512x128xf32>
    %get3A_845 = vector.shape_cast %get3A_844 : vector<1x512x128xf32> to vector<512x128xf32>
    %get3A_846 = arith.constant 0 : index
    %get3A_847 = arith.constant 0 : index
    %get3A_848 = vector.load %arg9[%get3A_846, %get3A_847] : memref<128x128xf32, #tpu.memory_space<vmem>>, vector<128x128xf32>
    %dot_general3A_849 = arith.constant dense<0.000000e+00> : vector<512x128xf32>
    %dot_general3A_850 = tpu.matmul %get3A_845, %get3A_848, %dot_general3A_849 {dimension_numbers = #tpu.dot_dimension_numbers<[1], [0], [0], [1], [0, 0, 1, 1], [], []>, transpose_lhs_hint = false} : vector<512x128xf32>, vector<128x128xf32>, vector<512x128xf32> -> vector<512x128xf32>
    %get3A_851 = arith.constant 0 : index
    %get3A_852 = arith.constant 0 : index
    %get3A_853 = vector.load %arg10[%get3A_851, %get3A_852] : memref<128x128xf32, #tpu.memory_space<vmem>>, vector<128x128xf32>
    %dot_general3A_854 = arith.constant dense<0.000000e+00> : vector<512x128xf32>
    %dot_general3A_855 = tpu.matmul %add3A_840, %get3A_853, %dot_general3A_854 {dimension_numbers = #tpu.dot_dimension_numbers<[1], [0], [0], [1], [0, 0, 1, 1], [], []>, transpose_lhs_hint = false} : vector<512x128xf32>, vector<128x128xf32>, vector<512x128xf32> -> vector<512x128xf32>
    %add3A_856 = arith.addf %dot_general3A_850, %dot_general3A_855 : vector<512x128xf32>
    %get3A_857 = arith.constant 0 : index
    %get3A_858 = arith.constant 0 : index
    %get3A_859 = vector.load %arg11[%get3A_857, %get3A_858] : memref<1x128xf32, #tpu.memory_space<vmem>>, vector<1x128xf32>
    %add3A_860 = vector.broadcast %get3A_859 : vector<1x128xf32> to vector<512x128xf32>
    %add3A_861 = arith.addf %add3A_856, %add3A_860 : vector<512x128xf32>
    %logistic3A_862 = arith.negf %add3A_861 : vector<512x128xf32>
    %logistic3A_863 = math.exp %logistic3A_862 : vector<512x128xf32>
    %logistic3A_864 = arith.constant 1.000000e+00 : f32
    %logistic3A_865 = vector.broadcast %logistic3A_864 : f32 to vector<512x128xf32>
    %logistic3A_866 = arith.addf %logistic3A_865, %logistic3A_863 : vector<512x128xf32>
    %logistic3A_867 = arith.divf %logistic3A_865, %logistic3A_866 : vector<512x128xf32>
    %mul3A_868 = arith.mulf %add3A_861, %logistic3A_867 : vector<512x128xf32>
    %get3A_869 = arith.constant 0 : index
    %get3A_870 = arith.constant 0 : index
    %get3A_871 = vector.load %arg12[%get3A_869, %get3A_870] : memref<128x128xf32, #tpu.memory_space<vmem>>, vector<128x128xf32>
    %dot_general3A_872 = arith.constant dense<0.000000e+00> : vector<512x128xf32>
    %dot_general3A_873 = tpu.matmul %mul3A_868, %get3A_871, %dot_general3A_872 {dimension_numbers = #tpu.dot_dimension_numbers<[1], [0], [0], [1], [0, 0, 1, 1], [], []>, transpose_lhs_hint = false} : vector<512x128xf32>, vector<128x128xf32>, vector<512x128xf32> -> vector<512x128xf32>
    %add3A_874 = arith.addf %get3A_845, %dot_general3A_873 : vector<512x128xf32>
    %get3A_875 = arith.constant 0 : index
    %get3A_876 = arith.constant 0 : index
    %get3A_877 = vector.load %arg13[%get3A_875, %get3A_876] : memref<1x128xf32, #tpu.memory_space<vmem>>, vector<1x128xf32>
    %add3A_878 = vector.broadcast %get3A_877 : vector<1x128xf32> to vector<512x128xf32>
    %add3A_879 = arith.addf %add3A_874, %add3A_878 : vector<512x128xf32>
    %reduce_sum3A = arith.constant dense<0.000000e+00> : vector<512xf32>
    %reduce_sum3A_880 = vector.multi_reduction <add>, %add3A_879, %reduce_sum3A [1] : vector<512x128xf32> to vector<512xf32>
    %broadcast_in_dim3A_881 = vector.shape_cast %reduce_sum3A_880 : vector<512xf32> to vector<512x1xf32>
    %div3A = arith.constant 1.280000e+02 : f32
    %div3A_882 = vector.broadcast %div3A : f32 to vector<512x1xf32>
    %div3A_883 = arith.divf %broadcast_in_dim3A_881, %div3A_882 : vector<512x1xf32>
    %sub3A_884 = vector.broadcast %div3A_883 : vector<512x1xf32> to vector<512x128xf32>
    %sub3A_885 = arith.subf %add3A_879, %sub3A_884 : vector<512x128xf32>
    %integer_pow3A_886 = arith.mulf %sub3A_885, %sub3A_885 : vector<512x128xf32>
    %reduce_sum3A_887 = arith.constant dense<0.000000e+00> : vector<512xf32>
    %reduce_sum3A_888 = vector.multi_reduction <add>, %integer_pow3A_886, %reduce_sum3A_887 [1] : vector<512x128xf32> to vector<512xf32>
    %broadcast_in_dim3A_889 = vector.shape_cast %reduce_sum3A_888 : vector<512xf32> to vector<512x1xf32>
    %div3A_890 = arith.constant 1.280000e+02 : f32
    %div3A_891 = vector.broadcast %div3A_890 : f32 to vector<512x1xf32>
    %div3A_892 = arith.divf %broadcast_in_dim3A_889, %div3A_891 : vector<512x1xf32>
    %sub3A_893 = vector.broadcast %div3A_883 : vector<512x1xf32> to vector<512x128xf32>
    %sub3A_894 = arith.subf %add3A_879, %sub3A_893 : vector<512x128xf32>
    %add3A_895 = arith.constant 9.99999974E-6 : f32
    %add3A_896 = vector.broadcast %add3A_895 : f32 to vector<512x1xf32>
    %add3A_897 = arith.addf %div3A_892, %add3A_896 : vector<512x1xf32>
    %sqrt3A = math.sqrt %add3A_897 : vector<512x1xf32>
    %div3A_898 = vector.broadcast %sqrt3A : vector<512x1xf32> to vector<512x128xf32>
    %div3A_899 = arith.divf %sub3A_894, %div3A_898 : vector<512x128xf32>
    %get3A_900 = arith.constant 0 : index
    %get3A_901 = arith.constant 0 : index
    %get3A_902 = vector.load %arg14[%get3A_900, %get3A_901] : memref<1x128xf32, #tpu.memory_space<vmem>>, vector<1x128xf32>
    %mul3A_903 = vector.broadcast %get3A_902 : vector<1x128xf32> to vector<512x128xf32>
    %mul3A_904 = arith.mulf %div3A_899, %mul3A_903 : vector<512x128xf32>
    %get3A_905 = arith.constant 0 : index
    %get3A_906 = arith.constant 0 : index
    %get3A_907 = vector.load %arg15[%get3A_905, %get3A_906] : memref<1x128xf32, #tpu.memory_space<vmem>>, vector<1x128xf32>
    %add3A_908 = vector.broadcast %get3A_907 : vector<1x128xf32> to vector<512x128xf32>
    %add3A_909 = arith.addf %mul3A_904, %add3A_908 : vector<512x128xf32>
    %swap3A = arith.constant 0 : index
    %swap3A_910 = arith.constant 0 : index
    %swap3A_911 = arith.constant 0 : index
    %swap3A_912 = vector.load %arg19[%swap3A, %swap3A_910, %swap3A_911] : memref<1x512x128xf32, #tpu.memory_space<vmem>>, vector<1x512x128xf32>
    %swap3A_913 = vector.shape_cast %swap3A_912 : vector<1x512x128xf32> to vector<512x128xf32>
    %swap3A_914 = vector.shape_cast %add3A_909 : vector<512x128xf32> to vector<1x512x128xf32>
    tpu.vector_store %arg19[%swap3A, %swap3A_910, %swap3A_911], %swap3A_914 {strides = array<i32>} : memref<1x512x128xf32, #tpu.memory_space<vmem>>, vector<1x512x128xf32>,
    return
  }
  func.func @transform_0(%arg0: i32, %arg1: i32) -> (i32, i32, i32, i32) {
    %c0_i32 = arith.constant 0 : i32
    %c0_i32_0 = arith.constant 0 : i32
    %c0_i32_1 = arith.constant 0 : i32
    return %arg0, %c0_i32, %arg1, %c0_i32_0 : i32, i32, i32, i32
  }
  func.func @transform_1(%arg0: i32, %arg1: i32) -> (i32, i32, i32) {
    %c0_i32 = arith.constant 0 : i32
    %c0_i32_0 = arith.constant 0 : i32
    return %arg0, %arg1, %c0_i32 : i32, i32, i32
  }
  func.func @transform_2(%arg0: i32, %arg1: i32) -> (i32, i32, i32) {
    %add3A = arith.constant 2 : i32
    %add3A_0 = arith.addi %arg1, %add3A : i32
    %c0_i32 = arith.constant 0 : i32
    %c0_i32_1 = arith.constant 0 : i32
    return %arg0, %add3A_0, %c0_i32 : i32, i32, i32
  }
  func.func @transform_3(%arg0: i32, %arg1: i32) -> (i32, i32, i32) {
    %add3A = arith.constant 2 : i32
    %add3A_0 = arith.addi %arg1, %add3A : i32
    %c0_i32 = arith.constant 0 : i32
    %c0_i32_1 = arith.constant 0 : i32
    return %arg0, %add3A_0, %c0_i32 : i32, i32, i32
  }
  func.func @transform_4(%arg0: i32, %arg1: i32) -> (i32, i32) {
    %c0_i32 = arith.constant 0 : i32
    %c0_i32_0 = arith.constant 0 : i32
    %c0_i32_1 = arith.constant 0 : i32
    return %c0_i32, %c0_i32_0 : i32, i32
  }
  func.func @transform_5(%arg0: i32, %arg1: i32) -> (i32, i32) {
    %c0_i32 = arith.constant 0 : i32
    %c0_i32_0 = arith.constant 0 : i32
    %c0_i32_1 = arith.constant 0 : i32
    return %c0_i32, %c0_i32_0 : i32, i32
  }
  func.func @transform_6(%arg0: i32, %arg1: i32) -> (i32, i32) {
    %c0_i32 = arith.constant 0 : i32
    %c0_i32_0 = arith.constant 0 : i32
    %c0_i32_1 = arith.constant 0 : i32
    return %c0_i32, %c0_i32_0 : i32, i32
  }
  func.func @transform_7(%arg0: i32, %arg1: i32) -> (i32, i32) {
    %c0_i32 = arith.constant 0 : i32
    %c0_i32_0 = arith.constant 0 : i32
    %c0_i32_1 = arith.constant 0 : i32
    return %c0_i32, %c0_i32_0 : i32, i32
  }
  func.func @transform_8(%arg0: i32, %arg1: i32) -> (i32, i32) {
    %c0_i32 = arith.constant 0 : i32
    %c0_i32_0 = arith.constant 0 : i32
    %c0_i32_1 = arith.constant 0 : i32
    return %c0_i32, %c0_i32_0 : i32, i32
  }
  func.func @transform_9(%arg0: i32, %arg1: i32) -> (i32, i32) {
    %c0_i32 = arith.constant 0 : i32
    %c0_i32_0 = arith.constant 0 : i32
    %c0_i32_1 = arith.constant 0 : i32
    return %c0_i32, %c0_i32_0 : i32, i32
  }
  func.func @transform_10(%arg0: i32, %arg1: i32) -> (i32, i32) {
    %c0_i32 = arith.constant 0 : i32
    %c0_i32_0 = arith.constant 0 : i32
    %c0_i32_1 = arith.constant 0 : i32
    return %c0_i32, %c0_i32_0 : i32, i32
  }
  func.func @transform_11(%arg0: i32, %arg1: i32) -> (i32, i32) {
    %c0_i32 = arith.constant 0 : i32
    %c0_i32_0 = arith.constant 0 : i32
    %c0_i32_1 = arith.constant 0 : i32
    return %c0_i32, %c0_i32_0 : i32, i32
  }
  func.func @transform_12(%arg0: i32, %arg1: i32) -> (i32, i32) {
    %c0_i32 = arith.constant 0 : i32
    %c0_i32_0 = arith.constant 0 : i32
    %c0_i32_1 = arith.constant 0 : i32
    return %c0_i32, %c0_i32_0 : i32, i32
  }
  func.func @transform_13(%arg0: i32, %arg1: i32) -> (i32, i32) {
    %c0_i32 = arith.constant 0 : i32
    %c0_i32_0 = arith.constant 0 : i32
    %c0_i32_1 = arith.constant 0 : i32
    return %c0_i32, %c0_i32_0 : i32, i32
  }
  func.func @transform_14(%arg0: i32, %arg1: i32) -> (i32, i32) {
    %c0_i32 = arith.constant 0 : i32
    %c0_i32_0 = arith.constant 0 : i32
    %c0_i32_1 = arith.constant 0 : i32
    return %c0_i32, %c0_i32_0 : i32, i32
  }
  func.func @transform_15(%arg0: i32, %arg1: i32) -> (i32, i32) {
    %c0_i32 = arith.constant 0 : i32
    %c0_i32_0 = arith.constant 0 : i32
    %c0_i32_1 = arith.constant 0 : i32
    return %c0_i32, %c0_i32_0 : i32, i32
  }
  func.func @transform_17(%arg0: i32, %arg1: i32) -> (i32, i32, i32) {
    %add3A = arith.constant 2 : i32
    %add3A_0 = arith.addi %arg1, %add3A : i32
    %c0_i32 = arith.constant 0 : i32
    %c0_i32_1 = arith.constant 0 : i32
    return %arg0, %add3A_0, %c0_i32 : i32, i32, i32
  }
}

</mosaic_0001>

<sc_bundles>
// kernel: kernel.11.cloned.1.call-start
scs
__scs_entry_jumppad:
0x0: {  	(pc) =	sbr.rel $0x88, $3  }
0x1: {  	(tag) =	ssettag $0x0;
	lr =	simm.s32 $0x1  }
0x2: {  	[smem:$0x3F93] =	sst lr;
	_ =	strace $0xD0000000  }
0x3: {  	_ = 	snop  }
0x4: {  	_ = 	snop  }
0x5: {  	_ = 	snop  }
0x6: {  	_ = 	snop  }
0x7: {  	_ = 	snop  }
__scs_overlays_trampoline_lowered:
0x8: {  	[smem:$0x3FA2] =	sst s0  }
0x9: {  	[smem:$0x3FA3] =	sst s1  }
0xa: {  	[smem:$0x3FA4] =	sst s2  }
0xb: {  	[smem:$0x3FA5] =	sst s3  }
0xc: {  	[smem:$0x3FA6] =	sst s4  }
0xd: {  	[smem:$0x3FA7] =	sst s5  }
0xe: {  	[smem:$0x3FA8] =	sst s6  }
0xf: {  	[smem:$0x3FA9] =	sst s7  }
0x10: {  	[smem:$0x3FAA] =	sst s8  }
0x11: {  	[smem:$0x3FAB] =	sst s9;
	s0 =	simm.s32 @!p0 $0x0  }
0x12: {  	s1 =	sld [smem:$0x3F91];
	s0 =	simm.s32 @p0 $0x1  }
0x13: {  	[smem:$0x3FAC] =	sst s0;
	s0 =	simm.s32 @!p1 $0x0  }
0x14: {  	s2 =	sld [smem:$0x3F90];
	s0 =	simm.s32 @p1 $0x1  }
0x15: {  	[smem:$0x3FAD] =	sst s0;
	s0 =	simm.s32 @!p2 $0x0  }
0x16: {  	s3 =	sld [smem:$0x3FDB];
	s0 =	simm.s32 @p2 $0x1  }
0x17: {  	s4 =	simm.s32 $0x1BF5;
	[smem:$0x3FAF] =	sst s0  }
0x18: {  	s0 =	sld [smem:$0x3F92];
	_ =	swait.ge [sflag:s4], $0x0  }
0x19: {  	s7 =	sld [smem:$0x3F93]  }
0x1a: {  	s8 =	sadd.s32 $0xFFFFE003, lr  }
0x1b: {  	s9 =	sadd.s32 $0xFFFFFEF7, lr;
	s5 =	simm.s32 $0xFFFFFFFF;
	p2 =	slt.u32 s8, $0xFFFFF086  }
0x1c: {  	p1 =	slt.u32 s9, $0xF7A;
	s5 =	simm.s32 @!p2 $0x0  }
0x1d: {  	s5 =	simm.s32 @p1 $0x1;
	p0 =	seq.s32 s7, s2  }
0x1e: {  	s7 =	smul.u32 @!p0 $0xF7A, s2;
	p2 =	seq.s32 @!p0 s5, $0x0  }
0x1f: {  	s9 =	smul.u32 $0xF7A, s1;
	s8 =	simm.s32 @!p0 $0x1BF5;
	p2 =	por !p2, p0  }
0x20: {  	[sflag:s8] =	ssyncset.s32 @!p0 $0xFFFFF086;
	s6 =	sadd.s32 @!p0 s3, s7;
	s7 =	simm.s32 @!p0 $0x108  }
0x21: {  	s3 =	sadd.s32 s3, s9;
	s6 =	sadd.s32 @!p0 $0x88, s6;
	s7 =	simm.s32 @p2 $0x1082  }
0x22: {  	[simem:s7], [sflag:s8] =	dma.local @!p0 [hbm:s6], $0xF7A  }
0x23: {  	s9 =	sor.u32 $0xD0000000, s2;
	s6 =	simm.s32 $0x108;
	_ =	swait.ge @!p0 [sflag:s8], $0x0  }
0x24: {  	s3 =	sadd.s32 $0x88, s3;
	s6 =	simm.s32 @!p1 $0x1082;
	[sflag:s4] =	ssyncset.s32 $0xFFFFF086  }
0x25: {  	[simem:s6], [sflag:s4] =	dma.local [hbm:s3], $0xF7A  }
0x26: {  	[smem:$0x3F93] =	sst s1;
	(tag) =	ssettag s2;
	_ =	strace s9  }
0x27: {  	s1 =	sld [smem:$0x3FA3]  }
0x28: {  	s2 =	sld [smem:$0x3FA4]  }
0x29: {  	s4 =	sld [smem:$0x3FA6]  }
0x2a: {  	p0 =	seq.s32 s5, $0x0;
	s5 =	sld [smem:$0x3FA7]  }
0x2b: {  	s6 =	sld [smem:$0x3FA8]  }
0x2c: {  	s7 =	sld [smem:$0x3FA9]  }
0x2d: {  	s3 =	simm.s32 $0x108;
	s8 =	sld [smem:$0x3FAA]  }
0x2e: {  	s3 =	simm.s32 @!p0 $0x1082;
	s9 =	sld [smem:$0x3FAB]  }
0x2f: {  	lr =	sadd.s32 s0, s3;
	s0 =	sld [smem:$0x3FA2]  }
0x30: {  	s3 =	sld [smem:$0x3FA5]  }
0x31: {  	[smem:$0x3FAE] =	sst s10  }
0x32: {  	s10 =	sld [smem:$0x3FAC];
	_ =	sdelay $0x3  }
0x33: {  	p0 =	seq.s32 s10, $0x1;
	s10 =	sld [smem:$0x3FAE];
	_ =	sdelay $0x3  }
0x34: {  	[smem:$0x3FAE] =	sst s10  }
0x35: {  	s10 =	sld [smem:$0x3FAD];
	_ =	sdelay $0x3  }
0x36: {  	p1 =	seq.s32 s10, $0x1;
	s10 =	sld [smem:$0x3FAE];
	_ =	sdelay $0x3  }
0x37: {  	[smem:$0x3FAE] =	sst s10  }
0x38: {  	s10 =	sld [smem:$0x3FAF]  }
0x39: {  	_ = 	snop;
	(pc) =	sbr.ind lr, $3  }
0x3a: {  	_ = 	snop  }
0x3b: {  	_ = 	snop  }
0x3c: {  	p2 =	seq.s32 s10, $0x1;
	s10 =	sld [smem:$0x3FAE]  }
0x3d: {  	_ =	shalt  }
0x3e: {  	_ =	shalt  }
0x3f: {  	_ =	shalt  }
0x40: {  	_ =	shalt  }
0x41: {  	_ =	shalt  }
0x42: {  	_ =	shalt  }
0x43: {  	_ =	shalt  }
0x44: {  	_ =	shalt  }
0x45: {  	_ =	shalt  }
0x46: {  	_ =	shalt  }
0x47: {  	_ =	shalt  }
0x48: {  	_ =	shalt  }
0x49: {  	_ =	shalt  }
0x4a: {  	_ =	shalt  }
0x4b: {  	_ =	shalt  }
0x4c: {  	_ =	shalt  }
0x4d: {  	_ =	shalt  }
0x4e: {  	_ =	shalt  }
0x4f: {  	_ =	shalt  }
0x50: {  	_ =	shalt  }
0x51: {  	_ =	shalt  }
0x52: {  	_ =	shalt  }
0x53: {  	_ =	shalt  }
0x54: {  	_ =	shalt  }
0x55: {  	_ =	shalt  }
0x56: {  	_ =	shalt  }
0x57: {  	_ =	shalt  }
0x58: {  	_ =	shalt  }
0x59: {  	_ =	shalt  }
0x5a: {  	_ =	shalt  }
0x5b: {  	_ =	shalt  }
0x5c: {  	_ =	shalt  }
0x5d: {  	_ =	shalt  }
0x5e: {  	_ =	shalt  }
0x5f: {  	_ =	shalt  }
0x60: {  	_ =	shalt  }
0x61: {  	_ =	shalt  }
0x62: {  	_ =	shalt  }
0x63: {  	_ =	shalt  }
0x64: {  	_ =	shalt  }
0x65: {  	_ =	shalt  }
0x66: {  	_ =	shalt  }
0x67: {  	_ =	shalt  }
0x68: {  	_ =	shalt  }
0x69: {  	_ =	shalt  }
0x6a: {  	_ =	shalt  }
0x6b: {  	_ =	shalt  }
0x6c: {  	_ =	shalt  }
0x6d: {  	_ =	shalt  }
0x6e: {  	_ =	shalt  }
0x6f: {  	_ =	shalt  }
0x70: {  	_ =	shalt  }
0x71: {  	_ =	shalt  }
0x72: {  	_ =	shalt  }
0x73: {  	_ =	shalt  }
0x74: {  	_ =	shalt  }
0x75: {  	_ =	shalt  }
0x76: {  	_ =	shalt  }
0x77: {  	_ =	shalt  }
0x78: {  	_ =	shalt  }
0x79: {  	_ =	shalt  }
0x7a: {  	_ =	shalt  }
0x7b: {  	_ =	shalt  }
0x7c: {  	_ =	shalt  }
0x7d: {  	_ =	shalt  }
0x7e: {  	_ =	shalt  }
0x7f: {  	_ =	shalt  }
0x80: {  	_ =	shalt  }
0x81: {  	_ =	shalt  }
0x82: {  	_ =	shalt  }
0x83: {  	_ =	shalt  }
0x84: {  	_ =	shalt  }
0x85: {  	_ =	shalt  }
0x86: {  	_ =	shalt  }
0x87: {  	_ =	shalt  }
.Lfunc_end0:
.L_simem_size_0:
called_computation.1_lowered:
.L_overlay_start_0:
0x88: {  	s2 =	sld [smem:$0x3FD9]  }
0x89: {  	s3 =	sld [smem:$0x3FFE];
	_ =	sdelay $0x1  }
0x8a: {  	s1 =	srdreg.scid  }
0x8b: {  	s0 =	sand.u32 $0x1, s1  }
0x8c: {  	s17 =	sshll.u32 s0, $0xA;
	s2 =	sadd.s32 s3, s2  }
0x8d: {  	s2 =	sadd.s32 s2, s17  }
0x8e: {  	[smem:$0x3FBA] =	sst s2  }
0x8f: {  	_ = 	snop  }
0x90: {  	(tm) =	ssettm $0x1  }
0x91: {  	s18 =	sld [smem:$0x3FFB];
	_ =	sdelay $0x3  }
0x92: {  	_ =	strace s18  }
0x93: {  	s2 =	sld [smem:$0x3FFC];
	_ =	sdelay $0x3  }
0x94: {  	_ =	strace s2  }
0x95: {  	s2 =	sld [smem:$0x3FFD];
	_ =	sdelay $0x3  }
0x96: {  	_ =	strace s2  }
0x97: {  	_ =	strace $0x8FFFFFFF  }
0x98: {  	s19 =	sld [smem:$0x3FDB];
	_ =	sdelay $0x1  }
0x99: {  	s20 =	simm.s32 $_scs_section_size  }
0x9a: {  	s4 =	simm.s32 $_size__tile_overlayer_lowered;
	s5 =	simm.s32 $_tile_overlayer_lowered  }
0x9b: {  	s6 =	simm.s32 $0x1BFF;
	s21 =	sshll.u32 s5, $0x1;
	s3 =	sadd.s32 s20, s19  }
0x9c: {  	s22 =	simm.s32 $0x0;
	s4 =	sshll.u32 s4, $0x1;
	s5 =	sadd.s32 s21, s3  }
0x9d: {  	[timem:s22], [sflag:s6] =	dma.local [hbm:s5], s4  }
0x9e: {  	_ =	swait.ge [sflag:s6], s4  }
0x9f: {  	s4 =	ssub.s32 $0x0, s4;
	[sflag:s6] =	ssyncset.done $0x0  }
0xa0: {  	[sflag:s6] =	ssyncadd.s32 s4;
	_ =	sdelay $0x1  }
0xa1: {  	s23 =	simm.s32 $0x1B8B  }
0xa2: {  	_ =	swait.ge [sflag:s23], $0x1  }
0xa3: {  	[sflag:s23] =	ssyncset.done $0x0  }
0xa4: {  	[sflag:s23] =	ssyncadd.s32 $0xFFFFFFFF  }
0xa5: {  	s4 =	sld [smem:$0x0]  }
0xa6: {  	s5 =	sand.u32 $0xFFFFFFFE, s1  }
0xa7: {  	p0 =	sne.s32 s1, s5  }
0xa8: {  	s5 =	sshll.u32 @p0 s5, $0xE  }
0xa9: {  	s5 =	sadd.s32 @p0 $0x11B8D, s5;
	s6 =	sshll.u32 @p0 s4, $0x11  }
0xaa: {  	s5 =	sor.u32 @p0 s6, s5  }
0xab: {  	[sflag:s5] =	ssyncadd.remote.s32 @p0 $0x1;
	_ =	sdelay $0x1  }
0xac: {  	s5 =	simm.s32 @p0 $0x1B8D  }
0xad: {  	_ =	swait.eq @p0 [sflag:s5], $0x1  }
0xae: {  	[sflag:s5] =	ssyncadd.s32 @p0 $0xFFFFFFFF  }
0xaf: {  	s6 =	sshll.u32 @!p0 s1, $0xE  }
0xb0: {  	s6 =	sor.u32 @!p0 $0x4000, s6;
	s5 =	simm.s32 @!p0 $0x1B8D  }
0xb1: {  	s4 =	sshll.u32 @!p0 s4, $0x11;
	s6 =	sadd.s32 @!p0 $0x11B8D, s6;
	_ =	swait.eq @!p0 [sflag:s5], $0x1  }
0xb2: {  	s4 =	sor.u32 @!p0 s4, s6;
	[sflag:s5] =	ssyncadd.s32 @!p0 $0xFFFFFFFF  }
0xb3: {  	s25 =	simm.s32 $0x1B8E;
	s24 =	sld [smem:$0x3FFE];
	[sflag:s4] =	ssyncadd.remote.s32 @!p0 $0x1  }
0xb4: {  	s26 =	simm.s32 $execute0_lowered;
	[smem:$0x3FD2] =	sst s25  }
0xb5: {  	s5 =	sshll.u32 s26, $0x1;
	_ =	strace $0x80000049;
	[dreg:$0x1] =	wrdreg $0xFFFFFFFF  }
0xb6: {  	s28 =	simm.s32 $_size_execute0_lowered;
	s3 =	sadd.s32 s3, s5;
	[dreg:$0x0] =	wrdreg $0x0  }
0xb7: {  	s5 =	sshll.u32 s28, $0x1;
	[dreg:$0x2] =	wrdreg s3  }
0xb8: {  	[dreg:$0x3] =	wrdreg s5  }
0xb9: {  	[dreg:$0x4] =	wrdreg $0xC0  }
0xba: {  	_ =	task [dreg:s22], $0x5FFFF  }
0xbb: {  	[dreg:$0x1] =	wrdreg $0xFFFFFFFF  }
0xbc: {  	[dreg:$0x0] =	wrdreg $0x60  }
0xbd: {  	[dreg:$0x2] =	wrdreg s24  }
0xbe: {  	[dreg:$0x3] =	wrdreg $0xA  }
0xbf: {  	_ =	task.clear_ibuf [dreg:s22], $0x4FFFF;
	_ =	strace $0x90000049  }
0xc0: {  	s29 =	simm.s32 $0xA;
	_ =	strace $0x8000004B  }
0xc1: {  	_ =	swait.ge [sflag:s29], $0x1  }
0xc2: {  	[sflag:s29] =	ssyncadd.s32 $0xFFFFFFFF  }
0xc3: {  	_ =	strace $0x9000004B  }
0xc4: {  	_ =	sfence  }
0xc5: {  	s30 =	sld [smem:$0x0];
	_ =	sdelay $0x2  }
0xc6: {  	s31 =	sshll.u32 s1, $0xD;
	s1 =	sshrl.u32 s1, $0x2  }
0xc7: {  	s4 =	sand.u32 $0x4000, s31;
	s1 =	sadd.s32 s1, s30  }
0xc8: {  	s0 =	sor.u32 s4, s0;
	s1 =	sshll.u32 s1, $0x11  }
0xc9: {  	s0 =	sor.u32 s1, s0  }
0xca: {  	s0 =	sadd.s32 $0x8F2B, s0  }
0xcb: {  	[sflag:s0] =	ssyncadd.remote.s32 $0x1  }
0xcc: {  	_ =	sfence.sel $0xFFFF  }
0xcd: {  	[dreg:$0x0] =	wrdreg $0xFFFFFFFF;
	(pc) =	sbr.abs _section_cstart, $3  }
0xce: {  	[dreg:$0x1] =	wrdreg $0xFFFFFFFF  }
0xcf: {  	_ =	task.clear_ibuf [dreg:s22], $0x2FFFF;
	_ =	strace $0x9FFFFFFF  }
0xd0: {  	(tm) =	ssettm $0x7FFFFFFF  }
0xd1: {  	_ =	shalt  }
tec
execute0_lowered:
.L_overlay_start_1:
0x0: {  	(tag) =	ssettag $0x1  }
0x1: {  	s1 =	srdreg.scid;
	s0 =	stileid.u32  }
0x2: {  	s26 =	sand.u32 $0x1, s1;
	s31 =	sshll.u32 s0, $0x1  }
0x3: {  	s11 =	sor.u32 s26, s31  }
0x4: {  	s10 =	rddreg [dreg:$0x0];
	s2 =	simm.s32 $0x0;
	s3 =	sshll.u32 s11, $0x7  }
0x5: {  	s4 =	simm.s32 $0x5;
	[smem:$0x7FF] =	sst s2;
	s3 =	sadd.s32 s3, s10  }
0x6: {  	s1 =	rddreg [dreg:$0x1];
	_ =	strace $0x8000004A;
	s3 =	sadd.s32 $0x93000, s3  }
0x7: {  	[tilespmem:s2], [sflag:$0x5] =	stream.linear.gather [hbm4b:s3+s2], $0x400, $0x38;
	[tilespmem:$0x8400] =	vst v63  }
0x8: {  	_ =	swait.ge [sflag:s4], $0x400  }
0x9: {  	s6 =	simm.s32 $0x80;
	[sflag:s4] =	ssyncset.done $0x0  }
0xa: {  	s7 =	simm.s32 $0x400;
	s5 =	sadd.s32 $0x3000, s10;
	[sflag:s4] =	ssyncadd.s32 $0xFFFFFC00  }
0xb: {  	[tilespmem:s7], [sflag:$0x1] =	stream.indirect.gather [hbm4b:s5+s6], $0x80, s2, s6, $0xb8;
	[tilespmem:$0x8400] =	vst v63  }
0xc: {  	s8 =	simm.s32 $0x4400;
	s9 =	simm.s32 $0x1  }
0xd: {  	[tilespmem:s8], [sflag:$0x2] =	stream.indirect.gather [hbm4b:s5+s6], $0x80, s6, s6, $0xb8;
	[tilespmem:$0x8400] =	vst v63  }
0xe: {  	s11 =	sshll.u32 s11, $0xE;
	_ =	swait.ge [sflag:s9], $0x4000  }
0xf: {  	s28 =	sadd.s32 s11, s10;
	[sflag:s9] =	ssyncset.done $0x0  }
0x10: {  	s11 =	simm.s32 $0x3;
	s10 =	sadd.s32 $0x94000, s28;
	[sflag:s9] =	ssyncadd.s32 $0xFFFFC000  }
0x11: {  	[hbm4b:s10+s2] =	stream.linear.scatter [tilespmem:s7], [sflag:$0x3], $0x4000, $0x38;
	[tilespmem:$0x8400] =	vst v63  }
0x12: {  	_ =	swait.ge [sflag:s11], $0x4000  }
0x13: {  	[sflag:s11] =	ssyncset.done $0x0  }
0x14: {  	s12 =	simm.s32 $0x100;
	s13 =	simm.s32 $0x2;
	[sflag:s11] =	ssyncadd.s32 $0xFFFFC000  }
0x15: {  	[tilespmem:s7], [sflag:$0x1] =	stream.indirect.gather [hbm4b:s5+s6], $0x80, s12, s6, $0xb8;
	[tilespmem:$0x8400] =	vst v63  }
0x16: {  	_ =	swait.ge [sflag:s13], $0x4000  }
0x17: {  	[sflag:s13] =	ssyncset.done $0x0  }
0x18: {  	s14 =	simm.s32 $0x4;
	s15 =	sadd.s32 $0x94800, s28;
	[sflag:s13] =	ssyncadd.s32 $0xFFFFC000  }
0x19: {  	[hbm4b:s15+s2] =	stream.linear.scatter [tilespmem:s8], [sflag:$0x4], $0x4000, $0x38;
	[tilespmem:$0x8400] =	vst v63  }
0x1a: {  	_ =	swait.ge [sflag:s14], $0x4000  }
0x1b: {  	[sflag:s14] =	ssyncset.done $0x0  }
0x1c: {  	s16 =	simm.s32 $0x180;
	[sflag:s14] =	ssyncadd.s32 $0xFFFFC000  }
0x1d: {  	[tilespmem:s8], [sflag:$0x2] =	stream.indirect.gather [hbm4b:s5+s6], $0x80, s16, s6, $0xb8;
	[tilespmem:$0x8400] =	vst v63  }
0x1e: {  	_ =	swait.ge [sflag:s9], $0x4000  }
0x1f: {  	[sflag:s9] =	ssyncset.done $0x0  }
0x20: {  	s17 =	sadd.s32 $0x95000, s28;
	[sflag:s9] =	ssyncadd.s32 $0xFFFFC000  }
0x21: {  	[hbm4b:s17+s2] =	stream.linear.scatter [tilespmem:s7], [sflag:$0x3], $0x4000, $0x38;
	[tilespmem:$0x8400] =	vst v63  }
0x22: {  	_ =	swait.ge [sflag:s11], $0x4000  }
0x23: {  	[sflag:s11] =	ssyncset.done $0x0  }
0x24: {  	s18 =	simm.s32 $0x200;
	[sflag:s11] =	ssyncadd.s32 $0xFFFFC000  }
0x25: {  	[tilespmem:s7], [sflag:$0x1] =	stream.indirect.gather [hbm4b:s5+s6], $0x80, s18, s6, $0xb8;
	[tilespmem:$0x8400] =	vst v63  }
0x26: {  	_ =	swait.ge [sflag:s13], $0x4000  }
0x27: {  	[sflag:s13] =	ssyncset.done $0x0  }
0x28: {  	s19 =	sadd.s32 $0x95800, s28;
	[sflag:s13] =	ssyncadd.s32 $0xFFFFC000  }
0x29: {  	[hbm4b:s19+s2] =	stream.linear.scatter [tilespmem:s8], [sflag:$0x4], $0x4000, $0x38;
	[tilespmem:$0x8400] =	vst v63  }
0x2a: {  	_ =	swait.ge [sflag:s14], $0x4000  }
0x2b: {  	[sflag:s14] =	ssyncset.done $0x0  }
0x2c: {  	s20 =	simm.s32 $0x280;
	[sflag:s14] =	ssyncadd.s32 $0xFFFFC000  }
0x2d: {  	[tilespmem:s8], [sflag:$0x2] =	stream.indirect.gather [hbm4b:s5+s6], $0x80, s20, s6, $0xb8;
	[tilespmem:$0x8400] =	vst v63  }
0x2e: {  	_ =	swait.ge [sflag:s9], $0x4000  }
0x2f: {  	[sflag:s9] =	ssyncset.done $0x0  }
0x30: {  	s21 =	sadd.s32 $0x96000, s28;
	[sflag:s9] =	ssyncadd.s32 $0xFFFFC000  }
0x31: {  	[hbm4b:s21+s2] =	stream.linear.scatter [tilespmem:s7], [sflag:$0x3], $0x4000, $0x38;
	[tilespmem:$0x8400] =	vst v63  }
0x32: {  	_ =	swait.ge [sflag:s11], $0x4000  }
0x33: {  	[sflag:s11] =	ssyncset.done $0x0  }
0x34: {  	s22 =	simm.s32 $0x300;
	[sflag:s11] =	ssyncadd.s32 $0xFFFFC000  }
0x35: {  	[tilespmem:s7], [sflag:$0x1] =	stream.indirect.gather [hbm4b:s5+s6], $0x80, s22, s6, $0xb8;
	[tilespmem:$0x8400] =	vst v63  }
0x36: {  	_ =	swait.ge [sflag:s13], $0x4000  }
0x37: {  	[sflag:s13] =	ssyncset.done $0x0  }
0x38: {  	s23 =	sadd.s32 $0x96800, s28;
	[sflag:s13] =	ssyncadd.s32 $0xFFFFC000  }
0x39: {  	[hbm4b:s23+s2] =	stream.linear.scatter [tilespmem:s8], [sflag:$0x4], $0x4000, $0x38;
	[tilespmem:$0x8400] =	vst v63  }
0x3a: {  	_ =	swait.ge [sflag:s14], $0x4000  }
0x3b: {  	[sflag:s14] =	ssyncset.done $0x0  }
0x3c: {  	s24 =	simm.s32 $0x380;
	[sflag:s14] =	ssyncadd.s32 $0xFFFFC000  }
0x3d: {  	[tilespmem:s8], [sflag:$0x2] =	stream.indirect.gather [hbm4b:s5+s6], $0x80, s24, s6, $0xb8;
	[tilespmem:$0x8400] =	vst v63  }
0x3e: {  	_ =	swait.ge [sflag:s9], $0x4000  }
0x3f: {  	s29 =	ssub.s32 $0x2, s26;
	s25 =	sadd.s32 $0x97000, s28;
	[sflag:s9] =	ssyncset.done $0x0  }
0x40: {  	s26 =	sadd.s32 $0x97800, s28;
	s28 =	sshrl.u32 s29, $0x1;
	[sflag:s9] =	ssyncadd.s32 $0xFFFFC000  }
0x41: {  	[hbm4b:s25+s2] =	stream.linear.scatter [tilespmem:s7], [sflag:$0x3], $0x4000, $0x38;
	[tilespmem:$0x8400] =	vst v63  }
0x42: {  	s28 =	ssub.s32 s29, s28;
	_ =	swait.ge [sflag:s13], $0x4000  }
0x43: {  	s28 =	smax.u32 s28, $0x1;
	[sflag:s13] =	ssyncset.done $0x0  }
0x44: {  	p0 =	sne.s32 s28, $0x1;
	[sflag:s13] =	ssyncadd.s32 $0xFFFFC000  }
0x45: {  	[hbm4b:s26+s2] =	stream.linear.scatter [tilespmem:s8], [sflag:$0x4], $0x4000, $0x38;
	[tilespmem:$0x8400] =	vst v63  }
.Ltmp0:
0x46: {  	_ =	swait.ge [sflag:s11], $0x4000;
	(pc) =	sbr.rel @!p0 .LBB2_2-.Ltmp0, $4  }
0x47: {  	[sflag:s11] =	ssyncset.done $0x0  }
0x48: {  	[sflag:s11] =	ssyncadd.s32 $0xFFFFC000  }
0x49: {  	_ =	swait.ge [sflag:s14], $0x4000  }
0x4a: {  	s28 =	sadd.s32 $0xFFFFFFFF, s28;
	[sflag:s14] =	ssyncset.done $0x0  }
.LBB2_1:
0x4b: {  	p0 =	sne.s32 s28, $0x1;
	s28 =	sadd.s32 $0xFFFFFFFF, s28;
	[sflag:s14] =	ssyncadd.s32 $0xFFFFC000  }
0x4c: {  	[tilespmem:s2], [sflag:$0x5] =	stream.linear.gather [hbm4b:s3+s2], $0x400, $0x38;
	[tilespmem:$0x8400] =	vst v63  }
0x4d: {  	_ =	swait.ge [sflag:s4], $0x400  }
0x4e: {  	[sflag:s4] =	ssyncset.done $0x0  }
0x4f: {  	[sflag:s4] =	ssyncadd.s32 $0xFFFFFC00  }
0x50: {  	[tilespmem:s7], [sflag:$0x1] =	stream.indirect.gather [hbm4b:s5+s6], $0x80, s2, s6, $0xb8;
	[tilespmem:$0x8400] =	vst v63  }
0x51: {  	_ = 	snop  }
0x52: {  	[tilespmem:s8], [sflag:$0x2] =	stream.indirect.gather [hbm4b:s5+s6], $0x80, s6, s6, $0xb8;
	[tilespmem:$0x8400] =	vst v63  }
0x53: {  	_ =	swait.ge [sflag:s9], $0x4000  }
0x54: {  	[sflag:s9] =	ssyncset.done $0x0  }
0x55: {  	[sflag:s9] =	ssyncadd.s32 $0xFFFFC000  }
0x56: {  	[hbm4b:s10+s2] =	stream.linear.scatter [tilespmem:s7], [sflag:$0x3], $0x4000, $0x38;
	[tilespmem:$0x8400] =	vst v63  }
0x57: {  	_ =	swait.ge [sflag:s11], $0x4000  }
0x58: {  	[sflag:s11] =	ssyncset.done $0x0  }
0x59: {  	[sflag:s11] =	ssyncadd.s32 $0xFFFFC000  }
0x5a: {  	[tilespmem:s7], [sflag:$0x1] =	stream.indirect.gather [hbm4b:s5+s6], $0x80, s12, s6, $0xb8;
	[tilespmem:$0x8400] =	vst v63  }
0x5b: {  	_ =	swait.ge [sflag:s13], $0x4000  }
0x5c: {  	[sflag:s13] =	ssyncset.done $0x0  }
0x5d: {  	[sflag:s13] =	ssyncadd.s32 $0xFFFFC000  }
0x5e: {  	[hbm4b:s15+s2] =	stream.linear.scatter [tilespmem:s8], [sflag:$0x4], $0x4000, $0x38;
	[tilespmem:$0x8400] =	vst v63  }
0x5f: {  	_ =	swait.ge [sflag:s14], $0x4000  }
0x60: {  	[sflag:s14] =	ssyncset.done $0x0  }
0x61: {  	[sflag:s14] =	ssyncadd.s32 $0xFFFFC000  }
0x62: {  	[tilespmem:s8], [sflag:$0x2] =	stream.indirect.gather [hbm4b:s5+s6], $0x80, s16, s6, $0xb8;
	[tilespmem:$0x8400] =	vst v63  }
0x63: {  	_ =	swait.ge [sflag:s9], $0x4000  }
0x64: {  	[sflag:s9] =	ssyncset.done $0x0  }
0x65: {  	[sflag:s9] =	ssyncadd.s32 $0xFFFFC000  }
0x66: {  	[hbm4b:s17+s2] =	stream.linear.scatter [tilespmem:s7], [sflag:$0x3], $0x4000, $0x38;
	[tilespmem:$0x8400] =	vst v63  }
0x67: {  	_ =	swait.ge [sflag:s11], $0x4000  }
0x68: {  	[sflag:s11] =	ssyncset.done $0x0  }
0x69: {  	[sflag:s11] =	ssyncadd.s32 $0xFFFFC000  }
0x6a: {  	[tilespmem:s7], [sflag:$0x1] =	stream.indirect.gather [hbm4b:s5+s6], $0x80, s18, s6, $0xb8;
	[tilespmem:$0x8400] =	vst v63  }
0x6b: {  	_ =	swait.ge [sflag:s13], $0x4000  }
0x6c: {  	[sflag:s13] =	ssyncset.done $0x0  }
0x6d: {  	[sflag:s13] =	ssyncadd.s32 $0xFFFFC000  }
0x6e: {  	[hbm4b:s19+s2] =	stream.linear.scatter [tilespmem:s8], [sflag:$0x4], $0x4000, $0x38;
	[tilespmem:$0x8400] =	vst v63  }
0x6f: {  	_ =	swait.ge [sflag:s14], $0x4000  }
0x70: {  	[sflag:s14] =	ssyncset.done $0x0  }
0x71: {  	[sflag:s14] =	ssyncadd.s32 $0xFFFFC000  }
0x72: {  	[tilespmem:s8], [sflag:$0x2] =	stream.indirect.gather [hbm4b:s5+s6], $0x80, s20, s6, $0xb8;
	[tilespmem:$0x8400] =	vst v63  }
0x73: {  	_ =	swait.ge [sflag:s9], $0x4000  }
0x74: {  	[sflag:s9] =	ssyncset.done $0x0  }
0x75: {  	[sflag:s9] =	ssyncadd.s32 $0xFFFFC000  }
0x76: {  	[hbm4b:s21+s2] =	stream.linear.scatter [tilespmem:s7], [sflag:$0x3], $0x4000, $0x38;
	[tilespmem:$0x8400] =	vst v63  }
0x77: {  	_ =	swait.ge [sflag:s11], $0x4000  }
0x78: {  	[sflag:s11] =	ssyncset.done $0x0  }
0x79: {  	[sflag:s11] =	ssyncadd.s32 $0xFFFFC000  }
0x7a: {  	[tilespmem:s7], [sflag:$0x1] =	stream.indirect.gather [hbm4b:s5+s6], $0x80, s22, s6, $0xb8;
	[tilespmem:$0x8400] =	vst v63  }
0x7b: {  	_ =	swait.ge [sflag:s13], $0x4000  }
0x7c: {  	[sflag:s13] =	ssyncset.done $0x0  }
0x7d: {  	[sflag:s13] =	ssyncadd.s32 $0xFFFFC000  }
0x7e: {  	[hbm4b:s23+s2] =	stream.linear.scatter [tilespmem:s8], [sflag:$0x4], $0x4000, $0x38;
	[tilespmem:$0x8400] =	vst v63  }
0x7f: {  	_ =	swait.ge [sflag:s14], $0x4000  }
0x80: {  	[sflag:s14] =	ssyncset.done $0x0  }
0x81: {  	[sflag:s14] =	ssyncadd.s32 $0xFFFFC000  }
0x82: {  	[tilespmem:s8], [sflag:$0x2] =	stream.indirect.gather [hbm4b:s5+s6], $0x80, s24, s6, $0xb8;
	[tilespmem:$0x8400] =	vst v63  }
0x83: {  	_ =	swait.ge [sflag:s9], $0x4000  }
0x84: {  	[sflag:s9] =	ssyncset.done $0x0  }
0x85: {  	[sflag:s9] =	ssyncadd.s32 $0xFFFFC000  }
0x86: {  	[hbm4b:s25+s2] =	stream.linear.scatter [tilespmem:s7], [sflag:$0x3], $0x4000, $0x38;
	[tilespmem:$0x8400] =	vst v63  }
0x87: {  	_ =	swait.ge [sflag:s13], $0x4000  }
0x88: {  	[sflag:s13] =	ssyncset.done $0x0  }
0x89: {  	[sflag:s13] =	ssyncadd.s32 $0xFFFFC000  }
0x8a: {  	[hbm4b:s26+s2] =	stream.linear.scatter [tilespmem:s8], [sflag:$0x4], $0x4000, $0x38;
	[tilespmem:$0x8400] =	vst v63  }
.Ltmp1:
0x8b: {  	_ =	swait.ge [sflag:s11], $0x4000;
	(pc) =	sbr.rel @p0 .LBB2_1-.Ltmp1, $4  }
0x8c: {  	[sflag:s11] =	ssyncset.done $0x0  }
0x8d: {  	[sflag:s11] =	ssyncadd.s32 $0xFFFFC000  }
0x8e: {  	_ =	swait.ge [sflag:s14], $0x4000  }
0x8f: {  	[sflag:s14] =	ssyncset.done $0x0  }
.LBB2_2:
0x90: {  	[sflag:s14] =	ssyncadd.s32 $0xFFFFC000  }
0x91: {  	_ =	sfence.sel $0x180000  }
0x92: {  	[bflag:$0x0] =	sbarrier.arrive $0xFFFF  }
0x93: {  	p0 =	sne.s32 s0, $0x0;
	_ =	strace $0x9000004A  }
0x94: {  	s0 =	sadd.s32 @!p0 $0x100000, s1;
	[bflag:$0x2] =	sbarrier.arrive $0xFFFF  }
0x95: {  	[sflag:s0] =	ssyncadd.tile.s32 @!p0 $0x1;
	_ =	shalt  }
.Lfunc_end2:
_tile_overlayer_lowered:
.L_overlay_start_2:
0x96: {  	(tag) =	ssettag $0x2  }
0x97: {  	s0 =	rddreg [dreg:$0x0];
	s2 =	stileid.u32  }
0x98: {  	s1 =	rddreg [dreg:$0x1];
	p0 =	sne.s32 s2, $0x0  }
0x99: {  	s3 =	rddreg [dreg:$0x2];
	[bflag:$0x3] =	sbarrier.arrive $0xFFFF;
	s2 =	simm.s32 @!p0 $0x1C05  }
0x9a: {  	[timem:s3], [sflag:s2] =	dma.local @!p0 [hbm:s0], s1  }
0x9b: {  	s0 =	simm.s32 @!p0 $0x5  }
0x9c: {  	_ =	swait.ge @!p0 [sflag:s0], s1  }
0x9d: {  	s1 =	ssub.s32 @!p0 $0x0, s1;
	[sflag:s0] =	ssyncset.done @!p0 $0x0  }
0x9e: {  	[sflag:s0] =	ssyncadd.s32 @!p0 s1  }
0x9f: {  	[bflag:$0x3] =	sbarrier.arrive $0xFFFF  }
0xa0: {  	_ =	shalt  }

// kernel: kernel.8.cloned.1.call-start
scs
__scs_entry_jumppad:
0x0: {  	(pc) =	sbr.rel $0x88, $3  }
0x1: {  	(tag) =	ssettag $0x0;
	lr =	simm.s32 $0x1  }
0x2: {  	[smem:$0x3F93] =	sst lr;
	_ =	strace $0xD0000000  }
0x3: {  	_ = 	snop  }
0x4: {  	_ = 	snop  }
0x5: {  	_ = 	snop  }
0x6: {  	_ = 	snop  }
0x7: {  	_ = 	snop  }
__scs_overlays_trampoline_lowered:
0x8: {  	[smem:$0x3FA2] =	sst s0  }
0x9: {  	[smem:$0x3FA3] =	sst s1  }
0xa: {  	[smem:$0x3FA4] =	sst s2  }
0xb: {  	[smem:$0x3FA5] =	sst s3  }
0xc: {  	[smem:$0x3FA6] =	sst s4  }
0xd: {  	[smem:$0x3FA7] =	sst s5  }
0xe: {  	[smem:$0x3FA8] =	sst s6  }
0xf: {  	[smem:$0x3FA9] =	sst s7  }
0x10: {  	[smem:$0x3FAA] =	sst s8  }
0x11: {  	[smem:$0x3FAB] =	sst s9;
	s0 =	simm.s32 @!p0 $0x0  }
0x12: {  	s1 =	sld [smem:$0x3F91];
	s0 =	simm.s32 @p0 $0x1  }
0x13: {  	[smem:$0x3FAC] =	sst s0;
	s0 =	simm.s32 @!p1 $0x0  }
0x14: {  	s2 =	sld [smem:$0x3F90];
	s0 =	simm.s32 @p1 $0x1  }
0x15: {  	[smem:$0x3FAD] =	sst s0;
	s0 =	simm.s32 @!p2 $0x0  }
0x16: {  	s3 =	sld [smem:$0x3FDB];
	s0 =	simm.s32 @p2 $0x1  }
0x17: {  	s4 =	simm.s32 $0x1BF5;
	[smem:$0x3FAF] =	sst s0  }
0x18: {  	s0 =	sld [smem:$0x3F92];
	_ =	swait.ge [sflag:s4], $0x0  }
0x19: {  	s7 =	sld [smem:$0x3F93]  }
0x1a: {  	s8 =	sadd.s32 $0xFFFFE003, lr  }
0x1b: {  	s9 =	sadd.s32 $0xFFFFFEF7, lr;
	s5 =	simm.s32 $0xFFFFFFFF;
	p2 =	slt.u32 s8, $0xFFFFF086  }
0x1c: {  	p1 =	slt.u32 s9, $0xF7A;
	s5 =	simm.s32 @!p2 $0x0  }
0x1d: {  	s5 =	simm.s32 @p1 $0x1;
	p0 =	seq.s32 s7, s2  }
0x1e: {  	s7 =	smul.u32 @!p0 $0xF7A, s2;
	p2 =	seq.s32 @!p0 s5, $0x0  }
0x1f: {  	s9 =	smul.u32 $0xF7A, s1;
	s8 =	simm.s32 @!p0 $0x1BF5;
	p2 =	por !p2, p0  }
0x20: {  	[sflag:s8] =	ssyncset.s32 @!p0 $0xFFFFF086;
	s6 =	sadd.s32 @!p0 s3, s7;
	s7 =	simm.s32 @!p0 $0x108  }
0x21: {  	s3 =	sadd.s32 s3, s9;
	s6 =	sadd.s32 @!p0 $0x88, s6;
	s7 =	simm.s32 @p2 $0x1082  }
0x22: {  	[simem:s7], [sflag:s8] =	dma.local @!p0 [hbm:s6], $0xF7A  }
0x23: {  	s9 =	sor.u32 $0xD0000000, s2;
	s6 =	simm.s32 $0x108;
	_ =	swait.ge @!p0 [sflag:s8], $0x0  }
0x24: {  	s3 =	sadd.s32 $0x88, s3;
	s6 =	simm.s32 @!p1 $0x1082;
	[sflag:s4] =	ssyncset.s32 $0xFFFFF086  }
0x25: {  	[simem:s6], [sflag:s4] =	dma.local [hbm:s3], $0xF7A  }
0x26: {  	[smem:$0x3F93] =	sst s1;
	(tag) =	ssettag s2;
	_ =	strace s9  }
0x27: {  	s1 =	sld [smem:$0x3FA3]  }
0x28: {  	s2 =	sld [smem:$0x3FA4]  }
0x29: {  	s4 =	sld [smem:$0x3FA6]  }
0x2a: {  	p0 =	seq.s32 s5, $0x0;
	s5 =	sld [smem:$0x3FA7]  }
0x2b: {  	s6 =	sld [smem:$0x3FA8]  }
0x2c: {  	s7 =	sld [smem:$0x3FA9]  }
0x2d: {  	s3 =	simm.s32 $0x108;
	s8 =	sld [smem:$0x3FAA]  }
0x2e: {  	s3 =	simm.s32 @!p0 $0x1082;
	s9 =	sld [smem:$0x3FAB]  }
0x2f: {  	lr =	sadd.s32 s0, s3;
	s0 =	sld [smem:$0x3FA2]  }
0x30: {  	s3 =	sld [smem:$0x3FA5]  }
0x31: {  	[smem:$0x3FAE] =	sst s10  }
0x32: {  	s10 =	sld [smem:$0x3FAC];
	_ =	sdelay $0x3  }
0x33: {  	p0 =	seq.s32 s10, $0x1;
	s10 =	sld [smem:$0x3FAE];
	_ =	sdelay $0x3  }
0x34: {  	[smem:$0x3FAE] =	sst s10  }
0x35: {  	s10 =	sld [smem:$0x3FAD];
	_ =	sdelay $0x3  }
0x36: {  	p1 =	seq.s32 s10, $0x1;
	s10 =	sld [smem:$0x3FAE];
	_ =	sdelay $0x3  }
0x37: {  	[smem:$0x3FAE] =	sst s10  }
0x38: {  	s10 =	sld [smem:$0x3FAF]  }
0x39: {  	_ = 	snop;
	(pc) =	sbr.ind lr, $3  }
0x3a: {  	_ = 	snop  }
0x3b: {  	_ = 	snop  }
0x3c: {  	p2 =	seq.s32 s10, $0x1;
	s10 =	sld [smem:$0x3FAE]  }
0x3d: {  	_ =	shalt  }
0x3e: {  	_ =	shalt  }
0x3f: {  	_ =	shalt  }
0x40: {  	_ =	shalt  }
0x41: {  	_ =	shalt  }
0x42: {  	_ =	shalt  }
0x43: {  	_ =	shalt  }
0x44: {  	_ =	shalt  }
0x45: {  	_ =	shalt  }
0x46: {  	_ =	shalt  }
0x47: {  	_ =	shalt  }
0x48: {  	_ =	shalt  }
0x49: {  	_ =	shalt  }
0x4a: {  	_ =	shalt  }
0x4b: {  	_ =	shalt  }
0x4c: {  	_ =	shalt  }
0x4d: {  	_ =	shalt  }
0x4e: {  	_ =	shalt  }
0x4f: {  	_ =	shalt  }
0x50: {  	_ =	shalt  }
0x51: {  	_ =	shalt  }
0x52: {  	_ =	shalt  }
0x53: {  	_ =	shalt  }
0x54: {  	_ =	shalt  }
0x55: {  	_ =	shalt  }
0x56: {  	_ =	shalt  }
0x57: {  	_ =	shalt  }
0x58: {  	_ =	shalt  }
0x59: {  	_ =	shalt  }
0x5a: {  	_ =	shalt  }
0x5b: {  	_ =	shalt  }
0x5c: {  	_ =	shalt  }
0x5d: {  	_ =	shalt  }
0x5e: {  	_ =	shalt  }
0x5f: {  	_ =	shalt  }
0x60: {  	_ =	shalt  }
0x61: {  	_ =	shalt  }
0x62: {  	_ =	shalt  }
0x63: {  	_ =	shalt  }
0x64: {  	_ =	shalt  }
0x65: {  	_ =	shalt  }
0x66: {  	_ =	shalt  }
0x67: {  	_ =	shalt  }
0x68: {  	_ =	shalt  }
0x69: {  	_ =	shalt  }
0x6a: {  	_ =	shalt  }
0x6b: {  	_ =	shalt  }
0x6c: {  	_ =	shalt  }
0x6d: {  	_ =	shalt  }
0x6e: {  	_ =	shalt  }
0x6f: {  	_ =	shalt  }
0x70: {  	_ =	shalt  }
0x71: {  	_ =	shalt  }
0x72: {  	_ =	shalt  }
0x73: {  	_ =	shalt  }
0x74: {  	_ =	shalt  }
0x75: {  	_ =	shalt  }
0x76: {  	_ =	shalt  }
0x77: {  	_ =	shalt  }
0x78: {  	_ =	shalt  }
0x79: {  	_ =	shalt  }
0x7a: {  	_ =	shalt  }
0x7b: {  	_ =	shalt  }
0x7c: {  	_ =	shalt  }
0x7d: {  	_ =	shalt  }
0x7e: {  	_ =	shalt  }
0x7f: {  	_ =	shalt  }
0x80: {  	_ =	shalt  }
0x81: {  	_ =	shalt  }
0x82: {  	_ =	shalt  }
0x83: {  	_ =	shalt  }
0x84: {  	_ =	shalt  }
0x85: {  	_ =	shalt  }
0x86: {  	_ =	shalt  }
0x87: {  	_ =	shalt  }
.Lfunc_end0:
.L_simem_size_0:
called_computation_lowered:
.L_overlay_start_0:
0x88: {  	s2 =	sld [smem:$0x3FD9]  }
0x89: {  	s3 =	sld [smem:$0x3FFE];
	_ =	sdelay $0x1  }
0x8a: {  	s1 =	srdreg.scid  }
0x8b: {  	s0 =	sand.u32 $0x1, s1  }
0x8c: {  	s17 =	sshll.u32 s0, $0xA;
	s2 =	sadd.s32 s3, s2  }
0x8d: {  	s2 =	sadd.s32 s2, s17  }
0x8e: {  	[smem:$0x3FBA] =	sst s2  }
0x8f: {  	_ = 	snop  }
0x90: {  	s2 =	sld [smem:$0x3FD0];
	(tm) =	ssettm $0x1  }
0x91: {  	s18 =	sld [smem:$0x3FFB];
	_ =	sdelay $0x3  }
0x92: {  	_ =	strace s18  }
0x93: {  	s3 =	sld [smem:$0x3FFC];
	_ =	sdelay $0x3  }
0x94: {  	_ =	strace s3  }
0x95: {  	s3 =	sld [smem:$0x3FFD];
	_ =	sdelay $0x3  }
0x96: {  	_ =	strace s3  }
0x97: {  	_ =	strace $0x8FFFFFFF  }
0x98: {  	s19 =	sld [smem:$0x3FDB];
	_ =	sdelay $0x1  }
0x99: {  	s4 =	simm.s32 $_scs_section_size  }
0x9a: {  	s5 =	simm.s32 $_size__tile_overlayer_lowered;
	s6 =	simm.s32 $_tile_overlayer_lowered  }
0x9b: {  	s22 =	simm.s32 $0x1BFF;
	s21 =	sshll.u32 s6, $0x1;
	s3 =	sadd.s32 s4, s19  }
0x9c: {  	s7 =	simm.s32 $0x0;
	s20 =	sshll.u32 s5, $0x1;
	s5 =	sadd.s32 s21, s3  }
0x9d: {  	[timem:s7], [sflag:s22] =	dma.local [hbm:s5], s20  }
0x9e: {  	_ =	swait.ge [sflag:s22], s20  }
0x9f: {  	s4 =	ssub.s32 $0x0, s20;
	[sflag:s22] =	ssyncset.done $0x0  }
0xa0: {  	[sflag:s22] =	ssyncadd.s32 s4;
	_ =	sdelay $0x1  }
0xa1: {  	s23 =	simm.s32 $0x1B8B  }
0xa2: {  	_ =	swait.ge [sflag:s23], $0x1  }
0xa3: {  	[sflag:s23] =	ssyncset.done $0x0  }
0xa4: {  	s25 =	simm.s32 $0x1B8E;
	s24 =	sld [smem:$0x3FFE];
	[sflag:s23] =	ssyncadd.s32 $0xFFFFFFFF  }
0xa5: {  	s26 =	simm.s32 $execute0_lowered;
	[smem:$0x3FD2] =	sst s25  }
0xa6: {  	s5 =	sshll.u32 s26, $0x1;
	_ =	strace $0x80000046;
	[dreg:$0x1] =	wrdreg $0xFFFFFFFF  }
0xa7: {  	s28 =	simm.s32 $_size_execute0_lowered;
	s3 =	sadd.s32 s3, s5;
	[dreg:$0x0] =	wrdreg $0x0  }
0xa8: {  	s5 =	sshll.u32 s28, $0x1;
	[dreg:$0x2] =	wrdreg s3  }
0xa9: {  	[dreg:$0x3] =	wrdreg s5  }
0xaa: {  	[dreg:$0x4] =	wrdreg $0xC0  }
0xab: {  	_ =	task [dreg:s7], $0x5FFFF  }
0xac: {  	[dreg:$0x1] =	wrdreg $0xFFFFFFFF  }
0xad: {  	[dreg:$0x0] =	wrdreg $0x60  }
0xae: {  	[dreg:$0x2] =	wrdreg s24  }
0xaf: {  	[dreg:$0x3] =	wrdreg s2  }
0xb0: {  	[dreg:$0x4] =	wrdreg $0x9  }
0xb1: {  	_ =	task.clear_ibuf [dreg:s7], $0x5FFFF;
	_ =	strace $0x90000046  }
0xb2: {  	s29 =	simm.s32 $0x9;
	_ =	strace $0x80000048  }
0xb3: {  	_ =	swait.ge [sflag:s29], $0x1  }
0xb4: {  	[sflag:s29] =	ssyncadd.s32 $0xFFFFFFFF  }
0xb5: {  	_ =	strace $0x90000048  }
0xb6: {  	_ =	sfence  }
0xb7: {  	s30 =	sld [smem:$0x0];
	_ =	sdelay $0x2  }
0xb8: {  	s31 =	sshll.u32 s1, $0xD;
	s1 =	sshrl.u32 s1, $0x2  }
0xb9: {  	s3 =	sand.u32 $0x4000, s31;
	s1 =	sadd.s32 s1, s30  }
0xba: {  	s0 =	sor.u32 s3, s0;
	s1 =	sshll.u32 s1, $0x11  }
0xbb: {  	s0 =	sor.u32 s1, s0  }
0xbc: {  	s0 =	sadd.s32 $0x8F2B, s0  }
0xbd: {  	[sflag:s0] =	ssyncadd.remote.s32 $0x1  }
0xbe: {  	_ =	sfence.sel $0xFFFF  }
0xbf: {  	[dreg:$0x0] =	wrdreg $0xFFFFFFFF;
	(pc) =	sbr.abs _section_cstart, $3  }
0xc0: {  	[dreg:$0x1] =	wrdreg $0xFFFFFFFF  }
0xc1: {  	_ =	task.clear_ibuf [dreg:s7], $0x2FFFF;
	_ =	strace $0x9FFFFFFF  }
0xc2: {  	(tm) =	ssettm $0x7FFFFFFF  }
0xc3: {  	_ =	shalt  }
tec
execute0_lowered:
.L_overlay_start_1:
0x0: {  	(tag) =	ssettag $0x1  }
0x1: {  	s10 =	rddreg [dreg:$0x0]  }
0x2: {  	s1 =	srdreg.scid;
	s0 =	stileid.u32  }
0x3: {  	s3 =	rddreg [dreg:$0x1];
	s26 =	sand.u32 $0x1, s1;
	s4 =	sshll.u32 s0, $0x1  }
0x4: {  	s2 =	simm.s32 $0x0;
	s1 =	rddreg [dreg:$0x2];
	s11 =	sor.u32 s26, s4  }
0x5: {  	[smem:$0x7FF] =	sst s2;
	s4 =	sshll.u32 s11, $0x7  }
0x6: {  	_ =	strace $0x80000047;
	s3 =	sadd.s32 s3, s4;
	s4 =	simm.s32 $0x5  }
0x7: {  	[tilespmem:s2], [sflag:$0x5] =	stream.linear.gather [hbm4b:s3+s2], $0x400, $0x38;
	[tilespmem:$0x8400] =	vst v63  }
0x8: {  	_ =	swait.ge [sflag:s4], $0x400  }
0x9: {  	s6 =	simm.s32 $0x80;
	[sflag:s4] =	ssyncset.done $0x0  }
0xa: {  	s7 =	simm.s32 $0x400;
	s5 =	sadd.s32 $0x3000, s10;
	[sflag:s4] =	ssyncadd.s32 $0xFFFFFC00  }
0xb: {  	[tilespmem:s7], [sflag:$0x1] =	stream.indirect.gather [hbm4b:s5+s6], $0x80, s2, s6, $0xb8;
	[tilespmem:$0x8400] =	vst v63  }
0xc: {  	s8 =	simm.s32 $0x4400;
	s9 =	simm.s32 $0x1  }
0xd: {  	[tilespmem:s8], [sflag:$0x2] =	stream.indirect.gather [hbm4b:s5+s6], $0x80, s6, s6, $0xb8;
	[tilespmem:$0x8400] =	vst v63  }
0xe: {  	s11 =	sshll.u32 s11, $0xE;
	_ =	swait.ge [sflag:s9], $0x4000  }
0xf: {  	s28 =	sadd.s32 s11, s10;
	[sflag:s9] =	ssyncset.done $0x0  }
0x10: {  	s11 =	simm.s32 $0x3;
	s10 =	sadd.s32 $0x13000, s28;
	[sflag:s9] =	ssyncadd.s32 $0xFFFFC000  }
0x11: {  	[hbm4b:s10+s2] =	stream.linear.scatter [tilespmem:s7], [sflag:$0x3], $0x4000, $0x38;
	[tilespmem:$0x8400] =	vst v63  }
0x12: {  	_ =	swait.ge [sflag:s11], $0x4000  }
0x13: {  	[sflag:s11] =	ssyncset.done $0x0  }
0x14: {  	s12 =	simm.s32 $0x100;
	s13 =	simm.s32 $0x2;
	[sflag:s11] =	ssyncadd.s32 $0xFFFFC000  }
0x15: {  	[tilespmem:s7], [sflag:$0x1] =	stream.indirect.gather [hbm4b:s5+s6], $0x80, s12, s6, $0xb8;
	[tilespmem:$0x8400] =	vst v63  }
0x16: {  	_ =	swait.ge [sflag:s13], $0x4000  }
0x17: {  	[sflag:s13] =	ssyncset.done $0x0  }
0x18: {  	s14 =	simm.s32 $0x4;
	s15 =	sadd.s32 $0x13800, s28;
	[sflag:s13] =	ssyncadd.s32 $0xFFFFC000  }
0x19: {  	[hbm4b:s15+s2] =	stream.linear.scatter [tilespmem:s8], [sflag:$0x4], $0x4000, $0x38;
	[tilespmem:$0x8400] =	vst v63  }
0x1a: {  	_ =	swait.ge [sflag:s14], $0x4000  }
0x1b: {  	[sflag:s14] =	ssyncset.done $0x0  }
0x1c: {  	s16 =	simm.s32 $0x180;
	[sflag:s14] =	ssyncadd.s32 $0xFFFFC000  }
0x1d: {  	[tilespmem:s8], [sflag:$0x2] =	stream.indirect.gather [hbm4b:s5+s6], $0x80, s16, s6, $0xb8;
	[tilespmem:$0x8400] =	vst v63  }
0x1e: {  	_ =	swait.ge [sflag:s9], $0x4000  }
0x1f: {  	[sflag:s9] =	ssyncset.done $0x0  }
0x20: {  	s17 =	sadd.s32 $0x14000, s28;
	[sflag:s9] =	ssyncadd.s32 $0xFFFFC000  }
0x21: {  	[hbm4b:s17+s2] =	stream.linear.scatter [tilespmem:s7], [sflag:$0x3], $0x4000, $0x38;
	[tilespmem:$0x8400] =	vst v63  }
0x22: {  	_ =	swait.ge [sflag:s11], $0x4000  }
0x23: {  	[sflag:s11] =	ssyncset.done $0x0  }
0x24: {  	s18 =	simm.s32 $0x200;
	[sflag:s11] =	ssyncadd.s32 $0xFFFFC000  }
0x25: {  	[tilespmem:s7], [sflag:$0x1] =	stream.indirect.gather [hbm4b:s5+s6], $0x80, s18, s6, $0xb8;
	[tilespmem:$0x8400] =	vst v63  }
0x26: {  	_ =	swait.ge [sflag:s13], $0x4000  }
0x27: {  	[sflag:s13] =	ssyncset.done $0x0  }
0x28: {  	s19 =	sadd.s32 $0x14800, s28;
	[sflag:s13] =	ssyncadd.s32 $0xFFFFC000  }
0x29: {  	[hbm4b:s19+s2] =	stream.linear.scatter [tilespmem:s8], [sflag:$0x4], $0x4000, $0x38;
	[tilespmem:$0x8400] =	vst v63  }
0x2a: {  	_ =	swait.ge [sflag:s14], $0x4000  }
0x2b: {  	[sflag:s14] =	ssyncset.done $0x0  }
0x2c: {  	s20 =	simm.s32 $0x280;
	[sflag:s14] =	ssyncadd.s32 $0xFFFFC000  }
0x2d: {  	[tilespmem:s8], [sflag:$0x2] =	stream.indirect.gather [hbm4b:s5+s6], $0x80, s20, s6, $0xb8;
	[tilespmem:$0x8400] =	vst v63  }
0x2e: {  	_ =	swait.ge [sflag:s9], $0x4000  }
0x2f: {  	[sflag:s9] =	ssyncset.done $0x0  }
0x30: {  	s21 =	sadd.s32 $0x15000, s28;
	[sflag:s9] =	ssyncadd.s32 $0xFFFFC000  }
0x31: {  	[hbm4b:s21+s2] =	stream.linear.scatter [tilespmem:s7], [sflag:$0x3], $0x4000, $0x38;
	[tilespmem:$0x8400] =	vst v63  }
0x32: {  	_ =	swait.ge [sflag:s11], $0x4000  }
0x33: {  	[sflag:s11] =	ssyncset.done $0x0  }
0x34: {  	s22 =	simm.s32 $0x300;
	[sflag:s11] =	ssyncadd.s32 $0xFFFFC000  }
0x35: {  	[tilespmem:s7], [sflag:$0x1] =	stream.indirect.gather [hbm4b:s5+s6], $0x80, s22, s6, $0xb8;
	[tilespmem:$0x8400] =	vst v63  }
0x36: {  	_ =	swait.ge [sflag:s13], $0x4000  }
0x37: {  	[sflag:s13] =	ssyncset.done $0x0  }
0x38: {  	s23 =	sadd.s32 $0x15800, s28;
	[sflag:s13] =	ssyncadd.s32 $0xFFFFC000  }
0x39: {  	[hbm4b:s23+s2] =	stream.linear.scatter [tilespmem:s8], [sflag:$0x4], $0x4000, $0x38;
	[tilespmem:$0x8400] =	vst v63  }
0x3a: {  	_ =	swait.ge [sflag:s14], $0x4000  }
0x3b: {  	[sflag:s14] =	ssyncset.done $0x0  }
0x3c: {  	s24 =	simm.s32 $0x380;
	[sflag:s14] =	ssyncadd.s32 $0xFFFFC000  }
0x3d: {  	[tilespmem:s8], [sflag:$0x2] =	stream.indirect.gather [hbm4b:s5+s6], $0x80, s24, s6, $0xb8;
	[tilespmem:$0x8400] =	vst v63  }
0x3e: {  	_ =	swait.ge [sflag:s9], $0x4000  }
0x3f: {  	s29 =	ssub.s32 $0x2, s26;
	s25 =	sadd.s32 $0x16000, s28;
	[sflag:s9] =	ssyncset.done $0x0  }
0x40: {  	s26 =	sadd.s32 $0x16800, s28;
	s28 =	sshrl.u32 s29, $0x1;
	[sflag:s9] =	ssyncadd.s32 $0xFFFFC000  }
0x41: {  	[hbm4b:s25+s2] =	stream.linear.scatter [tilespmem:s7], [sflag:$0x3], $0x4000, $0x38;
	[tilespmem:$0x8400] =	vst v63  }
0x42: {  	s28 =	ssub.s32 s29, s28;
	_ =	swait.ge [sflag:s13], $0x4000  }
0x43: {  	s28 =	smax.u32 s28, $0x1;
	[sflag:s13] =	ssyncset.done $0x0  }
0x44: {  	p0 =	sne.s32 s28, $0x1;
	[sflag:s13] =	ssyncadd.s32 $0xFFFFC000  }
0x45: {  	[hbm4b:s26+s2] =	stream.linear.scatter [tilespmem:s8], [sflag:$0x4], $0x4000, $0x38;
	[tilespmem:$0x8400] =	vst v63  }
.Ltmp0:
0x46: {  	_ =	swait.ge [sflag:s11], $0x4000;
	(pc) =	sbr.rel @!p0 .LBB2_2-.Ltmp0, $4  }
0x47: {  	[sflag:s11] =	ssyncset.done $0x0  }
0x48: {  	[sflag:s11] =	ssyncadd.s32 $0xFFFFC000  }
0x49: {  	_ =	swait.ge [sflag:s14], $0x4000  }
0x4a: {  	s28 =	sadd.s32 $0xFFFFFFFF, s28;
	[sflag:s14] =	ssyncset.done $0x0  }
.LBB2_1:
0x4b: {  	p0 =	sne.s32 s28, $0x1;
	s28 =	sadd.s32 $0xFFFFFFFF, s28;
	[sflag:s14] =	ssyncadd.s32 $0xFFFFC000  }
0x4c: {  	[tilespmem:s2], [sflag:$0x5] =	stream.linear.gather [hbm4b:s3+s2], $0x400, $0x38;
	[tilespmem:$0x8400] =	vst v63  }
0x4d: {  	_ =	swait.ge [sflag:s4], $0x400  }
0x4e: {  	[sflag:s4] =	ssyncset.done $0x0  }
0x4f: {  	[sflag:s4] =	ssyncadd.s32 $0xFFFFFC00  }
0x50: {  	[tilespmem:s7], [sflag:$0x1] =	stream.indirect.gather [hbm4b:s5+s6], $0x80, s2, s6, $0xb8;
	[tilespmem:$0x8400] =	vst v63  }
0x51: {  	_ = 	snop  }
0x52: {  	[tilespmem:s8], [sflag:$0x2] =	stream.indirect.gather [hbm4b:s5+s6], $0x80, s6, s6, $0xb8;
	[tilespmem:$0x8400] =	vst v63  }
0x53: {  	_ =	swait.ge [sflag:s9], $0x4000  }
0x54: {  	[sflag:s9] =	ssyncset.done $0x0  }
0x55: {  	[sflag:s9] =	ssyncadd.s32 $0xFFFFC000  }
0x56: {  	[hbm4b:s10+s2] =	stream.linear.scatter [tilespmem:s7], [sflag:$0x3], $0x4000, $0x38;
	[tilespmem:$0x8400] =	vst v63  }
0x57: {  	_ =	swait.ge [sflag:s11], $0x4000  }
0x58: {  	[sflag:s11] =	ssyncset.done $0x0  }
0x59: {  	[sflag:s11] =	ssyncadd.s32 $0xFFFFC000  }
0x5a: {  	[tilespmem:s7], [sflag:$0x1] =	stream.indirect.gather [hbm4b:s5+s6], $0x80, s12, s6, $0xb8;
	[tilespmem:$0x8400] =	vst v63  }
0x5b: {  	_ =	swait.ge [sflag:s13], $0x4000  }
0x5c: {  	[sflag:s13] =	ssyncset.done $0x0  }
0x5d: {  	[sflag:s13] =	ssyncadd.s32 $0xFFFFC000  }
0x5e: {  	[hbm4b:s15+s2] =	stream.linear.scatter [tilespmem:s8], [sflag:$0x4], $0x4000, $0x38;
	[tilespmem:$0x8400] =	vst v63  }
0x5f: {  	_ =	swait.ge [sflag:s14], $0x4000  }
0x60: {  	[sflag:s14] =	ssyncset.done $0x0  }
0x61: {  	[sflag:s14] =	ssyncadd.s32 $0xFFFFC000  }
0x62: {  	[tilespmem:s8], [sflag:$0x2] =	stream.indirect.gather [hbm4b:s5+s6], $0x80, s16, s6, $0xb8;
	[tilespmem:$0x8400] =	vst v63  }
0x63: {  	_ =	swait.ge [sflag:s9], $0x4000  }
0x64: {  	[sflag:s9] =	ssyncset.done $0x0  }
0x65: {  	[sflag:s9] =	ssyncadd.s32 $0xFFFFC000  }
0x66: {  	[hbm4b:s17+s2] =	stream.linear.scatter [tilespmem:s7], [sflag:$0x3], $0x4000, $0x38;
	[tilespmem:$0x8400] =	vst v63  }
0x67: {  	_ =	swait.ge [sflag:s11], $0x4000  }
0x68: {  	[sflag:s11] =	ssyncset.done $0x0  }
0x69: {  	[sflag:s11] =	ssyncadd.s32 $0xFFFFC000  }
0x6a: {  	[tilespmem:s7], [sflag:$0x1] =	stream.indirect.gather [hbm4b:s5+s6], $0x80, s18, s6, $0xb8;
	[tilespmem:$0x8400] =	vst v63  }
0x6b: {  	_ =	swait.ge [sflag:s13], $0x4000  }
0x6c: {  	[sflag:s13] =	ssyncset.done $0x0  }
0x6d: {  	[sflag:s13] =	ssyncadd.s32 $0xFFFFC000  }
0x6e: {  	[hbm4b:s19+s2] =	stream.linear.scatter [tilespmem:s8], [sflag:$0x4], $0x4000, $0x38;
	[tilespmem:$0x8400] =	vst v63  }
0x6f: {  	_ =	swait.ge [sflag:s14], $0x4000  }
0x70: {  	[sflag:s14] =	ssyncset.done $0x0  }
0x71: {  	[sflag:s14] =	ssyncadd.s32 $0xFFFFC000  }
0x72: {  	[tilespmem:s8], [sflag:$0x2] =	stream.indirect.gather [hbm4b:s5+s6], $0x80, s20, s6, $0xb8;
	[tilespmem:$0x8400] =	vst v63  }
0x73: {  	_ =	swait.ge [sflag:s9], $0x4000  }
0x74: {  	[sflag:s9] =	ssyncset.done $0x0  }
0x75: {  	[sflag:s9] =	ssyncadd.s32 $0xFFFFC000  }
0x76: {  	[hbm4b:s21+s2] =	stream.linear.scatter [tilespmem:s7], [sflag:$0x3], $0x4000, $0x38;
	[tilespmem:$0x8400] =	vst v63  }
0x77: {  	_ =	swait.ge [sflag:s11], $0x4000  }
0x78: {  	[sflag:s11] =	ssyncset.done $0x0  }
0x79: {  	[sflag:s11] =	ssyncadd.s32 $0xFFFFC000  }
0x7a: {  	[tilespmem:s7], [sflag:$0x1] =	stream.indirect.gather [hbm4b:s5+s6], $0x80, s22, s6, $0xb8;
	[tilespmem:$0x8400] =	vst v63  }
0x7b: {  	_ =	swait.ge [sflag:s13], $0x4000  }
0x7c: {  	[sflag:s13] =	ssyncset.done $0x0  }
0x7d: {  	[sflag:s13] =	ssyncadd.s32 $0xFFFFC000  }
0x7e: {  	[hbm4b:s23+s2] =	stream.linear.scatter [tilespmem:s8], [sflag:$0x4], $0x4000, $0x38;
	[tilespmem:$0x8400] =	vst v63  }
0x7f: {  	_ =	swait.ge [sflag:s14], $0x4000  }
0x80: {  	[sflag:s14] =	ssyncset.done $0x0  }
0x81: {  	[sflag:s14] =	ssyncadd.s32 $0xFFFFC000  }
0x82: {  	[tilespmem:s8], [sflag:$0x2] =	stream.indirect.gather [hbm4b:s5+s6], $0x80, s24, s6, $0xb8;
	[tilespmem:$0x8400] =	vst v63  }
0x83: {  	_ =	swait.ge [sflag:s9], $0x4000  }
0x84: {  	[sflag:s9] =	ssyncset.done $0x0  }
0x85: {  	[sflag:s9] =	ssyncadd.s32 $0xFFFFC000  }
0x86: {  	[hbm4b:s25+s2] =	stream.linear.scatter [tilespmem:s7], [sflag:$0x3], $0x4000, $0x38;
	[tilespmem:$0x8400] =	vst v63  }
0x87: {  	_ =	swait.ge [sflag:s13], $0x4000  }
0x88: {  	[sflag:s13] =	ssyncset.done $0x0  }
0x89: {  	[sflag:s13] =	ssyncadd.s32 $0xFFFFC000  }
0x8a: {  	[hbm4b:s26+s2] =	stream.linear.scatter [tilespmem:s8], [sflag:$0x4], $0x4000, $0x38;
	[tilespmem:$0x8400] =	vst v63  }
.Ltmp1:
0x8b: {  	_ =	swait.ge [sflag:s11], $0x4000;
	(pc) =	sbr.rel @p0 .LBB2_1-.Ltmp1, $4  }
0x8c: {  	[sflag:s11] =	ssyncset.done $0x0  }
0x8d: {  	[sflag:s11] =	ssyncadd.s32 $0xFFFFC000  }
0x8e: {  	_ =	swait.ge [sflag:s14], $0x4000  }
0x8f: {  	[sflag:s14] =	ssyncset.done $0x0  }
.LBB2_2:
0x90: {  	[sflag:s14] =	ssyncadd.s32 $0xFFFFC000  }
0x91: {  	_ =	sfence.sel $0x180000  }
0x92: {  	[bflag:$0x0] =	sbarrier.arrive $0xFFFF  }
0x93: {  	p0 =	sne.s32 s0, $0x0;
	_ =	strace $0x90000047  }
0x94: {  	s0 =	sadd.s32 @!p0 $0x100000, s1;
	[bflag:$0x2] =	sbarrier.arrive $0xFFFF  }
0x95: {  	[sflag:s0] =	ssyncadd.tile.s32 @!p0 $0x1;
	_ =	shalt  }
.Lfunc_end2:
_tile_overlayer_lowered:
.L_overlay_start_2:
0x96: {  	(tag) =	ssettag $0x2  }
0x97: {  	s0 =	rddreg [dreg:$0x0];
	s2 =	stileid.u32  }
0x98: {  	s1 =	rddreg [dreg:$0x1];
	p0 =	sne.s32 s2, $0x0  }
0x99: {  	s3 =	rddreg [dreg:$0x2];
	[bflag:$0x3] =	sbarrier.arrive $0xFFFF;
	s2 =	simm.s32 @!p0 $0x1C05  }
0x9a: {  	[timem:s3], [sflag:s2] =	dma.local @!p0 [hbm:s0], s1  }
0x9b: {  	s0 =	simm.s32 @!p0 $0x5  }
0x9c: {  	_ =	swait.ge @!p0 [sflag:s0], s1  }
0x9d: {  	s1 =	ssub.s32 @!p0 $0x0, s1;
	[sflag:s0] =	ssyncset.done @!p0 $0x0  }
0x9e: {  	[sflag:s0] =	ssyncadd.s32 @!p0 s1  }
0x9f: {  	[bflag:$0x3] =	sbarrier.arrive $0xFFFF  }
0xa0: {  	_ =	shalt  }

</sc_bundles>
